<compile_context>
chip_gen: v7x
topology: tpu7x:2x2x1
jax: 0.10.2.dev20260603
libtpu: 0.0.44.dev20260713+nightly
codegen_flags: <defaults>
</compile_context>

<pallas_src>
import functools

import jax
import jax.numpy as jnp
from jax import lax
from jax.experimental import pallas as pl
from jax.experimental.pallas import tpu as pltpu
from jax.experimental.pallas import tpu_sc as plsc

C = 128
K = 16
NUM_CORES = 2
NUM_SUBCORES = 16
NUM_WORKERS = NUM_CORES * NUM_SUBCORES


def _ord_u32(b):
    neg = b >= jnp.uint32(0x80000000)
    return jnp.where(neg, ~b, b | jnp.uint32(0x80000000))


def _unord_u32(o):
    neg = o < jnp.uint32(0x80000000)
    return jnp.where(neg, ~o, o - jnp.uint32(0x80000000))


def _bf16_step(bits, delta):
    return _unord_u32(_ord_u32(bits) + jnp.uint32(delta * 0x10000 & 0xFFFFFFFF))


def _adjust_thresholds(t):
    tf = t.astype(jnp.float32)
    u = lax.bitcast_convert_type(tf, jnp.uint32)
    r = u + jnp.uint32(0x7FFF) + ((u >> jnp.uint32(16)) & jnp.uint32(1))
    rb = r & jnp.uint32(0xFFFF0000)
    rf = lax.bitcast_convert_type(rb, jnp.float32)
    down = jnp.where(rf > tf, _bf16_step(rb, -1), rb)
    up = _bf16_step(down, 1)
    m = 0.5 * (lax.bitcast_convert_type(down, jnp.float32)
               + lax.bitcast_convert_type(up, jnp.float32))
    mb = lax.bitcast_convert_type(m, jnp.uint32)
    m_prev = lax.bitcast_convert_type(
        _unord_u32(_ord_u32(mb) - jnp.uint32(1)), jnp.float32)
    even = ((up >> jnp.uint32(16)) & jnp.uint32(1)) == 0
    return jnp.where(even, m_prev, m)


_CHUNK = 8


def _sc_encode_body_nc(nc, n_tokens, in_features, tok_off, x_hbm, dims_hbm,
                       thr_hbm, idx_hbm, dims_v, thr_v, row_v, ch_v, idx_v,
                       in_sem):
    tpw = n_tokens // (nc * NUM_SUBCORES)
    wid = lax.axis_index("s") * nc + lax.axis_index("c")
    tok0 = tok_off + wid * tpw

    pltpu.sync_copy(dims_hbm, dims_v)
    pltpu.sync_copy(thr_hbm, thr_v)

    nchunks = tpw // _CHUNK

    def chunk_copy(ci):
        slot = lax.rem(ci, 2) * _CHUNK
        return pltpu.make_async_copy(
            x_hbm.at[pl.ds(tok0 + ci * _CHUNK, _CHUNK)],
            row_v.at[pl.ds(slot, _CHUNK)], in_sem)

    chunk_copy(0).start()

    def p1_chunk(ci, carry):
        @pl.when(ci + 1 < nchunks)
        def _():
            chunk_copy(ci + 1).start()
        chunk_copy(ci).wait()
        rowbase = lax.rem(ci, 2) * _CHUNK

        @plsc.parallel_loop(0, _CHUNK, unroll=2)
        def p1_tok(r):
            rv = jnp.full((16,), rowbase + r, jnp.int32)
            cb = (ci * _CHUNK + r) * (4 * C)
            for j in range(4 * C // 16):
                ivec = dims_v[pl.ds(j * 16, 16)]
                ch_v[pl.ds(cb + j * 16, 16)] = plsc.load_gather(
                    row_v, [rv, ivec])

        return carry

    lax.fori_loop(0, nchunks, p1_chunk, 0)

    iota = lax.iota(jnp.int32, 16)
    ones16 = jnp.ones((16,), jnp.int32)
    zero16 = jnp.zeros((16,), jnp.int32)

    for g in range(C // 16):
        t0 = thr_v[pl.ds(g * 16, 16)]
        t1a = thr_v[pl.ds(C + g * 16, 16)]
        t1b = thr_v[pl.ds(2 * C + g * 16, 16)]
        t2a = thr_v[pl.ds(3 * C + g * 16, 16)]
        t2b = thr_v[pl.ds(4 * C + g * 16, 16)]
        t2c = thr_v[pl.ds(5 * C + g * 16, 16)]
        t2d = thr_v[pl.ds(6 * C + g * 16, 16)]
        g3base = iota + (7 * C + g * 16)

        def one_token(t):
            cb = t * (4 * C) + g * 16
            v0 = ch_v[pl.ds(cb, 16)]
            v1 = ch_v[pl.ds(cb + C, 16)]
            v2 = ch_v[pl.ds(cb + 2 * C, 16)]
            v3 = ch_v[pl.ds(cb + 3 * C, 16)]
            b0 = v0 > t0
            b1 = v1 > jnp.where(b0, t1b, t1a)
            td2 = jnp.where(b0, jnp.where(b1, t2d, t2c),
                            jnp.where(b1, t2b, t2a))
            b2 = v2 > td2
            off = (jnp.where(b0, 4, zero16) + jnp.where(b1, 2, zero16)
                   + jnp.where(b2, ones16, zero16))
            t3 = plsc.load_gather(thr_v, [g3base + off * C])
            leaf = 2 * off + jnp.where(v3 > t3, ones16, zero16)
            idx_v[pl.ds(t * C + g * 16, 16)] = leaf.astype(jnp.float32)

        plsc.parallel_loop(0, tpw, unroll=8)(one_token)

    pltpu.sync_copy(idx_v, idx_hbm.at[pl.ds(wid * tpw * C, tpw * C)])


def _sc_encode(x, dims_r, thr_r, tok_off=0, n_tokens=None):
    total_tokens, in_features = x.shape
    if n_tokens is None:
        n_tokens = total_tokens
    tpw = n_tokens // NUM_WORKERS
    mesh = plsc.VectorSubcoreMesh(core_axis_name="c", subcore_axis_name="s",
                                  num_cores=NUM_CORES,
                                  num_subcores=NUM_SUBCORES)
    body = functools.partial(_sc_encode_body_nc, NUM_CORES, n_tokens,
                             in_features, tok_off)
    fn = pl.kernel(
        body,
        out_type=jax.ShapeDtypeStruct((n_tokens * C,), jnp.float32),
        mesh=mesh,
        scratch_types=[
            pltpu.VMEM((4 * C,), jnp.int32),
            pltpu.VMEM((15 * C,), jnp.float32),
            pltpu.VMEM((2 * _CHUNK, in_features), jnp.float32),
            pltpu.VMEM((tpw * 4 * C,), jnp.float32),
            pltpu.VMEM((tpw * C,), jnp.float32),
            pltpu.SemaphoreType.DMA,
        ],
        compiler_params=pltpu.CompilerParams(needs_layout_passes=False),
    )
    return fn(x, dims_r, thr_r)


def _tc_decode_body(idx_ref, r_ref, l_ref, o_ref):
    bm = idx_ref.shape[0]
    idxb = idx_ref[...].astype(jnp.bfloat16)
    rep = lax.dot_general(idxb, r_ref[...], (((1,), (0,)), ((), ())),
                          preferred_element_type=jnp.float32)
    kv = lax.broadcasted_iota(jnp.int32, (bm, C * K), 1) & (K - 1)
    e = (rep == kv.astype(jnp.float32)).astype(jnp.bfloat16)
    o_ref[...] = lax.dot_general(e, l_ref[...], (((1,), (1,)), ((), ())),
                                 preferred_element_type=jnp.float32)


def _tc_decode(idxm, rep_mat, lut_flat):
    n_tokens = idxm.shape[0]
    out_features = lut_flat.shape[0]
    bm = 512
    grid = (n_tokens // bm,)
    return pl.pallas_call(
        _tc_decode_body,
        grid=grid,
        in_specs=[
            pl.BlockSpec((bm, C), lambda i: (i, 0)),
            pl.BlockSpec((C, C * K), lambda i: (0, 0)),
            pl.BlockSpec((out_features, C * K), lambda i: (0, 0)),
        ],
        out_specs=pl.BlockSpec((bm, out_features), lambda i: (i, 0)),
        out_shape=jax.ShapeDtypeStruct((n_tokens, out_features), jnp.float32),
    )(idxm, rep_mat, lut_flat)


def kernel(inputMatrix, dims, thresholds, lut, selectionMatrix, treeDesMat):
    n_tokens, in_features = inputMatrix.shape
    out_features = lut.shape[0]

    dims_r = dims.reshape(C, 4).T.reshape(-1)
    thr_r = _adjust_thresholds(thresholds.reshape(-1)).reshape(C, 15).T.reshape(-1)

    rep_mat = (lax.broadcasted_iota(jnp.int32, (C, C * K), 1) // K ==
               lax.broadcasted_iota(jnp.int32, (C, C * K), 0)
               ).astype(jnp.bfloat16)
    lut_flat = lut.reshape(out_features, C * K).astype(jnp.bfloat16)

    idx_flat = _sc_encode(inputMatrix, dims_r, thr_r)
    idxm = idx_flat.reshape(n_tokens, C)
    return _tc_decode(idxm, rep_mat, lut_flat)

# --- scband reference (transcript-rebuilt; emitter-appended) ---
"""Pipeline reference for scband-nimbus-linear-62362925138767 (READ-ONLY COPY).

The authoritative reference and input builder live on the scoring server;
editing this copy changes nothing except your own understanding.
"""

import jax, jax.numpy as jnp
import numpy as np

C = 128
K = 16
IN_FEATURES = 2048
OUT_FEATURES = 2048
N_TOKENS = 2048

_BIT_BASE = np.array([
    [-1,-1,0,-1,0,0,0,-1,0,0,0,0,0,0,0],
    [-1,-1,0,-1,0,0,0,1,0,0,0,0,0,0,0],
    [-1,-1,0,1,0,0,0,0,-1,0,0,0,0,0,0],
    [-1,-1,0,1,0,0,0,0,1,0,0,0,0,0,0],
    [-1,1,0,0,-1,0,0,0,0,-1,0,0,0,0,0],
    [-1,1,0,0,-1,0,0,0,0,1,0,0,0,0,0],
    [-1,1,0,0,1,0,0,0,0,0,-1,0,0,0,0],
    [-1,1,0,0,1,0,0,0,0,0,1,0,0,0,0],
    [1,0,-1,0,0,-1,0,0,0,0,0,-1,0,0,0],
    [1,0,-1,0,0,-1,0,0,0,0,0,1,0,0,0],
    [1,0,-1,0,0,1,0,0,0,0,0,0,-1,0,0],
    [1,0,-1,0,0,1,0,0,0,0,0,0,1,0,0],
    [1,0,1,0,0,0,-1,0,0,0,0,0,0,-1,0],
    [1,0,1,0,0,0,-1,0,0,0,0,0,0,1,0],
    [1,0,1,0,0,0,1,0,0,0,0,0,0,0,-1],
    [1,0,1,0,0,0,1,0,0,0,0,0,0,0,1]], dtype=np.float32)


def _create_tree_des_matrix(c_blocks):
    # faithful to create_4layer_tree_des_matrix but generalized to C blocks
    bm = np.ones((c_blocks * K, c_blocks * (K - 1)), dtype=np.float32)
    for c in range(c_blocks):
        bm[c * K:(c + 1) * K, c * (K - 1):(c + 1) * (K - 1)] = _BIT_BASE
    return jnp.asarray(bm)


def _create_selection_matrix(c_blocks):
    depth = 4
    base = np.zeros((K - 1, depth), dtype=np.float32)
    base[0, 0] = 1.0
    for i in range(1, K - 1):
        base[i, int(np.log2(i + 1))] = 1.0
    sel = np.zeros((c_blocks * 15, c_blocks * depth), dtype=np.float32)
    for c in range(c_blocks):
        sel[c * 15:(c + 1) * 15, c * depth:(c + 1) * depth] = base
    return jnp.asarray(sel)


def setup_inputs(seed: int = 0) -> dict:
    key = jax.random.key(seed)
    k1, k2, k3, k4 = jax.random.split(key, 4)
    inputMatrix = jax.random.normal(k1, (N_TOKENS, IN_FEATURES), dtype=jnp.float32)
    dims = jax.random.randint(k2, (C * 4,), 0, IN_FEATURES, dtype=jnp.int32)
    thresholds = jax.random.normal(k3, (C * 15, 1), dtype=jnp.float32)
    lut = jax.random.normal(k4, (OUT_FEATURES, C, K), dtype=jnp.float32) * 0.05
    return {
        'inputMatrix': inputMatrix,
        'dims': dims,
        'thresholds': thresholds,
        'lut': lut,
        'selectionMatrix': _create_selection_matrix(C),
        'treeDesMat': _create_tree_des_matrix(C),
    }


def reference(inputMatrix, dims, thresholds, lut, selectionMatrix, treeDesMat):
    # NIMBUS_STATE_MADDNESS_BACKPROP branch (soft VQ encoding + LUT decode)
    chosen_elements = inputMatrix[:, dims]                       # [N, C*4] gather
    subtracted = selectionMatrix @ chosen_elements.T - thresholds  # [C*15, N]
    tanh_h = jnp.tanh(subtracted)
    sign_ste = jnp.sign(subtracted) - jax.lax.stop_gradient(tanh_h) + tanh_h
    tree_result = treeDesMat @ sign_ste                          # [C*16, N]
    tree_result = tree_result.T.reshape(-1, C, K)                # [N, C, 16]
    encoding_soft = jax.nn.softmax(tree_result, axis=2)
    index = jnp.argmax(encoding_soft, axis=2)
    encoding_hard = jax.nn.one_hot(index, K, dtype=encoding_soft.dtype)
    Encoded = encoding_hard - jax.lax.stop_gradient(encoding_soft) + encoding_soft
    out = jnp.einsum('nij,kij->nki', Encoded, lut).sum(axis=2)   # [N, out_features]
    return out

if __name__ == "__main__":
    import jax
    _d = setup_inputs()
    print(jax.jit(kernel)(*tuple(_d.values())))

</pallas_src>

<mosaic_0001>
#map = affine_map<(d0, d1) -> (0, 0)>
#map1 = affine_map<(d0, d1) -> (0)>
module attributes {stable_mosaic.version = 14 : i64} {
  func.func @_sc_encode_body_nc(%arg0: i32, %arg1: i32, %arg2: memref<2048x2048xf32, #tpu.memory_space<hbm>>, %arg3: memref<512xi32, #tpu.memory_space<hbm>>, %arg4: memref<1920xf32, #tpu.memory_space<hbm>>, %arg5: memref<262144xf32, #tpu.memory_space<hbm>>, %arg6: memref<512xi32, #tpu.memory_space<vmem>>, %arg7: memref<1920xf32, #tpu.memory_space<vmem>>, %arg8: memref<16x2048xf32, #tpu.memory_space<vmem>>, %arg9: memref<32768xf32, #tpu.memory_space<vmem>>, %arg10: memref<8192xf32, #tpu.memory_space<vmem>>, %arg11: memref<!tpu.dma_semaphore, #tpu.memory_space<semaphore_mem>>) attributes {dimension_semantics = [#tpu.dimension_semantics<core_parallel>, #tpu.dimension_semantics<subcore_parallel>], iteration_bounds = array<i64: 2, 16>, scalar_prefetch = 0 : i64, scratch_operands = 6 : i64, tpu.core_type = #tpu.core_type<sc_vector_subcore>, window_params = [{transform_indices = #map}, {transform_indices = #map1}, {transform_indices = #map1}, {transform_indices = #map1}]} {
    %mul3A = arith.constant 2 : i32
    %mul3A_0 = arith.muli %arg1, %mul3A : i32
    %add3A = arith.addi %mul3A_0, %arg0 : i32
    %mul3A_1 = arith.constant 64 : i32
    %mul3A_2 = arith.muli %add3A, %mul3A_1 : i32
    %add3A_3 = arith.constant 0 : i32
    %add3A_4 = arith.addi %add3A_3, %mul3A_2 : i32
    "tpu.region"() ({
      %run_scoped3A = tpu.sem_alloc : memref<!tpu.dma_semaphore, #tpu.memory_space<semaphore_mem>>
      tpu.enqueue_dma source(%arg3 : memref<512xi32, #tpu.memory_space<hbm>>) target(%arg6 : memref<512xi32, #tpu.memory_space<vmem>>) target_semaphore(%run_scoped3A : memref<!tpu.dma_semaphore, #tpu.memory_space<semaphore_mem>>)
      tpu.wait_dma2 semaphore(%run_scoped3A : memref<!tpu.dma_semaphore, #tpu.memory_space<semaphore_mem>>) src(%arg3 : memref<512xi32, #tpu.memory_space<hbm>>) dst(%arg6 : memref<512xi32, #tpu.memory_space<vmem>>)
      tpu.yield
    }) : () -> ()
    "tpu.region"() ({
      %run_scoped3A = tpu.sem_alloc : memref<!tpu.dma_semaphore, #tpu.memory_space<semaphore_mem>>
      tpu.enqueue_dma source(%arg4 : memref<1920xf32, #tpu.memory_space<hbm>>) target(%arg7 : memref<1920xf32, #tpu.memory_space<vmem>>) target_semaphore(%run_scoped3A : memref<!tpu.dma_semaphore, #tpu.memory_space<semaphore_mem>>)
      tpu.wait_dma2 semaphore(%run_scoped3A : memref<!tpu.dma_semaphore, #tpu.memory_space<semaphore_mem>>) src(%arg4 : memref<1920xf32, #tpu.memory_space<hbm>>) dst(%arg7 : memref<1920xf32, #tpu.memory_space<vmem>>)
      tpu.yield
    }) : () -> ()
    %rem3A = arith.constant 0 : i32
    %rem3A_5 = arith.constant 2 : i32
    %rem3A_6 = arith.remsi %rem3A, %rem3A_5 : i32
    %mul3A_7 = arith.constant 8 : i32
    %mul3A_8 = arith.muli %rem3A_6, %mul3A_7 : i32
    %add3A_9 = arith.constant 0 : i32
    %add3A_10 = arith.addi %add3A_4, %add3A_9 : i32
    %dma_start3A = arith.constant 0 : i32
    %dma_start3A_11 = tpu.memref_slice %arg8[%mul3A_8, %dma_start3A] : memref<16x2048xf32, #tpu.memory_space<vmem>> -> memref<8x2048xf32, #tpu.memory_space<vmem>>
    %dma_start3A_12 = arith.constant 0 : i32
    %dma_start3A_13 = tpu.memref_slice %arg2[%add3A_10, %dma_start3A_12] : memref<2048x2048xf32, #tpu.memory_space<hbm>> -> memref<8x2048xf32, #tpu.memory_space<hbm>>
    %dma_start3A_14 = arith.constant 0 : i32
    %dma_start3A_15 = tpu.memref_slice %arg8[%mul3A_8, %dma_start3A_14] : memref<16x2048xf32, #tpu.memory_space<vmem>> -> memref<8x2048xf32, #tpu.memory_space<vmem>>
    %dma_start3A_16 = arith.constant 0 : i32
    %dma_start3A_17 = tpu.memref_slice %arg2[%add3A_10, %dma_start3A_16] : memref<2048x2048xf32, #tpu.memory_space<hbm>> -> memref<8x2048xf32, #tpu.memory_space<hbm>>
    tpu.enqueue_dma source(%dma_start3A_17 : memref<8x2048xf32, #tpu.memory_space<hbm>>) target(%dma_start3A_15 : memref<8x2048xf32, #tpu.memory_space<vmem>>) target_semaphore(%arg11 : memref<!tpu.dma_semaphore, #tpu.memory_space<semaphore_mem>>)
    %scan3A = arith.constant 0 : i32
    %scan3A_18 = arith.constant 0 : i32
    %scan3A_19 = arith.constant 8 : i32
    %scan3A_20 = arith.addi %scan3A_18, %scan3A_19 : i32
    %scan3A_21 = arith.constant 1 : i32
    scf.for %scan3A_188 = %scan3A_18 to %scan3A_20 step %scan3A_21  : i32 {
      %add3A_189 = arith.constant 1 : i32
      %add3A_190 = arith.addi %scan3A_188, %add3A_189 : i32
      %lt3A = arith.constant 8 : i32
      %lt3A_191 = arith.cmpi slt, %add3A_190, %lt3A : i32
      %convert_element_type3A = arith.extui %lt3A_191 : i1 to i32
      %cond3A = arith.constant 0 : i32
      %cond3A_192 = arith.cmpi ne, %convert_element_type3A, %cond3A : i32
      scf.if %cond3A_192 {
        %add3A_214 = arith.constant 1 : i32
        %add3A_215 = arith.addi %scan3A_188, %add3A_214 : i32
        %rem3A_216 = arith.constant 2 : i32
        %rem3A_217 = arith.remsi %add3A_215, %rem3A_216 : i32
        %mul3A_218 = arith.constant 8 : i32
        %mul3A_219 = arith.muli %rem3A_217, %mul3A_218 : i32
        %mul3A_220 = arith.constant 8 : i32
        %mul3A_221 = arith.muli %add3A_215, %mul3A_220 : i32
        %add3A_222 = arith.addi %add3A_4, %mul3A_221 : i32
        %dma_start3A_223 = arith.constant 0 : i32
        %dma_start3A_224 = tpu.memref_slice %arg8[%mul3A_219, %dma_start3A_223] : memref<16x2048xf32, #tpu.memory_space<vmem>> -> memref<8x2048xf32, #tpu.memory_space<vmem>>
        %dma_start3A_225 = arith.constant 0 : i32
        %dma_start3A_226 = tpu.memref_slice %arg2[%add3A_222, %dma_start3A_225] : memref<2048x2048xf32, #tpu.memory_space<hbm>> -> memref<8x2048xf32, #tpu.memory_space<hbm>>
        %dma_start3A_227 = arith.constant 0 : i32
        %dma_start3A_228 = tpu.memref_slice %arg8[%mul3A_219, %dma_start3A_227] : memref<16x2048xf32, #tpu.memory_space<vmem>> -> memref<8x2048xf32, #tpu.memory_space<vmem>>
        %dma_start3A_229 = arith.constant 0 : i32
        %dma_start3A_230 = tpu.memref_slice %arg2[%add3A_222, %dma_start3A_229] : memref<2048x2048xf32, #tpu.memory_space<hbm>> -> memref<8x2048xf32, #tpu.memory_space<hbm>>
        tpu.enqueue_dma source(%dma_start3A_230 : memref<8x2048xf32, #tpu.memory_space<hbm>>) target(%dma_start3A_228 : memref<8x2048xf32, #tpu.memory_space<vmem>>) target_semaphore(%arg11 : memref<!tpu.dma_semaphore, #tpu.memory_space<semaphore_mem>>)
      } else {
      }
      %rem3A_193 = arith.constant 2 : i32
      %rem3A_194 = arith.remsi %scan3A_188, %rem3A_193 : i32
      %mul3A_195 = arith.constant 8 : i32
      %mul3A_196 = arith.muli %rem3A_194, %mul3A_195 : i32
      %mul3A_197 = arith.constant 8 : i32
      %mul3A_198 = arith.muli %scan3A_188, %mul3A_197 : i32
      %add3A_199 = arith.addi %add3A_4, %mul3A_198 : i32
      %dma_wait3A = arith.constant 0 : i32
      %dma_wait3A_200 = tpu.memref_slice %arg8[%mul3A_196, %dma_wait3A] : memref<16x2048xf32, #tpu.memory_space<vmem>> -> memref<8x2048xf32, #tpu.memory_space<vmem>>
      %dma_wait3A_201 = arith.constant 0 : i32
      %dma_wait3A_202 = tpu.memref_slice %arg2[%add3A_199, %dma_wait3A_201] : memref<2048x2048xf32, #tpu.memory_space<hbm>> -> memref<8x2048xf32, #tpu.memory_space<hbm>>
      %dma_wait3A_203 = arith.constant 0 : i32
      %dma_wait3A_204 = tpu.memref_slice %arg8[%mul3A_196, %dma_wait3A_203] : memref<16x2048xf32, #tpu.memory_space<vmem>> -> memref<8x2048xf32, #tpu.memory_space<vmem>>
      %dma_wait3A_205 = arith.constant 0 : i32
      %dma_wait3A_206 = tpu.memref_slice %arg2[%add3A_199, %dma_wait3A_205] : memref<2048x2048xf32, #tpu.memory_space<hbm>> -> memref<8x2048xf32, #tpu.memory_space<hbm>>
      tpu.wait_dma2 semaphore(%arg11 : memref<!tpu.dma_semaphore, #tpu.memory_space<semaphore_mem>>) src(%dma_wait3A_206 : memref<8x2048xf32, #tpu.memory_space<hbm>>) dst(%dma_wait3A_204 : memref<8x2048xf32, #tpu.memory_space<vmem>>)
      %rem3A_207 = arith.constant 2 : i32
      %rem3A_208 = arith.remsi %scan3A_188, %rem3A_207 : i32
      %mul3A_209 = arith.constant 8 : i32
      %mul3A_210 = arith.muli %rem3A_208, %mul3A_209 : i32
      %parallel_loop3A_211 = arith.constant 0 : i32
      %parallel_loop3A_212 = arith.constant 8 : i32
      %parallel_loop3A_213 = arith.constant 1 : i32
      scf.for %parallel_loop3A_214 = %parallel_loop3A_211 to %parallel_loop3A_212 step %parallel_loop3A_213  : i32 {
        %parallel_loop3A_215 = arith.addi %mul3A_210, %parallel_loop3A_214 : i32
        %parallel_loop3A_216 = vector.broadcast %parallel_loop3A_215 : i32 to vector<16xi32>
        %parallel_loop3A_217 = arith.constant 8 : i32
        %parallel_loop3A_218 = arith.muli %scan3A_188, %parallel_loop3A_217 : i32
        %parallel_loop3A_219 = arith.addi %parallel_loop3A_218, %parallel_loop3A_214 : i32
        %parallel_loop3A_220 = arith.constant 512 : i32
        %parallel_loop3A_221 = arith.muli %parallel_loop3A_219, %parallel_loop3A_220 : i32
        %parallel_loop3A_222 = arith.constant 0 : index
        %parallel_loop3A_223 = tpu.vector_load %arg6[%parallel_loop3A_222] {strides = array<i32>} : memref<512xi32, #tpu.memory_space<vmem>>, vector<16xi32>,
        %parallel_loop3A_224 = tpu.vector_load_idx %arg8[%parallel_loop3A_216, %parallel_loop3A_223] : memref<16x2048xf32, #tpu.memory_space<vmem>>[vector<16xi32>, vector<16xi32>], vector<16xf32>,
        %parallel_loop3A_225 = arith.constant 0 : i32
        %parallel_loop3A_226 = arith.addi %parallel_loop3A_221, %parallel_loop3A_225 : i32
        %parallel_loop3A_227 = arith.index_cast %parallel_loop3A_226 : i32 to index
        %parallel_loop3A_228 = tpu.vector_load %arg9[%parallel_loop3A_227] {strides = array<i32>} : memref<32768xf32, #tpu.memory_space<vmem>>, vector<16xf32>,
        tpu.vector_store %arg9[%parallel_loop3A_227], %parallel_loop3A_224 {strides = array<i32>} : memref<32768xf32, #tpu.memory_space<vmem>>, vector<16xf32>,
        %parallel_loop3A_229 = arith.constant 16 : index
        %parallel_loop3A_230 = tpu.vector_load %arg6[%parallel_loop3A_229] {strides = array<i32>} : memref<512xi32, #tpu.memory_space<vmem>>, vector<16xi32>,
        %parallel_loop3A_231 = tpu.vector_load_idx %arg8[%parallel_loop3A_216, %parallel_loop3A_230] : memref<16x2048xf32, #tpu.memory_space<vmem>>[vector<16xi32>, vector<16xi32>], vector<16xf32>,
        %parallel_loop3A_232 = arith.constant 16 : i32
        %parallel_loop3A_233 = arith.addi %parallel_loop3A_221, %parallel_loop3A_232 : i32
        %parallel_loop3A_234 = arith.index_cast %parallel_loop3A_233 : i32 to index
        %parallel_loop3A_235 = tpu.vector_load %arg9[%parallel_loop3A_234] {strides = array<i32>} : memref<32768xf32, #tpu.memory_space<vmem>>, vector<16xf32>,
        tpu.vector_store %arg9[%parallel_loop3A_234], %parallel_loop3A_231 {strides = array<i32>} : memref<32768xf32, #tpu.memory_space<vmem>>, vector<16xf32>,
        %parallel_loop3A_236 = arith.constant 32 : index
        %parallel_loop3A_237 = tpu.vector_load %arg6[%parallel_loop3A_236] {strides = array<i32>} : memref<512xi32, #tpu.memory_space<vmem>>, vector<16xi32>,
        %parallel_loop3A_238 = tpu.vector_load_idx %arg8[%parallel_loop3A_216, %parallel_loop3A_237] : memref<16x2048xf32, #tpu.memory_space<vmem>>[vector<16xi32>, vector<16xi32>], vector<16xf32>,
        %parallel_loop3A_239 = arith.constant 32 : i32
        %parallel_loop3A_240 = arith.addi %parallel_loop3A_221, %parallel_loop3A_239 : i32
        %parallel_loop3A_241 = arith.index_cast %parallel_loop3A_240 : i32 to index
        %parallel_loop3A_242 = tpu.vector_load %arg9[%parallel_loop3A_241] {strides = array<i32>} : memref<32768xf32, #tpu.memory_space<vmem>>, vector<16xf32>,
        tpu.vector_store %arg9[%parallel_loop3A_241], %parallel_loop3A_238 {strides = array<i32>} : memref<32768xf32, #tpu.memory_space<vmem>>, vector<16xf32>,
        %parallel_loop3A_243 = arith.constant 48 : index
        %parallel_loop3A_244 = tpu.vector_load %arg6[%parallel_loop3A_243] {strides = array<i32>} : memref<512xi32, #tpu.memory_space<vmem>>, vector<16xi32>,
        %parallel_loop3A_245 = tpu.vector_load_idx %arg8[%parallel_loop3A_216, %parallel_loop3A_244] : memref<16x2048xf32, #tpu.memory_space<vmem>>[vector<16xi32>, vector<16xi32>], vector<16xf32>,
        %parallel_loop3A_246 = arith.constant 48 : i32
        %parallel_loop3A_247 = arith.addi %parallel_loop3A_221, %parallel_loop3A_246 : i32
        %parallel_loop3A_248 = arith.index_cast %parallel_loop3A_247 : i32 to index
        %parallel_loop3A_249 = tpu.vector_load %arg9[%parallel_loop3A_248] {strides = array<i32>} : memref<32768xf32, #tpu.memory_space<vmem>>, vector<16xf32>,
        tpu.vector_store %arg9[%parallel_loop3A_248], %parallel_loop3A_245 {strides = array<i32>} : memref<32768xf32, #tpu.memory_space<vmem>>, vector<16xf32>,
        %parallel_loop3A_250 = arith.constant 64 : index
        %parallel_loop3A_251 = tpu.vector_load %arg6[%parallel_loop3A_250] {strides = array<i32>} : memref<512xi32, #tpu.memory_space<vmem>>, vector<16xi32>,
        %parallel_loop3A_252 = tpu.vector_load_idx %arg8[%parallel_loop3A_216, %parallel_loop3A_251] : memref<16x2048xf32, #tpu.memory_space<vmem>>[vector<16xi32>, vector<16xi32>], vector<16xf32>,
        %parallel_loop3A_253 = arith.constant 64 : i32
        %parallel_loop3A_254 = arith.addi %parallel_loop3A_221, %parallel_loop3A_253 : i32
        %parallel_loop3A_255 = arith.index_cast %parallel_loop3A_254 : i32 to index
        %parallel_loop3A_256 = tpu.vector_load %arg9[%parallel_loop3A_255] {strides = array<i32>} : memref<32768xf32, #tpu.memory_space<vmem>>, vector<16xf32>,
        tpu.vector_store %arg9[%parallel_loop3A_255], %parallel_loop3A_252 {strides = array<i32>} : memref<32768xf32, #tpu.memory_space<vmem>>, vector<16xf32>,
        %parallel_loop3A_257 = arith.constant 80 : index
        %parallel_loop3A_258 = tpu.vector_load %arg6[%parallel_loop3A_257] {strides = array<i32>} : memref<512xi32, #tpu.memory_space<vmem>>, vector<16xi32>,
        %parallel_loop3A_259 = tpu.vector_load_idx %arg8[%parallel_loop3A_216, %parallel_loop3A_258] : memref<16x2048xf32, #tpu.memory_space<vmem>>[vector<16xi32>, vector<16xi32>], vector<16xf32>,
        %parallel_loop3A_260 = arith.constant 80 : i32
        %parallel_loop3A_261 = arith.addi %parallel_loop3A_221, %parallel_loop3A_260 : i32
        %parallel_loop3A_262 = arith.index_cast %parallel_loop3A_261 : i32 to index
        %parallel_loop3A_263 = tpu.vector_load %arg9[%parallel_loop3A_262] {strides = array<i32>} : memref<32768xf32, #tpu.memory_space<vmem>>, vector<16xf32>,
        tpu.vector_store %arg9[%parallel_loop3A_262], %parallel_loop3A_259 {strides = array<i32>} : memref<32768xf32, #tpu.memory_space<vmem>>, vector<16xf32>,
        %parallel_loop3A_264 = arith.constant 96 : index
        %parallel_loop3A_265 = tpu.vector_load %arg6[%parallel_loop3A_264] {strides = array<i32>} : memref<512xi32, #tpu.memory_space<vmem>>, vector<16xi32>,
        %parallel_loop3A_266 = tpu.vector_load_idx %arg8[%parallel_loop3A_216, %parallel_loop3A_265] : memref<16x2048xf32, #tpu.memory_space<vmem>>[vector<16xi32>, vector<16xi32>], vector<16xf32>,
        %parallel_loop3A_267 = arith.constant 96 : i32
        %parallel_loop3A_268 = arith.addi %parallel_loop3A_221, %parallel_loop3A_267 : i32
        %parallel_loop3A_269 = arith.index_cast %parallel_loop3A_268 : i32 to index
        %parallel_loop3A_270 = tpu.vector_load %arg9[%parallel_loop3A_269] {strides = array<i32>} : memref<32768xf32, #tpu.memory_space<vmem>>, vector<16xf32>,
        tpu.vector_store %arg9[%parallel_loop3A_269], %parallel_loop3A_266 {strides = array<i32>} : memref<32768xf32, #tpu.memory_space<vmem>>, vector<16xf32>,
        %parallel_loop3A_271 = arith.constant 112 : index
        %parallel_loop3A_272 = tpu.vector_load %arg6[%parallel_loop3A_271] {strides = array<i32>} : memref<512xi32, #tpu.memory_space<vmem>>, vector<16xi32>,
        %parallel_loop3A_273 = tpu.vector_load_idx %arg8[%parallel_loop3A_216, %parallel_loop3A_272] : memref<16x2048xf32, #tpu.memory_space<vmem>>[vector<16xi32>, vector<16xi32>], vector<16xf32>,
        %parallel_loop3A_274 = arith.constant 112 : i32
        %parallel_loop3A_275 = arith.addi %parallel_loop3A_221, %parallel_loop3A_274 : i32
        %parallel_loop3A_276 = arith.index_cast %parallel_loop3A_275 : i32 to index
        %parallel_loop3A_277 = tpu.vector_load %arg9[%parallel_loop3A_276] {strides = array<i32>} : memref<32768xf32, #tpu.memory_space<vmem>>, vector<16xf32>,
        tpu.vector_store %arg9[%parallel_loop3A_276], %parallel_loop3A_273 {strides = array<i32>} : memref<32768xf32, #tpu.memory_space<vmem>>, vector<16xf32>,
        %parallel_loop3A_278 = arith.constant 128 : index
        %parallel_loop3A_279 = tpu.vector_load %arg6[%parallel_loop3A_278] {strides = array<i32>} : memref<512xi32, #tpu.memory_space<vmem>>, vector<16xi32>,
        %parallel_loop3A_280 = tpu.vector_load_idx %arg8[%parallel_loop3A_216, %parallel_loop3A_279] : memref<16x2048xf32, #tpu.memory_space<vmem>>[vector<16xi32>, vector<16xi32>], vector<16xf32>,
        %parallel_loop3A_281 = arith.constant 128 : i32
        %parallel_loop3A_282 = arith.addi %parallel_loop3A_221, %parallel_loop3A_281 : i32
        %parallel_loop3A_283 = arith.index_cast %parallel_loop3A_282 : i32 to index
        %parallel_loop3A_284 = tpu.vector_load %arg9[%parallel_loop3A_283] {strides = array<i32>} : memref<32768xf32, #tpu.memory_space<vmem>>, vector<16xf32>,
        tpu.vector_store %arg9[%parallel_loop3A_283], %parallel_loop3A_280 {strides = array<i32>} : memref<32768xf32, #tpu.memory_space<vmem>>, vector<16xf32>,
        %parallel_loop3A_285 = arith.constant 144 : index
        %parallel_loop3A_286 = tpu.vector_load %arg6[%parallel_loop3A_285] {strides = array<i32>} : memref<512xi32, #tpu.memory_space<vmem>>, vector<16xi32>,
        %parallel_loop3A_287 = tpu.vector_load_idx %arg8[%parallel_loop3A_216, %parallel_loop3A_286] : memref<16x2048xf32, #tpu.memory_space<vmem>>[vector<16xi32>, vector<16xi32>], vector<16xf32>,
        %parallel_loop3A_288 = arith.constant 144 : i32
        %parallel_loop3A_289 = arith.addi %parallel_loop3A_221, %parallel_loop3A_288 : i32
        %parallel_loop3A_290 = arith.index_cast %parallel_loop3A_289 : i32 to index
        %parallel_loop3A_291 = tpu.vector_load %arg9[%parallel_loop3A_290] {strides = array<i32>} : memref<32768xf32, #tpu.memory_space<vmem>>, vector<16xf32>,
        tpu.vector_store %arg9[%parallel_loop3A_290], %parallel_loop3A_287 {strides = array<i32>} : memref<32768xf32, #tpu.memory_space<vmem>>, vector<16xf32>,
        %parallel_loop3A_292 = arith.constant 160 : index
        %parallel_loop3A_293 = tpu.vector_load %arg6[%parallel_loop3A_292] {strides = array<i32>} : memref<512xi32, #tpu.memory_space<vmem>>, vector<16xi32>,
        %parallel_loop3A_294 = tpu.vector_load_idx %arg8[%parallel_loop3A_216, %parallel_loop3A_293] : memref<16x2048xf32, #tpu.memory_space<vmem>>[vector<16xi32>, vector<16xi32>], vector<16xf32>,
        %parallel_loop3A_295 = arith.constant 160 : i32
        %parallel_loop3A_296 = arith.addi %parallel_loop3A_221, %parallel_loop3A_295 : i32
        %parallel_loop3A_297 = arith.index_cast %parallel_loop3A_296 : i32 to index
        %parallel_loop3A_298 = tpu.vector_load %arg9[%parallel_loop3A_297] {strides = array<i32>} : memref<32768xf32, #tpu.memory_space<vmem>>, vector<16xf32>,
        tpu.vector_store %arg9[%parallel_loop3A_297], %parallel_loop3A_294 {strides = array<i32>} : memref<32768xf32, #tpu.memory_space<vmem>>, vector<16xf32>,
        %parallel_loop3A_299 = arith.constant 176 : index
        %parallel_loop3A_300 = tpu.vector_load %arg6[%parallel_loop3A_299] {strides = array<i32>} : memref<512xi32, #tpu.memory_space<vmem>>, vector<16xi32>,
        %parallel_loop3A_301 = tpu.vector_load_idx %arg8[%parallel_loop3A_216, %parallel_loop3A_300] : memref<16x2048xf32, #tpu.memory_space<vmem>>[vector<16xi32>, vector<16xi32>], vector<16xf32>,
        %parallel_loop3A_302 = arith.constant 176 : i32
        %parallel_loop3A_303 = arith.addi %parallel_loop3A_221, %parallel_loop3A_302 : i32
        %parallel_loop3A_304 = arith.index_cast %parallel_loop3A_303 : i32 to index
        %parallel_loop3A_305 = tpu.vector_load %arg9[%parallel_loop3A_304] {strides = array<i32>} : memref<32768xf32, #tpu.memory_space<vmem>>, vector<16xf32>,
        tpu.vector_store %arg9[%parallel_loop3A_304], %parallel_loop3A_301 {strides = array<i32>} : memref<32768xf32, #tpu.memory_space<vmem>>, vector<16xf32>,
        %parallel_loop3A_306 = arith.constant 192 : index
        %parallel_loop3A_307 = tpu.vector_load %arg6[%parallel_loop3A_306] {strides = array<i32>} : memref<512xi32, #tpu.memory_space<vmem>>, vector<16xi32>,
        %parallel_loop3A_308 = tpu.vector_load_idx %arg8[%parallel_loop3A_216, %parallel_loop3A_307] : memref<16x2048xf32, #tpu.memory_space<vmem>>[vector<16xi32>, vector<16xi32>], vector<16xf32>,
        %parallel_loop3A_309 = arith.constant 192 : i32
        %parallel_loop3A_310 = arith.addi %parallel_loop3A_221, %parallel_loop3A_309 : i32
        %parallel_loop3A_311 = arith.index_cast %parallel_loop3A_310 : i32 to index
        %parallel_loop3A_312 = tpu.vector_load %arg9[%parallel_loop3A_311] {strides = array<i32>} : memref<32768xf32, #tpu.memory_space<vmem>>, vector<16xf32>,
        tpu.vector_store %arg9[%parallel_loop3A_311], %parallel_loop3A_308 {strides = array<i32>} : memref<32768xf32, #tpu.memory_space<vmem>>, vector<16xf32>,
        %parallel_loop3A_313 = arith.constant 208 : index
        %parallel_loop3A_314 = tpu.vector_load %arg6[%parallel_loop3A_313] {strides = array<i32>} : memref<512xi32, #tpu.memory_space<vmem>>, vector<16xi32>,
        %parallel_loop3A_315 = tpu.vector_load_idx %arg8[%parallel_loop3A_216, %parallel_loop3A_314] : memref<16x2048xf32, #tpu.memory_space<vmem>>[vector<16xi32>, vector<16xi32>], vector<16xf32>,
        %parallel_loop3A_316 = arith.constant 208 : i32
        %parallel_loop3A_317 = arith.addi %parallel_loop3A_221, %parallel_loop3A_316 : i32
        %parallel_loop3A_318 = arith.index_cast %parallel_loop3A_317 : i32 to index
        %parallel_loop3A_319 = tpu.vector_load %arg9[%parallel_loop3A_318] {strides = array<i32>} : memref<32768xf32, #tpu.memory_space<vmem>>, vector<16xf32>,
        tpu.vector_store %arg9[%parallel_loop3A_318], %parallel_loop3A_315 {strides = array<i32>} : memref<32768xf32, #tpu.memory_space<vmem>>, vector<16xf32>,
        %parallel_loop3A_320 = arith.constant 224 : index
        %parallel_loop3A_321 = tpu.vector_load %arg6[%parallel_loop3A_320] {strides = array<i32>} : memref<512xi32, #tpu.memory_space<vmem>>, vector<16xi32>,
        %parallel_loop3A_322 = tpu.vector_load_idx %arg8[%parallel_loop3A_216, %parallel_loop3A_321] : memref<16x2048xf32, #tpu.memory_space<vmem>>[vector<16xi32>, vector<16xi32>], vector<16xf32>,
        %parallel_loop3A_323 = arith.constant 224 : i32
        %parallel_loop3A_324 = arith.addi %parallel_loop3A_221, %parallel_loop3A_323 : i32
        %parallel_loop3A_325 = arith.index_cast %parallel_loop3A_324 : i32 to index
        %parallel_loop3A_326 = tpu.vector_load %arg9[%parallel_loop3A_325] {strides = array<i32>} : memref<32768xf32, #tpu.memory_space<vmem>>, vector<16xf32>,
        tpu.vector_store %arg9[%parallel_loop3A_325], %parallel_loop3A_322 {strides = array<i32>} : memref<32768xf32, #tpu.memory_space<vmem>>, vector<16xf32>,
        %parallel_loop3A_327 = arith.constant 240 : index
        %parallel_loop3A_328 = tpu.vector_load %arg6[%parallel_loop3A_327] {strides = array<i32>} : memref<512xi32, #tpu.memory_space<vmem>>, vector<16xi32>,
        %parallel_loop3A_329 = tpu.vector_load_idx %arg8[%parallel_loop3A_216, %parallel_loop3A_328] : memref<16x2048xf32, #tpu.memory_space<vmem>>[vector<16xi32>, vector<16xi32>], vector<16xf32>,
        %parallel_loop3A_330 = arith.constant 240 : i32
        %parallel_loop3A_331 = arith.addi %parallel_loop3A_221, %parallel_loop3A_330 : i32
        %parallel_loop3A_332 = arith.index_cast %parallel_loop3A_331 : i32 to index
        %parallel_loop3A_333 = tpu.vector_load %arg9[%parallel_loop3A_332] {strides = array<i32>} : memref<32768xf32, #tpu.memory_space<vmem>>, vector<16xf32>,
        tpu.vector_store %arg9[%parallel_loop3A_332], %parallel_loop3A_329 {strides = array<i32>} : memref<32768xf32, #tpu.memory_space<vmem>>, vector<16xf32>,
        %parallel_loop3A_334 = arith.constant 256 : index
        %parallel_loop3A_335 = tpu.vector_load %arg6[%parallel_loop3A_334] {strides = array<i32>} : memref<512xi32, #tpu.memory_space<vmem>>, vector<16xi32>,
        %parallel_loop3A_336 = tpu.vector_load_idx %arg8[%parallel_loop3A_216, %parallel_loop3A_335] : memref<16x2048xf32, #tpu.memory_space<vmem>>[vector<16xi32>, vector<16xi32>], vector<16xf32>,
        %parallel_loop3A_337 = arith.constant 256 : i32
        %parallel_loop3A_338 = arith.addi %parallel_loop3A_221, %parallel_loop3A_337 : i32
        %parallel_loop3A_339 = arith.index_cast %parallel_loop3A_338 : i32 to index
        %parallel_loop3A_340 = tpu.vector_load %arg9[%parallel_loop3A_339] {strides = array<i32>} : memref<32768xf32, #tpu.memory_space<vmem>>, vector<16xf32>,
        tpu.vector_store %arg9[%parallel_loop3A_339], %parallel_loop3A_336 {strides = array<i32>} : memref<32768xf32, #tpu.memory_space<vmem>>, vector<16xf32>,
        %parallel_loop3A_341 = arith.constant 272 : index
        %parallel_loop3A_342 = tpu.vector_load %arg6[%parallel_loop3A_341] {strides = array<i32>} : memref<512xi32, #tpu.memory_space<vmem>>, vector<16xi32>,
        %parallel_loop3A_343 = tpu.vector_load_idx %arg8[%parallel_loop3A_216, %parallel_loop3A_342] : memref<16x2048xf32, #tpu.memory_space<vmem>>[vector<16xi32>, vector<16xi32>], vector<16xf32>,
        %parallel_loop3A_344 = arith.constant 272 : i32
        %parallel_loop3A_345 = arith.addi %parallel_loop3A_221, %parallel_loop3A_344 : i32
        %parallel_loop3A_346 = arith.index_cast %parallel_loop3A_345 : i32 to index
        %parallel_loop3A_347 = tpu.vector_load %arg9[%parallel_loop3A_346] {strides = array<i32>} : memref<32768xf32, #tpu.memory_space<vmem>>, vector<16xf32>,
        tpu.vector_store %arg9[%parallel_loop3A_346], %parallel_loop3A_343 {strides = array<i32>} : memref<32768xf32, #tpu.memory_space<vmem>>, vector<16xf32>,
        %parallel_loop3A_348 = arith.constant 288 : index
        %parallel_loop3A_349 = tpu.vector_load %arg6[%parallel_loop3A_348] {strides = array<i32>} : memref<512xi32, #tpu.memory_space<vmem>>, vector<16xi32>,
        %parallel_loop3A_350 = tpu.vector_load_idx %arg8[%parallel_loop3A_216, %parallel_loop3A_349] : memref<16x2048xf32, #tpu.memory_space<vmem>>[vector<16xi32>, vector<16xi32>], vector<16xf32>,
        %parallel_loop3A_351 = arith.constant 288 : i32
        %parallel_loop3A_352 = arith.addi %parallel_loop3A_221, %parallel_loop3A_351 : i32
        %parallel_loop3A_353 = arith.index_cast %parallel_loop3A_352 : i32 to index
        %parallel_loop3A_354 = tpu.vector_load %arg9[%parallel_loop3A_353] {strides = array<i32>} : memref<32768xf32, #tpu.memory_space<vmem>>, vector<16xf32>,
        tpu.vector_store %arg9[%parallel_loop3A_353], %parallel_loop3A_350 {strides = array<i32>} : memref<32768xf32, #tpu.memory_space<vmem>>, vector<16xf32>,
        %parallel_loop3A_355 = arith.constant 304 : index
        %parallel_loop3A_356 = tpu.vector_load %arg6[%parallel_loop3A_355] {strides = array<i32>} : memref<512xi32, #tpu.memory_space<vmem>>, vector<16xi32>,
        %parallel_loop3A_357 = tpu.vector_load_idx %arg8[%parallel_loop3A_216, %parallel_loop3A_356] : memref<16x2048xf32, #tpu.memory_space<vmem>>[vector<16xi32>, vector<16xi32>], vector<16xf32>,
        %parallel_loop3A_358 = arith.constant 304 : i32
        %parallel_loop3A_359 = arith.addi %parallel_loop3A_221, %parallel_loop3A_358 : i32
        %parallel_loop3A_360 = arith.index_cast %parallel_loop3A_359 : i32 to index
        %parallel_loop3A_361 = tpu.vector_load %arg9[%parallel_loop3A_360] {strides = array<i32>} : memref<32768xf32, #tpu.memory_space<vmem>>, vector<16xf32>,
        tpu.vector_store %arg9[%parallel_loop3A_360], %parallel_loop3A_357 {strides = array<i32>} : memref<32768xf32, #tpu.memory_space<vmem>>, vector<16xf32>,
        %parallel_loop3A_362 = arith.constant 320 : index
        %parallel_loop3A_363 = tpu.vector_load %arg6[%parallel_loop3A_362] {strides = array<i32>} : memref<512xi32, #tpu.memory_space<vmem>>, vector<16xi32>,
        %parallel_loop3A_364 = tpu.vector_load_idx %arg8[%parallel_loop3A_216, %parallel_loop3A_363] : memref<16x2048xf32, #tpu.memory_space<vmem>>[vector<16xi32>, vector<16xi32>], vector<16xf32>,
        %parallel_loop3A_365 = arith.constant 320 : i32
        %parallel_loop3A_366 = arith.addi %parallel_loop3A_221, %parallel_loop3A_365 : i32
        %parallel_loop3A_367 = arith.index_cast %parallel_loop3A_366 : i32 to index
        %parallel_loop3A_368 = tpu.vector_load %arg9[%parallel_loop3A_367] {strides = array<i32>} : memref<32768xf32, #tpu.memory_space<vmem>>, vector<16xf32>,
        tpu.vector_store %arg9[%parallel_loop3A_367], %parallel_loop3A_364 {strides = array<i32>} : memref<32768xf32, #tpu.memory_space<vmem>>, vector<16xf32>,
        %parallel_loop3A_369 = arith.constant 336 : index
        %parallel_loop3A_370 = tpu.vector_load %arg6[%parallel_loop3A_369] {strides = array<i32>} : memref<512xi32, #tpu.memory_space<vmem>>, vector<16xi32>,
        %parallel_loop3A_371 = tpu.vector_load_idx %arg8[%parallel_loop3A_216, %parallel_loop3A_370] : memref<16x2048xf32, #tpu.memory_space<vmem>>[vector<16xi32>, vector<16xi32>], vector<16xf32>,
        %parallel_loop3A_372 = arith.constant 336 : i32
        %parallel_loop3A_373 = arith.addi %parallel_loop3A_221, %parallel_loop3A_372 : i32
        %parallel_loop3A_374 = arith.index_cast %parallel_loop3A_373 : i32 to index
        %parallel_loop3A_375 = tpu.vector_load %arg9[%parallel_loop3A_374] {strides = array<i32>} : memref<32768xf32, #tpu.memory_space<vmem>>, vector<16xf32>,
        tpu.vector_store %arg9[%parallel_loop3A_374], %parallel_loop3A_371 {strides = array<i32>} : memref<32768xf32, #tpu.memory_space<vmem>>, vector<16xf32>,
        %parallel_loop3A_376 = arith.constant 352 : index
        %parallel_loop3A_377 = tpu.vector_load %arg6[%parallel_loop3A_376] {strides = array<i32>} : memref<512xi32, #tpu.memory_space<vmem>>, vector<16xi32>,
        %parallel_loop3A_378 = tpu.vector_load_idx %arg8[%parallel_loop3A_216, %parallel_loop3A_377] : memref<16x2048xf32, #tpu.memory_space<vmem>>[vector<16xi32>, vector<16xi32>], vector<16xf32>,
        %parallel_loop3A_379 = arith.constant 352 : i32
        %parallel_loop3A_380 = arith.addi %parallel_loop3A_221, %parallel_loop3A_379 : i32
        %parallel_loop3A_381 = arith.index_cast %parallel_loop3A_380 : i32 to index
        %parallel_loop3A_382 = tpu.vector_load %arg9[%parallel_loop3A_381] {strides = array<i32>} : memref<32768xf32, #tpu.memory_space<vmem>>, vector<16xf32>,
        tpu.vector_store %arg9[%parallel_loop3A_381], %parallel_loop3A_378 {strides = array<i32>} : memref<32768xf32, #tpu.memory_space<vmem>>, vector<16xf32>,
        %parallel_loop3A_383 = arith.constant 368 : index
        %parallel_loop3A_384 = tpu.vector_load %arg6[%parallel_loop3A_383] {strides = array<i32>} : memref<512xi32, #tpu.memory_space<vmem>>, vector<16xi32>,
        %parallel_loop3A_385 = tpu.vector_load_idx %arg8[%parallel_loop3A_216, %parallel_loop3A_384] : memref<16x2048xf32, #tpu.memory_space<vmem>>[vector<16xi32>, vector<16xi32>], vector<16xf32>,
        %parallel_loop3A_386 = arith.constant 368 : i32
        %parallel_loop3A_387 = arith.addi %parallel_loop3A_221, %parallel_loop3A_386 : i32
        %parallel_loop3A_388 = arith.index_cast %parallel_loop3A_387 : i32 to index
        %parallel_loop3A_389 = tpu.vector_load %arg9[%parallel_loop3A_388] {strides = array<i32>} : memref<32768xf32, #tpu.memory_space<vmem>>, vector<16xf32>,
        tpu.vector_store %arg9[%parallel_loop3A_388], %parallel_loop3A_385 {strides = array<i32>} : memref<32768xf32, #tpu.memory_space<vmem>>, vector<16xf32>,
        %parallel_loop3A_390 = arith.constant 384 : index
        %parallel_loop3A_391 = tpu.vector_load %arg6[%parallel_loop3A_390] {strides = array<i32>} : memref<512xi32, #tpu.memory_space<vmem>>, vector<16xi32>,
        %parallel_loop3A_392 = tpu.vector_load_idx %arg8[%parallel_loop3A_216, %parallel_loop3A_391] : memref<16x2048xf32, #tpu.memory_space<vmem>>[vector<16xi32>, vector<16xi32>], vector<16xf32>,
        %parallel_loop3A_393 = arith.constant 384 : i32
        %parallel_loop3A_394 = arith.addi %parallel_loop3A_221, %parallel_loop3A_393 : i32
        %parallel_loop3A_395 = arith.index_cast %parallel_loop3A_394 : i32 to index
        %parallel_loop3A_396 = tpu.vector_load %arg9[%parallel_loop3A_395] {strides = array<i32>} : memref<32768xf32, #tpu.memory_space<vmem>>, vector<16xf32>,
        tpu.vector_store %arg9[%parallel_loop3A_395], %parallel_loop3A_392 {strides = array<i32>} : memref<32768xf32, #tpu.memory_space<vmem>>, vector<16xf32>,
        %parallel_loop3A_397 = arith.constant 400 : index
        %parallel_loop3A_398 = tpu.vector_load %arg6[%parallel_loop3A_397] {strides = array<i32>} : memref<512xi32, #tpu.memory_space<vmem>>, vector<16xi32>,
        %parallel_loop3A_399 = tpu.vector_load_idx %arg8[%parallel_loop3A_216, %parallel_loop3A_398] : memref<16x2048xf32, #tpu.memory_space<vmem>>[vector<16xi32>, vector<16xi32>], vector<16xf32>,
        %parallel_loop3A_400 = arith.constant 400 : i32
        %parallel_loop3A_401 = arith.addi %parallel_loop3A_221, %parallel_loop3A_400 : i32
        %parallel_loop3A_402 = arith.index_cast %parallel_loop3A_401 : i32 to index
        %parallel_loop3A_403 = tpu.vector_load %arg9[%parallel_loop3A_402] {strides = array<i32>} : memref<32768xf32, #tpu.memory_space<vmem>>, vector<16xf32>,
        tpu.vector_store %arg9[%parallel_loop3A_402], %parallel_loop3A_399 {strides = array<i32>} : memref<32768xf32, #tpu.memory_space<vmem>>, vector<16xf32>,
        %parallel_loop3A_404 = arith.constant 416 : index
        %parallel_loop3A_405 = tpu.vector_load %arg6[%parallel_loop3A_404] {strides = array<i32>} : memref<512xi32, #tpu.memory_space<vmem>>, vector<16xi32>,
        %parallel_loop3A_406 = tpu.vector_load_idx %arg8[%parallel_loop3A_216, %parallel_loop3A_405] : memref<16x2048xf32, #tpu.memory_space<vmem>>[vector<16xi32>, vector<16xi32>], vector<16xf32>,
        %parallel_loop3A_407 = arith.constant 416 : i32
        %parallel_loop3A_408 = arith.addi %parallel_loop3A_221, %parallel_loop3A_407 : i32
        %parallel_loop3A_409 = arith.index_cast %parallel_loop3A_408 : i32 to index
        %parallel_loop3A_410 = tpu.vector_load %arg9[%parallel_loop3A_409] {strides = array<i32>} : memref<32768xf32, #tpu.memory_space<vmem>>, vector<16xf32>,
        tpu.vector_store %arg9[%parallel_loop3A_409], %parallel_loop3A_406 {strides = array<i32>} : memref<32768xf32, #tpu.memory_space<vmem>>, vector<16xf32>,
        %parallel_loop3A_411 = arith.constant 432 : index
        %parallel_loop3A_412 = tpu.vector_load %arg6[%parallel_loop3A_411] {strides = array<i32>} : memref<512xi32, #tpu.memory_space<vmem>>, vector<16xi32>,
        %parallel_loop3A_413 = tpu.vector_load_idx %arg8[%parallel_loop3A_216, %parallel_loop3A_412] : memref<16x2048xf32, #tpu.memory_space<vmem>>[vector<16xi32>, vector<16xi32>], vector<16xf32>,
        %parallel_loop3A_414 = arith.constant 432 : i32
        %parallel_loop3A_415 = arith.addi %parallel_loop3A_221, %parallel_loop3A_414 : i32
        %parallel_loop3A_416 = arith.index_cast %parallel_loop3A_415 : i32 to index
        %parallel_loop3A_417 = tpu.vector_load %arg9[%parallel_loop3A_416] {strides = array<i32>} : memref<32768xf32, #tpu.memory_space<vmem>>, vector<16xf32>,
        tpu.vector_store %arg9[%parallel_loop3A_416], %parallel_loop3A_413 {strides = array<i32>} : memref<32768xf32, #tpu.memory_space<vmem>>, vector<16xf32>,
        %parallel_loop3A_418 = arith.constant 448 : index
        %parallel_loop3A_419 = tpu.vector_load %arg6[%parallel_loop3A_418] {strides = array<i32>} : memref<512xi32, #tpu.memory_space<vmem>>, vector<16xi32>,
        %parallel_loop3A_420 = tpu.vector_load_idx %arg8[%parallel_loop3A_216, %parallel_loop3A_419] : memref<16x2048xf32, #tpu.memory_space<vmem>>[vector<16xi32>, vector<16xi32>], vector<16xf32>,
        %parallel_loop3A_421 = arith.constant 448 : i32
        %parallel_loop3A_422 = arith.addi %parallel_loop3A_221, %parallel_loop3A_421 : i32
        %parallel_loop3A_423 = arith.index_cast %parallel_loop3A_422 : i32 to index
        %parallel_loop3A_424 = tpu.vector_load %arg9[%parallel_loop3A_423] {strides = array<i32>} : memref<32768xf32, #tpu.memory_space<vmem>>, vector<16xf32>,
        tpu.vector_store %arg9[%parallel_loop3A_423], %parallel_loop3A_420 {strides = array<i32>} : memref<32768xf32, #tpu.memory_space<vmem>>, vector<16xf32>,
        %parallel_loop3A_425 = arith.constant 464 : index
        %parallel_loop3A_426 = tpu.vector_load %arg6[%parallel_loop3A_425] {strides = array<i32>} : memref<512xi32, #tpu.memory_space<vmem>>, vector<16xi32>,
        %parallel_loop3A_427 = tpu.vector_load_idx %arg8[%parallel_loop3A_216, %parallel_loop3A_426] : memref<16x2048xf32, #tpu.memory_space<vmem>>[vector<16xi32>, vector<16xi32>], vector<16xf32>,
        %parallel_loop3A_428 = arith.constant 464 : i32
        %parallel_loop3A_429 = arith.addi %parallel_loop3A_221, %parallel_loop3A_428 : i32
        %parallel_loop3A_430 = arith.index_cast %parallel_loop3A_429 : i32 to index
        %parallel_loop3A_431 = tpu.vector_load %arg9[%parallel_loop3A_430] {strides = array<i32>} : memref<32768xf32, #tpu.memory_space<vmem>>, vector<16xf32>,
        tpu.vector_store %arg9[%parallel_loop3A_430], %parallel_loop3A_427 {strides = array<i32>} : memref<32768xf32, #tpu.memory_space<vmem>>, vector<16xf32>,
        %parallel_loop3A_432 = arith.constant 480 : index
        %parallel_loop3A_433 = tpu.vector_load %arg6[%parallel_loop3A_432] {strides = array<i32>} : memref<512xi32, #tpu.memory_space<vmem>>, vector<16xi32>,
        %parallel_loop3A_434 = tpu.vector_load_idx %arg8[%parallel_loop3A_216, %parallel_loop3A_433] : memref<16x2048xf32, #tpu.memory_space<vmem>>[vector<16xi32>, vector<16xi32>], vector<16xf32>,
        %parallel_loop3A_435 = arith.constant 480 : i32
        %parallel_loop3A_436 = arith.addi %parallel_loop3A_221, %parallel_loop3A_435 : i32
        %parallel_loop3A_437 = arith.index_cast %parallel_loop3A_436 : i32 to index
        %parallel_loop3A_438 = tpu.vector_load %arg9[%parallel_loop3A_437] {strides = array<i32>} : memref<32768xf32, #tpu.memory_space<vmem>>, vector<16xf32>,
        tpu.vector_store %arg9[%parallel_loop3A_437], %parallel_loop3A_434 {strides = array<i32>} : memref<32768xf32, #tpu.memory_space<vmem>>, vector<16xf32>,
        %parallel_loop3A_439 = arith.constant 496 : index
        %parallel_loop3A_440 = tpu.vector_load %arg6[%parallel_loop3A_439] {strides = array<i32>} : memref<512xi32, #tpu.memory_space<vmem>>, vector<16xi32>,
        %parallel_loop3A_441 = tpu.vector_load_idx %arg8[%parallel_loop3A_216, %parallel_loop3A_440] : memref<16x2048xf32, #tpu.memory_space<vmem>>[vector<16xi32>, vector<16xi32>], vector<16xf32>,
        %parallel_loop3A_442 = arith.constant 496 : i32
        %parallel_loop3A_443 = arith.addi %parallel_loop3A_221, %parallel_loop3A_442 : i32
        %parallel_loop3A_444 = arith.index_cast %parallel_loop3A_443 : i32 to index
        %parallel_loop3A_445 = tpu.vector_load %arg9[%parallel_loop3A_444] {strides = array<i32>} : memref<32768xf32, #tpu.memory_space<vmem>>, vector<16xf32>,
        tpu.vector_store %arg9[%parallel_loop3A_444], %parallel_loop3A_441 {strides = array<i32>} : memref<32768xf32, #tpu.memory_space<vmem>>, vector<16xf32>,
      } {sc.loop_unroll_factor = 2 : i64, sc.parallel_access}
    }
    %scan3A_22 = arith.constant 8 : i32
    %iota3A = tpu.iota {dimensions = array<i32: 0>} : vector<16xi32>
    %broadcast_in_dim3A = arith.constant 1 : i32
    %broadcast_in_dim3A_23 = vector.broadcast %broadcast_in_dim3A : i32 to vector<16xi32>
    %broadcast_in_dim3A_24 = arith.constant 0 : i32
    %broadcast_in_dim3A_25 = vector.broadcast %broadcast_in_dim3A_24 : i32 to vector<16xi32>
    %get3A = arith.constant 0 : index
    %get3A_26 = tpu.vector_load %arg7[%get3A] {strides = array<i32>} : memref<1920xf32, #tpu.memory_space<vmem>>, vector<16xf32>,
    %get3A_27 = arith.constant 128 : index
    %get3A_28 = tpu.vector_load %arg7[%get3A_27] {strides = array<i32>} : memref<1920xf32, #tpu.memory_space<vmem>>, vector<16xf32>,
    %get3A_29 = arith.constant 256 : index
    %get3A_30 = tpu.vector_load %arg7[%get3A_29] {strides = array<i32>} : memref<1920xf32, #tpu.memory_space<vmem>>, vector<16xf32>,
    %get3A_31 = arith.constant 384 : index
    %get3A_32 = tpu.vector_load %arg7[%get3A_31] {strides = array<i32>} : memref<1920xf32, #tpu.memory_space<vmem>>, vector<16xf32>,
    %get3A_33 = arith.constant 512 : index
    %get3A_34 = tpu.vector_load %arg7[%get3A_33] {strides = array<i32>} : memref<1920xf32, #tpu.memory_space<vmem>>, vector<16xf32>,
    %get3A_35 = arith.constant 640 : index
    %get3A_36 = tpu.vector_load %arg7[%get3A_35] {strides = array<i32>} : memref<1920xf32, #tpu.memory_space<vmem>>, vector<16xf32>,
    %get3A_37 = arith.constant 768 : index
    %get3A_38 = tpu.vector_load %arg7[%get3A_37] {strides = array<i32>} : memref<1920xf32, #tpu.memory_space<vmem>>, vector<16xf32>,
    %add3A_39 = arith.constant 896 : i32
    %add3A_40 = vector.broadcast %add3A_39 : i32 to vector<16xi32>
    %add3A_41 = arith.addi %iota3A, %add3A_40 : vector<16xi32>
    %parallel_loop3A = arith.constant 0 : i32
    %parallel_loop3A_42 = arith.constant 64 : i32
    %parallel_loop3A_43 = arith.constant 1 : i32
    scf.for %parallel_loop3A_188 = %parallel_loop3A to %parallel_loop3A_42 step %parallel_loop3A_43  : i32 {
      %parallel_loop3A_189 = arith.constant 512 : i32
      %parallel_loop3A_190 = arith.muli %parallel_loop3A_188, %parallel_loop3A_189 : i32
      %parallel_loop3A_191 = arith.constant 0 : i32
      %parallel_loop3A_192 = arith.addi %parallel_loop3A_190, %parallel_loop3A_191 : i32
      %parallel_loop3A_193 = arith.index_cast %parallel_loop3A_192 : i32 to index
      %parallel_loop3A_194 = tpu.vector_load %arg9[%parallel_loop3A_193] {strides = array<i32>} : memref<32768xf32, #tpu.memory_space<vmem>>, vector<16xf32>,
      %parallel_loop3A_195 = arith.constant 128 : i32
      %parallel_loop3A_196 = arith.addi %parallel_loop3A_192, %parallel_loop3A_195 : i32
      %parallel_loop3A_197 = arith.index_cast %parallel_loop3A_196 : i32 to index
      %parallel_loop3A_198 = tpu.vector_load %arg9[%parallel_loop3A_197] {strides = array<i32>} : memref<32768xf32, #tpu.memory_space<vmem>>, vector<16xf32>,
      %parallel_loop3A_199 = arith.constant 256 : i32
      %parallel_loop3A_200 = arith.addi %parallel_loop3A_192, %parallel_loop3A_199 : i32
      %parallel_loop3A_201 = arith.index_cast %parallel_loop3A_200 : i32 to index
      %parallel_loop3A_202 = tpu.vector_load %arg9[%parallel_loop3A_201] {strides = array<i32>} : memref<32768xf32, #tpu.memory_space<vmem>>, vector<16xf32>,
      %parallel_loop3A_203 = arith.constant 384 : i32
      %parallel_loop3A_204 = arith.addi %parallel_loop3A_192, %parallel_loop3A_203 : i32
      %parallel_loop3A_205 = arith.index_cast %parallel_loop3A_204 : i32 to index
      %parallel_loop3A_206 = tpu.vector_load %arg9[%parallel_loop3A_205] {strides = array<i32>} : memref<32768xf32, #tpu.memory_space<vmem>>, vector<16xf32>,
      %parallel_loop3A_207 = arith.cmpf ogt, %parallel_loop3A_194, %get3A_26 : vector<16xf32>
      %parallel_loop3A_208 = arith.select %parallel_loop3A_207, %get3A_30, %get3A_28 : vector<16xi1>, vector<16xf32>
      %parallel_loop3A_209 = arith.cmpf ogt, %parallel_loop3A_198, %parallel_loop3A_208 : vector<16xf32>
      %parallel_loop3A_210 = arith.select %parallel_loop3A_209, %get3A_38, %get3A_36 : vector<16xi1>, vector<16xf32>
      %parallel_loop3A_211 = arith.select %parallel_loop3A_209, %get3A_34, %get3A_32 : vector<16xi1>, vector<16xf32>
      %parallel_loop3A_212 = arith.select %parallel_loop3A_207, %parallel_loop3A_210, %parallel_loop3A_211 : vector<16xi1>, vector<16xf32>
      %parallel_loop3A_213 = arith.cmpf ogt, %parallel_loop3A_202, %parallel_loop3A_212 : vector<16xf32>
      %parallel_loop3A_214 = arith.constant 4 : i32
      %parallel_loop3A_215 = vector.broadcast %parallel_loop3A_214 : i32 to vector<16xi32>
      %parallel_loop3A_216 = arith.select %parallel_loop3A_207, %parallel_loop3A_215, %broadcast_in_dim3A_25 : vector<16xi1>, vector<16xi32>
      %parallel_loop3A_217 = arith.constant 2 : i32
      %parallel_loop3A_218 = vector.broadcast %parallel_loop3A_217 : i32 to vector<16xi32>
      %parallel_loop3A_219 = arith.select %parallel_loop3A_209, %parallel_loop3A_218, %broadcast_in_dim3A_25 : vector<16xi1>, vector<16xi32>
      %parallel_loop3A_220 = arith.addi %parallel_loop3A_216, %parallel_loop3A_219 : vector<16xi32>
      %parallel_loop3A_221 = arith.select %parallel_loop3A_213, %broadcast_in_dim3A_23, %broadcast_in_dim3A_25 : vector<16xi1>, vector<16xi32>
      %parallel_loop3A_222 = arith.addi %parallel_loop3A_220, %parallel_loop3A_221 : vector<16xi32>
      %parallel_loop3A_223 = arith.constant 128 : i32
      %parallel_loop3A_224 = vector.broadcast %parallel_loop3A_223 : i32 to vector<16xi32>
      %parallel_loop3A_225 = arith.muli %parallel_loop3A_222, %parallel_loop3A_224 : vector<16xi32>
      %parallel_loop3A_226 = arith.addi %add3A_41, %parallel_loop3A_225 : vector<16xi32>
      %parallel_loop3A_227 = tpu.vector_load_idx %arg7[%parallel_loop3A_226] : memref<1920xf32, #tpu.memory_space<vmem>>[vector<16xi32>], vector<16xf32>,
      %parallel_loop3A_228 = arith.constant 2 : i32
      %parallel_loop3A_229 = vector.broadcast %parallel_loop3A_228 : i32 to vector<16xi32>
      %parallel_loop3A_230 = arith.muli %parallel_loop3A_229, %parallel_loop3A_222 : vector<16xi32>
      %parallel_loop3A_231 = arith.cmpf ogt, %parallel_loop3A_206, %parallel_loop3A_227 : vector<16xf32>
      %parallel_loop3A_232 = arith.select %parallel_loop3A_231, %broadcast_in_dim3A_23, %broadcast_in_dim3A_25 : vector<16xi1>, vector<16xi32>
      %parallel_loop3A_233 = arith.addi %parallel_loop3A_230, %parallel_loop3A_232 : vector<16xi32>
      %parallel_loop3A_234 = arith.sitofp %parallel_loop3A_233 : vector<16xi32> to vector<16xf32>
      %parallel_loop3A_235 = arith.constant 128 : i32
      %parallel_loop3A_236 = arith.muli %parallel_loop3A_188, %parallel_loop3A_235 : i32
      %parallel_loop3A_237 = arith.constant 0 : i32
      %parallel_loop3A_238 = arith.addi %parallel_loop3A_236, %parallel_loop3A_237 : i32
      %parallel_loop3A_239 = arith.index_cast %parallel_loop3A_238 : i32 to index
      %parallel_loop3A_240 = tpu.vector_load %arg10[%parallel_loop3A_239] {strides = array<i32>} : memref<8192xf32, #tpu.memory_space<vmem>>, vector<16xf32>,
      tpu.vector_store %arg10[%parallel_loop3A_239], %parallel_loop3A_234 {strides = array<i32>} : memref<8192xf32, #tpu.memory_space<vmem>>, vector<16xf32>,
    } {sc.loop_unroll_factor = 8 : i64, sc.parallel_access}
    %get3A_44 = arith.constant 16 : index
    %get3A_45 = tpu.vector_load %arg7[%get3A_44] {strides = array<i32>} : memref<1920xf32, #tpu.memory_space<vmem>>, vector<16xf32>,
    %get3A_46 = arith.constant 144 : index
    %get3A_47 = tpu.vector_load %arg7[%get3A_46] {strides = array<i32>} : memref<1920xf32, #tpu.memory_space<vmem>>, vector<16xf32>,
    %get3A_48 = arith.constant 272 : index
    %get3A_49 = tpu.vector_load %arg7[%get3A_48] {strides = array<i32>} : memref<1920xf32, #tpu.memory_space<vmem>>, vector<16xf32>,
    %get3A_50 = arith.constant 400 : index
    %get3A_51 = tpu.vector_load %arg7[%get3A_50] {strides = array<i32>} : memref<1920xf32, #tpu.memory_space<vmem>>, vector<16xf32>,
    %get3A_52 = arith.constant 528 : index
    %get3A_53 = tpu.vector_load %arg7[%get3A_52] {strides = array<i32>} : memref<1920xf32, #tpu.memory_space<vmem>>, vector<16xf32>,
    %get3A_54 = arith.constant 656 : index
    %get3A_55 = tpu.vector_load %arg7[%get3A_54] {strides = array<i32>} : memref<1920xf32, #tpu.memory_space<vmem>>, vector<16xf32>,
    %get3A_56 = arith.constant 784 : index
    %get3A_57 = tpu.vector_load %arg7[%get3A_56] {strides = array<i32>} : memref<1920xf32, #tpu.memory_space<vmem>>, vector<16xf32>,
    %add3A_58 = arith.constant 912 : i32
    %add3A_59 = vector.broadcast %add3A_58 : i32 to vector<16xi32>
    %add3A_60 = arith.addi %iota3A, %add3A_59 : vector<16xi32>
    %parallel_loop3A_61 = arith.constant 0 : i32
    %parallel_loop3A_62 = arith.constant 64 : i32
    %parallel_loop3A_63 = arith.constant 1 : i32
    scf.for %parallel_loop3A_188 = %parallel_loop3A_61 to %parallel_loop3A_62 step %parallel_loop3A_63  : i32 {
      %parallel_loop3A_189 = arith.constant 512 : i32
      %parallel_loop3A_190 = arith.muli %parallel_loop3A_188, %parallel_loop3A_189 : i32
      %parallel_loop3A_191 = arith.constant 16 : i32
      %parallel_loop3A_192 = arith.addi %parallel_loop3A_190, %parallel_loop3A_191 : i32
      %parallel_loop3A_193 = arith.index_cast %parallel_loop3A_192 : i32 to index
      %parallel_loop3A_194 = tpu.vector_load %arg9[%parallel_loop3A_193] {strides = array<i32>} : memref<32768xf32, #tpu.memory_space<vmem>>, vector<16xf32>,
      %parallel_loop3A_195 = arith.constant 128 : i32
      %parallel_loop3A_196 = arith.addi %parallel_loop3A_192, %parallel_loop3A_195 : i32
      %parallel_loop3A_197 = arith.index_cast %parallel_loop3A_196 : i32 to index
      %parallel_loop3A_198 = tpu.vector_load %arg9[%parallel_loop3A_197] {strides = array<i32>} : memref<32768xf32, #tpu.memory_space<vmem>>, vector<16xf32>,
      %parallel_loop3A_199 = arith.constant 256 : i32
      %parallel_loop3A_200 = arith.addi %parallel_loop3A_192, %parallel_loop3A_199 : i32
      %parallel_loop3A_201 = arith.index_cast %parallel_loop3A_200 : i32 to index
      %parallel_loop3A_202 = tpu.vector_load %arg9[%parallel_loop3A_201] {strides = array<i32>} : memref<32768xf32, #tpu.memory_space<vmem>>, vector<16xf32>,
      %parallel_loop3A_203 = arith.constant 384 : i32
      %parallel_loop3A_204 = arith.addi %parallel_loop3A_192, %parallel_loop3A_203 : i32
      %parallel_loop3A_205 = arith.index_cast %parallel_loop3A_204 : i32 to index
      %parallel_loop3A_206 = tpu.vector_load %arg9[%parallel_loop3A_205] {strides = array<i32>} : memref<32768xf32, #tpu.memory_space<vmem>>, vector<16xf32>,
      %parallel_loop3A_207 = arith.cmpf ogt, %parallel_loop3A_194, %get3A_45 : vector<16xf32>
      %parallel_loop3A_208 = arith.select %parallel_loop3A_207, %get3A_49, %get3A_47 : vector<16xi1>, vector<16xf32>
      %parallel_loop3A_209 = arith.cmpf ogt, %parallel_loop3A_198, %parallel_loop3A_208 : vector<16xf32>
      %parallel_loop3A_210 = arith.select %parallel_loop3A_209, %get3A_57, %get3A_55 : vector<16xi1>, vector<16xf32>
      %parallel_loop3A_211 = arith.select %parallel_loop3A_209, %get3A_53, %get3A_51 : vector<16xi1>, vector<16xf32>
      %parallel_loop3A_212 = arith.select %parallel_loop3A_207, %parallel_loop3A_210, %parallel_loop3A_211 : vector<16xi1>, vector<16xf32>
      %parallel_loop3A_213 = arith.cmpf ogt, %parallel_loop3A_202, %parallel_loop3A_212 : vector<16xf32>
      %parallel_loop3A_214 = arith.constant 4 : i32
      %parallel_loop3A_215 = vector.broadcast %parallel_loop3A_214 : i32 to vector<16xi32>
      %parallel_loop3A_216 = arith.select %parallel_loop3A_207, %parallel_loop3A_215, %broadcast_in_dim3A_25 : vector<16xi1>, vector<16xi32>
      %parallel_loop3A_217 = arith.constant 2 : i32
      %parallel_loop3A_218 = vector.broadcast %parallel_loop3A_217 : i32 to vector<16xi32>
      %parallel_loop3A_219 = arith.select %parallel_loop3A_209, %parallel_loop3A_218, %broadcast_in_dim3A_25 : vector<16xi1>, vector<16xi32>
      %parallel_loop3A_220 = arith.addi %parallel_loop3A_216, %parallel_loop3A_219 : vector<16xi32>
      %parallel_loop3A_221 = arith.select %parallel_loop3A_213, %broadcast_in_dim3A_23, %broadcast_in_dim3A_25 : vector<16xi1>, vector<16xi32>
      %parallel_loop3A_222 = arith.addi %parallel_loop3A_220, %parallel_loop3A_221 : vector<16xi32>
      %parallel_loop3A_223 = arith.constant 128 : i32
      %parallel_loop3A_224 = vector.broadcast %parallel_loop3A_223 : i32 to vector<16xi32>
      %parallel_loop3A_225 = arith.muli %parallel_loop3A_222, %parallel_loop3A_224 : vector<16xi32>
      %parallel_loop3A_226 = arith.addi %add3A_60, %parallel_loop3A_225 : vector<16xi32>
      %parallel_loop3A_227 = tpu.vector_load_idx %arg7[%parallel_loop3A_226] : memref<1920xf32, #tpu.memory_space<vmem>>[vector<16xi32>], vector<16xf32>,
      %parallel_loop3A_228 = arith.constant 2 : i32
      %parallel_loop3A_229 = vector.broadcast %parallel_loop3A_228 : i32 to vector<16xi32>
      %parallel_loop3A_230 = arith.muli %parallel_loop3A_229, %parallel_loop3A_222 : vector<16xi32>
      %parallel_loop3A_231 = arith.cmpf ogt, %parallel_loop3A_206, %parallel_loop3A_227 : vector<16xf32>
      %parallel_loop3A_232 = arith.select %parallel_loop3A_231, %broadcast_in_dim3A_23, %broadcast_in_dim3A_25 : vector<16xi1>, vector<16xi32>
      %parallel_loop3A_233 = arith.addi %parallel_loop3A_230, %parallel_loop3A_232 : vector<16xi32>
      %parallel_loop3A_234 = arith.sitofp %parallel_loop3A_233 : vector<16xi32> to vector<16xf32>
      %parallel_loop3A_235 = arith.constant 128 : i32
      %parallel_loop3A_236 = arith.muli %parallel_loop3A_188, %parallel_loop3A_235 : i32
      %parallel_loop3A_237 = arith.constant 16 : i32
      %parallel_loop3A_238 = arith.addi %parallel_loop3A_236, %parallel_loop3A_237 : i32
      %parallel_loop3A_239 = arith.index_cast %parallel_loop3A_238 : i32 to index
      %parallel_loop3A_240 = tpu.vector_load %arg10[%parallel_loop3A_239] {strides = array<i32>} : memref<8192xf32, #tpu.memory_space<vmem>>, vector<16xf32>,
      tpu.vector_store %arg10[%parallel_loop3A_239], %parallel_loop3A_234 {strides = array<i32>} : memref<8192xf32, #tpu.memory_space<vmem>>, vector<16xf32>,
    } {sc.loop_unroll_factor = 8 : i64, sc.parallel_access}
    %get3A_64 = arith.constant 32 : index
    %get3A_65 = tpu.vector_load %arg7[%get3A_64] {strides = array<i32>} : memref<1920xf32, #tpu.memory_space<vmem>>, vector<16xf32>,
    %get3A_66 = arith.constant 160 : index
    %get3A_67 = tpu.vector_load %arg7[%get3A_66] {strides = array<i32>} : memref<1920xf32, #tpu.memory_space<vmem>>, vector<16xf32>,
    %get3A_68 = arith.constant 288 : index
    %get3A_69 = tpu.vector_load %arg7[%get3A_68] {strides = array<i32>} : memref<1920xf32, #tpu.memory_space<vmem>>, vector<16xf32>,
    %get3A_70 = arith.constant 416 : index
    %get3A_71 = tpu.vector_load %arg7[%get3A_70] {strides = array<i32>} : memref<1920xf32, #tpu.memory_space<vmem>>, vector<16xf32>,
    %get3A_72 = arith.constant 544 : index
    %get3A_73 = tpu.vector_load %arg7[%get3A_72] {strides = array<i32>} : memref<1920xf32, #tpu.memory_space<vmem>>, vector<16xf32>,
    %get3A_74 = arith.constant 672 : index
    %get3A_75 = tpu.vector_load %arg7[%get3A_74] {strides = array<i32>} : memref<1920xf32, #tpu.memory_space<vmem>>, vector<16xf32>,
    %get3A_76 = arith.constant 800 : index
    %get3A_77 = tpu.vector_load %arg7[%get3A_76] {strides = array<i32>} : memref<1920xf32, #tpu.memory_space<vmem>>, vector<16xf32>,
    %add3A_78 = arith.constant 928 : i32
    %add3A_79 = vector.broadcast %add3A_78 : i32 to vector<16xi32>
    %add3A_80 = arith.addi %iota3A, %add3A_79 : vector<16xi32>
    %parallel_loop3A_81 = arith.constant 0 : i32
    %parallel_loop3A_82 = arith.constant 64 : i32
    %parallel_loop3A_83 = arith.constant 1 : i32
    scf.for %parallel_loop3A_188 = %parallel_loop3A_81 to %parallel_loop3A_82 step %parallel_loop3A_83  : i32 {
      %parallel_loop3A_189 = arith.constant 512 : i32
      %parallel_loop3A_190 = arith.muli %parallel_loop3A_188, %parallel_loop3A_189 : i32
      %parallel_loop3A_191 = arith.constant 32 : i32
      %parallel_loop3A_192 = arith.addi %parallel_loop3A_190, %parallel_loop3A_191 : i32
      %parallel_loop3A_193 = arith.index_cast %parallel_loop3A_192 : i32 to index
      %parallel_loop3A_194 = tpu.vector_load %arg9[%parallel_loop3A_193] {strides = array<i32>} : memref<32768xf32, #tpu.memory_space<vmem>>, vector<16xf32>,
      %parallel_loop3A_195 = arith.constant 128 : i32
      %parallel_loop3A_196 = arith.addi %parallel_loop3A_192, %parallel_loop3A_195 : i32
      %parallel_loop3A_197 = arith.index_cast %parallel_loop3A_196 : i32 to index
      %parallel_loop3A_198 = tpu.vector_load %arg9[%parallel_loop3A_197] {strides = array<i32>} : memref<32768xf32, #tpu.memory_space<vmem>>, vector<16xf32>,
      %parallel_loop3A_199 = arith.constant 256 : i32
      %parallel_loop3A_200 = arith.addi %parallel_loop3A_192, %parallel_loop3A_199 : i32
      %parallel_loop3A_201 = arith.index_cast %parallel_loop3A_200 : i32 to index
      %parallel_loop3A_202 = tpu.vector_load %arg9[%parallel_loop3A_201] {strides = array<i32>} : memref<32768xf32, #tpu.memory_space<vmem>>, vector<16xf32>,
      %parallel_loop3A_203 = arith.constant 384 : i32
      %parallel_loop3A_204 = arith.addi %parallel_loop3A_192, %parallel_loop3A_203 : i32
      %parallel_loop3A_205 = arith.index_cast %parallel_loop3A_204 : i32 to index
      %parallel_loop3A_206 = tpu.vector_load %arg9[%parallel_loop3A_205] {strides = array<i32>} : memref<32768xf32, #tpu.memory_space<vmem>>, vector<16xf32>,
      %parallel_loop3A_207 = arith.cmpf ogt, %parallel_loop3A_194, %get3A_65 : vector<16xf32>
      %parallel_loop3A_208 = arith.select %parallel_loop3A_207, %get3A_69, %get3A_67 : vector<16xi1>, vector<16xf32>
      %parallel_loop3A_209 = arith.cmpf ogt, %parallel_loop3A_198, %parallel_loop3A_208 : vector<16xf32>
      %parallel_loop3A_210 = arith.select %parallel_loop3A_209, %get3A_77, %get3A_75 : vector<16xi1>, vector<16xf32>
      %parallel_loop3A_211 = arith.select %parallel_loop3A_209, %get3A_73, %get3A_71 : vector<16xi1>, vector<16xf32>
      %parallel_loop3A_212 = arith.select %parallel_loop3A_207, %parallel_loop3A_210, %parallel_loop3A_211 : vector<16xi1>, vector<16xf32>
      %parallel_loop3A_213 = arith.cmpf ogt, %parallel_loop3A_202, %parallel_loop3A_212 : vector<16xf32>
      %parallel_loop3A_214 = arith.constant 4 : i32
      %parallel_loop3A_215 = vector.broadcast %parallel_loop3A_214 : i32 to vector<16xi32>
      %parallel_loop3A_216 = arith.select %parallel_loop3A_207, %parallel_loop3A_215, %broadcast_in_dim3A_25 : vector<16xi1>, vector<16xi32>
      %parallel_loop3A_217 = arith.constant 2 : i32
      %parallel_loop3A_218 = vector.broadcast %parallel_loop3A_217 : i32 to vector<16xi32>
      %parallel_loop3A_219 = arith.select %parallel_loop3A_209, %parallel_loop3A_218, %broadcast_in_dim3A_25 : vector<16xi1>, vector<16xi32>
      %parallel_loop3A_220 = arith.addi %parallel_loop3A_216, %parallel_loop3A_219 : vector<16xi32>
      %parallel_loop3A_221 = arith.select %parallel_loop3A_213, %broadcast_in_dim3A_23, %broadcast_in_dim3A_25 : vector<16xi1>, vector<16xi32>
      %parallel_loop3A_222 = arith.addi %parallel_loop3A_220, %parallel_loop3A_221 : vector<16xi32>
      %parallel_loop3A_223 = arith.constant 128 : i32
      %parallel_loop3A_224 = vector.broadcast %parallel_loop3A_223 : i32 to vector<16xi32>
      %parallel_loop3A_225 = arith.muli %parallel_loop3A_222, %parallel_loop3A_224 : vector<16xi32>
      %parallel_loop3A_226 = arith.addi %add3A_80, %parallel_loop3A_225 : vector<16xi32>
      %parallel_loop3A_227 = tpu.vector_load_idx %arg7[%parallel_loop3A_226] : memref<1920xf32, #tpu.memory_space<vmem>>[vector<16xi32>], vector<16xf32>,
      %parallel_loop3A_228 = arith.constant 2 : i32
      %parallel_loop3A_229 = vector.broadcast %parallel_loop3A_228 : i32 to vector<16xi32>
      %parallel_loop3A_230 = arith.muli %parallel_loop3A_229, %parallel_loop3A_222 : vector<16xi32>
      %parallel_loop3A_231 = arith.cmpf ogt, %parallel_loop3A_206, %parallel_loop3A_227 : vector<16xf32>
      %parallel_loop3A_232 = arith.select %parallel_loop3A_231, %broadcast_in_dim3A_23, %broadcast_in_dim3A_25 : vector<16xi1>, vector<16xi32>
      %parallel_loop3A_233 = arith.addi %parallel_loop3A_230, %parallel_loop3A_232 : vector<16xi32>
      %parallel_loop3A_234 = arith.sitofp %parallel_loop3A_233 : vector<16xi32> to vector<16xf32>
      %parallel_loop3A_235 = arith.constant 128 : i32
      %parallel_loop3A_236 = arith.muli %parallel_loop3A_188, %parallel_loop3A_235 : i32
      %parallel_loop3A_237 = arith.constant 32 : i32
      %parallel_loop3A_238 = arith.addi %parallel_loop3A_236, %parallel_loop3A_237 : i32
      %parallel_loop3A_239 = arith.index_cast %parallel_loop3A_238 : i32 to index
      %parallel_loop3A_240 = tpu.vector_load %arg10[%parallel_loop3A_239] {strides = array<i32>} : memref<8192xf32, #tpu.memory_space<vmem>>, vector<16xf32>,
      tpu.vector_store %arg10[%parallel_loop3A_239], %parallel_loop3A_234 {strides = array<i32>} : memref<8192xf32, #tpu.memory_space<vmem>>, vector<16xf32>,
    } {sc.loop_unroll_factor = 8 : i64, sc.parallel_access}
    %get3A_84 = arith.constant 48 : index
    %get3A_85 = tpu.vector_load %arg7[%get3A_84] {strides = array<i32>} : memref<1920xf32, #tpu.memory_space<vmem>>, vector<16xf32>,
    %get3A_86 = arith.constant 176 : index
    %get3A_87 = tpu.vector_load %arg7[%get3A_86] {strides = array<i32>} : memref<1920xf32, #tpu.memory_space<vmem>>, vector<16xf32>,
    %get3A_88 = arith.constant 304 : index
    %get3A_89 = tpu.vector_load %arg7[%get3A_88] {strides = array<i32>} : memref<1920xf32, #tpu.memory_space<vmem>>, vector<16xf32>,
    %get3A_90 = arith.constant 432 : index
    %get3A_91 = tpu.vector_load %arg7[%get3A_90] {strides = array<i32>} : memref<1920xf32, #tpu.memory_space<vmem>>, vector<16xf32>,
    %get3A_92 = arith.constant 560 : index
    %get3A_93 = tpu.vector_load %arg7[%get3A_92] {strides = array<i32>} : memref<1920xf32, #tpu.memory_space<vmem>>, vector<16xf32>,
    %get3A_94 = arith.constant 688 : index
    %get3A_95 = tpu.vector_load %arg7[%get3A_94] {strides = array<i32>} : memref<1920xf32, #tpu.memory_space<vmem>>, vector<16xf32>,
    %get3A_96 = arith.constant 816 : index
    %get3A_97 = tpu.vector_load %arg7[%get3A_96] {strides = array<i32>} : memref<1920xf32, #tpu.memory_space<vmem>>, vector<16xf32>,
    %add3A_98 = arith.constant 944 : i32
    %add3A_99 = vector.broadcast %add3A_98 : i32 to vector<16xi32>
    %add3A_100 = arith.addi %iota3A, %add3A_99 : vector<16xi32>
    %parallel_loop3A_101 = arith.constant 0 : i32
    %parallel_loop3A_102 = arith.constant 64 : i32
    %parallel_loop3A_103 = arith.constant 1 : i32
    scf.for %parallel_loop3A_188 = %parallel_loop3A_101 to %parallel_loop3A_102 step %parallel_loop3A_103  : i32 {
      %parallel_loop3A_189 = arith.constant 512 : i32
      %parallel_loop3A_190 = arith.muli %parallel_loop3A_188, %parallel_loop3A_189 : i32
      %parallel_loop3A_191 = arith.constant 48 : i32
      %parallel_loop3A_192 = arith.addi %parallel_loop3A_190, %parallel_loop3A_191 : i32
      %parallel_loop3A_193 = arith.index_cast %parallel_loop3A_192 : i32 to index
      %parallel_loop3A_194 = tpu.vector_load %arg9[%parallel_loop3A_193] {strides = array<i32>} : memref<32768xf32, #tpu.memory_space<vmem>>, vector<16xf32>,
      %parallel_loop3A_195 = arith.constant 128 : i32
      %parallel_loop3A_196 = arith.addi %parallel_loop3A_192, %parallel_loop3A_195 : i32
      %parallel_loop3A_197 = arith.index_cast %parallel_loop3A_196 : i32 to index
      %parallel_loop3A_198 = tpu.vector_load %arg9[%parallel_loop3A_197] {strides = array<i32>} : memref<32768xf32, #tpu.memory_space<vmem>>, vector<16xf32>,
      %parallel_loop3A_199 = arith.constant 256 : i32
      %parallel_loop3A_200 = arith.addi %parallel_loop3A_192, %parallel_loop3A_199 : i32
      %parallel_loop3A_201 = arith.index_cast %parallel_loop3A_200 : i32 to index
      %parallel_loop3A_202 = tpu.vector_load %arg9[%parallel_loop3A_201] {strides = array<i32>} : memref<32768xf32, #tpu.memory_space<vmem>>, vector<16xf32>,
      %parallel_loop3A_203 = arith.constant 384 : i32
      %parallel_loop3A_204 = arith.addi %parallel_loop3A_192, %parallel_loop3A_203 : i32
      %parallel_loop3A_205 = arith.index_cast %parallel_loop3A_204 : i32 to index
      %parallel_loop3A_206 = tpu.vector_load %arg9[%parallel_loop3A_205] {strides = array<i32>} : memref<32768xf32, #tpu.memory_space<vmem>>, vector<16xf32>,
      %parallel_loop3A_207 = arith.cmpf ogt, %parallel_loop3A_194, %get3A_85 : vector<16xf32>
      %parallel_loop3A_208 = arith.select %parallel_loop3A_207, %get3A_89, %get3A_87 : vector<16xi1>, vector<16xf32>
      %parallel_loop3A_209 = arith.cmpf ogt, %parallel_loop3A_198, %parallel_loop3A_208 : vector<16xf32>
      %parallel_loop3A_210 = arith.select %parallel_loop3A_209, %get3A_97, %get3A_95 : vector<16xi1>, vector<16xf32>
      %parallel_loop3A_211 = arith.select %parallel_loop3A_209, %get3A_93, %get3A_91 : vector<16xi1>, vector<16xf32>
      %parallel_loop3A_212 = arith.select %parallel_loop3A_207, %parallel_loop3A_210, %parallel_loop3A_211 : vector<16xi1>, vector<16xf32>
      %parallel_loop3A_213 = arith.cmpf ogt, %parallel_loop3A_202, %parallel_loop3A_212 : vector<16xf32>
      %parallel_loop3A_214 = arith.constant 4 : i32
      %parallel_loop3A_215 = vector.broadcast %parallel_loop3A_214 : i32 to vector<16xi32>
      %parallel_loop3A_216 = arith.select %parallel_loop3A_207, %parallel_loop3A_215, %broadcast_in_dim3A_25 : vector<16xi1>, vector<16xi32>
      %parallel_loop3A_217 = arith.constant 2 : i32
      %parallel_loop3A_218 = vector.broadcast %parallel_loop3A_217 : i32 to vector<16xi32>
      %parallel_loop3A_219 = arith.select %parallel_loop3A_209, %parallel_loop3A_218, %broadcast_in_dim3A_25 : vector<16xi1>, vector<16xi32>
      %parallel_loop3A_220 = arith.addi %parallel_loop3A_216, %parallel_loop3A_219 : vector<16xi32>
      %parallel_loop3A_221 = arith.select %parallel_loop3A_213, %broadcast_in_dim3A_23, %broadcast_in_dim3A_25 : vector<16xi1>, vector<16xi32>
      %parallel_loop3A_222 = arith.addi %parallel_loop3A_220, %parallel_loop3A_221 : vector<16xi32>
      %parallel_loop3A_223 = arith.constant 128 : i32
      %parallel_loop3A_224 = vector.broadcast %parallel_loop3A_223 : i32 to vector<16xi32>
      %parallel_loop3A_225 = arith.muli %parallel_loop3A_222, %parallel_loop3A_224 : vector<16xi32>
      %parallel_loop3A_226 = arith.addi %add3A_100, %parallel_loop3A_225 : vector<16xi32>
      %parallel_loop3A_227 = tpu.vector_load_idx %arg7[%parallel_loop3A_226] : memref<1920xf32, #tpu.memory_space<vmem>>[vector<16xi32>], vector<16xf32>,
      %parallel_loop3A_228 = arith.constant 2 : i32
      %parallel_loop3A_229 = vector.broadcast %parallel_loop3A_228 : i32 to vector<16xi32>
      %parallel_loop3A_230 = arith.muli %parallel_loop3A_229, %parallel_loop3A_222 : vector<16xi32>
      %parallel_loop3A_231 = arith.cmpf ogt, %parallel_loop3A_206, %parallel_loop3A_227 : vector<16xf32>
      %parallel_loop3A_232 = arith.select %parallel_loop3A_231, %broadcast_in_dim3A_23, %broadcast_in_dim3A_25 : vector<16xi1>, vector<16xi32>
      %parallel_loop3A_233 = arith.addi %parallel_loop3A_230, %parallel_loop3A_232 : vector<16xi32>
      %parallel_loop3A_234 = arith.sitofp %parallel_loop3A_233 : vector<16xi32> to vector<16xf32>
      %parallel_loop3A_235 = arith.constant 128 : i32
      %parallel_loop3A_236 = arith.muli %parallel_loop3A_188, %parallel_loop3A_235 : i32
      %parallel_loop3A_237 = arith.constant 48 : i32
      %parallel_loop3A_238 = arith.addi %parallel_loop3A_236, %parallel_loop3A_237 : i32
      %parallel_loop3A_239 = arith.index_cast %parallel_loop3A_238 : i32 to index
      %parallel_loop3A_240 = tpu.vector_load %arg10[%parallel_loop3A_239] {strides = array<i32>} : memref<8192xf32, #tpu.memory_space<vmem>>, vector<16xf32>,
      tpu.vector_store %arg10[%parallel_loop3A_239], %parallel_loop3A_234 {strides = array<i32>} : memref<8192xf32, #tpu.memory_space<vmem>>, vector<16xf32>,
    } {sc.loop_unroll_factor = 8 : i64, sc.parallel_access}
    %get3A_104 = arith.constant 64 : index
    %get3A_105 = tpu.vector_load %arg7[%get3A_104] {strides = array<i32>} : memref<1920xf32, #tpu.memory_space<vmem>>, vector<16xf32>,
    %get3A_106 = arith.constant 192 : index
    %get3A_107 = tpu.vector_load %arg7[%get3A_106] {strides = array<i32>} : memref<1920xf32, #tpu.memory_space<vmem>>, vector<16xf32>,
    %get3A_108 = arith.constant 320 : index
    %get3A_109 = tpu.vector_load %arg7[%get3A_108] {strides = array<i32>} : memref<1920xf32, #tpu.memory_space<vmem>>, vector<16xf32>,
    %get3A_110 = arith.constant 448 : index
    %get3A_111 = tpu.vector_load %arg7[%get3A_110] {strides = array<i32>} : memref<1920xf32, #tpu.memory_space<vmem>>, vector<16xf32>,
    %get3A_112 = arith.constant 576 : index
    %get3A_113 = tpu.vector_load %arg7[%get3A_112] {strides = array<i32>} : memref<1920xf32, #tpu.memory_space<vmem>>, vector<16xf32>,
    %get3A_114 = arith.constant 704 : index
    %get3A_115 = tpu.vector_load %arg7[%get3A_114] {strides = array<i32>} : memref<1920xf32, #tpu.memory_space<vmem>>, vector<16xf32>,
    %get3A_116 = arith.constant 832 : index
    %get3A_117 = tpu.vector_load %arg7[%get3A_116] {strides = array<i32>} : memref<1920xf32, #tpu.memory_space<vmem>>, vector<16xf32>,
    %add3A_118 = arith.constant 960 : i32
    %add3A_119 = vector.broadcast %add3A_118 : i32 to vector<16xi32>
    %add3A_120 = arith.addi %iota3A, %add3A_119 : vector<16xi32>
    %parallel_loop3A_121 = arith.constant 0 : i32
    %parallel_loop3A_122 = arith.constant 64 : i32
    %parallel_loop3A_123 = arith.constant 1 : i32
    scf.for %parallel_loop3A_188 = %parallel_loop3A_121 to %parallel_loop3A_122 step %parallel_loop3A_123  : i32 {
      %parallel_loop3A_189 = arith.constant 512 : i32
      %parallel_loop3A_190 = arith.muli %parallel_loop3A_188, %parallel_loop3A_189 : i32
      %parallel_loop3A_191 = arith.constant 64 : i32
      %parallel_loop3A_192 = arith.addi %parallel_loop3A_190, %parallel_loop3A_191 : i32
      %parallel_loop3A_193 = arith.index_cast %parallel_loop3A_192 : i32 to index
      %parallel_loop3A_194 = tpu.vector_load %arg9[%parallel_loop3A_193] {strides = array<i32>} : memref<32768xf32, #tpu.memory_space<vmem>>, vector<16xf32>,
      %parallel_loop3A_195 = arith.constant 128 : i32
      %parallel_loop3A_196 = arith.addi %parallel_loop3A_192, %parallel_loop3A_195 : i32
      %parallel_loop3A_197 = arith.index_cast %parallel_loop3A_196 : i32 to index
      %parallel_loop3A_198 = tpu.vector_load %arg9[%parallel_loop3A_197] {strides = array<i32>} : memref<32768xf32, #tpu.memory_space<vmem>>, vector<16xf32>,
      %parallel_loop3A_199 = arith.constant 256 : i32
      %parallel_loop3A_200 = arith.addi %parallel_loop3A_192, %parallel_loop3A_199 : i32
      %parallel_loop3A_201 = arith.index_cast %parallel_loop3A_200 : i32 to index
      %parallel_loop3A_202 = tpu.vector_load %arg9[%parallel_loop3A_201] {strides = array<i32>} : memref<32768xf32, #tpu.memory_space<vmem>>, vector<16xf32>,
      %parallel_loop3A_203 = arith.constant 384 : i32
      %parallel_loop3A_204 = arith.addi %parallel_loop3A_192, %parallel_loop3A_203 : i32
      %parallel_loop3A_205 = arith.index_cast %parallel_loop3A_204 : i32 to index
      %parallel_loop3A_206 = tpu.vector_load %arg9[%parallel_loop3A_205] {strides = array<i32>} : memref<32768xf32, #tpu.memory_space<vmem>>, vector<16xf32>,
      %parallel_loop3A_207 = arith.cmpf ogt, %parallel_loop3A_194, %get3A_105 : vector<16xf32>
      %parallel_loop3A_208 = arith.select %parallel_loop3A_207, %get3A_109, %get3A_107 : vector<16xi1>, vector<16xf32>
      %parallel_loop3A_209 = arith.cmpf ogt, %parallel_loop3A_198, %parallel_loop3A_208 : vector<16xf32>
      %parallel_loop3A_210 = arith.select %parallel_loop3A_209, %get3A_117, %get3A_115 : vector<16xi1>, vector<16xf32>
      %parallel_loop3A_211 = arith.select %parallel_loop3A_209, %get3A_113, %get3A_111 : vector<16xi1>, vector<16xf32>
      %parallel_loop3A_212 = arith.select %parallel_loop3A_207, %parallel_loop3A_210, %parallel_loop3A_211 : vector<16xi1>, vector<16xf32>
      %parallel_loop3A_213 = arith.cmpf ogt, %parallel_loop3A_202, %parallel_loop3A_212 : vector<16xf32>
      %parallel_loop3A_214 = arith.constant 4 : i32
      %parallel_loop3A_215 = vector.broadcast %parallel_loop3A_214 : i32 to vector<16xi32>
      %parallel_loop3A_216 = arith.select %parallel_loop3A_207, %parallel_loop3A_215, %broadcast_in_dim3A_25 : vector<16xi1>, vector<16xi32>
      %parallel_loop3A_217 = arith.constant 2 : i32
      %parallel_loop3A_218 = vector.broadcast %parallel_loop3A_217 : i32 to vector<16xi32>
      %parallel_loop3A_219 = arith.select %parallel_loop3A_209, %parallel_loop3A_218, %broadcast_in_dim3A_25 : vector<16xi1>, vector<16xi32>
      %parallel_loop3A_220 = arith.addi %parallel_loop3A_216, %parallel_loop3A_219 : vector<16xi32>
      %parallel_loop3A_221 = arith.select %parallel_loop3A_213, %broadcast_in_dim3A_23, %broadcast_in_dim3A_25 : vector<16xi1>, vector<16xi32>
      %parallel_loop3A_222 = arith.addi %parallel_loop3A_220, %parallel_loop3A_221 : vector<16xi32>
      %parallel_loop3A_223 = arith.constant 128 : i32
      %parallel_loop3A_224 = vector.broadcast %parallel_loop3A_223 : i32 to vector<16xi32>
      %parallel_loop3A_225 = arith.muli %parallel_loop3A_222, %parallel_loop3A_224 : vector<16xi32>
      %parallel_loop3A_226 = arith.addi %add3A_120, %parallel_loop3A_225 : vector<16xi32>
      %parallel_loop3A_227 = tpu.vector_load_idx %arg7[%parallel_loop3A_226] : memref<1920xf32, #tpu.memory_space<vmem>>[vector<16xi32>], vector<16xf32>,
      %parallel_loop3A_228 = arith.constant 2 : i32
      %parallel_loop3A_229 = vector.broadcast %parallel_loop3A_228 : i32 to vector<16xi32>
      %parallel_loop3A_230 = arith.muli %parallel_loop3A_229, %parallel_loop3A_222 : vector<16xi32>
      %parallel_loop3A_231 = arith.cmpf ogt, %parallel_loop3A_206, %parallel_loop3A_227 : vector<16xf32>
      %parallel_loop3A_232 = arith.select %parallel_loop3A_231, %broadcast_in_dim3A_23, %broadcast_in_dim3A_25 : vector<16xi1>, vector<16xi32>
      %parallel_loop3A_233 = arith.addi %parallel_loop3A_230, %parallel_loop3A_232 : vector<16xi32>
      %parallel_loop3A_234 = arith.sitofp %parallel_loop3A_233 : vector<16xi32> to vector<16xf32>
      %parallel_loop3A_235 = arith.constant 128 : i32
      %parallel_loop3A_236 = arith.muli %parallel_loop3A_188, %parallel_loop3A_235 : i32
      %parallel_loop3A_237 = arith.constant 64 : i32
      %parallel_loop3A_238 = arith.addi %parallel_loop3A_236, %parallel_loop3A_237 : i32
      %parallel_loop3A_239 = arith.index_cast %parallel_loop3A_238 : i32 to index
      %parallel_loop3A_240 = tpu.vector_load %arg10[%parallel_loop3A_239] {strides = array<i32>} : memref<8192xf32, #tpu.memory_space<vmem>>, vector<16xf32>,
      tpu.vector_store %arg10[%parallel_loop3A_239], %parallel_loop3A_234 {strides = array<i32>} : memref<8192xf32, #tpu.memory_space<vmem>>, vector<16xf32>,
    } {sc.loop_unroll_factor = 8 : i64, sc.parallel_access}
    %get3A_124 = arith.constant 80 : index
    %get3A_125 = tpu.vector_load %arg7[%get3A_124] {strides = array<i32>} : memref<1920xf32, #tpu.memory_space<vmem>>, vector<16xf32>,
    %get3A_126 = arith.constant 208 : index
    %get3A_127 = tpu.vector_load %arg7[%get3A_126] {strides = array<i32>} : memref<1920xf32, #tpu.memory_space<vmem>>, vector<16xf32>,
    %get3A_128 = arith.constant 336 : index
    %get3A_129 = tpu.vector_load %arg7[%get3A_128] {strides = array<i32>} : memref<1920xf32, #tpu.memory_space<vmem>>, vector<16xf32>,
    %get3A_130 = arith.constant 464 : index
    %get3A_131 = tpu.vector_load %arg7[%get3A_130] {strides = array<i32>} : memref<1920xf32, #tpu.memory_space<vmem>>, vector<16xf32>,
    %get3A_132 = arith.constant 592 : index
    %get3A_133 = tpu.vector_load %arg7[%get3A_132] {strides = array<i32>} : memref<1920xf32, #tpu.memory_space<vmem>>, vector<16xf32>,
    %get3A_134 = arith.constant 720 : index
    %get3A_135 = tpu.vector_load %arg7[%get3A_134] {strides = array<i32>} : memref<1920xf32, #tpu.memory_space<vmem>>, vector<16xf32>,
    %get3A_136 = arith.constant 848 : index
    %get3A_137 = tpu.vector_load %arg7[%get3A_136] {strides = array<i32>} : memref<1920xf32, #tpu.memory_space<vmem>>, vector<16xf32>,
    %add3A_138 = arith.constant 976 : i32
    %add3A_139 = vector.broadcast %add3A_138 : i32 to vector<16xi32>
    %add3A_140 = arith.addi %iota3A, %add3A_139 : vector<16xi32>
    %parallel_loop3A_141 = arith.constant 0 : i32
    %parallel_loop3A_142 = arith.constant 64 : i32
    %parallel_loop3A_143 = arith.constant 1 : i32
    scf.for %parallel_loop3A_188 = %parallel_loop3A_141 to %parallel_loop3A_142 step %parallel_loop3A_143  : i32 {
      %parallel_loop3A_189 = arith.constant 512 : i32
      %parallel_loop3A_190 = arith.muli %parallel_loop3A_188, %parallel_loop3A_189 : i32
      %parallel_loop3A_191 = arith.constant 80 : i32
      %parallel_loop3A_192 = arith.addi %parallel_loop3A_190, %parallel_loop3A_191 : i32
      %parallel_loop3A_193 = arith.index_cast %parallel_loop3A_192 : i32 to index
      %parallel_loop3A_194 = tpu.vector_load %arg9[%parallel_loop3A_193] {strides = array<i32>} : memref<32768xf32, #tpu.memory_space<vmem>>, vector<16xf32>,
      %parallel_loop3A_195 = arith.constant 128 : i32
      %parallel_loop3A_196 = arith.addi %parallel_loop3A_192, %parallel_loop3A_195 : i32
      %parallel_loop3A_197 = arith.index_cast %parallel_loop3A_196 : i32 to index
      %parallel_loop3A_198 = tpu.vector_load %arg9[%parallel_loop3A_197] {strides = array<i32>} : memref<32768xf32, #tpu.memory_space<vmem>>, vector<16xf32>,
      %parallel_loop3A_199 = arith.constant 256 : i32
      %parallel_loop3A_200 = arith.addi %parallel_loop3A_192, %parallel_loop3A_199 : i32
      %parallel_loop3A_201 = arith.index_cast %parallel_loop3A_200 : i32 to index
      %parallel_loop3A_202 = tpu.vector_load %arg9[%parallel_loop3A_201] {strides = array<i32>} : memref<32768xf32, #tpu.memory_space<vmem>>, vector<16xf32>,
      %parallel_loop3A_203 = arith.constant 384 : i32
      %parallel_loop3A_204 = arith.addi %parallel_loop3A_192, %parallel_loop3A_203 : i32
      %parallel_loop3A_205 = arith.index_cast %parallel_loop3A_204 : i32 to index
      %parallel_loop3A_206 = tpu.vector_load %arg9[%parallel_loop3A_205] {strides = array<i32>} : memref<32768xf32, #tpu.memory_space<vmem>>, vector<16xf32>,
      %parallel_loop3A_207 = arith.cmpf ogt, %parallel_loop3A_194, %get3A_125 : vector<16xf32>
      %parallel_loop3A_208 = arith.select %parallel_loop3A_207, %get3A_129, %get3A_127 : vector<16xi1>, vector<16xf32>
      %parallel_loop3A_209 = arith.cmpf ogt, %parallel_loop3A_198, %parallel_loop3A_208 : vector<16xf32>
      %parallel_loop3A_210 = arith.select %parallel_loop3A_209, %get3A_137, %get3A_135 : vector<16xi1>, vector<16xf32>
      %parallel_loop3A_211 = arith.select %parallel_loop3A_209, %get3A_133, %get3A_131 : vector<16xi1>, vector<16xf32>
      %parallel_loop3A_212 = arith.select %parallel_loop3A_207, %parallel_loop3A_210, %parallel_loop3A_211 : vector<16xi1>, vector<16xf32>
      %parallel_loop3A_213 = arith.cmpf ogt, %parallel_loop3A_202, %parallel_loop3A_212 : vector<16xf32>
      %parallel_loop3A_214 = arith.constant 4 : i32
      %parallel_loop3A_215 = vector.broadcast %parallel_loop3A_214 : i32 to vector<16xi32>
      %parallel_loop3A_216 = arith.select %parallel_loop3A_207, %parallel_loop3A_215, %broadcast_in_dim3A_25 : vector<16xi1>, vector<16xi32>
      %parallel_loop3A_217 = arith.constant 2 : i32
      %parallel_loop3A_218 = vector.broadcast %parallel_loop3A_217 : i32 to vector<16xi32>
      %parallel_loop3A_219 = arith.select %parallel_loop3A_209, %parallel_loop3A_218, %broadcast_in_dim3A_25 : vector<16xi1>, vector<16xi32>
      %parallel_loop3A_220 = arith.addi %parallel_loop3A_216, %parallel_loop3A_219 : vector<16xi32>
      %parallel_loop3A_221 = arith.select %parallel_loop3A_213, %broadcast_in_dim3A_23, %broadcast_in_dim3A_25 : vector<16xi1>, vector<16xi32>
      %parallel_loop3A_222 = arith.addi %parallel_loop3A_220, %parallel_loop3A_221 : vector<16xi32>
      %parallel_loop3A_223 = arith.constant 128 : i32
      %parallel_loop3A_224 = vector.broadcast %parallel_loop3A_223 : i32 to vector<16xi32>
      %parallel_loop3A_225 = arith.muli %parallel_loop3A_222, %parallel_loop3A_224 : vector<16xi32>
      %parallel_loop3A_226 = arith.addi %add3A_140, %parallel_loop3A_225 : vector<16xi32>
      %parallel_loop3A_227 = tpu.vector_load_idx %arg7[%parallel_loop3A_226] : memref<1920xf32, #tpu.memory_space<vmem>>[vector<16xi32>], vector<16xf32>,
      %parallel_loop3A_228 = arith.constant 2 : i32
      %parallel_loop3A_229 = vector.broadcast %parallel_loop3A_228 : i32 to vector<16xi32>
      %parallel_loop3A_230 = arith.muli %parallel_loop3A_229, %parallel_loop3A_222 : vector<16xi32>
      %parallel_loop3A_231 = arith.cmpf ogt, %parallel_loop3A_206, %parallel_loop3A_227 : vector<16xf32>
      %parallel_loop3A_232 = arith.select %parallel_loop3A_231, %broadcast_in_dim3A_23, %broadcast_in_dim3A_25 : vector<16xi1>, vector<16xi32>
      %parallel_loop3A_233 = arith.addi %parallel_loop3A_230, %parallel_loop3A_232 : vector<16xi32>
      %parallel_loop3A_234 = arith.sitofp %parallel_loop3A_233 : vector<16xi32> to vector<16xf32>
      %parallel_loop3A_235 = arith.constant 128 : i32
      %parallel_loop3A_236 = arith.muli %parallel_loop3A_188, %parallel_loop3A_235 : i32
      %parallel_loop3A_237 = arith.constant 80 : i32
      %parallel_loop3A_238 = arith.addi %parallel_loop3A_236, %parallel_loop3A_237 : i32
      %parallel_loop3A_239 = arith.index_cast %parallel_loop3A_238 : i32 to index
      %parallel_loop3A_240 = tpu.vector_load %arg10[%parallel_loop3A_239] {strides = array<i32>} : memref<8192xf32, #tpu.memory_space<vmem>>, vector<16xf32>,
      tpu.vector_store %arg10[%parallel_loop3A_239], %parallel_loop3A_234 {strides = array<i32>} : memref<8192xf32, #tpu.memory_space<vmem>>, vector<16xf32>,
    } {sc.loop_unroll_factor = 8 : i64, sc.parallel_access}
    %get3A_144 = arith.constant 96 : index
    %get3A_145 = tpu.vector_load %arg7[%get3A_144] {strides = array<i32>} : memref<1920xf32, #tpu.memory_space<vmem>>, vector<16xf32>,
    %get3A_146 = arith.constant 224 : index
    %get3A_147 = tpu.vector_load %arg7[%get3A_146] {strides = array<i32>} : memref<1920xf32, #tpu.memory_space<vmem>>, vector<16xf32>,
    %get3A_148 = arith.constant 352 : index
    %get3A_149 = tpu.vector_load %arg7[%get3A_148] {strides = array<i32>} : memref<1920xf32, #tpu.memory_space<vmem>>, vector<16xf32>,
    %get3A_150 = arith.constant 480 : index
    %get3A_151 = tpu.vector_load %arg7[%get3A_150] {strides = array<i32>} : memref<1920xf32, #tpu.memory_space<vmem>>, vector<16xf32>,
    %get3A_152 = arith.constant 608 : index
    %get3A_153 = tpu.vector_load %arg7[%get3A_152] {strides = array<i32>} : memref<1920xf32, #tpu.memory_space<vmem>>, vector<16xf32>,
    %get3A_154 = arith.constant 736 : index
    %get3A_155 = tpu.vector_load %arg7[%get3A_154] {strides = array<i32>} : memref<1920xf32, #tpu.memory_space<vmem>>, vector<16xf32>,
    %get3A_156 = arith.constant 864 : index
    %get3A_157 = tpu.vector_load %arg7[%get3A_156] {strides = array<i32>} : memref<1920xf32, #tpu.memory_space<vmem>>, vector<16xf32>,
    %add3A_158 = arith.constant 992 : i32
    %add3A_159 = vector.broadcast %add3A_158 : i32 to vector<16xi32>
    %add3A_160 = arith.addi %iota3A, %add3A_159 : vector<16xi32>
    %parallel_loop3A_161 = arith.constant 0 : i32
    %parallel_loop3A_162 = arith.constant 64 : i32
    %parallel_loop3A_163 = arith.constant 1 : i32
    scf.for %parallel_loop3A_188 = %parallel_loop3A_161 to %parallel_loop3A_162 step %parallel_loop3A_163  : i32 {
      %parallel_loop3A_189 = arith.constant 512 : i32
      %parallel_loop3A_190 = arith.muli %parallel_loop3A_188, %parallel_loop3A_189 : i32
      %parallel_loop3A_191 = arith.constant 96 : i32
      %parallel_loop3A_192 = arith.addi %parallel_loop3A_190, %parallel_loop3A_191 : i32
      %parallel_loop3A_193 = arith.index_cast %parallel_loop3A_192 : i32 to index
      %parallel_loop3A_194 = tpu.vector_load %arg9[%parallel_loop3A_193] {strides = array<i32>} : memref<32768xf32, #tpu.memory_space<vmem>>, vector<16xf32>,
      %parallel_loop3A_195 = arith.constant 128 : i32
      %parallel_loop3A_196 = arith.addi %parallel_loop3A_192, %parallel_loop3A_195 : i32
      %parallel_loop3A_197 = arith.index_cast %parallel_loop3A_196 : i32 to index
      %parallel_loop3A_198 = tpu.vector_load %arg9[%parallel_loop3A_197] {strides = array<i32>} : memref<32768xf32, #tpu.memory_space<vmem>>, vector<16xf32>,
      %parallel_loop3A_199 = arith.constant 256 : i32
      %parallel_loop3A_200 = arith.addi %parallel_loop3A_192, %parallel_loop3A_199 : i32
      %parallel_loop3A_201 = arith.index_cast %parallel_loop3A_200 : i32 to index
      %parallel_loop3A_202 = tpu.vector_load %arg9[%parallel_loop3A_201] {strides = array<i32>} : memref<32768xf32, #tpu.memory_space<vmem>>, vector<16xf32>,
      %parallel_loop3A_203 = arith.constant 384 : i32
      %parallel_loop3A_204 = arith.addi %parallel_loop3A_192, %parallel_loop3A_203 : i32
      %parallel_loop3A_205 = arith.index_cast %parallel_loop3A_204 : i32 to index
      %parallel_loop3A_206 = tpu.vector_load %arg9[%parallel_loop3A_205] {strides = array<i32>} : memref<32768xf32, #tpu.memory_space<vmem>>, vector<16xf32>,
      %parallel_loop3A_207 = arith.cmpf ogt, %parallel_loop3A_194, %get3A_145 : vector<16xf32>
      %parallel_loop3A_208 = arith.select %parallel_loop3A_207, %get3A_149, %get3A_147 : vector<16xi1>, vector<16xf32>
      %parallel_loop3A_209 = arith.cmpf ogt, %parallel_loop3A_198, %parallel_loop3A_208 : vector<16xf32>
      %parallel_loop3A_210 = arith.select %parallel_loop3A_209, %get3A_157, %get3A_155 : vector<16xi1>, vector<16xf32>
      %parallel_loop3A_211 = arith.select %parallel_loop3A_209, %get3A_153, %get3A_151 : vector<16xi1>, vector<16xf32>
      %parallel_loop3A_212 = arith.select %parallel_loop3A_207, %parallel_loop3A_210, %parallel_loop3A_211 : vector<16xi1>, vector<16xf32>
      %parallel_loop3A_213 = arith.cmpf ogt, %parallel_loop3A_202, %parallel_loop3A_212 : vector<16xf32>
      %parallel_loop3A_214 = arith.constant 4 : i32
      %parallel_loop3A_215 = vector.broadcast %parallel_loop3A_214 : i32 to vector<16xi32>
      %parallel_loop3A_216 = arith.select %parallel_loop3A_207, %parallel_loop3A_215, %broadcast_in_dim3A_25 : vector<16xi1>, vector<16xi32>
      %parallel_loop3A_217 = arith.constant 2 : i32
      %parallel_loop3A_218 = vector.broadcast %parallel_loop3A_217 : i32 to vector<16xi32>
      %parallel_loop3A_219 = arith.select %parallel_loop3A_209, %parallel_loop3A_218, %broadcast_in_dim3A_25 : vector<16xi1>, vector<16xi32>
      %parallel_loop3A_220 = arith.addi %parallel_loop3A_216, %parallel_loop3A_219 : vector<16xi32>
      %parallel_loop3A_221 = arith.select %parallel_loop3A_213, %broadcast_in_dim3A_23, %broadcast_in_dim3A_25 : vector<16xi1>, vector<16xi32>
      %parallel_loop3A_222 = arith.addi %parallel_loop3A_220, %parallel_loop3A_221 : vector<16xi32>
      %parallel_loop3A_223 = arith.constant 128 : i32
      %parallel_loop3A_224 = vector.broadcast %parallel_loop3A_223 : i32 to vector<16xi32>
      %parallel_loop3A_225 = arith.muli %parallel_loop3A_222, %parallel_loop3A_224 : vector<16xi32>
      %parallel_loop3A_226 = arith.addi %add3A_160, %parallel_loop3A_225 : vector<16xi32>
      %parallel_loop3A_227 = tpu.vector_load_idx %arg7[%parallel_loop3A_226] : memref<1920xf32, #tpu.memory_space<vmem>>[vector<16xi32>], vector<16xf32>,
      %parallel_loop3A_228 = arith.constant 2 : i32
      %parallel_loop3A_229 = vector.broadcast %parallel_loop3A_228 : i32 to vector<16xi32>
      %parallel_loop3A_230 = arith.muli %parallel_loop3A_229, %parallel_loop3A_222 : vector<16xi32>
      %parallel_loop3A_231 = arith.cmpf ogt, %parallel_loop3A_206, %parallel_loop3A_227 : vector<16xf32>
      %parallel_loop3A_232 = arith.select %parallel_loop3A_231, %broadcast_in_dim3A_23, %broadcast_in_dim3A_25 : vector<16xi1>, vector<16xi32>
      %parallel_loop3A_233 = arith.addi %parallel_loop3A_230, %parallel_loop3A_232 : vector<16xi32>
      %parallel_loop3A_234 = arith.sitofp %parallel_loop3A_233 : vector<16xi32> to vector<16xf32>
      %parallel_loop3A_235 = arith.constant 128 : i32
      %parallel_loop3A_236 = arith.muli %parallel_loop3A_188, %parallel_loop3A_235 : i32
      %parallel_loop3A_237 = arith.constant 96 : i32
      %parallel_loop3A_238 = arith.addi %parallel_loop3A_236, %parallel_loop3A_237 : i32
      %parallel_loop3A_239 = arith.index_cast %parallel_loop3A_238 : i32 to index
      %parallel_loop3A_240 = tpu.vector_load %arg10[%parallel_loop3A_239] {strides = array<i32>} : memref<8192xf32, #tpu.memory_space<vmem>>, vector<16xf32>,
      tpu.vector_store %arg10[%parallel_loop3A_239], %parallel_loop3A_234 {strides = array<i32>} : memref<8192xf32, #tpu.memory_space<vmem>>, vector<16xf32>,
    } {sc.loop_unroll_factor = 8 : i64, sc.parallel_access}
    %get3A_164 = arith.constant 112 : index
    %get3A_165 = tpu.vector_load %arg7[%get3A_164] {strides = array<i32>} : memref<1920xf32, #tpu.memory_space<vmem>>, vector<16xf32>,
    %get3A_166 = arith.constant 240 : index
    %get3A_167 = tpu.vector_load %arg7[%get3A_166] {strides = array<i32>} : memref<1920xf32, #tpu.memory_space<vmem>>, vector<16xf32>,
    %get3A_168 = arith.constant 368 : index
    %get3A_169 = tpu.vector_load %arg7[%get3A_168] {strides = array<i32>} : memref<1920xf32, #tpu.memory_space<vmem>>, vector<16xf32>,
    %get3A_170 = arith.constant 496 : index
    %get3A_171 = tpu.vector_load %arg7[%get3A_170] {strides = array<i32>} : memref<1920xf32, #tpu.memory_space<vmem>>, vector<16xf32>,
    %get3A_172 = arith.constant 624 : index
    %get3A_173 = tpu.vector_load %arg7[%get3A_172] {strides = array<i32>} : memref<1920xf32, #tpu.memory_space<vmem>>, vector<16xf32>,
    %get3A_174 = arith.constant 752 : index
    %get3A_175 = tpu.vector_load %arg7[%get3A_174] {strides = array<i32>} : memref<1920xf32, #tpu.memory_space<vmem>>, vector<16xf32>,
    %get3A_176 = arith.constant 880 : index
    %get3A_177 = tpu.vector_load %arg7[%get3A_176] {strides = array<i32>} : memref<1920xf32, #tpu.memory_space<vmem>>, vector<16xf32>,
    %add3A_178 = arith.constant 1008 : i32
    %add3A_179 = vector.broadcast %add3A_178 : i32 to vector<16xi32>
    %add3A_180 = arith.addi %iota3A, %add3A_179 : vector<16xi32>
    %parallel_loop3A_181 = arith.constant 0 : i32
    %parallel_loop3A_182 = arith.constant 64 : i32
    %parallel_loop3A_183 = arith.constant 1 : i32
    scf.for %parallel_loop3A_188 = %parallel_loop3A_181 to %parallel_loop3A_182 step %parallel_loop3A_183  : i32 {
      %parallel_loop3A_189 = arith.constant 512 : i32
      %parallel_loop3A_190 = arith.muli %parallel_loop3A_188, %parallel_loop3A_189 : i32
      %parallel_loop3A_191 = arith.constant 112 : i32
      %parallel_loop3A_192 = arith.addi %parallel_loop3A_190, %parallel_loop3A_191 : i32
      %parallel_loop3A_193 = arith.index_cast %parallel_loop3A_192 : i32 to index
      %parallel_loop3A_194 = tpu.vector_load %arg9[%parallel_loop3A_193] {strides = array<i32>} : memref<32768xf32, #tpu.memory_space<vmem>>, vector<16xf32>,
      %parallel_loop3A_195 = arith.constant 128 : i32
      %parallel_loop3A_196 = arith.addi %parallel_loop3A_192, %parallel_loop3A_195 : i32
      %parallel_loop3A_197 = arith.index_cast %parallel_loop3A_196 : i32 to index
      %parallel_loop3A_198 = tpu.vector_load %arg9[%parallel_loop3A_197] {strides = array<i32>} : memref<32768xf32, #tpu.memory_space<vmem>>, vector<16xf32>,
      %parallel_loop3A_199 = arith.constant 256 : i32
      %parallel_loop3A_200 = arith.addi %parallel_loop3A_192, %parallel_loop3A_199 : i32
      %parallel_loop3A_201 = arith.index_cast %parallel_loop3A_200 : i32 to index
      %parallel_loop3A_202 = tpu.vector_load %arg9[%parallel_loop3A_201] {strides = array<i32>} : memref<32768xf32, #tpu.memory_space<vmem>>, vector<16xf32>,
      %parallel_loop3A_203 = arith.constant 384 : i32
      %parallel_loop3A_204 = arith.addi %parallel_loop3A_192, %parallel_loop3A_203 : i32
      %parallel_loop3A_205 = arith.index_cast %parallel_loop3A_204 : i32 to index
      %parallel_loop3A_206 = tpu.vector_load %arg9[%parallel_loop3A_205] {strides = array<i32>} : memref<32768xf32, #tpu.memory_space<vmem>>, vector<16xf32>,
      %parallel_loop3A_207 = arith.cmpf ogt, %parallel_loop3A_194, %get3A_165 : vector<16xf32>
      %parallel_loop3A_208 = arith.select %parallel_loop3A_207, %get3A_169, %get3A_167 : vector<16xi1>, vector<16xf32>
      %parallel_loop3A_209 = arith.cmpf ogt, %parallel_loop3A_198, %parallel_loop3A_208 : vector<16xf32>
      %parallel_loop3A_210 = arith.select %parallel_loop3A_209, %get3A_177, %get3A_175 : vector<16xi1>, vector<16xf32>
      %parallel_loop3A_211 = arith.select %parallel_loop3A_209, %get3A_173, %get3A_171 : vector<16xi1>, vector<16xf32>
      %parallel_loop3A_212 = arith.select %parallel_loop3A_207, %parallel_loop3A_210, %parallel_loop3A_211 : vector<16xi1>, vector<16xf32>
      %parallel_loop3A_213 = arith.cmpf ogt, %parallel_loop3A_202, %parallel_loop3A_212 : vector<16xf32>
      %parallel_loop3A_214 = arith.constant 4 : i32
      %parallel_loop3A_215 = vector.broadcast %parallel_loop3A_214 : i32 to vector<16xi32>
      %parallel_loop3A_216 = arith.select %parallel_loop3A_207, %parallel_loop3A_215, %broadcast_in_dim3A_25 : vector<16xi1>, vector<16xi32>
      %parallel_loop3A_217 = arith.constant 2 : i32
      %parallel_loop3A_218 = vector.broadcast %parallel_loop3A_217 : i32 to vector<16xi32>
      %parallel_loop3A_219 = arith.select %parallel_loop3A_209, %parallel_loop3A_218, %broadcast_in_dim3A_25 : vector<16xi1>, vector<16xi32>
      %parallel_loop3A_220 = arith.addi %parallel_loop3A_216, %parallel_loop3A_219 : vector<16xi32>
      %parallel_loop3A_221 = arith.select %parallel_loop3A_213, %broadcast_in_dim3A_23, %broadcast_in_dim3A_25 : vector<16xi1>, vector<16xi32>
      %parallel_loop3A_222 = arith.addi %parallel_loop3A_220, %parallel_loop3A_221 : vector<16xi32>
      %parallel_loop3A_223 = arith.constant 128 : i32
      %parallel_loop3A_224 = vector.broadcast %parallel_loop3A_223 : i32 to vector<16xi32>
      %parallel_loop3A_225 = arith.muli %parallel_loop3A_222, %parallel_loop3A_224 : vector<16xi32>
      %parallel_loop3A_226 = arith.addi %add3A_180, %parallel_loop3A_225 : vector<16xi32>
      %parallel_loop3A_227 = tpu.vector_load_idx %arg7[%parallel_loop3A_226] : memref<1920xf32, #tpu.memory_space<vmem>>[vector<16xi32>], vector<16xf32>,
      %parallel_loop3A_228 = arith.constant 2 : i32
      %parallel_loop3A_229 = vector.broadcast %parallel_loop3A_228 : i32 to vector<16xi32>
      %parallel_loop3A_230 = arith.muli %parallel_loop3A_229, %parallel_loop3A_222 : vector<16xi32>
      %parallel_loop3A_231 = arith.cmpf ogt, %parallel_loop3A_206, %parallel_loop3A_227 : vector<16xf32>
      %parallel_loop3A_232 = arith.select %parallel_loop3A_231, %broadcast_in_dim3A_23, %broadcast_in_dim3A_25 : vector<16xi1>, vector<16xi32>
      %parallel_loop3A_233 = arith.addi %parallel_loop3A_230, %parallel_loop3A_232 : vector<16xi32>
      %parallel_loop3A_234 = arith.sitofp %parallel_loop3A_233 : vector<16xi32> to vector<16xf32>
      %parallel_loop3A_235 = arith.constant 128 : i32
      %parallel_loop3A_236 = arith.muli %parallel_loop3A_188, %parallel_loop3A_235 : i32
      %parallel_loop3A_237 = arith.constant 112 : i32
      %parallel_loop3A_238 = arith.addi %parallel_loop3A_236, %parallel_loop3A_237 : i32
      %parallel_loop3A_239 = arith.index_cast %parallel_loop3A_238 : i32 to index
      %parallel_loop3A_240 = tpu.vector_load %arg10[%parallel_loop3A_239] {strides = array<i32>} : memref<8192xf32, #tpu.memory_space<vmem>>, vector<16xf32>,
      tpu.vector_store %arg10[%parallel_loop3A_239], %parallel_loop3A_234 {strides = array<i32>} : memref<8192xf32, #tpu.memory_space<vmem>>, vector<16xf32>,
    } {sc.loop_unroll_factor = 8 : i64, sc.parallel_access}
    %mul3A_184 = arith.constant 64 : i32
    %mul3A_185 = arith.muli %add3A, %mul3A_184 : i32
    %mul3A_186 = arith.constant 128 : i32
    %mul3A_187 = arith.muli %mul3A_185, %mul3A_186 : i32
    "tpu.region"() ({
      %run_scoped3A = tpu.sem_alloc : memref<!tpu.dma_semaphore, #tpu.memory_space<semaphore_mem>>
      %dma_start3A_188 = tpu.memref_slice %arg5[%mul3A_187] : memref<262144xf32, #tpu.memory_space<hbm>> -> memref<8192xf32, #tpu.memory_space<hbm>>
      %dma_start3A_189 = tpu.memref_slice %arg5[%mul3A_187] : memref<262144xf32, #tpu.memory_space<hbm>> -> memref<8192xf32, #tpu.memory_space<hbm>>
      tpu.enqueue_dma source(%arg10 : memref<8192xf32, #tpu.memory_space<vmem>>) target(%dma_start3A_189 : memref<8192xf32, #tpu.memory_space<hbm>>) target_semaphore(%run_scoped3A : memref<!tpu.dma_semaphore, #tpu.memory_space<semaphore_mem>>)
      %dma_wait3A = tpu.memref_slice %arg5[%mul3A_187] : memref<262144xf32, #tpu.memory_space<hbm>> -> memref<8192xf32, #tpu.memory_space<hbm>>
      %dma_wait3A_190 = tpu.memref_slice %arg5[%mul3A_187] : memref<262144xf32, #tpu.memory_space<hbm>> -> memref<8192xf32, #tpu.memory_space<hbm>>
      tpu.wait_dma2 semaphore(%run_scoped3A : memref<!tpu.dma_semaphore, #tpu.memory_space<semaphore_mem>>) src(%arg10 : memref<8192xf32, #tpu.memory_space<vmem>>) dst(%dma_wait3A_190 : memref<8192xf32, #tpu.memory_space<hbm>>)
      tpu.yield
    }) : () -> ()
    return
  }
}

module attributes {stable_mosaic.version = 14 : i64} {
  func.func @_tc_decode_body(%arg0: i32, %arg1: memref<512x128xf32, #tpu.memory_space<vmem>>, %arg2: memref<128x2048xbf16, #tpu.memory_space<vmem>>, %arg3: memref<2048x2048xbf16, #tpu.memory_space<vmem>>, %arg4: memref<512x2048xf32, #tpu.memory_space<vmem>>) attributes {dimension_semantics = [#tpu.dimension_semantics<arbitrary>], iteration_bounds = array<i64: 4>, scalar_prefetch = 0 : i64, scratch_operands = 0 : i64, tpu.core_type = #tpu.core_type<tc>, window_params = [{transform_indices = @transform_0, window_bounds = array<i64: 512, 128>}, {pipeline_mode = #tpu.pipeline_mode<synchronous>, transform_indices = @transform_1, window_bounds = array<i64: 128, 2048>}, {pipeline_mode = #tpu.pipeline_mode<synchronous>, transform_indices = @transform_2, window_bounds = array<i64: 2048, 2048>}, {transform_indices = @transform_3, window_bounds = array<i64: 512, 2048>}]} {
    %get3A = arith.constant 0 : index
    %get3A_0 = arith.constant 0 : index
    %get3A_1 = vector.load %arg1[%get3A, %get3A_0] : memref<512x128xf32, #tpu.memory_space<vmem>>, vector<512x128xf32>
    %convert_element_type3A = arith.truncf %get3A_1 : vector<512x128xf32> to vector<512x128xbf16>
    %get3A_2 = arith.constant 0 : index
    %get3A_3 = arith.constant 0 : index
    %get3A_4 = vector.load %arg2[%get3A_2, %get3A_3] : memref<128x2048xbf16, #tpu.memory_space<vmem>>, vector<128x2048xbf16>
    %dot_general3A = arith.constant dense<0.000000e+00> : vector<512x2048xf32>
    %dot_general3A_5 = tpu.matmul %convert_element_type3A, %get3A_4, %dot_general3A {dimension_numbers = #tpu.dot_dimension_numbers<[1], [0], [0], [1], [0, 0, 1, 1], [], []>, transpose_lhs_hint = false} : vector<512x128xbf16>, vector<128x2048xbf16>, vector<512x2048xf32> -> vector<512x2048xf32>
    %iota3A = tpu.iota {dimensions = array<i32: 1>} : vector<512x2048xi32>
    %and3A = arith.constant 15 : i32
    %and3A_6 = vector.broadcast %and3A : i32 to vector<512x2048xi32>
    %and3A_7 = arith.andi %iota3A, %and3A_6 : vector<512x2048xi32>
    %convert_element_type3A_8 = arith.sitofp %and3A_7 : vector<512x2048xi32> to vector<512x2048xf32>
    %eq3A = arith.cmpf oeq, %dot_general3A_5, %convert_element_type3A_8 : vector<512x2048xf32>
    %convert_element_type3A_9 = arith.extui %eq3A : vector<512x2048xi1> to vector<512x2048xi32>
    %convert_element_type3A_10 = arith.sitofp %convert_element_type3A_9 : vector<512x2048xi32> to vector<512x2048xf32>
    %convert_element_type3A_11 = arith.truncf %convert_element_type3A_10 : vector<512x2048xf32> to vector<512x2048xbf16>
    %get3A_12 = arith.constant 0 : index
    %get3A_13 = arith.constant 0 : index
    %get3A_14 = vector.load %arg3[%get3A_12, %get3A_13] : memref<2048x2048xbf16, #tpu.memory_space<vmem>>, vector<2048x2048xbf16>
    %dot_general3A_15 = arith.constant dense<0.000000e+00> : vector<512x2048xf32>
    %dot_general3A_16 = tpu.matmul %convert_element_type3A_11, %get3A_14, %dot_general3A_15 {dimension_numbers = #tpu.dot_dimension_numbers<[1], [1], [0], [0], [0, 0, 1, 0], [], []>, transpose_lhs_hint = false} : vector<512x2048xbf16>, vector<2048x2048xbf16>, vector<512x2048xf32> -> vector<512x2048xf32>
    %swap3A = arith.constant 0 : index
    %swap3A_17 = arith.constant 0 : index
    %swap3A_18 = vector.load %arg4[%swap3A, %swap3A_17] : memref<512x2048xf32, #tpu.memory_space<vmem>>, vector<512x2048xf32>
    tpu.vector_store %arg4[%swap3A, %swap3A_17], %dot_general3A_16 {strides = array<i32>} : memref<512x2048xf32, #tpu.memory_space<vmem>>, vector<512x2048xf32>,
    return
  }
  func.func @transform_0(%arg0: i32) -> (i32, i32) {
    %c0_i32 = arith.constant 0 : i32
    %c0_i32_0 = arith.constant 0 : i32
    return %arg0, %c0_i32 : i32, i32
  }
  func.func @transform_1(%arg0: i32) -> (i32, i32) {
    %c0_i32 = arith.constant 0 : i32
    %c0_i32_0 = arith.constant 0 : i32
    %c0_i32_1 = arith.constant 0 : i32
    return %c0_i32, %c0_i32_0 : i32, i32
  }
  func.func @transform_2(%arg0: i32) -> (i32, i32) {
    %c0_i32 = arith.constant 0 : i32
    %c0_i32_0 = arith.constant 0 : i32
    %c0_i32_1 = arith.constant 0 : i32
    return %c0_i32, %c0_i32_0 : i32, i32
  }
  func.func @transform_3(%arg0: i32) -> (i32, i32) {
    %c0_i32 = arith.constant 0 : i32
    %c0_i32_0 = arith.constant 0 : i32
    return %arg0, %c0_i32 : i32, i32
  }
}

</mosaic_0001>

<sc_bundles>
// kernel: kernel.4.cloned.1.call-start
scs
__scs_entry_jumppad:
0x0: {  	(pc) =	sbr.rel $0x88, $3  }
0x1: {  	(tag) =	ssettag $0x0;
	lr =	simm.s32 $0x1  }
0x2: {  	[smem:$0x3F9D] =	sst lr;
	_ =	strace $0xD0000000  }
0x3: {  	_ = 	snop  }
0x4: {  	_ = 	snop  }
0x5: {  	_ = 	snop  }
0x6: {  	_ = 	snop  }
0x7: {  	_ = 	snop  }
__scs_overlays_trampoline_lowered:
0x8: {  	[smem:$0x3FAC] =	sst s0  }
0x9: {  	[smem:$0x3FAD] =	sst s1  }
0xa: {  	[smem:$0x3FAE] =	sst s2  }
0xb: {  	[smem:$0x3FAF] =	sst s3  }
0xc: {  	[smem:$0x3FB0] =	sst s4  }
0xd: {  	[smem:$0x3FB1] =	sst s5  }
0xe: {  	[smem:$0x3FB2] =	sst s6  }
0xf: {  	[smem:$0x3FB3] =	sst s7  }
0x10: {  	[smem:$0x3FB4] =	sst s8  }
0x11: {  	[smem:$0x3FB5] =	sst s9;
	s0 =	simm.s32 @!p0 $0x0  }
0x12: {  	s1 =	sld [smem:$0x3F9B];
	s0 =	simm.s32 @p0 $0x1  }
0x13: {  	[smem:$0x3FB6] =	sst s0;
	s0 =	simm.s32 @!p1 $0x0  }
0x14: {  	s2 =	sld [smem:$0x3F9A];
	s0 =	simm.s32 @p1 $0x1  }
0x15: {  	[smem:$0x3FB7] =	sst s0;
	s0 =	simm.s32 @!p2 $0x0  }
0x16: {  	s3 =	sld [smem:$0x3FDB];
	s0 =	simm.s32 @p2 $0x1  }
0x17: {  	s4 =	simm.s32 $0x1BF5;
	[smem:$0x3FB9] =	sst s0  }
0x18: {  	s0 =	sld [smem:$0x3F9C];
	_ =	swait.ge [sflag:s4], $0x0  }
0x19: {  	s7 =	sld [smem:$0x3F9D]  }
0x1a: {  	s8 =	sadd.s32 $0xFFFFE003, lr  }
0x1b: {  	s9 =	sadd.s32 $0xFFFFFEF7, lr;
	s5 =	simm.s32 $0xFFFFFFFF;
	p2 =	slt.u32 s8, $0xFFFFF086  }
0x1c: {  	p1 =	slt.u32 s9, $0xF7A;
	s5 =	simm.s32 @!p2 $0x0  }
0x1d: {  	s5 =	simm.s32 @p1 $0x1;
	p0 =	seq.s32 s7, s2  }
0x1e: {  	s7 =	smul.u32 @!p0 $0xF7A, s2;
	p2 =	seq.s32 @!p0 s5, $0x0  }
0x1f: {  	s9 =	smul.u32 $0xF7A, s1;
	s8 =	simm.s32 @!p0 $0x1BF5;
	p2 =	por !p2, p0  }
0x20: {  	[sflag:s8] =	ssyncset.s32 @!p0 $0xFFFFF086;
	s6 =	sadd.s32 @!p0 s3, s7;
	s7 =	simm.s32 @!p0 $0x108  }
0x21: {  	s3 =	sadd.s32 s3, s9;
	s6 =	sadd.s32 @!p0 $0x88, s6;
	s7 =	simm.s32 @p2 $0x1082  }
0x22: {  	[simem:s7], [sflag:s8] =	dma.local @!p0 [hbm:s6], $0xF7A  }
0x23: {  	s9 =	sor.u32 $0xD0000000, s2;
	s6 =	simm.s32 $0x108;
	_ =	swait.ge @!p0 [sflag:s8], $0x0  }
0x24: {  	s3 =	sadd.s32 $0x88, s3;
	s6 =	simm.s32 @!p1 $0x1082;
	[sflag:s4] =	ssyncset.s32 $0xFFFFF086  }
0x25: {  	[simem:s6], [sflag:s4] =	dma.local [hbm:s3], $0xF7A  }
0x26: {  	[smem:$0x3F9D] =	sst s1;
	(tag) =	ssettag s2;
	_ =	strace s9  }
0x27: {  	s1 =	sld [smem:$0x3FAD]  }
0x28: {  	s2 =	sld [smem:$0x3FAE]  }
0x29: {  	s4 =	sld [smem:$0x3FB0]  }
0x2a: {  	p0 =	seq.s32 s5, $0x0;
	s5 =	sld [smem:$0x3FB1]  }
0x2b: {  	s6 =	sld [smem:$0x3FB2]  }
0x2c: {  	s7 =	sld [smem:$0x3FB3]  }
0x2d: {  	s3 =	simm.s32 $0x108;
	s8 =	sld [smem:$0x3FB4]  }
0x2e: {  	s3 =	simm.s32 @!p0 $0x1082;
	s9 =	sld [smem:$0x3FB5]  }
0x2f: {  	lr =	sadd.s32 s0, s3;
	s0 =	sld [smem:$0x3FAC]  }
0x30: {  	s3 =	sld [smem:$0x3FAF]  }
0x31: {  	[smem:$0x3FB8] =	sst s10  }
0x32: {  	s10 =	sld [smem:$0x3FB6];
	_ =	sdelay $0x3  }
0x33: {  	p0 =	seq.s32 s10, $0x1;
	s10 =	sld [smem:$0x3FB8];
	_ =	sdelay $0x3  }
0x34: {  	[smem:$0x3FB8] =	sst s10  }
0x35: {  	s10 =	sld [smem:$0x3FB7];
	_ =	sdelay $0x3  }
0x36: {  	p1 =	seq.s32 s10, $0x1;
	s10 =	sld [smem:$0x3FB8];
	_ =	sdelay $0x3  }
0x37: {  	[smem:$0x3FB8] =	sst s10  }
0x38: {  	s10 =	sld [smem:$0x3FB9]  }
0x39: {  	_ = 	snop;
	(pc) =	sbr.ind lr, $3  }
0x3a: {  	_ = 	snop  }
0x3b: {  	_ = 	snop  }
0x3c: {  	p2 =	seq.s32 s10, $0x1;
	s10 =	sld [smem:$0x3FB8]  }
0x3d: {  	_ =	shalt  }
0x3e: {  	_ =	shalt  }
0x3f: {  	_ =	shalt  }
0x40: {  	_ =	shalt  }
0x41: {  	_ =	shalt  }
0x42: {  	_ =	shalt  }
0x43: {  	_ =	shalt  }
0x44: {  	_ =	shalt  }
0x45: {  	_ =	shalt  }
0x46: {  	_ =	shalt  }
0x47: {  	_ =	shalt  }
0x48: {  	_ =	shalt  }
0x49: {  	_ =	shalt  }
0x4a: {  	_ =	shalt  }
0x4b: {  	_ =	shalt  }
0x4c: {  	_ =	shalt  }
0x4d: {  	_ =	shalt  }
0x4e: {  	_ =	shalt  }
0x4f: {  	_ =	shalt  }
0x50: {  	_ =	shalt  }
0x51: {  	_ =	shalt  }
0x52: {  	_ =	shalt  }
0x53: {  	_ =	shalt  }
0x54: {  	_ =	shalt  }
0x55: {  	_ =	shalt  }
0x56: {  	_ =	shalt  }
0x57: {  	_ =	shalt  }
0x58: {  	_ =	shalt  }
0x59: {  	_ =	shalt  }
0x5a: {  	_ =	shalt  }
0x5b: {  	_ =	shalt  }
0x5c: {  	_ =	shalt  }
0x5d: {  	_ =	shalt  }
0x5e: {  	_ =	shalt  }
0x5f: {  	_ =	shalt  }
0x60: {  	_ =	shalt  }
0x61: {  	_ =	shalt  }
0x62: {  	_ =	shalt  }
0x63: {  	_ =	shalt  }
0x64: {  	_ =	shalt  }
0x65: {  	_ =	shalt  }
0x66: {  	_ =	shalt  }
0x67: {  	_ =	shalt  }
0x68: {  	_ =	shalt  }
0x69: {  	_ =	shalt  }
0x6a: {  	_ =	shalt  }
0x6b: {  	_ =	shalt  }
0x6c: {  	_ =	shalt  }
0x6d: {  	_ =	shalt  }
0x6e: {  	_ =	shalt  }
0x6f: {  	_ =	shalt  }
0x70: {  	_ =	shalt  }
0x71: {  	_ =	shalt  }
0x72: {  	_ =	shalt  }
0x73: {  	_ =	shalt  }
0x74: {  	_ =	shalt  }
0x75: {  	_ =	shalt  }
0x76: {  	_ =	shalt  }
0x77: {  	_ =	shalt  }
0x78: {  	_ =	shalt  }
0x79: {  	_ =	shalt  }
0x7a: {  	_ =	shalt  }
0x7b: {  	_ =	shalt  }
0x7c: {  	_ =	shalt  }
0x7d: {  	_ =	shalt  }
0x7e: {  	_ =	shalt  }
0x7f: {  	_ =	shalt  }
0x80: {  	_ =	shalt  }
0x81: {  	_ =	shalt  }
0x82: {  	_ =	shalt  }
0x83: {  	_ =	shalt  }
0x84: {  	_ =	shalt  }
0x85: {  	_ =	shalt  }
0x86: {  	_ =	shalt  }
0x87: {  	_ =	shalt  }
.Lfunc_end0:
.L_simem_size_0:
called_computation_lowered:
.L_overlay_start_0:
0x88: {  	s2 =	sld [smem:$0x3FD9]  }
0x89: {  	s3 =	sld [smem:$0x3FFE];
	_ =	sdelay $0x1  }
0x8a: {  	s1 =	srdreg.scid  }
0x8b: {  	s0 =	sand.u32 $0x1, s1  }
0x8c: {  	s17 =	sshll.u32 s0, $0xA;
	s2 =	sadd.s32 s3, s2  }
0x8d: {  	s2 =	sadd.s32 s2, s17  }
0x8e: {  	[smem:$0x3FC4] =	sst s2  }
0x8f: {  	_ = 	snop  }
0x90: {  	s2 =	sld [smem:$0x3FC9]  }
0x91: {  	s18 =	sld [smem:$0x3FD0];
	(tm) =	ssettm $0x1  }
0x92: {  	s4 =	sld [smem:$0x3FFB];
	_ =	sdelay $0x3  }
0x93: {  	_ =	strace s4  }
0x94: {  	s4 =	sld [smem:$0x3FFC];
	_ =	sdelay $0x3  }
0x95: {  	_ =	strace s4  }
0x96: {  	s4 =	sld [smem:$0x3FFD];
	_ =	sdelay $0x3  }
0x97: {  	_ =	strace s4  }
0x98: {  	_ =	strace $0x8FFFFFFF  }
0x99: {  	s19 =	sld [smem:$0x3FDB];
	_ =	sdelay $0x1  }
0x9a: {  	s5 =	simm.s32 $_scs_section_size  }
0x9b: {  	s6 =	simm.s32 $_size__tile_overlayer_lowered;
	s7 =	simm.s32 $_tile_overlayer_lowered  }
0x9c: {  	s22 =	simm.s32 $0x1BFF;
	s21 =	sshll.u32 s7, $0x1;
	s4 =	sadd.s32 s5, s19  }
0x9d: {  	s8 =	simm.s32 $0x0;
	s20 =	sshll.u32 s6, $0x1;
	s6 =	sadd.s32 s21, s4  }
0x9e: {  	[timem:s8], [sflag:s22] =	dma.local [hbm:s6], s20  }
0x9f: {  	_ =	swait.ge [sflag:s22], s20  }
0xa0: {  	s5 =	ssub.s32 $0x0, s20;
	[sflag:s22] =	ssyncset.done $0x0  }
0xa1: {  	[sflag:s22] =	ssyncadd.s32 s5;
	_ =	sdelay $0x1  }
0xa2: {  	s23 =	simm.s32 $0x1B8B  }
0xa3: {  	_ =	swait.ge [sflag:s23], $0x1  }
0xa4: {  	[sflag:s23] =	ssyncset.done $0x0  }
0xa5: {  	s25 =	simm.s32 $0x1B8E;
	s24 =	sld [smem:$0x3FFE];
	[sflag:s23] =	ssyncadd.s32 $0xFFFFFFFF  }
0xa6: {  	s26 =	simm.s32 $execute0_lowered;
	[smem:$0x3FD2] =	sst s25  }
0xa7: {  	s6 =	sshll.u32 s26, $0x1;
	_ =	strace $0x80000046;
	[dreg:$0x1] =	wrdreg $0xFFFFFFFF  }
0xa8: {  	s28 =	simm.s32 $_size_execute0_lowered;
	s4 =	sadd.s32 s4, s6;
	[dreg:$0x0] =	wrdreg $0x0  }
0xa9: {  	s6 =	sshll.u32 s28, $0x1;
	[dreg:$0x2] =	wrdreg s4  }
0xaa: {  	[dreg:$0x3] =	wrdreg s6  }
0xab: {  	[dreg:$0x4] =	wrdreg $0xC0  }
0xac: {  	_ =	task [dreg:s8], $0x5FFFF  }
0xad: {  	[dreg:$0x1] =	wrdreg $0xFFFFFFFF  }
0xae: {  	[dreg:$0x0] =	wrdreg $0x60  }
0xaf: {  	[dreg:$0x2] =	wrdreg s2  }
0xb0: {  	[dreg:$0x3] =	wrdreg s24  }
0xb1: {  	[dreg:$0x4] =	wrdreg s18  }
0xb2: {  	[dreg:$0x5] =	wrdreg $0x9  }
0xb3: {  	_ =	task.clear_ibuf [dreg:s8], $0x6FFFF;
	_ =	strace $0x90000046  }
0xb4: {  	s29 =	simm.s32 $0x9;
	_ =	strace $0x80000048  }
0xb5: {  	_ =	swait.ge [sflag:s29], $0x1  }
0xb6: {  	[sflag:s29] =	ssyncadd.s32 $0xFFFFFFFF  }
0xb7: {  	_ =	strace $0x90000048  }
0xb8: {  	_ =	sfence  }
0xb9: {  	s30 =	sld [smem:$0x0];
	_ =	sdelay $0x2  }
0xba: {  	s31 =	sshll.u32 s1, $0xD;
	s1 =	sshrl.u32 s1, $0x2  }
0xbb: {  	s3 =	sand.u32 $0x4000, s31;
	s1 =	sadd.s32 s1, s30  }
0xbc: {  	s0 =	sor.u32 s3, s0;
	s1 =	sshll.u32 s1, $0x11  }
0xbd: {  	s0 =	sor.u32 s1, s0  }
0xbe: {  	s0 =	sadd.s32 $0x8F2B, s0  }
0xbf: {  	[sflag:s0] =	ssyncadd.remote.s32 $0x1  }
0xc0: {  	_ =	sfence.sel $0xFFFF  }
0xc1: {  	[dreg:$0x0] =	wrdreg $0xFFFFFFFF;
	(pc) =	sbr.abs _section_cstart, $3  }
0xc2: {  	[dreg:$0x1] =	wrdreg $0xFFFFFFFF  }
0xc3: {  	_ =	task.clear_ibuf [dreg:s8], $0x2FFFF;
	_ =	strace $0x9FFFFFFF  }
0xc4: {  	(tm) =	ssettm $0x7FFFFFFF  }
0xc5: {  	_ =	shalt  }
tec
execute0_lowered:
.L_overlay_start_1:
0x0: {  	(tag) =	ssettag $0x1  }
0x1: {  	s5 =	rddreg [dreg:$0x0]  }
0x2: {  	s4 =	rddreg [dreg:$0x1]  }
0x3: {  	s6 =	rddreg [dreg:$0x2]  }
0x4: {  	s0 =	rddreg [dreg:$0x3]  }
0x5: {  	s2 =	simm.s32 $0x0;
	s3 =	srdreg.scid;
	s1 =	stileid.u32  }
0x6: {  	s11 =	simm.s32 $0x1;
	s12 =	simm.s32 $0x10980;
	s13 =	simm.s32 $0x0  }
0x7: {  	[smem:$0x7FF] =	sst s2;
	s7 =	sand.u32 $0x1, s3;
	s3 =	sadd.s32 $0x600, s4  }
0x8: {  	s9 =	sshll.u32 s1, $0x1;
	s4 =	sadd.s32 $0x400, s4;
	s8 =	ssub.s32 $0x2, s7  }
0x9: {  	_ =	strace $0x80000047;
	s7 =	sor.u32 s7, s9;
	s10 =	sshrl.u32 s8, $0x1  }
0xa: {  	s9 =	sshll.u32 s7, $0xE;
	s7 =	sshll.u32 s7, $0xA;
	s8 =	ssub.s32 s8, s10  }
0xb: {  	v0 =	vlaneseq.u32;
	s5 =	sadd.s32 s5, s9;
	s6 =	sadd.s32 s6, s7;
	s9 =	simm.s32 $0x200  }
0xc: {  	v1 =	vimm.s32 $0x0;
	v2 =	vor.u32 $0x380, v0;
	s10 =	simm.s32 $0x980;
	s7 =	smax.u32 s8, $0x1;
	s8 =	simm.s32 $0x2  }
.LBB2_1:
0xd: {  	[tilespmem:s2], [sflag:$0x2] =	stream.linear.gather [hbm4b:s3+s2], $0x200, $0x38;
	[tilespmem:$0x12980] =	vst v63  }
0xe: {  	_ =	swait.ge [sflag:s8], $0x200  }
0xf: {  	[sflag:s8] =	ssyncset.done $0x0  }
0x10: {  	[sflag:s8] =	ssyncadd.s32 $0xFFFFFE00  }
0x11: {  	[tilespmem:s9], [sflag:$0x2] =	stream.linear.gather [hbm4b:s4+s2], $0x780, $0x38;
	[tilespmem:$0x12980] =	vst v63  }
0x12: {  	_ =	swait.ge [sflag:s8], $0x780  }
0x13: {  	p0 =	por $0x0, $0x0;
	[sflag:s8] =	ssyncset.done $0x0  }
0x14: {  	s14 =	simm.s32 $0x8B80;
	s15 =	simm.s32 $0x0;
	[sflag:s8] =	ssyncadd.s32 $0xFFFFF880  }
0x15: {  	[tilespmem:s10], [sflag:$0x1] =	stream.linear.gather [hbm4b:s5+s2], $0x4000, $0x38;
	[tilespmem:$0x12980] =	vst v63  }
.LBB2_3:
0x16: {  	s16 =	smov.u32 s15  }
0x17: {  	s15 =	sadd.s32 $0x1, s15;
	p1 =	seq.s32 s16, $0x7  }
0x18: {  	s16 =	sshll.u32 @!p1 s15, $0xE  }
0x19: {  	s17 =	sshll.u32 @!p1 s15, $0xB;
	s16 =	sand.u32 @!p1 $0x4000, s16  }
0x1a: {  	s18 =	simm.s32 @!p1 $0x0;
	s17 =	sadd.s32 @!p1 s17, s5;
	s16 =	sor.u32 @!p1 $0x980, s16  }
0x1b: {  	[tilespmem:s16], [sflag:$0x1] =	stream.linear.gather @!p1 [hbm4b:s17+s18], $0x4000, $0x38;
	[tilespmem:$0x12980] =	vst v63  }
0x1c: {  	_ =	swait.ge [sflag:s11], $0x4000  }
0x1d: {  	[sflag:s11] =	ssyncset.done $0x0  }
0x1e: {  	s16 =	simm.s32 $0x1;
	[sflag:s11] =	ssyncadd.s32 $0xFFFFC000  }
0x1f: {  	s16 =	simm.s32 @!p0 $0x0;
	v3 =	vld [tilespmem:$0x0]  }
0x20: {  	s17 =	sshll.u32 s16, $0x3  }
0x21: {  	s16 =	sadd.s32 $0xFFFFFFFE, s17  }
0x22: {  	s28 =	sadd.s32 $0x3, s16  }
0x23: {  	v5 =	vmov s28  }
0x24: {  	v4 =	vshll.u32 v5, $0xB;
	v6 =	vshll.u32 v3, $0x3  }
0x25: {  	v4 =	vand.u32 $0x4000, v4;
	v7 =	vand.u32 $0xFFFFFC00, v6  }
0x26: {  	v5 =	vshll.u32 v5, $0x7;
	v8 =	vand.u32 $0x7F, v3;
	v6 =	vadd.s32 v4, v7  }
0x27: {  	s16 =	sadd.s32 $0x2, s16;
	v3 =	vand.u32 $0x380, v5;
	v5 =	vor.u32 v8, v6  }
0x28: {  	v9 =	vmov s16;
	v10 =	vor.u32 v3, v5  }
0x29: {  	v5 =	vshll.u32 v9, $0xB  }
0x2a: {  	v6 =	vand.u32 $0x4000, v5  }
0x2b: {  	v5 =	vshll.u32 v9, $0x7;
	v7 =	vadd.s32 v6, v7  }
0x2c: {  	v5 =	vand.u32 $0x300, v5;
	v7 =	vor.u32 v8, v7  }
0x2d: {  	v7 =	vor.u32 v5, v7;
	v8 =	vld.idx.msk [tilespmem:v10+s10+$0x0], $0xffff;
	_ =	sdelay $0x4  }
0x2e: {  	v7 =	vld.idx.msk [tilespmem:v7+s10+$0x0], $0xffff;
	[tilespmem:s14+$0x0] =	vst v8  }
0x2f: {  	v8 =	vld [tilespmem:$0x10];
	_ =	sdelay $0x3  }
0x30: {  	[tilespmem:s14+$0xFFFFFE00] =	vst v7  }
0x31: {  	v7 =	vld [tilespmem:$0x10];
	v9 =	vshll.u32 v8, $0x3  }
0x32: {  	v9 =	vand.u32 $0xFFFFFC00, v9  }
0x33: {  	v8 =	vand.u32 $0x7F, v8;
	v9 =	vadd.s32 v4, v9  }
0x34: {  	v8 =	vor.u32 v8, v9  }
0x35: {  	v8 =	vor.u32 v3, v8  }
0x36: {  	v9 =	vshll.u32 v7, $0x3  }
0x37: {  	v9 =	vand.u32 $0xFFFFFC00, v9  }
0x38: {  	v7 =	vand.u32 $0x7F, v7;
	v9 =	vadd.s32 v6, v9  }
0x39: {  	v7 =	vor.u32 v7, v9  }
0x3a: {  	v7 =	vor.u32 v5, v7;
	v8 =	vld.idx.msk [tilespmem:v8+s10+$0x0], $0xffff;
	_ =	sdelay $0x4  }
0x3b: {  	v7 =	vld.idx.msk [tilespmem:v7+s10+$0x0], $0xffff;
	[tilespmem:s14+$0x10] =	vst v8  }
0x3c: {  	v8 =	vld [tilespmem:$0x20];
	_ =	sdelay $0x3  }
0x3d: {  	[tilespmem:s14+$0xFFFFFE10] =	vst v7  }
0x3e: {  	v7 =	vld [tilespmem:$0x20];
	v9 =	vshll.u32 v8, $0x3  }
0x3f: {  	v9 =	vand.u32 $0xFFFFFC00, v9  }
0x40: {  	v8 =	vand.u32 $0x7F, v8;
	v9 =	vadd.s32 v4, v9  }
0x41: {  	v8 =	vor.u32 v8, v9  }
0x42: {  	v8 =	vor.u32 v3, v8  }
0x43: {  	v9 =	vshll.u32 v7, $0x3  }
0x44: {  	v9 =	vand.u32 $0xFFFFFC00, v9  }
0x45: {  	v7 =	vand.u32 $0x7F, v7;
	v9 =	vadd.s32 v6, v9  }
0x46: {  	v7 =	vor.u32 v7, v9  }
0x47: {  	v7 =	vor.u32 v5, v7;
	v8 =	vld.idx.msk [tilespmem:v8+s10+$0x0], $0xffff;
	_ =	sdelay $0x4  }
0x48: {  	v7 =	vld.idx.msk [tilespmem:v7+s10+$0x0], $0xffff;
	[tilespmem:s14+$0x20] =	vst v8  }
0x49: {  	v8 =	vld [tilespmem:$0x30];
	_ =	sdelay $0x3  }
0x4a: {  	[tilespmem:s14+$0xFFFFFE20] =	vst v7  }
0x4b: {  	v7 =	vld [tilespmem:$0x30];
	v9 =	vshll.u32 v8, $0x3  }
0x4c: {  	v9 =	vand.u32 $0xFFFFFC00, v9  }
0x4d: {  	v8 =	vand.u32 $0x7F, v8;
	v9 =	vadd.s32 v4, v9  }
0x4e: {  	v8 =	vor.u32 v8, v9  }
0x4f: {  	v8 =	vor.u32 v3, v8  }
0x50: {  	v9 =	vshll.u32 v7, $0x3  }
0x51: {  	v9 =	vand.u32 $0xFFFFFC00, v9  }
0x52: {  	v7 =	vand.u32 $0x7F, v7;
	v9 =	vadd.s32 v6, v9  }
0x53: {  	v7 =	vor.u32 v7, v9  }
0x54: {  	v7 =	vor.u32 v5, v7;
	v8 =	vld.idx.msk [tilespmem:v8+s10+$0x0], $0xffff;
	_ =	sdelay $0x4  }
0x55: {  	v7 =	vld.idx.msk [tilespmem:v7+s10+$0x0], $0xffff;
	[tilespmem:s14+$0x30] =	vst v8  }
0x56: {  	v8 =	vld [tilespmem:$0x40];
	_ =	sdelay $0x3  }
0x57: {  	[tilespmem:s14+$0xFFFFFE30] =	vst v7  }
0x58: {  	v7 =	vld [tilespmem:$0x40];
	v9 =	vshll.u32 v8, $0x3  }
0x59: {  	v9 =	vand.u32 $0xFFFFFC00, v9  }
0x5a: {  	v8 =	vand.u32 $0x7F, v8;
	v9 =	vadd.s32 v4, v9  }
0x5b: {  	v8 =	vor.u32 v8, v9  }
0x5c: {  	v8 =	vor.u32 v3, v8  }
0x5d: {  	v9 =	vshll.u32 v7, $0x3  }
0x5e: {  	v9 =	vand.u32 $0xFFFFFC00, v9  }
0x5f: {  	v7 =	vand.u32 $0x7F, v7;
	v9 =	vadd.s32 v6, v9  }
0x60: {  	v7 =	vor.u32 v7, v9  }
0x61: {  	v7 =	vor.u32 v5, v7;
	v8 =	vld.idx.msk [tilespmem:v8+s10+$0x0], $0xffff;
	_ =	sdelay $0x4  }
0x62: {  	v7 =	vld.idx.msk [tilespmem:v7+s10+$0x0], $0xffff;
	[tilespmem:s14+$0x40] =	vst v8  }
0x63: {  	v8 =	vld [tilespmem:$0x50];
	_ =	sdelay $0x3  }
0x64: {  	[tilespmem:s14+$0xFFFFFE40] =	vst v7  }
0x65: {  	v7 =	vld [tilespmem:$0x50];
	v9 =	vshll.u32 v8, $0x3  }
0x66: {  	v9 =	vand.u32 $0xFFFFFC00, v9  }
0x67: {  	v8 =	vand.u32 $0x7F, v8;
	v9 =	vadd.s32 v4, v9  }
0x68: {  	v8 =	vor.u32 v8, v9  }
0x69: {  	v8 =	vor.u32 v3, v8  }
0x6a: {  	v9 =	vshll.u32 v7, $0x3  }
0x6b: {  	v9 =	vand.u32 $0xFFFFFC00, v9  }
0x6c: {  	v7 =	vand.u32 $0x7F, v7;
	v9 =	vadd.s32 v6, v9  }
0x6d: {  	v7 =	vor.u32 v7, v9  }
0x6e: {  	v7 =	vor.u32 v5, v7;
	v8 =	vld.idx.msk [tilespmem:v8+s10+$0x0], $0xffff;
	_ =	sdelay $0x4  }
0x6f: {  	v7 =	vld.idx.msk [tilespmem:v7+s10+$0x0], $0xffff;
	[tilespmem:s14+$0x50] =	vst v8  }
0x70: {  	v8 =	vld [tilespmem:$0x60];
	_ =	sdelay $0x3  }
0x71: {  	[tilespmem:s14+$0xFFFFFE50] =	vst v7  }
0x72: {  	v7 =	vld [tilespmem:$0x60];
	v9 =	vshll.u32 v8, $0x3  }
0x73: {  	v9 =	vand.u32 $0xFFFFFC00, v9  }
0x74: {  	v8 =	vand.u32 $0x7F, v8;
	v9 =	vadd.s32 v4, v9  }
0x75: {  	v8 =	vor.u32 v8, v9  }
0x76: {  	v8 =	vor.u32 v3, v8  }
0x77: {  	v9 =	vshll.u32 v7, $0x3  }
0x78: {  	v9 =	vand.u32 $0xFFFFFC00, v9  }
0x79: {  	v7 =	vand.u32 $0x7F, v7;
	v9 =	vadd.s32 v6, v9  }
0x7a: {  	v7 =	vor.u32 v7, v9  }
0x7b: {  	v7 =	vor.u32 v5, v7;
	v8 =	vld.idx.msk [tilespmem:v8+s10+$0x0], $0xffff;
	_ =	sdelay $0x4  }
0x7c: {  	v7 =	vld.idx.msk [tilespmem:v7+s10+$0x0], $0xffff;
	[tilespmem:s14+$0x60] =	vst v8  }
0x7d: {  	v8 =	vld [tilespmem:$0x70];
	_ =	sdelay $0x3  }
0x7e: {  	[tilespmem:s14+$0xFFFFFE60] =	vst v7  }
0x7f: {  	v7 =	vld [tilespmem:$0x70];
	v9 =	vshll.u32 v8, $0x3  }
0x80: {  	v9 =	vand.u32 $0xFFFFFC00, v9  }
0x81: {  	v8 =	vand.u32 $0x7F, v8;
	v9 =	vadd.s32 v4, v9  }
0x82: {  	v8 =	vor.u32 v8, v9  }
0x83: {  	v8 =	vor.u32 v3, v8  }
0x84: {  	v9 =	vshll.u32 v7, $0x3  }
0x85: {  	v9 =	vand.u32 $0xFFFFFC00, v9  }
0x86: {  	v7 =	vand.u32 $0x7F, v7;
	v9 =	vadd.s32 v6, v9  }
0x87: {  	v7 =	vor.u32 v7, v9  }
0x88: {  	v7 =	vor.u32 v5, v7;
	v8 =	vld.idx.msk [tilespmem:v8+s10+$0x0], $0xffff;
	_ =	sdelay $0x4  }
0x89: {  	v7 =	vld.idx.msk [tilespmem:v7+s10+$0x0], $0xffff;
	[tilespmem:s14+$0x70] =	vst v8  }
0x8a: {  	v8 =	vld [tilespmem:$0x80];
	_ =	sdelay $0x3  }
0x8b: {  	[tilespmem:s14+$0xFFFFFE70] =	vst v7  }
0x8c: {  	v7 =	vld [tilespmem:$0x80];
	v9 =	vshll.u32 v8, $0x3  }
0x8d: {  	v9 =	vand.u32 $0xFFFFFC00, v9  }
0x8e: {  	v8 =	vand.u32 $0x7F, v8;
	v9 =	vadd.s32 v4, v9  }
0x8f: {  	v8 =	vor.u32 v8, v9  }
0x90: {  	v8 =	vor.u32 v3, v8  }
0x91: {  	v10 =	vld [tilespmem:$0x0];
	v9 =	vshll.u32 v7, $0x3  }
0x92: {  	v9 =	vand.u32 $0xFFFFFC00, v9  }
0x93: {  	s29 =	sadd.s32 $0x0, s17;
	v7 =	vand.u32 $0x7F, v7;
	v9 =	vadd.s32 v6, v9  }
0x94: {  	s30 =	sadd.s32 $0x3, s29;
	v7 =	vor.u32 v7, v9  }
0x95: {  	v11 =	vmov s30;
	v9 =	vor.u32 v5, v7;
	v12 =	vld.idx.msk [tilespmem:v8+s10+$0x0], $0xffff  }
0x96: {  	v7 =	vshll.u32 v11, $0xB;
	v8 =	vshll.u32 v10, $0x3  }
0x97: {  	v7 =	vand.u32 $0x4000, v7;
	v13 =	vand.u32 $0xFFFFFC00, v8  }
0x98: {  	v8 =	vshll.u32 v11, $0x7;
	v11 =	vand.u32 $0x7F, v10;
	v10 =	vadd.s32 v7, v13  }
0x99: {  	s16 =	sadd.s32 $0x2, s29;
	v8 =	vand.u32 $0x380, v8;
	v10 =	vor.u32 v11, v10  }
0x9a: {  	v14 =	vmov s16;
	v15 =	vld.idx.msk [tilespmem:v9+s10+$0x0], $0xffff;
	v16 =	vor.u32 v8, v10;
	[tilespmem:s14+$0x80] =	vst v12  }
0x9b: {  	v9 =	vshll.u32 v14, $0xB;
	v12 =	vld [tilespmem:$0x90]  }
0x9c: {  	v10 =	vand.u32 $0x4000, v9  }
0x9d: {  	v9 =	vshll.u32 v14, $0x7;
	v13 =	vadd.s32 v10, v13  }
0x9e: {  	v9 =	vand.u32 $0x300, v9;
	v11 =	vor.u32 v11, v13  }
0x9f: {  	v11 =	vor.u32 v9, v11;
	[tilespmem:s14+$0xFFFFFE80] =	vst v15;
	v13 =	vld.idx.msk [tilespmem:v16+s10+$0x0], $0xffff  }
0xa0: {  	v14 =	vld [tilespmem:$0x90];
	v15 =	vshll.u32 v12, $0x3  }
0xa1: {  	v15 =	vand.u32 $0xFFFFFC00, v15  }
0xa2: {  	v12 =	vand.u32 $0x7F, v12;
	v15 =	vadd.s32 v4, v15  }
0xa3: {  	s16 =	sadd.s32 $0x400, s14;
	v12 =	vor.u32 v12, v15  }
0xa4: {  	v11 =	vld.idx.msk [tilespmem:v11+s10+$0x0], $0xffff;
	[tilespmem:s16+$0x0] =	vst v13;
	v12 =	vor.u32 v3, v12  }
0xa5: {  	v13 =	vshll.u32 v14, $0x3;
	v15 =	vld [tilespmem:$0x10]  }
0xa6: {  	v13 =	vand.u32 $0xFFFFFC00, v13  }
0xa7: {  	v14 =	vand.u32 $0x7F, v14;
	v13 =	vadd.s32 v6, v13  }
0xa8: {  	v13 =	vor.u32 v14, v13  }
0xa9: {  	[tilespmem:s16+$0xFFFFFE00] =	vst v11;
	v11 =	vor.u32 v5, v13;
	v12 =	vld.idx.msk [tilespmem:v12+s10+$0x0], $0xffff  }
0xaa: {  	v13 =	vld [tilespmem:$0x10];
	v14 =	vshll.u32 v15, $0x3  }
0xab: {  	v14 =	vand.u32 $0xFFFFFC00, v14  }
0xac: {  	v15 =	vand.u32 $0x7F, v15;
	v14 =	vadd.s32 v7, v14  }
0xad: {  	v14 =	vor.u32 v15, v14  }
0xae: {  	v11 =	vld.idx.msk [tilespmem:v11+s10+$0x0], $0xffff;
	v14 =	vor.u32 v8, v14;
	[tilespmem:s14+$0x90] =	vst v12  }
0xaf: {  	v12 =	vshll.u32 v13, $0x3;
	v15 =	vld [tilespmem:$0xA0]  }
0xb0: {  	v12 =	vand.u32 $0xFFFFFC00, v12  }
0xb1: {  	v13 =	vand.u32 $0x7F, v13;
	v12 =	vadd.s32 v10, v12  }
0xb2: {  	v12 =	vor.u32 v13, v12  }
0xb3: {  	v12 =	vor.u32 v9, v12;
	v13 =	vld.idx.msk [tilespmem:v14+s10+$0x0], $0xffff;
	[tilespmem:s14+$0xFFFFFE90] =	vst v11  }
0xb4: {  	v11 =	vld [tilespmem:$0xA0];
	v14 =	vshll.u32 v15, $0x3  }
0xb5: {  	v14 =	vand.u32 $0xFFFFFC00, v14  }
0xb6: {  	v15 =	vand.u32 $0x7F, v15;
	v14 =	vadd.s32 v4, v14  }
0xb7: {  	v14 =	vor.u32 v15, v14  }
0xb8: {  	v12 =	vld.idx.msk [tilespmem:v12+s10+$0x0], $0xffff;
	[tilespmem:s16+$0x10] =	vst v13;
	v14 =	vor.u32 v3, v14  }
0xb9: {  	v13 =	vshll.u32 v11, $0x3;
	v15 =	vld [tilespmem:$0x20]  }
0xba: {  	v13 =	vand.u32 $0xFFFFFC00, v13  }
0xbb: {  	v11 =	vand.u32 $0x7F, v11;
	v13 =	vadd.s32 v6, v13  }
0xbc: {  	v11 =	vor.u32 v11, v13  }
0xbd: {  	[tilespmem:s16+$0xFFFFFE10] =	vst v12;
	v11 =	vor.u32 v5, v11;
	v12 =	vld.idx.msk [tilespmem:v14+s10+$0x0], $0xffff  }
0xbe: {  	v13 =	vld [tilespmem:$0x20];
	v14 =	vshll.u32 v15, $0x3  }
0xbf: {  	v14 =	vand.u32 $0xFFFFFC00, v14  }
0xc0: {  	v15 =	vand.u32 $0x7F, v15;
	v14 =	vadd.s32 v7, v14  }
0xc1: {  	v14 =	vor.u32 v15, v14  }
0xc2: {  	v11 =	vld.idx.msk [tilespmem:v11+s10+$0x0], $0xffff;
	v14 =	vor.u32 v8, v14;
	[tilespmem:s14+$0xA0] =	vst v12  }
0xc3: {  	v12 =	vshll.u32 v13, $0x3;
	v15 =	vld [tilespmem:$0xB0]  }
0xc4: {  	v12 =	vand.u32 $0xFFFFFC00, v12  }
0xc5: {  	v13 =	vand.u32 $0x7F, v13;
	v12 =	vadd.s32 v10, v12  }
0xc6: {  	v12 =	vor.u32 v13, v12  }
0xc7: {  	v12 =	vor.u32 v9, v12;
	v13 =	vld.idx.msk [tilespmem:v14+s10+$0x0], $0xffff;
	[tilespmem:s14+$0xFFFFFEA0] =	vst v11  }
0xc8: {  	v11 =	vld [tilespmem:$0xB0];
	v14 =	vshll.u32 v15, $0x3  }
0xc9: {  	v14 =	vand.u32 $0xFFFFFC00, v14  }
0xca: {  	v15 =	vand.u32 $0x7F, v15;
	v14 =	vadd.s32 v4, v14  }
0xcb: {  	v14 =	vor.u32 v15, v14  }
0xcc: {  	v12 =	vld.idx.msk [tilespmem:v12+s10+$0x0], $0xffff;
	[tilespmem:s16+$0x20] =	vst v13;
	v14 =	vor.u32 v3, v14  }
0xcd: {  	v13 =	vshll.u32 v11, $0x3;
	v15 =	vld [tilespmem:$0x30]  }
0xce: {  	v13 =	vand.u32 $0xFFFFFC00, v13  }
0xcf: {  	v11 =	vand.u32 $0x7F, v11;
	v13 =	vadd.s32 v6, v13  }
0xd0: {  	v11 =	vor.u32 v11, v13  }
0xd1: {  	[tilespmem:s16+$0xFFFFFE20] =	vst v12;
	v11 =	vor.u32 v5, v11;
	v12 =	vld.idx.msk [tilespmem:v14+s10+$0x0], $0xffff  }
0xd2: {  	v13 =	vld [tilespmem:$0x30];
	v14 =	vshll.u32 v15, $0x3  }
0xd3: {  	v14 =	vand.u32 $0xFFFFFC00, v14  }
0xd4: {  	v15 =	vand.u32 $0x7F, v15;
	v14 =	vadd.s32 v7, v14  }
0xd5: {  	v14 =	vor.u32 v15, v14  }
0xd6: {  	v11 =	vld.idx.msk [tilespmem:v11+s10+$0x0], $0xffff;
	v14 =	vor.u32 v8, v14;
	[tilespmem:s14+$0xB0] =	vst v12  }
0xd7: {  	v12 =	vshll.u32 v13, $0x3;
	v15 =	vld [tilespmem:$0xC0]  }
0xd8: {  	v12 =	vand.u32 $0xFFFFFC00, v12  }
0xd9: {  	v13 =	vand.u32 $0x7F, v13;
	v12 =	vadd.s32 v10, v12  }
0xda: {  	v12 =	vor.u32 v13, v12  }
0xdb: {  	v12 =	vor.u32 v9, v12;
	v13 =	vld.idx.msk [tilespmem:v14+s10+$0x0], $0xffff;
	[tilespmem:s14+$0xFFFFFEB0] =	vst v11  }
0xdc: {  	v11 =	vld [tilespmem:$0xC0];
	v14 =	vshll.u32 v15, $0x3  }
0xdd: {  	v14 =	vand.u32 $0xFFFFFC00, v14  }
0xde: {  	v15 =	vand.u32 $0x7F, v15;
	v14 =	vadd.s32 v4, v14  }
0xdf: {  	v14 =	vor.u32 v15, v14  }
0xe0: {  	v12 =	vld.idx.msk [tilespmem:v12+s10+$0x0], $0xffff;
	[tilespmem:s16+$0x30] =	vst v13;
	v14 =	vor.u32 v3, v14  }
0xe1: {  	v13 =	vshll.u32 v11, $0x3;
	v15 =	vld [tilespmem:$0x40]  }
0xe2: {  	v13 =	vand.u32 $0xFFFFFC00, v13  }
0xe3: {  	v11 =	vand.u32 $0x7F, v11;
	v13 =	vadd.s32 v6, v13  }
0xe4: {  	v11 =	vor.u32 v11, v13  }
0xe5: {  	[tilespmem:s16+$0xFFFFFE30] =	vst v12;
	v11 =	vor.u32 v5, v11;
	v12 =	vld.idx.msk [tilespmem:v14+s10+$0x0], $0xffff  }
0xe6: {  	v13 =	vld [tilespmem:$0x40];
	v14 =	vshll.u32 v15, $0x3  }
0xe7: {  	v14 =	vand.u32 $0xFFFFFC00, v14  }
0xe8: {  	v15 =	vand.u32 $0x7F, v15;
	v14 =	vadd.s32 v7, v14  }
0xe9: {  	v14 =	vor.u32 v15, v14  }
0xea: {  	v11 =	vld.idx.msk [tilespmem:v11+s10+$0x0], $0xffff;
	v14 =	vor.u32 v8, v14;
	[tilespmem:s14+$0xC0] =	vst v12  }
0xeb: {  	v12 =	vshll.u32 v13, $0x3;
	v15 =	vld [tilespmem:$0xD0]  }
0xec: {  	v12 =	vand.u32 $0xFFFFFC00, v12  }
0xed: {  	v13 =	vand.u32 $0x7F, v13;
	v12 =	vadd.s32 v10, v12  }
0xee: {  	v12 =	vor.u32 v13, v12  }
0xef: {  	v12 =	vor.u32 v9, v12;
	v13 =	vld.idx.msk [tilespmem:v14+s10+$0x0], $0xffff;
	[tilespmem:s14+$0xFFFFFEC0] =	vst v11  }
0xf0: {  	v11 =	vld [tilespmem:$0xD0];
	v14 =	vshll.u32 v15, $0x3  }
0xf1: {  	v14 =	vand.u32 $0xFFFFFC00, v14  }
0xf2: {  	v15 =	vand.u32 $0x7F, v15;
	v14 =	vadd.s32 v4, v14  }
0xf3: {  	v14 =	vor.u32 v15, v14  }
0xf4: {  	v12 =	vld.idx.msk [tilespmem:v12+s10+$0x0], $0xffff;
	[tilespmem:s16+$0x40] =	vst v13;
	v14 =	vor.u32 v3, v14  }
0xf5: {  	v13 =	vshll.u32 v11, $0x3;
	v15 =	vld [tilespmem:$0x50]  }
0xf6: {  	v13 =	vand.u32 $0xFFFFFC00, v13  }
0xf7: {  	v11 =	vand.u32 $0x7F, v11;
	v13 =	vadd.s32 v6, v13  }
0xf8: {  	v11 =	vor.u32 v11, v13  }
0xf9: {  	[tilespmem:s16+$0xFFFFFE40] =	vst v12;
	v11 =	vor.u32 v5, v11;
	v12 =	vld.idx.msk [tilespmem:v14+s10+$0x0], $0xffff  }
0xfa: {  	v13 =	vld [tilespmem:$0x50];
	v14 =	vshll.u32 v15, $0x3  }
0xfb: {  	v14 =	vand.u32 $0xFFFFFC00, v14  }
0xfc: {  	v15 =	vand.u32 $0x7F, v15;
	v14 =	vadd.s32 v7, v14  }
0xfd: {  	v14 =	vor.u32 v15, v14  }
0xfe: {  	v11 =	vld.idx.msk [tilespmem:v11+s10+$0x0], $0xffff;
	v14 =	vor.u32 v8, v14;
	[tilespmem:s14+$0xD0] =	vst v12  }
0xff: {  	v12 =	vshll.u32 v13, $0x3;
	v15 =	vld [tilespmem:$0xE0]  }
0x100: {  	v12 =	vand.u32 $0xFFFFFC00, v12  }
0x101: {  	v13 =	vand.u32 $0x7F, v13;
	v12 =	vadd.s32 v10, v12  }
0x102: {  	v12 =	vor.u32 v13, v12  }
0x103: {  	v12 =	vor.u32 v9, v12;
	v13 =	vld.idx.msk [tilespmem:v14+s10+$0x0], $0xffff;
	[tilespmem:s14+$0xFFFFFED0] =	vst v11  }
0x104: {  	v11 =	vld [tilespmem:$0xE0];
	v14 =	vshll.u32 v15, $0x3  }
0x105: {  	v14 =	vand.u32 $0xFFFFFC00, v14  }
0x106: {  	v15 =	vand.u32 $0x7F, v15;
	v14 =	vadd.s32 v4, v14  }
0x107: {  	v14 =	vor.u32 v15, v14  }
0x108: {  	v12 =	vld.idx.msk [tilespmem:v12+s10+$0x0], $0xffff;
	[tilespmem:s16+$0x50] =	vst v13;
	v14 =	vor.u32 v3, v14  }
0x109: {  	v13 =	vshll.u32 v11, $0x3;
	v15 =	vld [tilespmem:$0x60]  }
0x10a: {  	v13 =	vand.u32 $0xFFFFFC00, v13  }
0x10b: {  	v11 =	vand.u32 $0x7F, v11;
	v13 =	vadd.s32 v6, v13  }
0x10c: {  	v11 =	vor.u32 v11, v13  }
0x10d: {  	[tilespmem:s16+$0xFFFFFE50] =	vst v12;
	v11 =	vor.u32 v5, v11;
	v12 =	vld.idx.msk [tilespmem:v14+s10+$0x0], $0xffff  }
0x10e: {  	v13 =	vld [tilespmem:$0x60];
	v14 =	vshll.u32 v15, $0x3  }
0x10f: {  	v14 =	vand.u32 $0xFFFFFC00, v14  }
0x110: {  	v15 =	vand.u32 $0x7F, v15;
	v14 =	vadd.s32 v7, v14  }
0x111: {  	v14 =	vor.u32 v15, v14  }
0x112: {  	v11 =	vld.idx.msk [tilespmem:v11+s10+$0x0], $0xffff;
	v14 =	vor.u32 v8, v14;
	[tilespmem:s14+$0xE0] =	vst v12  }
0x113: {  	v12 =	vshll.u32 v13, $0x3;
	v15 =	vld [tilespmem:$0xF0]  }
0x114: {  	v12 =	vand.u32 $0xFFFFFC00, v12  }
0x115: {  	v13 =	vand.u32 $0x7F, v13;
	v12 =	vadd.s32 v10, v12  }
0x116: {  	v12 =	vor.u32 v13, v12  }
0x117: {  	v12 =	vor.u32 v9, v12;
	v13 =	vld.idx.msk [tilespmem:v14+s10+$0x0], $0xffff;
	[tilespmem:s14+$0xFFFFFEE0] =	vst v11  }
0x118: {  	v11 =	vld [tilespmem:$0xF0];
	v14 =	vshll.u32 v15, $0x3  }
0x119: {  	v14 =	vand.u32 $0xFFFFFC00, v14  }
0x11a: {  	v15 =	vand.u32 $0x7F, v15;
	v14 =	vadd.s32 v4, v14  }
0x11b: {  	v14 =	vor.u32 v15, v14  }
0x11c: {  	v12 =	vld.idx.msk [tilespmem:v12+s10+$0x0], $0xffff;
	[tilespmem:s16+$0x60] =	vst v13;
	v14 =	vor.u32 v3, v14  }
0x11d: {  	v13 =	vshll.u32 v11, $0x3;
	v15 =	vld [tilespmem:$0x70]  }
0x11e: {  	v13 =	vand.u32 $0xFFFFFC00, v13  }
0x11f: {  	v11 =	vand.u32 $0x7F, v11;
	v13 =	vadd.s32 v6, v13  }
0x120: {  	v11 =	vor.u32 v11, v13  }
0x121: {  	[tilespmem:s16+$0xFFFFFE60] =	vst v12;
	v11 =	vor.u32 v5, v11;
	v12 =	vld.idx.msk [tilespmem:v14+s10+$0x0], $0xffff  }
0x122: {  	v13 =	vld [tilespmem:$0x70];
	v14 =	vshll.u32 v15, $0x3  }
0x123: {  	v14 =	vand.u32 $0xFFFFFC00, v14  }
0x124: {  	v15 =	vand.u32 $0x7F, v15;
	v14 =	vadd.s32 v7, v14  }
0x125: {  	v14 =	vor.u32 v15, v14  }
0x126: {  	v11 =	vld.idx.msk [tilespmem:v11+s10+$0x0], $0xffff;
	v14 =	vor.u32 v8, v14;
	[tilespmem:s14+$0xF0] =	vst v12  }
0x127: {  	v12 =	vshll.u32 v13, $0x3;
	v15 =	vld [tilespmem:$0x100]  }
0x128: {  	v12 =	vand.u32 $0xFFFFFC00, v12  }
0x129: {  	v13 =	vand.u32 $0x7F, v13;
	v12 =	vadd.s32 v10, v12  }
0x12a: {  	v12 =	vor.u32 v13, v12  }
0x12b: {  	v12 =	vor.u32 v9, v12;
	v13 =	vld.idx.msk [tilespmem:v14+s10+$0x0], $0xffff;
	[tilespmem:s14+$0xFFFFFEF0] =	vst v11  }
0x12c: {  	v11 =	vld [tilespmem:$0x100];
	v14 =	vshll.u32 v15, $0x3  }
0x12d: {  	v14 =	vand.u32 $0xFFFFFC00, v14  }
0x12e: {  	v15 =	vand.u32 $0x7F, v15;
	v14 =	vadd.s32 v4, v14  }
0x12f: {  	v14 =	vor.u32 v15, v14  }
0x130: {  	v12 =	vld.idx.msk [tilespmem:v12+s10+$0x0], $0xffff;
	[tilespmem:s16+$0x70] =	vst v13;
	v14 =	vor.u32 v3, v14  }
0x131: {  	v13 =	vshll.u32 v11, $0x3;
	v15 =	vld [tilespmem:$0x80]  }
0x132: {  	v13 =	vand.u32 $0xFFFFFC00, v13  }
0x133: {  	v11 =	vand.u32 $0x7F, v11;
	v13 =	vadd.s32 v6, v13  }
0x134: {  	v11 =	vor.u32 v11, v13  }
0x135: {  	[tilespmem:s16+$0xFFFFFE70] =	vst v12;
	v11 =	vor.u32 v5, v11;
	v12 =	vld.idx.msk [tilespmem:v14+s10+$0x0], $0xffff  }
0x136: {  	v13 =	vld [tilespmem:$0x80];
	v14 =	vshll.u32 v15, $0x3  }
0x137: {  	v14 =	vand.u32 $0xFFFFFC00, v14  }
0x138: {  	v15 =	vand.u32 $0x7F, v15;
	v14 =	vadd.s32 v7, v14  }
0x139: {  	v16 =	vld [tilespmem:$0x0];
	v14 =	vor.u32 v15, v14  }
0x13a: {  	v11 =	vld.idx.msk [tilespmem:v11+s10+$0x0], $0xffff;
	v14 =	vor.u32 v8, v14;
	[tilespmem:s14+$0x100] =	vst v12  }
0x13b: {  	v12 =	vshll.u32 v13, $0x3;
	v15 =	vld [tilespmem:$0x110]  }
0x13c: {  	v12 =	vand.u32 $0xFFFFFC00, v12  }
0x13d: {  	s31 =	sadd.s32 $0x2, s17;
	v13 =	vand.u32 $0x7F, v13;
	v12 =	vadd.s32 v10, v12  }
0x13e: {  	s18 =	sadd.s32 $0x3, s31;
	v12 =	vor.u32 v13, v12  }
0x13f: {  	v17 =	vmov s18;
	v20 =	vshll.u32 v16, $0x3;
	v12 =	vor.u32 v9, v12;
	v14 =	vld.idx.msk [tilespmem:v14+s10+$0x0], $0xffff  }
0x140: {  	s19 =	sadd.s32 $0x2, s31;
	v16 =	vand.u32 $0x7F, v16;
	v20 =	vand.u32 $0xFFFFFC00, v20;
	[tilespmem:s14+$0xFFFFFF00] =	vst v11;
	v18 =	vshll.u32 v15, $0x3  }
0x141: {  	v13 =	vmov s19;
	v11 =	vshll.u32 v17, $0xB;
	v19 =	vld [tilespmem:$0x110];
	v18 =	vand.u32 $0xFFFFFC00, v18  }
0x142: {  	v11 =	vand.u32 $0x4000, v11;
	v15 =	vand.u32 $0x7F, v15;
	v18 =	vadd.s32 v4, v18  }
0x143: {  	v17 =	vshll.u32 v17, $0x7;
	v21 =	vadd.s32 v11, v20;
	v15 =	vor.u32 v15, v18  }
0x144: {  	v18 =	vld.idx.msk [tilespmem:v12+s10+$0x0], $0xffff;
	v12 =	vand.u32 $0x380, v17;
	v17 =	vor.u32 v16, v21;
	[tilespmem:s16+$0x80] =	vst v14;
	v15 =	vor.u32 v3, v15  }
0x145: {  	v14 =	vshll.u32 v13, $0xB;
	v17 =	vor.u32 v12, v17;
	v21 =	vld [tilespmem:$0x90]  }
0x146: {  	v22 =	vshll.u32 v13, $0x7;
	v13 =	vand.u32 $0x4000, v14;
	v23 =	vshll.u32 v19, $0x3  }
0x147: {  	v14 =	vand.u32 $0x300, v22;
	v20 =	vadd.s32 v13, v20;
	v22 =	vand.u32 $0xFFFFFC00, v23  }
0x148: {  	v19 =	vand.u32 $0x7F, v19;
	v16 =	vor.u32 v16, v20;
	v20 =	vadd.s32 v6, v22  }
0x149: {  	v16 =	vor.u32 v14, v16;
	v19 =	vor.u32 v19, v20;
	v15 =	vld.idx.msk [tilespmem:v15+s10+$0x0], $0xffff  }
0x14a: {  	[tilespmem:s16+$0xFFFFFE80] =	vst v18;
	v18 =	vor.u32 v5, v19;
	v17 =	vld.idx.msk [tilespmem:v17+s10+$0x0], $0xffff;
	v19 =	vshll.u32 v21, $0x3  }
0x14b: {  	v20 =	vld [tilespmem:$0x90];
	v19 =	vand.u32 $0xFFFFFC00, v19  }
0x14c: {  	v21 =	vand.u32 $0x7F, v21;
	v19 =	vadd.s32 v7, v19  }
0x14d: {  	v19 =	vor.u32 v21, v19  }
0x14e: {  	v16 =	vld.idx.msk [tilespmem:v16+s10+$0x0], $0xffff;
	v19 =	vor.u32 v8, v19  }
0x14f: {  	s20 =	sadd.s32 $0x400, s16;
	v18 =	vld.idx.msk [tilespmem:v18+s10+$0x0], $0xffff;
	[tilespmem:s14+$0x110] =	vst v15  }
0x150: {  	[tilespmem:s20+$0x0] =	vst v17;
	v15 =	vshll.u32 v20, $0x3;
	v17 =	vld [tilespmem:$0x120]  }
0x151: {  	v21 =	vld [tilespmem:$0x10];
	v15 =	vand.u32 $0xFFFFFC00, v15  }
0x152: {  	v20 =	vand.u32 $0x7F, v20;
	v15 =	vadd.s32 v10, v15  }
0x153: {  	v15 =	vor.u32 v20, v15;
	[tilespmem:s20+$0xFFFFFE00] =	vst v16;
	v16 =	vld.idx.msk [tilespmem:v19+s10+$0x0], $0xffff  }
0x154: {  	v15 =	vor.u32 v9, v15;
	v19 =	vld [tilespmem:$0x10];
	[tilespmem:s14+$0xFFFFFF10] =	vst v18  }
0x155: {  	v20 =	vld [tilespmem:$0x120];
	v18 =	vshll.u32 v17, $0x3  }
0x156: {  	v22 =	vshll.u32 v21, $0x3;
	v18 =	vand.u32 $0xFFFFFC00, v18  }
0x157: {  	v17 =	vand.u32 $0x7F, v17;
	v22 =	vand.u32 $0xFFFFFC00, v22;
	v18 =	vadd.s32 v4, v18  }
0x158: {  	v21 =	vand.u32 $0x7F, v21;
	v22 =	vadd.s32 v11, v22;
	v17 =	vor.u32 v17, v18  }
0x159: {  	v18 =	vor.u32 v21, v22;
	v15 =	vld.idx.msk [tilespmem:v15+s10+$0x0], $0xffff;
	v21 =	vshll.u32 v19, $0x3;
	[tilespmem:s16+$0x90] =	vst v16;
	v17 =	vor.u32 v3, v17  }
0x15a: {  	v16 =	vor.u32 v12, v18;
	v18 =	vand.u32 $0xFFFFFC00, v21;
	v21 =	vld [tilespmem:$0xA0];
	v22 =	vshll.u32 v20, $0x3  }
0x15b: {  	v19 =	vand.u32 $0x7F, v19;
	v18 =	vadd.s32 v13, v18;
	v22 =	vand.u32 $0xFFFFFC00, v22  }
0x15c: {  	v20 =	vand.u32 $0x7F, v20;
	v18 =	vor.u32 v19, v18;
	v19 =	vadd.s32 v6, v22  }
0x15d: {  	v18 =	vor.u32 v14, v18;
	v19 =	vor.u32 v20, v19  }
0x15e: {  	v19 =	vor.u32 v5, v19;
	v17 =	vld.idx.msk [tilespmem:v17+s10+$0x0], $0xffff  }
0x15f: {  	[tilespmem:s16+$0xFFFFFE90] =	vst v15;
	v16 =	vld.idx.msk [tilespmem:v16+s10+$0x0], $0xffff;
	v15 =	vshll.u32 v21, $0x3  }
0x160: {  	v20 =	vld [tilespmem:$0xA0];
	v15 =	vand.u32 $0xFFFFFC00, v15  }
0x161: {  	v21 =	vand.u32 $0x7F, v21;
	v15 =	vadd.s32 v7, v15  }
0x162: {  	v18 =	vld.idx.msk [tilespmem:v18+s10+$0x0], $0xffff;
	v15 =	vor.u32 v21, v15  }
0x163: {  	v15 =	vor.u32 v8, v15;
	v19 =	vld.idx.msk [tilespmem:v19+s10+$0x0], $0xffff;
	[tilespmem:s14+$0x120] =	vst v17  }
0x164: {  	[tilespmem:s20+$0x10] =	vst v16;
	v16 =	vld [tilespmem:$0x130]  }
0x165: {  	v17 =	vshll.u32 v20, $0x3;
	v21 =	vld [tilespmem:$0x20]  }
0x166: {  	v17 =	vand.u32 $0xFFFFFC00, v17  }
0x167: {  	v20 =	vand.u32 $0x7F, v20;
	v17 =	vadd.s32 v10, v17  }
0x168: {  	v17 =	vor.u32 v20, v17;
	[tilespmem:s20+$0xFFFFFE10] =	vst v18;
	v15 =	vld.idx.msk [tilespmem:v15+s10+$0x0], $0xffff  }
0x169: {  	v17 =	vor.u32 v9, v17;
	v18 =	vld [tilespmem:$0x20];
	[tilespmem:s14+$0xFFFFFF20] =	vst v19;
	v19 =	vshll.u32 v16, $0x3  }
0x16a: {  	v22 =	vld [tilespmem:$0x130];
	v20 =	vshll.u32 v21, $0x3;
	v19 =	vand.u32 $0xFFFFFC00, v19  }
0x16b: {  	v16 =	vand.u32 $0x7F, v16;
	v20 =	vand.u32 $0xFFFFFC00, v20;
	v19 =	vadd.s32 v4, v19  }
0x16c: {  	v21 =	vand.u32 $0x7F, v21;
	v20 =	vadd.s32 v11, v20;
	v16 =	vor.u32 v16, v19  }
0x16d: {  	v19 =	vor.u32 v21, v20;
	v16 =	vor.u32 v3, v16  }
0x16e: {  	v17 =	vld.idx.msk [tilespmem:v17+s10+$0x0], $0xffff;
	v20 =	vshll.u32 v18, $0x3;
	[tilespmem:s16+$0xA0] =	vst v15;
	v19 =	vor.u32 v12, v19  }
0x16f: {  	v15 =	vand.u32 $0xFFFFFC00, v20;
	v20 =	vld [tilespmem:$0xB0];
	v21 =	vshll.u32 v22, $0x3  }
0x170: {  	v18 =	vand.u32 $0x7F, v18;
	v15 =	vadd.s32 v13, v15;
	v21 =	vand.u32 $0xFFFFFC00, v21  }
0x171: {  	v22 =	vand.u32 $0x7F, v22;
	v15 =	vor.u32 v18, v15;
	v18 =	vadd.s32 v6, v21  }
0x172: {  	v15 =	vor.u32 v14, v15;
	v18 =	vor.u32 v22, v18;
	v16 =	vld.idx.msk [tilespmem:v16+s10+$0x0], $0xffff  }
0x173: {  	[tilespmem:s16+$0xFFFFFEA0] =	vst v17;
	v17 =	vor.u32 v5, v18;
	v19 =	vld.idx.msk [tilespmem:v19+s10+$0x0], $0xffff  }
0x174: {  	v18 =	vld [tilespmem:$0xB0];
	v21 =	vshll.u32 v20, $0x3  }
0x175: {  	v21 =	vand.u32 $0xFFFFFC00, v21  }
0x176: {  	v20 =	vand.u32 $0x7F, v20;
	v21 =	vadd.s32 v7, v21  }
0x177: {  	v15 =	vld.idx.msk [tilespmem:v15+s10+$0x0], $0xffff;
	v20 =	vor.u32 v20, v21  }
0x178: {  	v20 =	vor.u32 v8, v20;
	v17 =	vld.idx.msk [tilespmem:v17+s10+$0x0], $0xffff;
	[tilespmem:s14+$0x130] =	vst v16  }
0x179: {  	[tilespmem:s20+$0x20] =	vst v19;
	v16 =	vshll.u32 v18, $0x3;
	v19 =	vld [tilespmem:$0x140]  }
0x17a: {  	v21 =	vld [tilespmem:$0x30];
	v16 =	vand.u32 $0xFFFFFC00, v16  }
0x17b: {  	v18 =	vand.u32 $0x7F, v18;
	v16 =	vadd.s32 v10, v16  }
0x17c: {  	v16 =	vor.u32 v18, v16  }
0x17d: {  	[tilespmem:s20+$0xFFFFFE20] =	vst v15;
	v15 =	vor.u32 v9, v16;
	v16 =	vld.idx.msk [tilespmem:v20+s10+$0x0], $0xffff  }
0x17e: {  	v18 =	vld [tilespmem:$0x30];
	[tilespmem:s14+$0xFFFFFF30] =	vst v17;
	v17 =	vshll.u32 v19, $0x3  }
0x17f: {  	v22 =	vld [tilespmem:$0x140];
	v20 =	vshll.u32 v21, $0x3;
	v17 =	vand.u32 $0xFFFFFC00, v17  }
0x180: {  	v19 =	vand.u32 $0x7F, v19;
	v20 =	vand.u32 $0xFFFFFC00, v20;
	v17 =	vadd.s32 v4, v17  }
0x181: {  	v21 =	vand.u32 $0x7F, v21;
	v20 =	vadd.s32 v11, v20;
	v17 =	vor.u32 v19, v17  }
0x182: {  	v19 =	vor.u32 v21, v20;
	v15 =	vld.idx.msk [tilespmem:v15+s10+$0x0], $0xffff;
	[tilespmem:s16+$0xB0] =	vst v16;
	v17 =	vor.u32 v3, v17  }
0x183: {  	v16 =	vshll.u32 v18, $0x3;
	v19 =	vor.u32 v12, v19;
	v20 =	vld [tilespmem:$0xC0]  }
0x184: {  	v16 =	vand.u32 $0xFFFFFC00, v16;
	v21 =	vshll.u32 v22, $0x3  }
0x185: {  	v18 =	vand.u32 $0x7F, v18;
	v16 =	vadd.s32 v13, v16;
	v21 =	vand.u32 $0xFFFFFC00, v21  }
0x186: {  	v22 =	vand.u32 $0x7F, v22;
	v16 =	vor.u32 v18, v16;
	v18 =	vadd.s32 v6, v21  }
0x187: {  	v16 =	vor.u32 v14, v16;
	v18 =	vor.u32 v22, v18;
	v17 =	vld.idx.msk [tilespmem:v17+s10+$0x0], $0xffff  }
0x188: {  	[tilespmem:s16+$0xFFFFFEB0] =	vst v15;
	v15 =	vor.u32 v5, v18;
	v19 =	vld.idx.msk [tilespmem:v19+s10+$0x0], $0xffff;
	v18 =	vshll.u32 v20, $0x3  }
0x189: {  	v21 =	vld [tilespmem:$0xC0];
	v18 =	vand.u32 $0xFFFFFC00, v18  }
0x18a: {  	v20 =	vand.u32 $0x7F, v20;
	v18 =	vadd.s32 v7, v18  }
0x18b: {  	v18 =	vor.u32 v20, v18  }
0x18c: {  	v16 =	vld.idx.msk [tilespmem:v16+s10+$0x0], $0xffff;
	v18 =	vor.u32 v8, v18  }
0x18d: {  	v15 =	vld.idx.msk [tilespmem:v15+s10+$0x0], $0xffff;
	[tilespmem:s14+$0x140] =	vst v17  }
0x18e: {  	[tilespmem:s20+$0x30] =	vst v19;
	v17 =	vshll.u32 v21, $0x3;
	v19 =	vld [tilespmem:$0x150]  }
0x18f: {  	v20 =	vld [tilespmem:$0x40];
	v17 =	vand.u32 $0xFFFFFC00, v17  }
0x190: {  	v21 =	vand.u32 $0x7F, v21;
	v17 =	vadd.s32 v10, v17  }
0x191: {  	v17 =	vor.u32 v21, v17;
	[tilespmem:s20+$0xFFFFFE30] =	vst v16;
	v16 =	vld.idx.msk [tilespmem:v18+s10+$0x0], $0xffff  }
0x192: {  	v17 =	vor.u32 v9, v17;
	v18 =	vld [tilespmem:$0x40];
	[tilespmem:s14+$0xFFFFFF40] =	vst v15  }
0x193: {  	v21 =	vld [tilespmem:$0x150];
	v15 =	vshll.u32 v19, $0x3  }
0x194: {  	v22 =	vshll.u32 v20, $0x3;
	v15 =	vand.u32 $0xFFFFFC00, v15  }
0x195: {  	v19 =	vand.u32 $0x7F, v19;
	v22 =	vand.u32 $0xFFFFFC00, v22;
	v15 =	vadd.s32 v4, v15  }
0x196: {  	v20 =	vand.u32 $0x7F, v20;
	v22 =	vadd.s32 v11, v22;
	v15 =	vor.u32 v19, v15  }
0x197: {  	v19 =	vor.u32 v20, v22;
	v17 =	vld.idx.msk [tilespmem:v17+s10+$0x0], $0xffff;
	v20 =	vshll.u32 v18, $0x3;
	[tilespmem:s16+$0xC0] =	vst v16;
	v15 =	vor.u32 v3, v15  }
0x198: {  	v16 =	vor.u32 v12, v19;
	v19 =	vand.u32 $0xFFFFFC00, v20;
	v20 =	vld [tilespmem:$0xD0];
	v22 =	vshll.u32 v21, $0x3  }
0x199: {  	v18 =	vand.u32 $0x7F, v18;
	v19 =	vadd.s32 v13, v19;
	v22 =	vand.u32 $0xFFFFFC00, v22  }
0x19a: {  	v21 =	vand.u32 $0x7F, v21;
	v18 =	vor.u32 v18, v19;
	v19 =	vadd.s32 v6, v22  }
0x19b: {  	v18 =	vor.u32 v14, v18;
	v19 =	vor.u32 v21, v19  }
0x19c: {  	v19 =	vor.u32 v5, v19;
	v15 =	vld.idx.msk [tilespmem:v15+s10+$0x0], $0xffff  }
0x19d: {  	[tilespmem:s16+$0xFFFFFEC0] =	vst v17;
	v16 =	vld.idx.msk [tilespmem:v16+s10+$0x0], $0xffff;
	v17 =	vshll.u32 v20, $0x3  }
0x19e: {  	v21 =	vld [tilespmem:$0xD0];
	v17 =	vand.u32 $0xFFFFFC00, v17  }
0x19f: {  	v20 =	vand.u32 $0x7F, v20;
	v17 =	vadd.s32 v7, v17  }
0x1a0: {  	v18 =	vld.idx.msk [tilespmem:v18+s10+$0x0], $0xffff;
	v17 =	vor.u32 v20, v17  }
0x1a1: {  	v17 =	vor.u32 v8, v17;
	v19 =	vld.idx.msk [tilespmem:v19+s10+$0x0], $0xffff;
	[tilespmem:s14+$0x150] =	vst v15  }
0x1a2: {  	[tilespmem:s20+$0x40] =	vst v16;
	v15 =	vld [tilespmem:$0x160]  }
0x1a3: {  	v16 =	vshll.u32 v21, $0x3;
	v20 =	vld [tilespmem:$0x50]  }
0x1a4: {  	v16 =	vand.u32 $0xFFFFFC00, v16  }
0x1a5: {  	v21 =	vand.u32 $0x7F, v21;
	v16 =	vadd.s32 v10, v16  }
0x1a6: {  	v16 =	vor.u32 v21, v16;
	[tilespmem:s20+$0xFFFFFE40] =	vst v18;
	v17 =	vld.idx.msk [tilespmem:v17+s10+$0x0], $0xffff  }
0x1a7: {  	v16 =	vor.u32 v9, v16;
	v18 =	vld [tilespmem:$0x50];
	[tilespmem:s14+$0xFFFFFF50] =	vst v19;
	v19 =	vshll.u32 v15, $0x3  }
0x1a8: {  	v22 =	vld [tilespmem:$0x160];
	v21 =	vshll.u32 v20, $0x3;
	v19 =	vand.u32 $0xFFFFFC00, v19  }
0x1a9: {  	v15 =	vand.u32 $0x7F, v15;
	v21 =	vand.u32 $0xFFFFFC00, v21;
	v19 =	vadd.s32 v4, v19  }
0x1aa: {  	v20 =	vand.u32 $0x7F, v20;
	v21 =	vadd.s32 v11, v21;
	v15 =	vor.u32 v15, v19  }
0x1ab: {  	v19 =	vor.u32 v20, v21;
	v15 =	vor.u32 v3, v15  }
0x1ac: {  	v16 =	vld.idx.msk [tilespmem:v16+s10+$0x0], $0xffff;
	v20 =	vshll.u32 v18, $0x3;
	[tilespmem:s16+$0xD0] =	vst v17;
	v19 =	vor.u32 v12, v19  }
0x1ad: {  	v17 =	vand.u32 $0xFFFFFC00, v20;
	v20 =	vld [tilespmem:$0xE0];
	v21 =	vshll.u32 v22, $0x3  }
0x1ae: {  	v18 =	vand.u32 $0x7F, v18;
	v17 =	vadd.s32 v13, v17;
	v21 =	vand.u32 $0xFFFFFC00, v21  }
0x1af: {  	v22 =	vand.u32 $0x7F, v22;
	v17 =	vor.u32 v18, v17;
	v18 =	vadd.s32 v6, v21  }
0x1b0: {  	v17 =	vor.u32 v14, v17;
	v18 =	vor.u32 v22, v18;
	v15 =	vld.idx.msk [tilespmem:v15+s10+$0x0], $0xffff  }
0x1b1: {  	[tilespmem:s16+$0xFFFFFED0] =	vst v16;
	v16 =	vor.u32 v5, v18;
	v19 =	vld.idx.msk [tilespmem:v19+s10+$0x0], $0xffff  }
0x1b2: {  	v18 =	vld [tilespmem:$0xE0];
	v21 =	vshll.u32 v20, $0x3  }
0x1b3: {  	v21 =	vand.u32 $0xFFFFFC00, v21  }
0x1b4: {  	v20 =	vand.u32 $0x7F, v20;
	v21 =	vadd.s32 v7, v21  }
0x1b5: {  	v17 =	vld.idx.msk [tilespmem:v17+s10+$0x0], $0xffff;
	v20 =	vor.u32 v20, v21  }
0x1b6: {  	v20 =	vor.u32 v8, v20;
	v16 =	vld.idx.msk [tilespmem:v16+s10+$0x0], $0xffff;
	[tilespmem:s14+$0x160] =	vst v15  }
0x1b7: {  	[tilespmem:s20+$0x50] =	vst v19;
	v15 =	vshll.u32 v18, $0x3;
	v19 =	vld [tilespmem:$0x170]  }
0x1b8: {  	v21 =	vld [tilespmem:$0x60];
	v15 =	vand.u32 $0xFFFFFC00, v15  }
0x1b9: {  	v18 =	vand.u32 $0x7F, v18;
	v15 =	vadd.s32 v10, v15  }
0x1ba: {  	v15 =	vor.u32 v18, v15  }
0x1bb: {  	[tilespmem:s20+$0xFFFFFE50] =	vst v17;
	v15 =	vor.u32 v9, v15;
	v17 =	vld.idx.msk [tilespmem:v20+s10+$0x0], $0xffff  }
0x1bc: {  	v18 =	vld [tilespmem:$0x60];
	[tilespmem:s14+$0xFFFFFF60] =	vst v16;
	v16 =	vshll.u32 v19, $0x3  }
0x1bd: {  	v22 =	vld [tilespmem:$0x170];
	v20 =	vshll.u32 v21, $0x3;
	v16 =	vand.u32 $0xFFFFFC00, v16  }
0x1be: {  	v19 =	vand.u32 $0x7F, v19;
	v20 =	vand.u32 $0xFFFFFC00, v20;
	v16 =	vadd.s32 v4, v16  }
0x1bf: {  	v21 =	vand.u32 $0x7F, v21;
	v20 =	vadd.s32 v11, v20;
	v16 =	vor.u32 v19, v16  }
0x1c0: {  	v19 =	vor.u32 v21, v20;
	v15 =	vld.idx.msk [tilespmem:v15+s10+$0x0], $0xffff;
	[tilespmem:s16+$0xE0] =	vst v17;
	v16 =	vor.u32 v3, v16  }
0x1c1: {  	v17 =	vshll.u32 v18, $0x3;
	v19 =	vor.u32 v12, v19;
	v20 =	vld [tilespmem:$0xF0]  }
0x1c2: {  	v17 =	vand.u32 $0xFFFFFC00, v17;
	v21 =	vshll.u32 v22, $0x3  }
0x1c3: {  	v18 =	vand.u32 $0x7F, v18;
	v17 =	vadd.s32 v13, v17;
	v21 =	vand.u32 $0xFFFFFC00, v21  }
0x1c4: {  	v22 =	vand.u32 $0x7F, v22;
	v17 =	vor.u32 v18, v17;
	v18 =	vadd.s32 v6, v21  }
0x1c5: {  	v17 =	vor.u32 v14, v17;
	v18 =	vor.u32 v22, v18;
	v16 =	vld.idx.msk [tilespmem:v16+s10+$0x0], $0xffff  }
0x1c6: {  	[tilespmem:s16+$0xFFFFFEE0] =	vst v15;
	v15 =	vor.u32 v5, v18;
	v19 =	vld.idx.msk [tilespmem:v19+s10+$0x0], $0xffff;
	v18 =	vshll.u32 v20, $0x3  }
0x1c7: {  	v21 =	vld [tilespmem:$0xF0];
	v18 =	vand.u32 $0xFFFFFC00, v18  }
0x1c8: {  	v20 =	vand.u32 $0x7F, v20;
	v18 =	vadd.s32 v7, v18  }
0x1c9: {  	v18 =	vor.u32 v20, v18  }
0x1ca: {  	v17 =	vld.idx.msk [tilespmem:v17+s10+$0x0], $0xffff;
	v18 =	vor.u32 v8, v18  }
0x1cb: {  	v15 =	vld.idx.msk [tilespmem:v15+s10+$0x0], $0xffff;
	[tilespmem:s14+$0x170] =	vst v16  }
0x1cc: {  	[tilespmem:s20+$0x60] =	vst v19;
	v16 =	vshll.u32 v21, $0x3;
	v19 =	vld [tilespmem:$0x180]  }
0x1cd: {  	v20 =	vld [tilespmem:$0x70];
	v16 =	vand.u32 $0xFFFFFC00, v16  }
0x1ce: {  	v21 =	vand.u32 $0x7F, v21;
	v16 =	vadd.s32 v10, v16  }
0x1cf: {  	v16 =	vor.u32 v21, v16;
	[tilespmem:s20+$0xFFFFFE60] =	vst v17;
	v17 =	vld.idx.msk [tilespmem:v18+s10+$0x0], $0xffff  }
0x1d0: {  	v16 =	vor.u32 v9, v16;
	v18 =	vld [tilespmem:$0x70];
	[tilespmem:s14+$0xFFFFFF70] =	vst v15  }
0x1d1: {  	v21 =	vld [tilespmem:$0x180];
	v15 =	vshll.u32 v19, $0x3  }
0x1d2: {  	v22 =	vshll.u32 v20, $0x3;
	v15 =	vand.u32 $0xFFFFFC00, v15  }
0x1d3: {  	v19 =	vand.u32 $0x7F, v19;
	v22 =	vand.u32 $0xFFFFFC00, v22;
	v15 =	vadd.s32 v4, v15  }
0x1d4: {  	v20 =	vand.u32 $0x7F, v20;
	v22 =	vadd.s32 v11, v22;
	v15 =	vor.u32 v19, v15  }
0x1d5: {  	v19 =	vor.u32 v20, v22;
	v16 =	vld.idx.msk [tilespmem:v16+s10+$0x0], $0xffff;
	v20 =	vshll.u32 v18, $0x3;
	[tilespmem:s16+$0xF0] =	vst v17;
	v15 =	vor.u32 v3, v15  }
0x1d6: {  	v17 =	vor.u32 v12, v19;
	v19 =	vand.u32 $0xFFFFFC00, v20;
	v20 =	vld [tilespmem:$0x100];
	v22 =	vshll.u32 v21, $0x3  }
0x1d7: {  	v18 =	vand.u32 $0x7F, v18;
	v19 =	vadd.s32 v13, v19;
	v22 =	vand.u32 $0xFFFFFC00, v22  }
0x1d8: {  	v21 =	vand.u32 $0x7F, v21;
	v18 =	vor.u32 v18, v19;
	v19 =	vadd.s32 v6, v22  }
0x1d9: {  	v18 =	vor.u32 v14, v18;
	v19 =	vor.u32 v21, v19  }
0x1da: {  	v19 =	vor.u32 v5, v19;
	v15 =	vld.idx.msk [tilespmem:v15+s10+$0x0], $0xffff  }
0x1db: {  	[tilespmem:s16+$0xFFFFFEF0] =	vst v16;
	v17 =	vld.idx.msk [tilespmem:v17+s10+$0x0], $0xffff;
	v16 =	vshll.u32 v20, $0x3  }
0x1dc: {  	v21 =	vld [tilespmem:$0x100];
	v16 =	vand.u32 $0xFFFFFC00, v16  }
0x1dd: {  	v20 =	vand.u32 $0x7F, v20;
	v16 =	vadd.s32 v7, v16  }
0x1de: {  	v18 =	vld.idx.msk [tilespmem:v18+s10+$0x0], $0xffff;
	v16 =	vor.u32 v20, v16  }
0x1df: {  	v16 =	vor.u32 v8, v16;
	v19 =	vld.idx.msk [tilespmem:v19+s10+$0x0], $0xffff;
	[tilespmem:s14+$0x180] =	vst v15  }
0x1e0: {  	[tilespmem:s20+$0x70] =	vst v17;
	v15 =	vld [tilespmem:$0x190]  }
0x1e1: {  	v17 =	vshll.u32 v21, $0x3;
	v20 =	vld [tilespmem:$0x80]  }
0x1e2: {  	v17 =	vand.u32 $0xFFFFFC00, v17  }
0x1e3: {  	v21 =	vand.u32 $0x7F, v21;
	v17 =	vadd.s32 v10, v17  }
0x1e4: {  	v17 =	vor.u32 v21, v17;
	[tilespmem:s20+$0xFFFFFE70] =	vst v18;
	v16 =	vld.idx.msk [tilespmem:v16+s10+$0x0], $0xffff  }
0x1e5: {  	v17 =	vor.u32 v9, v17;
	v18 =	vld [tilespmem:$0x80];
	[tilespmem:s14+$0xFFFFFF80] =	vst v19;
	v19 =	vshll.u32 v15, $0x3  }
0x1e6: {  	v23 =	vld [tilespmem:$0x190];
	v21 =	vshll.u32 v20, $0x3;
	v19 =	vand.u32 $0xFFFFFC00, v19  }
0x1e7: {  	v15 =	vand.u32 $0x7F, v15;
	v21 =	vand.u32 $0xFFFFFC00, v21;
	v19 =	vadd.s32 v4, v19  }
0x1e8: {  	v20 =	vand.u32 $0x7F, v20;
	v21 =	vadd.s32 v11, v21;
	v15 =	vor.u32 v15, v19  }
0x1e9: {  	v20 =	vor.u32 v20, v21;
	v15 =	vor.u32 v3, v15  }
0x1ea: {  	v19 =	vld.idx.msk [tilespmem:v17+s10+$0x0], $0xffff;
	v21 =	vand.u32 $0x7F, v18;
	v17 =	vshll.u32 v18, $0x3;
	[tilespmem:s16+$0x100] =	vst v16;
	v20 =	vor.u32 v12, v20  }
0x1eb: {  	s21 =	simm.s32 $0x4;
	s18 =	smov.u32 s20;
	s19 =	smov.u32 s14;
	v22 =	vand.u32 $0xFFFFFC00, v17;
	v18 =	vld [tilespmem:$0x110];
	v16 =	vand.u32 $0x7F, v23;
	v17 =	vshll.u32 v23, $0x3  }
.LBB2_4:
0x1ec: {  	v23 =	vld [tilespmem:$0x0];
	v22 =	vadd.s32 v13, v22;
	v17 =	vand.u32 $0xFFFFFC00, v17;
	s22 =	smov.u32 s21;
	s21 =	sadd.s32 $0x2, s21  }
0x1ed: {  	s22 =	sadd.s32 s22, s17;
	p1 =	slt.u32 s21, $0x6;
	v21 =	vor.u32 v21, v22;
	v17 =	vadd.s32 v6, v17  }
0x1ee: {  	s23 =	sadd.s32 $0x2, s22;
	s22 =	sadd.s32 $0x3, s22;
	v21 =	vor.u32 v14, v21;
	v16 =	vor.u32 v16, v17;
	v15 =	vld.idx.msk [tilespmem:v15+s10+$0x0], $0xffff  }
0x1ef: {  	v22 =	vmov s23;
	v17 =	vmov s22;
	v20 =	vld.idx.msk [tilespmem:v20+s10+$0x0], $0xffff;
	[tilespmem:s16+$0xFFFFFF00] =	vst v19;
	v16 =	vor.u32 v5, v16  }
0x1f0: {  	v19 =	vshll.u32 v17, $0xB;
	v24 =	vshll.u32 v17, $0x7;
	v25 =	vld [tilespmem:$0x110];
	v26 =	vshll.u32 v18, $0x3  }
0x1f1: {  	v27 =	vshll.u32 v23, $0x3;
	v17 =	vand.u32 $0x4000, v19;
	v19 =	vand.u32 $0xFFFFFC00, v26  }
0x1f2: {  	v18 =	vand.u32 $0x7F, v18;
	v26 =	vand.u32 $0xFFFFFC00, v27;
	v19 =	vadd.s32 v7, v19  }
0x1f3: {  	v23 =	vand.u32 $0x7F, v23;
	v27 =	vadd.s32 v17, v26;
	v21 =	vld.idx.msk [tilespmem:v21+s10+$0x0], $0xffff;
	v19 =	vor.u32 v18, v19  }
0x1f4: {  	v18 =	vand.u32 $0x380, v24;
	v24 =	vor.u32 v23, v27;
	v19 =	vor.u32 v8, v19;
	v27 =	vld.idx.msk [tilespmem:v16+s10+$0x0], $0xffff;
	[tilespmem:s19+$0x190] =	vst v15  }
0x1f5: {  	v15 =	vshll.u32 v22, $0xB;
	v22 =	vshll.u32 v22, $0x7;
	v24 =	vor.u32 v18, v24;
	[tilespmem:s20+$0x80] =	vst v20;
	v20 =	vld [tilespmem:$0x1A0]  }
0x1f6: {  	v16 =	vand.u32 $0x4000, v15;
	v15 =	vand.u32 $0x300, v22;
	v28 =	vshll.u32 v25, $0x3;
	v22 =	vld [tilespmem:$0x90]  }
0x1f7: {  	v25 =	vand.u32 $0x7F, v25;
	v26 =	vadd.s32 v16, v26;
	v28 =	vand.u32 $0xFFFFFC00, v28  }
0x1f8: {  	v23 =	vor.u32 v23, v26;
	v26 =	vadd.s32 v10, v28  }
0x1f9: {  	v23 =	vor.u32 v15, v23;
	[tilespmem:s20+$0xFFFFFE80] =	vst v21;
	v21 =	vor.u32 v25, v26;
	v19 =	vld.idx.msk [tilespmem:v19+s10+$0x0], $0xffff  }
0x1fa: {  	v24 =	vld.idx.msk [tilespmem:v24+s10+$0x0], $0xffff;
	v21 =	vor.u32 v9, v21;
	[tilespmem:s19+$0xFFFFFF90] =	vst v27;
	v25 =	vshll.u32 v20, $0x3  }
0x1fb: {  	v26 =	vld [tilespmem:$0x90];
	v27 =	vshll.u32 v22, $0x3;
	v25 =	vand.u32 $0xFFFFFC00, v25  }
0x1fc: {  	v20 =	vand.u32 $0x7F, v20;
	v27 =	vand.u32 $0xFFFFFC00, v27;
	v28 =	vld [tilespmem:$0x1A0];
	v25 =	vadd.s32 v4, v25  }
0x1fd: {  	v22 =	vand.u32 $0x7F, v22;
	v27 =	vadd.s32 v11, v27;
	v20 =	vor.u32 v20, v25  }
0x1fe: {  	v23 =	vld.idx.msk [tilespmem:v23+s10+$0x0], $0xffff;
	v22 =	vor.u32 v22, v27;
	v20 =	vor.u32 v3, v20  }
0x1ff: {  	s20 =	sadd.s32 $0x400, s20;
	v22 =	vor.u32 v12, v22;
	v21 =	vld.idx.msk [tilespmem:v21+s10+$0x0], $0xffff;
	[tilespmem:s16+$0x110] =	vst v19  }
0x200: {  	[tilespmem:s20+$0x0] =	vst v24;
	v19 =	vand.u32 $0x7F, v26;
	v24 =	vshll.u32 v26, $0x3;
	v25 =	vld [tilespmem:$0x120]  }
0x201: {  	v26 =	vld [tilespmem:$0x10];
	v24 =	vand.u32 $0xFFFFFC00, v24;
	v27 =	vand.u32 $0x7F, v28;
	v28 =	vshll.u32 v28, $0x3  }
0x202: {  	v24 =	vadd.s32 v13, v24;
	v28 =	vand.u32 $0xFFFFFC00, v28  }
0x203: {  	v19 =	vor.u32 v19, v24;
	v24 =	vadd.s32 v6, v28;
	v20 =	vld.idx.msk [tilespmem:v20+s10+$0x0], $0xffff  }
0x204: {  	[tilespmem:s20+$0xFFFFFE00] =	vst v23;
	v19 =	vor.u32 v14, v19;
	v22 =	vld.idx.msk [tilespmem:v22+s10+$0x0], $0xffff;
	v23 =	vor.u32 v27, v24  }
0x205: {  	v24 =	vld [tilespmem:$0x10];
	[tilespmem:s16+$0xFFFFFF10] =	vst v21;
	v21 =	vshll.u32 v25, $0x3;
	v23 =	vor.u32 v5, v23  }
0x206: {  	v27 =	vshll.u32 v26, $0x3;
	v28 =	vld [tilespmem:$0x120];
	v21 =	vand.u32 $0xFFFFFC00, v21  }
0x207: {  	v25 =	vand.u32 $0x7F, v25;
	v27 =	vand.u32 $0xFFFFFC00, v27;
	v21 =	vadd.s32 v7, v21  }
0x208: {  	v26 =	vand.u32 $0x7F, v26;
	v27 =	vadd.s32 v17, v27;
	v21 =	vor.u32 v25, v21  }
0x209: {  	v25 =	vor.u32 v26, v27;
	v19 =	vld.idx.msk [tilespmem:v19+s10+$0x0], $0xffff;
	v21 =	vor.u32 v8, v21;
	[tilespmem:s19+$0x1A0] =	vst v20  }
0x20a: {  	v20 =	vand.u32 $0x7F, v24;
	v24 =	vshll.u32 v24, $0x3;
	v25 =	vor.u32 v18, v25;
	[tilespmem:s18+$0x90] =	vst v22;
	v22 =	vld [tilespmem:$0x1B0]  }
0x20b: {  	v24 =	vand.u32 $0xFFFFFC00, v24;
	v26 =	vld [tilespmem:$0xA0];
	v27 =	vand.u32 $0x7F, v28;
	v28 =	vshll.u32 v28, $0x3  }
0x20c: {  	v24 =	vadd.s32 v16, v24;
	v28 =	vand.u32 $0xFFFFFC00, v28;
	v23 =	vld.idx.msk [tilespmem:v23+s10+$0x0], $0xffff  }
0x20d: {  	v20 =	vor.u32 v20, v24;
	v24 =	vadd.s32 v10, v28  }
0x20e: {  	v20 =	vor.u32 v15, v20;
	v24 =	vor.u32 v27, v24;
	v21 =	vld.idx.msk [tilespmem:v21+s10+$0x0], $0xffff  }
0x20f: {  	v25 =	vld.idx.msk [tilespmem:v25+s10+$0x0], $0xffff;
	[tilespmem:s18+$0xFFFFFE90] =	vst v19;
	v19 =	vor.u32 v9, v24;
	v24 =	vshll.u32 v22, $0x3  }
0x210: {  	v27 =	vld [tilespmem:$0xA0];
	v28 =	vshll.u32 v26, $0x3;
	v24 =	vand.u32 $0xFFFFFC00, v24  }
0x211: {  	v22 =	vand.u32 $0x7F, v22;
	v28 =	vand.u32 $0xFFFFFC00, v28;
	v24 =	vadd.s32 v4, v24  }
0x212: {  	v26 =	vand.u32 $0x7F, v26;
	v28 =	vadd.s32 v11, v28;
	[tilespmem:s19+$0xFFFFFFA0] =	vst v23;
	v22 =	vor.u32 v22, v24  }
0x213: {  	v20 =	vld.idx.msk [tilespmem:v20+s10+$0x0], $0xffff;
	v23 =	vor.u32 v26, v28;
	v22 =	vor.u32 v3, v22  }
0x214: {  	v23 =	vor.u32 v12, v23;
	v19 =	vld.idx.msk [tilespmem:v19+s10+$0x0], $0xffff;
	[tilespmem:s16+$0x120] =	vst v21  }
0x215: {  	[tilespmem:s20+$0x10] =	vst v25;
	v21 =	vand.u32 $0x7F, v27;
	v24 =	vshll.u32 v27, $0x3;
	v25 =	vld [tilespmem:$0x130]  }
0x216: {  	v26 =	vld [tilespmem:$0x20];
	v24 =	vand.u32 $0xFFFFFC00, v24  }
0x217: {  	v24 =	vadd.s32 v13, v24;
	v27 =	vld [tilespmem:$0x1B0]  }
0x218: {  	v21 =	vor.u32 v21, v24;
	v22 =	vld.idx.msk [tilespmem:v22+s10+$0x0], $0xffff  }
0x219: {  	[tilespmem:s20+$0xFFFFFE10] =	vst v20;
	v20 =	vor.u32 v14, v21;
	v21 =	vld.idx.msk [tilespmem:v23+s10+$0x0], $0xffff  }
0x21a: {  	v23 =	vld [tilespmem:$0x20];
	[tilespmem:s16+$0xFFFFFF20] =	vst v19;
	v19 =	vshll.u32 v25, $0x3  }
0x21b: {  	v24 =	vshll.u32 v26, $0x3;
	v28 =	vld [tilespmem:$0x130];
	v19 =	vand.u32 $0xFFFFFC00, v19  }
0x21c: {  	v25 =	vand.u32 $0x7F, v25;
	v24 =	vand.u32 $0xFFFFFC00, v24;
	v19 =	vadd.s32 v7, v19  }
0x21d: {  	v26 =	vand.u32 $0x7F, v26;
	v24 =	vadd.s32 v17, v24;
	v19 =	vor.u32 v25, v19  }
0x21e: {  	v25 =	vshll.u32 v27, $0x3;
	v24 =	vor.u32 v26, v24;
	v20 =	vld.idx.msk [tilespmem:v20+s10+$0x0], $0xffff;
	v19 =	vor.u32 v8, v19;
	[tilespmem:s19+$0x1B0] =	vst v22  }
0x21f: {  	v22 =	vand.u32 $0x7F, v23;
	v23 =	vshll.u32 v23, $0x3;
	v24 =	vor.u32 v18, v24;
	[tilespmem:s18+$0xA0] =	vst v21;
	v21 =	vld [tilespmem:$0x1C0]  }
0x220: {  	v23 =	vand.u32 $0xFFFFFC00, v23;
	v26 =	vld [tilespmem:$0xB0];
	v29 =	vand.u32 $0x7F, v28;
	v28 =	vshll.u32 v28, $0x3  }
0x221: {  	v25 =	vand.u32 $0xFFFFFC00, v25;
	v23 =	vadd.s32 v16, v23;
	v28 =	vand.u32 $0xFFFFFC00, v28  }
0x222: {  	v25 =	vadd.s32 v6, v25;
	v22 =	vor.u32 v22, v23;
	v23 =	vadd.s32 v10, v28  }
0x223: {  	v27 =	vand.u32 $0x7F, v27;
	v22 =	vor.u32 v15, v22;
	v23 =	vor.u32 v29, v23;
	v19 =	vld.idx.msk [tilespmem:v19+s10+$0x0], $0xffff  }
0x224: {  	v24 =	vld.idx.msk [tilespmem:v24+s10+$0x0], $0xffff;
	[tilespmem:s18+$0xFFFFFEA0] =	vst v20;
	v20 =	vor.u32 v9, v23;
	v23 =	vor.u32 v27, v25;
	v25 =	vshll.u32 v21, $0x3  }
0x225: {  	v27 =	vld [tilespmem:$0xB0];
	v28 =	vshll.u32 v26, $0x3;
	v23 =	vor.u32 v5, v23;
	v25 =	vand.u32 $0xFFFFFC00, v25  }
0x226: {  	v21 =	vand.u32 $0x7F, v21;
	v28 =	vand.u32 $0xFFFFFC00, v28;
	v25 =	vadd.s32 v4, v25  }
0x227: {  	v26 =	vand.u32 $0x7F, v26;
	v28 =	vadd.s32 v11, v28;
	v21 =	vor.u32 v21, v25  }
0x228: {  	v22 =	vld.idx.msk [tilespmem:v22+s10+$0x0], $0xffff;
	v25 =	vor.u32 v26, v28;
	v21 =	vor.u32 v3, v21  }
0x229: {  	v25 =	vor.u32 v12, v25;
	v20 =	vld.idx.msk [tilespmem:v20+s10+$0x0], $0xffff;
	[tilespmem:s16+$0x130] =	vst v19  }
0x22a: {  	[tilespmem:s20+$0x20] =	vst v24;
	v19 =	vand.u32 $0x7F, v27;
	v24 =	vshll.u32 v27, $0x3;
	v26 =	vld [tilespmem:$0x140]  }
0x22b: {  	v27 =	vld [tilespmem:$0x30];
	v24 =	vand.u32 $0xFFFFFC00, v24  }
0x22c: {  	v24 =	vadd.s32 v13, v24;
	v23 =	vld.idx.msk [tilespmem:v23+s10+$0x0], $0xffff  }
0x22d: {  	v19 =	vor.u32 v19, v24;
	v21 =	vld.idx.msk [tilespmem:v21+s10+$0x0], $0xffff  }
0x22e: {  	[tilespmem:s20+$0xFFFFFE20] =	vst v22;
	v19 =	vor.u32 v14, v19;
	v22 =	vld.idx.msk [tilespmem:v25+s10+$0x0], $0xffff  }
0x22f: {  	v24 =	vld [tilespmem:$0x30];
	[tilespmem:s16+$0xFFFFFF30] =	vst v20;
	v20 =	vshll.u32 v26, $0x3  }
0x230: {  	v25 =	vshll.u32 v27, $0x3;
	v28 =	vld [tilespmem:$0x140];
	v20 =	vand.u32 $0xFFFFFC00, v20  }
0x231: {  	v26 =	vand.u32 $0x7F, v26;
	v25 =	vand.u32 $0xFFFFFC00, v25;
	v20 =	vadd.s32 v7, v20  }
0x232: {  	v27 =	vand.u32 $0x7F, v27;
	v25 =	vadd.s32 v17, v25;
	v20 =	vor.u32 v26, v20;
	[tilespmem:s19+$0xFFFFFFB0] =	vst v23  }
0x233: {  	v23 =	vor.u32 v27, v25;
	v19 =	vld.idx.msk [tilespmem:v19+s10+$0x0], $0xffff;
	v20 =	vor.u32 v8, v20;
	[tilespmem:s19+$0x1C0] =	vst v21  }
0x234: {  	v21 =	vand.u32 $0x7F, v24;
	v24 =	vshll.u32 v24, $0x3;
	v23 =	vor.u32 v18, v23;
	[tilespmem:s18+$0xB0] =	vst v22;
	v22 =	vld [tilespmem:$0x1D0]  }
0x235: {  	v24 =	vand.u32 $0xFFFFFC00, v24;
	v25 =	vld [tilespmem:$0xC0];
	v26 =	vand.u32 $0x7F, v28;
	v27 =	vshll.u32 v28, $0x3  }
0x236: {  	v24 =	vadd.s32 v16, v24;
	v27 =	vand.u32 $0xFFFFFC00, v27;
	v28 =	vld [tilespmem:$0x1C0]  }
0x237: {  	v21 =	vor.u32 v21, v24;
	v24 =	vadd.s32 v10, v27  }
0x238: {  	v21 =	vor.u32 v15, v21;
	v24 =	vor.u32 v26, v24;
	v20 =	vld.idx.msk [tilespmem:v20+s10+$0x0], $0xffff  }
0x239: {  	v23 =	vld.idx.msk [tilespmem:v23+s10+$0x0], $0xffff;
	[tilespmem:s18+$0xFFFFFEB0] =	vst v19;
	v19 =	vor.u32 v9, v24;
	v24 =	vshll.u32 v22, $0x3  }
0x23a: {  	v26 =	vld [tilespmem:$0xC0];
	v27 =	vshll.u32 v25, $0x3;
	v24 =	vand.u32 $0xFFFFFC00, v24  }
0x23b: {  	v22 =	vand.u32 $0x7F, v22;
	v27 =	vand.u32 $0xFFFFFC00, v27;
	v24 =	vadd.s32 v4, v24  }
0x23c: {  	v25 =	vand.u32 $0x7F, v25;
	v27 =	vadd.s32 v11, v27;
	v22 =	vor.u32 v22, v24  }
0x23d: {  	v21 =	vld.idx.msk [tilespmem:v21+s10+$0x0], $0xffff;
	v24 =	vor.u32 v25, v27;
	v25 =	vshll.u32 v28, $0x3;
	v22 =	vor.u32 v3, v22  }
0x23e: {  	v24 =	vor.u32 v12, v24;
	v19 =	vld.idx.msk [tilespmem:v19+s10+$0x0], $0xffff;
	[tilespmem:s16+$0x140] =	vst v20;
	v20 =	vand.u32 $0x7F, v28;
	v25 =	vand.u32 $0xFFFFFC00, v25  }
0x23f: {  	[tilespmem:s20+$0x30] =	vst v23;
	v23 =	vand.u32 $0x7F, v26;
	v26 =	vshll.u32 v26, $0x3;
	v27 =	vld [tilespmem:$0x150];
	v25 =	vadd.s32 v6, v25  }
0x240: {  	v28 =	vld [tilespmem:$0x40];
	v26 =	vand.u32 $0xFFFFFC00, v26;
	v20 =	vor.u32 v20, v25  }
0x241: {  	v25 =	vadd.s32 v13, v26;
	v20 =	vor.u32 v5, v20  }
0x242: {  	v23 =	vor.u32 v23, v25;
	v22 =	vld.idx.msk [tilespmem:v22+s10+$0x0], $0xffff  }
0x243: {  	[tilespmem:s20+$0xFFFFFE30] =	vst v21;
	v21 =	vor.u32 v14, v23;
	v23 =	vld.idx.msk [tilespmem:v24+s10+$0x0], $0xffff  }
0x244: {  	v24 =	vld [tilespmem:$0x40];
	[tilespmem:s16+$0xFFFFFF40] =	vst v19;
	v19 =	vshll.u32 v27, $0x3  }
0x245: {  	v25 =	vshll.u32 v28, $0x3;
	v26 =	vld [tilespmem:$0x150];
	v19 =	vand.u32 $0xFFFFFC00, v19  }
0x246: {  	v27 =	vand.u32 $0x7F, v27;
	v25 =	vand.u32 $0xFFFFFC00, v25;
	v19 =	vadd.s32 v7, v19;
	v20 =	vld.idx.msk [tilespmem:v20+s10+$0x0], $0xffff  }
0x247: {  	v28 =	vand.u32 $0x7F, v28;
	v25 =	vadd.s32 v17, v25;
	v19 =	vor.u32 v27, v19  }
0x248: {  	v25 =	vor.u32 v28, v25;
	v21 =	vld.idx.msk [tilespmem:v21+s10+$0x0], $0xffff;
	v19 =	vor.u32 v8, v19;
	[tilespmem:s19+$0x1D0] =	vst v22  }
0x249: {  	v22 =	vand.u32 $0x7F, v24;
	v24 =	vshll.u32 v24, $0x3;
	v25 =	vor.u32 v18, v25;
	[tilespmem:s18+$0xC0] =	vst v23;
	v23 =	vld [tilespmem:$0x1E0]  }
0x24a: {  	v24 =	vand.u32 $0xFFFFFC00, v24;
	v27 =	vld [tilespmem:$0xD0];
	v28 =	vand.u32 $0x7F, v26;
	v26 =	vshll.u32 v26, $0x3  }
0x24b: {  	v24 =	vadd.s32 v16, v24;
	v26 =	vand.u32 $0xFFFFFC00, v26  }
0x24c: {  	v22 =	vor.u32 v22, v24;
	v24 =	vadd.s32 v10, v26;
	[tilespmem:s19+$0xFFFFFFC0] =	vst v20  }
0x24d: {  	v20 =	vor.u32 v15, v22;
	v22 =	vor.u32 v28, v24;
	v19 =	vld.idx.msk [tilespmem:v19+s10+$0x0], $0xffff  }
0x24e: {  	v24 =	vld.idx.msk [tilespmem:v25+s10+$0x0], $0xffff;
	[tilespmem:s18+$0xFFFFFEC0] =	vst v21;
	v21 =	vor.u32 v9, v22;
	v22 =	vshll.u32 v23, $0x3  }
0x24f: {  	v25 =	vld [tilespmem:$0xD0];
	v26 =	vshll.u32 v27, $0x3;
	v22 =	vand.u32 $0xFFFFFC00, v22  }
0x250: {  	v23 =	vand.u32 $0x7F, v23;
	v26 =	vand.u32 $0xFFFFFC00, v26;
	v28 =	vld [tilespmem:$0x1D0];
	v22 =	vadd.s32 v4, v22  }
0x251: {  	v27 =	vand.u32 $0x7F, v27;
	v26 =	vadd.s32 v11, v26;
	v22 =	vor.u32 v23, v22  }
0x252: {  	v20 =	vld.idx.msk [tilespmem:v20+s10+$0x0], $0xffff;
	v23 =	vor.u32 v27, v26;
	v22 =	vor.u32 v3, v22  }
0x253: {  	v23 =	vor.u32 v12, v23;
	v21 =	vld.idx.msk [tilespmem:v21+s10+$0x0], $0xffff;
	[tilespmem:s16+$0x150] =	vst v19  }
0x254: {  	[tilespmem:s20+$0x40] =	vst v24;
	v19 =	vand.u32 $0x7F, v25;
	v24 =	vshll.u32 v25, $0x3;
	v25 =	vld [tilespmem:$0x160]  }
0x255: {  	v26 =	vld [tilespmem:$0x50];
	v24 =	vand.u32 $0xFFFFFC00, v24;
	v27 =	vand.u32 $0x7F, v28;
	v28 =	vshll.u32 v28, $0x3  }
0x256: {  	v24 =	vadd.s32 v13, v24;
	v28 =	vand.u32 $0xFFFFFC00, v28  }
0x257: {  	v19 =	vor.u32 v19, v24;
	v24 =	vadd.s32 v6, v28;
	v22 =	vld.idx.msk [tilespmem:v22+s10+$0x0], $0xffff  }
0x258: {  	[tilespmem:s20+$0xFFFFFE40] =	vst v20;
	v19 =	vor.u32 v14, v19;
	v20 =	vld.idx.msk [tilespmem:v23+s10+$0x0], $0xffff;
	v23 =	vor.u32 v27, v24  }
0x259: {  	v24 =	vld [tilespmem:$0x50];
	[tilespmem:s16+$0xFFFFFF50] =	vst v21;
	v21 =	vshll.u32 v25, $0x3;
	v23 =	vor.u32 v5, v23  }
0x25a: {  	v27 =	vshll.u32 v26, $0x3;
	v28 =	vld [tilespmem:$0x160];
	v21 =	vand.u32 $0xFFFFFC00, v21  }
0x25b: {  	v25 =	vand.u32 $0x7F, v25;
	v27 =	vand.u32 $0xFFFFFC00, v27;
	v21 =	vadd.s32 v7, v21  }
0x25c: {  	v26 =	vand.u32 $0x7F, v26;
	v27 =	vadd.s32 v17, v27;
	v21 =	vor.u32 v25, v21  }
0x25d: {  	v25 =	vor.u32 v26, v27;
	v19 =	vld.idx.msk [tilespmem:v19+s10+$0x0], $0xffff;
	v21 =	vor.u32 v8, v21;
	[tilespmem:s19+$0x1E0] =	vst v22  }
0x25e: {  	v22 =	vand.u32 $0x7F, v24;
	v24 =	vshll.u32 v24, $0x3;
	v25 =	vor.u32 v18, v25;
	[tilespmem:s18+$0xD0] =	vst v20;
	v20 =	vld [tilespmem:$0x1F0]  }
0x25f: {  	v24 =	vand.u32 $0xFFFFFC00, v24;
	v26 =	vld [tilespmem:$0xE0];
	v27 =	vand.u32 $0x7F, v28;
	v28 =	vshll.u32 v28, $0x3  }
0x260: {  	v24 =	vadd.s32 v16, v24;
	v28 =	vand.u32 $0xFFFFFC00, v28;
	v23 =	vld.idx.msk [tilespmem:v23+s10+$0x0], $0xffff  }
0x261: {  	v22 =	vor.u32 v22, v24;
	v24 =	vadd.s32 v10, v28  }
0x262: {  	v22 =	vor.u32 v15, v22;
	v24 =	vor.u32 v27, v24;
	v21 =	vld.idx.msk [tilespmem:v21+s10+$0x0], $0xffff  }
0x263: {  	v25 =	vld.idx.msk [tilespmem:v25+s10+$0x0], $0xffff;
	[tilespmem:s18+$0xFFFFFED0] =	vst v19;
	v19 =	vor.u32 v9, v24;
	v24 =	vshll.u32 v20, $0x3  }
0x264: {  	v27 =	vld [tilespmem:$0xE0];
	v28 =	vshll.u32 v26, $0x3;
	v24 =	vand.u32 $0xFFFFFC00, v24  }
0x265: {  	v20 =	vand.u32 $0x7F, v20;
	v28 =	vand.u32 $0xFFFFFC00, v28;
	v24 =	vadd.s32 v4, v24;
	v4 =	vmovc v7;
	v7 =	vmovc v11  }
0x266: {  	v26 =	vand.u32 $0x7F, v26;
	v11 =	vmovc v17;
	v28 =	vadd.s32 v7, v28;
	[tilespmem:s19+$0xFFFFFFD0] =	vst v23;
	v20 =	vor.u32 v20, v24  }
0x267: {  	v17 =	vld.idx.msk [tilespmem:v22+s10+$0x0], $0xffff;
	v22 =	vor.u32 v26, v28;
	v20 =	vor.u32 v3, v20;
	v3 =	vmovc v8;
	v8 =	vmov v12  }
0x268: {  	v12 =	vmov v18;
	v22 =	vor.u32 v8, v22;
	v19 =	vld.idx.msk [tilespmem:v19+s10+$0x0], $0xffff;
	[tilespmem:s16+$0x160] =	vst v21  }
0x269: {  	[tilespmem:s20+$0x50] =	vst v25;
	v18 =	vand.u32 $0x7F, v27;
	v21 =	vshll.u32 v27, $0x3;
	v23 =	vld [tilespmem:$0x170]  }
0x26a: {  	v24 =	vld [tilespmem:$0x60];
	v21 =	vand.u32 $0xFFFFFC00, v21  }
0x26b: {  	v21 =	vadd.s32 v13, v21;
	v25 =	vld [tilespmem:$0x1E0]  }
0x26c: {  	v18 =	vor.u32 v18, v21;
	v20 =	vld.idx.msk [tilespmem:v20+s10+$0x0], $0xffff  }
0x26d: {  	[tilespmem:s20+$0xFFFFFE50] =	vst v17;
	v17 =	vor.u32 v14, v18;
	v18 =	vld.idx.msk [tilespmem:v22+s10+$0x0], $0xffff  }
0x26e: {  	v21 =	vld [tilespmem:$0x60];
	[tilespmem:s16+$0xFFFFFF60] =	vst v19;
	v19 =	vshll.u32 v23, $0x3  }
0x26f: {  	v22 =	vshll.u32 v24, $0x3;
	v26 =	vld [tilespmem:$0x170];
	v19 =	vand.u32 $0xFFFFFC00, v19  }
0x270: {  	v23 =	vand.u32 $0x7F, v23;
	v22 =	vand.u32 $0xFFFFFC00, v22;
	v19 =	vadd.s32 v4, v19  }
0x271: {  	v24 =	vand.u32 $0x7F, v24;
	v22 =	vadd.s32 v11, v22;
	v19 =	vor.u32 v23, v19  }
0x272: {  	v23 =	vshll.u32 v25, $0x3;
	v22 =	vor.u32 v24, v22;
	v17 =	vld.idx.msk [tilespmem:v17+s10+$0x0], $0xffff;
	v19 =	vor.u32 v3, v19;
	[tilespmem:s19+$0x1F0] =	vst v20  }
0x273: {  	v20 =	vand.u32 $0x7F, v21;
	v21 =	vshll.u32 v21, $0x3;
	v22 =	vor.u32 v12, v22;
	[tilespmem:s18+$0xE0] =	vst v18  }
0x274: {  	v18 =	vand.u32 $0xFFFFFC00, v21;
	v21 =	vld [tilespmem:$0xF0];
	v24 =	vand.u32 $0x7F, v26;
	v26 =	vshll.u32 v26, $0x3  }
0x275: {  	v23 =	vand.u32 $0xFFFFFC00, v23;
	v18 =	vadd.s32 v16, v18;
	v26 =	vand.u32 $0xFFFFFC00, v26  }
0x276: {  	v23 =	vadd.s32 v6, v23;
	v18 =	vor.u32 v20, v18;
	v20 =	vadd.s32 v10, v26  }
0x277: {  	v18 =	vor.u32 v15, v18;
	v20 =	vor.u32 v24, v20;
	v19 =	vld.idx.msk [tilespmem:v19+s10+$0x0], $0xffff;
	v24 =	vand.u32 $0x7F, v25  }
0x278: {  	v22 =	vld.idx.msk [tilespmem:v22+s10+$0x0], $0xffff;
	[tilespmem:s18+$0xFFFFFEE0] =	vst v17;
	v17 =	vor.u32 v9, v20;
	v20 =	vor.u32 v24, v23  }
0x279: {  	v23 =	vld [tilespmem:$0xF0];
	v24 =	vshll.u32 v21, $0x3;
	v20 =	vor.u32 v5, v20  }
0x27a: {  	v24 =	vand.u32 $0xFFFFFC00, v24  }
0x27b: {  	v21 =	vand.u32 $0x7F, v21;
	v24 =	vadd.s32 v7, v24  }
0x27c: {  	v18 =	vld.idx.msk [tilespmem:v18+s10+$0x0], $0xffff;
	v21 =	vor.u32 v21, v24  }
0x27d: {  	v21 =	vor.u32 v8, v21;
	v17 =	vld.idx.msk [tilespmem:v17+s10+$0x0], $0xffff;
	[tilespmem:s16+$0x170] =	vst v19  }
0x27e: {  	[tilespmem:s20+$0x60] =	vst v22;
	v19 =	vand.u32 $0x7F, v23;
	v22 =	vshll.u32 v23, $0x3;
	v23 =	vld [tilespmem:$0x180]  }
0x27f: {  	v24 =	vld [tilespmem:$0x70];
	v22 =	vand.u32 $0xFFFFFC00, v22  }
0x280: {  	v22 =	vadd.s32 v13, v22;
	v20 =	vld.idx.msk [tilespmem:v20+s10+$0x0], $0xffff  }
0x281: {  	v19 =	vor.u32 v19, v22  }
0x282: {  	[tilespmem:s20+$0xFFFFFE60] =	vst v18;
	v18 =	vor.u32 v14, v19;
	v19 =	vld.idx.msk [tilespmem:v21+s10+$0x0], $0xffff  }
0x283: {  	v21 =	vld [tilespmem:$0x70];
	[tilespmem:s16+$0xFFFFFF70] =	vst v17;
	v17 =	vshll.u32 v23, $0x3  }
0x284: {  	v22 =	vshll.u32 v24, $0x3;
	v25 =	vld [tilespmem:$0x180];
	v17 =	vand.u32 $0xFFFFFC00, v17  }
0x285: {  	v23 =	vand.u32 $0x7F, v23;
	v22 =	vand.u32 $0xFFFFFC00, v22;
	v17 =	vadd.s32 v4, v17  }
0x286: {  	v24 =	vand.u32 $0x7F, v24;
	v22 =	vadd.s32 v11, v22;
	v17 =	vor.u32 v23, v17;
	[tilespmem:s19+$0xFFFFFFE0] =	vst v20  }
0x287: {  	v20 =	vor.u32 v24, v22;
	v18 =	vld.idx.msk [tilespmem:v18+s10+$0x0], $0xffff;
	v17 =	vor.u32 v3, v17  }
0x288: {  	v22 =	vand.u32 $0x7F, v21;
	v21 =	vshll.u32 v21, $0x3;
	v20 =	vor.u32 v12, v20;
	[tilespmem:s18+$0xF0] =	vst v19;
	v19 =	vld [tilespmem:$0x1F0]  }
0x289: {  	v21 =	vand.u32 $0xFFFFFC00, v21;
	v23 =	vld [tilespmem:$0x100];
	v24 =	vand.u32 $0x7F, v25;
	v25 =	vshll.u32 v25, $0x3  }
0x28a: {  	v21 =	vadd.s32 v16, v21;
	v25 =	vand.u32 $0xFFFFFC00, v25  }
0x28b: {  	v21 =	vor.u32 v22, v21;
	v22 =	vadd.s32 v10, v25  }
0x28c: {  	v21 =	vor.u32 v15, v21;
	v22 =	vor.u32 v24, v22;
	v17 =	vld.idx.msk [tilespmem:v17+s10+$0x0], $0xffff  }
0x28d: {  	v20 =	vld.idx.msk [tilespmem:v20+s10+$0x0], $0xffff;
	[tilespmem:s18+$0xFFFFFEF0] =	vst v18;
	v18 =	vor.u32 v9, v22;
	v22 =	vand.u32 $0x7F, v19;
	v19 =	vshll.u32 v19, $0x3  }
0x28e: {  	v24 =	vld [tilespmem:$0x100];
	v25 =	vshll.u32 v23, $0x3;
	v19 =	vand.u32 $0xFFFFFC00, v19  }
0x28f: {  	v25 =	vand.u32 $0xFFFFFC00, v25;
	v19 =	vadd.s32 v6, v19;
	v6 =	vmovc v10;
	v10 =	vmovc v13;
	v13 =	vmov v16  }
0x290: {  	v16 =	vand.u32 $0x7F, v23;
	v23 =	vadd.s32 v7, v25;
	v19 =	vor.u32 v22, v19  }
0x291: {  	v21 =	vld.idx.msk [tilespmem:v21+s10+$0x0], $0xffff;
	v16 =	vor.u32 v16, v23;
	v19 =	vor.u32 v5, v19;
	v5 =	vmovc v9;
	v9 =	vmov v14  }
0x292: {  	v14 =	vmov v15;
	v16 =	vor.u32 v8, v16;
	v18 =	vld.idx.msk [tilespmem:v18+s10+$0x0], $0xffff;
	[tilespmem:s16+$0x180] =	vst v17  }
0x293: {  	[tilespmem:s20+$0x70] =	vst v20;
	v15 =	vand.u32 $0x7F, v24;
	v17 =	vshll.u32 v24, $0x3;
	v20 =	vld [tilespmem:$0x190]  }
0x294: {  	v22 =	vld [tilespmem:$0x80];
	v17 =	vand.u32 $0xFFFFFC00, v17  }
0x295: {  	v17 =	vadd.s32 v10, v17  }
0x296: {  	v15 =	vor.u32 v15, v17;
	v17 =	vld.idx.msk [tilespmem:v19+s10+$0x0], $0xffff  }
0x297: {  	[tilespmem:s20+$0xFFFFFE70] =	vst v21;
	v15 =	vor.u32 v9, v15;
	v16 =	vld.idx.msk [tilespmem:v16+s10+$0x0], $0xffff  }
0x298: {  	v23 =	vld [tilespmem:$0x80];
	[tilespmem:s16+$0xFFFFFF80] =	vst v18;
	v18 =	vshll.u32 v20, $0x3  }
0x299: {  	v19 =	vshll.u32 v22, $0x3;
	v24 =	vld [tilespmem:$0x190];
	v18 =	vand.u32 $0xFFFFFC00, v18  }
.Ltmp0:
0x29a: {  	v20 =	vand.u32 $0x7F, v20;
	v19 =	vand.u32 $0xFFFFFC00, v19;
	v18 =	vadd.s32 v4, v18;
	(pc) =	sbr.rel @p1 .LBB2_4-.Ltmp0, $4  }
0x29b: {  	v21 =	vand.u32 $0x7F, v22;
	v19 =	vadd.s32 v11, v19;
	v18 =	vor.u32 v20, v18  }
0x29c: {  	v20 =	vor.u32 v21, v19;
	v19 =	vld.idx.msk [tilespmem:v15+s10+$0x0], $0xffff;
	v15 =	vor.u32 v3, v18;
	[tilespmem:s19+$0xFFFFFFF0] =	vst v17;
	s19 =	smov.u32 s16;
	s16 =	smov.u32 s18;
	s18 =	smov.u32 s20  }
0x29d: {  	v21 =	vand.u32 $0x7F, v23;
	v17 =	vshll.u32 v23, $0x3;
	v20 =	vor.u32 v12, v20;
	[tilespmem:s16+$0x100] =	vst v16  }
0x29e: {  	v22 =	vand.u32 $0xFFFFFC00, v17;
	v18 =	vld [tilespmem:$0x110];
	v16 =	vand.u32 $0x7F, v24;
	v17 =	vshll.u32 v24, $0x3  }
0x29f: {  	v22 =	vadd.s32 v13, v22  }
0x2a0: {  	v21 =	vor.u32 v21, v22  }
0x2a1: {  	v21 =	vor.u32 v14, v21;
	_ =	sdelay $0x2  }
0x2a2: {  	v20 =	vld.idx.msk [tilespmem:v20+s10+$0x0], $0xffff;
	_ =	sdelay $0x1  }
0x2a3: {  	v21 =	vld.idx.msk [tilespmem:v21+s10+$0x0], $0xffff;
	_ =	sdelay $0x2  }
0x2a4: {  	[tilespmem:s20+$0x80] =	vst v20  }
0x2a5: {  	v20 =	vld [tilespmem:$0x90]  }
0x2a6: {  	[tilespmem:s20+$0xFFFFFE80] =	vst v21  }
0x2a7: {  	v21 =	vld [tilespmem:$0x90];
	_ =	sdelay $0x2  }
0x2a8: {  	v54 =	vshll.u32 v20, $0x3  }
0x2a9: {  	v22 =	vand.u32 $0xFFFFFC00, v54  }
0x2aa: {  	v20 =	vand.u32 $0x7F, v20;
	v22 =	vadd.s32 v11, v22;
	v23 =	vshll.u32 v21, $0x3  }
0x2ab: {  	v20 =	vor.u32 v20, v22;
	v23 =	vand.u32 $0xFFFFFC00, v23  }
0x2ac: {  	v20 =	vor.u32 v12, v20;
	v21 =	vand.u32 $0x7F, v21;
	v55 =	vadd.s32 v13, v23  }
0x2ad: {  	v21 =	vor.u32 v21, v55  }
0x2ae: {  	v21 =	vor.u32 v14, v21;
	_ =	sdelay $0x2  }
0x2af: {  	v20 =	vld.idx.msk [tilespmem:v20+s10+$0x0], $0xffff;
	_ =	sdelay $0x1  }
0x2b0: {  	v21 =	vld.idx.msk [tilespmem:v21+s10+$0x0], $0xffff;
	_ =	sdelay $0x2  }
0x2b1: {  	[tilespmem:s18+$0x90] =	vst v20  }
0x2b2: {  	v20 =	vld [tilespmem:$0xA0]  }
0x2b3: {  	[tilespmem:s18+$0xFFFFFE90] =	vst v21  }
0x2b4: {  	v21 =	vld [tilespmem:$0xA0];
	_ =	sdelay $0x2  }
0x2b5: {  	v56 =	vshll.u32 v20, $0x3  }
0x2b6: {  	v22 =	vand.u32 $0xFFFFFC00, v56  }
0x2b7: {  	v20 =	vand.u32 $0x7F, v20;
	v22 =	vadd.s32 v11, v22;
	v57 =	vshll.u32 v21, $0x3  }
0x2b8: {  	v20 =	vor.u32 v20, v22;
	v23 =	vand.u32 $0xFFFFFC00, v57  }
0x2b9: {  	v20 =	vor.u32 v12, v20;
	v21 =	vand.u32 $0x7F, v21;
	v58 =	vadd.s32 v13, v23  }
0x2ba: {  	v21 =	vor.u32 v21, v58  }
0x2bb: {  	v21 =	vor.u32 v14, v21;
	_ =	sdelay $0x2  }
0x2bc: {  	v20 =	vld.idx.msk [tilespmem:v20+s10+$0x0], $0xffff;
	_ =	sdelay $0x1  }
0x2bd: {  	v21 =	vld.idx.msk [tilespmem:v21+s10+$0x0], $0xffff;
	_ =	sdelay $0x2  }
0x2be: {  	[tilespmem:s18+$0xA0] =	vst v20  }
0x2bf: {  	v20 =	vld [tilespmem:$0xB0]  }
0x2c0: {  	[tilespmem:s18+$0xFFFFFEA0] =	vst v21  }
0x2c1: {  	v21 =	vld [tilespmem:$0xB0];
	_ =	sdelay $0x2  }
0x2c2: {  	v59 =	vshll.u32 v20, $0x3  }
0x2c3: {  	v22 =	vand.u32 $0xFFFFFC00, v59  }
0x2c4: {  	v20 =	vand.u32 $0x7F, v20;
	v22 =	vadd.s32 v11, v22;
	v60 =	vshll.u32 v21, $0x3  }
0x2c5: {  	v20 =	vor.u32 v20, v22;
	v23 =	vand.u32 $0xFFFFFC00, v60  }
0x2c6: {  	v20 =	vor.u32 v12, v20;
	v21 =	vand.u32 $0x7F, v21;
	v61 =	vadd.s32 v13, v23  }
0x2c7: {  	v21 =	vor.u32 v21, v61  }
0x2c8: {  	v21 =	vor.u32 v14, v21;
	_ =	sdelay $0x2  }
0x2c9: {  	v20 =	vld.idx.msk [tilespmem:v20+s10+$0x0], $0xffff;
	_ =	sdelay $0x1  }
0x2ca: {  	v21 =	vld.idx.msk [tilespmem:v21+s10+$0x0], $0xffff;
	_ =	sdelay $0x2  }
0x2cb: {  	[tilespmem:s18+$0xB0] =	vst v20  }
0x2cc: {  	v20 =	vld [tilespmem:$0xC0]  }
0x2cd: {  	[tilespmem:s18+$0xFFFFFEB0] =	vst v21  }
0x2ce: {  	v21 =	vld [tilespmem:$0xC0];
	_ =	sdelay $0x2  }
0x2cf: {  	v62 =	vshll.u32 v20, $0x3  }
0x2d0: {  	v22 =	vand.u32 $0xFFFFFC00, v62  }
0x2d1: {  	v20 =	vand.u32 $0x7F, v20;
	v22 =	vadd.s32 v11, v22;
	v63 =	vshll.u32 v21, $0x3  }
0x2d2: {  	v20 =	vor.u32 v20, v22;
	v23 =	vand.u32 $0xFFFFFC00, v63  }
0x2d3: {  	v20 =	vor.u32 v12, v20;
	v21 =	vand.u32 $0x7F, v21;
	v24 =	vadd.s32 v13, v23  }
0x2d4: {  	v21 =	vor.u32 v21, v24  }
0x2d5: {  	v21 =	vor.u32 v14, v21;
	_ =	sdelay $0x2  }
0x2d6: {  	v20 =	vld.idx.msk [tilespmem:v20+s10+$0x0], $0xffff;
	_ =	sdelay $0x1  }
0x2d7: {  	v21 =	vld.idx.msk [tilespmem:v21+s10+$0x0], $0xffff;
	_ =	sdelay $0x2  }
0x2d8: {  	[tilespmem:s18+$0xC0] =	vst v20  }
0x2d9: {  	v20 =	vld [tilespmem:$0xD0]  }
0x2da: {  	[tilespmem:s18+$0xFFFFFEC0] =	vst v21  }
0x2db: {  	v21 =	vld [tilespmem:$0xD0];
	_ =	sdelay $0x2  }
0x2dc: {  	v25 =	vshll.u32 v20, $0x3  }
0x2dd: {  	v22 =	vand.u32 $0xFFFFFC00, v25  }
0x2de: {  	v20 =	vand.u32 $0x7F, v20;
	v22 =	vadd.s32 v11, v22;
	v26 =	vshll.u32 v21, $0x3  }
0x2df: {  	v20 =	vor.u32 v20, v22;
	v23 =	vand.u32 $0xFFFFFC00, v26  }
0x2e0: {  	v20 =	vor.u32 v12, v20;
	v21 =	vand.u32 $0x7F, v21;
	v27 =	vadd.s32 v13, v23  }
0x2e1: {  	v21 =	vor.u32 v21, v27  }
0x2e2: {  	v21 =	vor.u32 v14, v21;
	_ =	sdelay $0x2  }
0x2e3: {  	v20 =	vld.idx.msk [tilespmem:v20+s10+$0x0], $0xffff;
	_ =	sdelay $0x1  }
0x2e4: {  	v21 =	vld.idx.msk [tilespmem:v21+s10+$0x0], $0xffff;
	_ =	sdelay $0x2  }
0x2e5: {  	[tilespmem:s18+$0xD0] =	vst v20  }
0x2e6: {  	v20 =	vld [tilespmem:$0xE0]  }
0x2e7: {  	[tilespmem:s18+$0xFFFFFED0] =	vst v21  }
0x2e8: {  	v21 =	vld [tilespmem:$0xE0];
	_ =	sdelay $0x2  }
0x2e9: {  	v28 =	vshll.u32 v20, $0x3  }
0x2ea: {  	v22 =	vand.u32 $0xFFFFFC00, v28  }
0x2eb: {  	v20 =	vand.u32 $0x7F, v20;
	v22 =	vadd.s32 v11, v22;
	v29 =	vshll.u32 v21, $0x3  }
0x2ec: {  	v20 =	vor.u32 v20, v22;
	v23 =	vand.u32 $0xFFFFFC00, v29  }
0x2ed: {  	v20 =	vor.u32 v12, v20;
	v21 =	vand.u32 $0x7F, v21;
	v30 =	vadd.s32 v13, v23  }
0x2ee: {  	v21 =	vor.u32 v21, v30  }
0x2ef: {  	v21 =	vor.u32 v14, v21;
	_ =	sdelay $0x2  }
0x2f0: {  	v20 =	vld.idx.msk [tilespmem:v20+s10+$0x0], $0xffff;
	_ =	sdelay $0x1  }
0x2f1: {  	v21 =	vld.idx.msk [tilespmem:v21+s10+$0x0], $0xffff;
	_ =	sdelay $0x2  }
0x2f2: {  	[tilespmem:s18+$0xE0] =	vst v20  }
0x2f3: {  	v20 =	vld [tilespmem:$0xF0]  }
0x2f4: {  	[tilespmem:s18+$0xFFFFFEE0] =	vst v21  }
0x2f5: {  	v21 =	vld [tilespmem:$0xF0];
	_ =	sdelay $0x2  }
0x2f6: {  	v31 =	vshll.u32 v20, $0x3  }
0x2f7: {  	v22 =	vand.u32 $0xFFFFFC00, v31  }
0x2f8: {  	v20 =	vand.u32 $0x7F, v20;
	v22 =	vadd.s32 v11, v22;
	v32 =	vshll.u32 v21, $0x3  }
0x2f9: {  	v20 =	vor.u32 v20, v22;
	v23 =	vand.u32 $0xFFFFFC00, v32  }
0x2fa: {  	v20 =	vor.u32 v12, v20;
	v21 =	vand.u32 $0x7F, v21;
	v33 =	vadd.s32 v13, v23  }
0x2fb: {  	v21 =	vor.u32 v21, v33  }
0x2fc: {  	v21 =	vor.u32 v14, v21;
	_ =	sdelay $0x2  }
0x2fd: {  	v20 =	vld.idx.msk [tilespmem:v20+s10+$0x0], $0xffff;
	_ =	sdelay $0x1  }
0x2fe: {  	v21 =	vld.idx.msk [tilespmem:v21+s10+$0x0], $0xffff;
	_ =	sdelay $0x2  }
0x2ff: {  	[tilespmem:s18+$0xF0] =	vst v20  }
0x300: {  	v20 =	vld [tilespmem:$0x100]  }
0x301: {  	[tilespmem:s18+$0xFFFFFEF0] =	vst v21  }
0x302: {  	v21 =	vld [tilespmem:$0x100];
	_ =	sdelay $0x2  }
0x303: {  	v34 =	vshll.u32 v20, $0x3  }
0x304: {  	v22 =	vand.u32 $0xFFFFFC00, v34  }
0x305: {  	v20 =	vand.u32 $0x7F, v20;
	v22 =	vadd.s32 v11, v22;
	v35 =	vshll.u32 v21, $0x3  }
0x306: {  	v20 =	vor.u32 v20, v22;
	v23 =	vand.u32 $0xFFFFFC00, v35  }
0x307: {  	v20 =	vor.u32 v12, v20;
	v21 =	vand.u32 $0x7F, v21;
	v36 =	vadd.s32 v13, v23  }
0x308: {  	v21 =	vor.u32 v21, v36  }
0x309: {  	v21 =	vor.u32 v14, v21;
	_ =	sdelay $0x2  }
0x30a: {  	v20 =	vld.idx.msk [tilespmem:v20+s10+$0x0], $0xffff;
	_ =	sdelay $0x1  }
0x30b: {  	[tilespmem:s16+$0xFFFFFF00] =	vst v19;
	v21 =	vld.idx.msk [tilespmem:v21+s10+$0x0], $0xffff  }
0x30c: {  	v19 =	vld [tilespmem:$0x110];
	_ =	sdelay $0x1  }
0x30d: {  	[tilespmem:s18+$0x100] =	vst v20  }
0x30e: {  	v37 =	vshll.u32 v18, $0x3;
	v20 =	vld [tilespmem:$0x110]  }
0x30f: {  	[tilespmem:s18+$0xFFFFFF00] =	vst v21;
	v21 =	vand.u32 $0xFFFFFC00, v37  }
0x310: {  	v40 =	vand.u32 $0x7F, v18;
	v39 =	vshll.u32 v19, $0x3;
	v38 =	vld [tilespmem:$0x110];
	v21 =	vadd.s32 v7, v21  }
0x311: {  	v23 =	vand.u32 $0xFFFFFC00, v39;
	v18 =	vor.u32 v40, v21  }
0x312: {  	v19 =	vand.u32 $0x7F, v19;
	v41 =	vadd.s32 v10, v23;
	v18 =	vor.u32 v8, v18  }
0x313: {  	v19 =	vor.u32 v19, v41;
	v42 =	vshll.u32 v20, $0x3  }
0x314: {  	v19 =	vor.u32 v9, v19;
	v21 =	vand.u32 $0xFFFFFC00, v42  }
0x315: {  	v20 =	vand.u32 $0x7F, v20;
	v21 =	vadd.s32 v11, v21;
	v43 =	vshll.u32 v38, $0x3  }
0x316: {  	v20 =	vor.u32 v20, v21;
	v23 =	vand.u32 $0xFFFFFC00, v43  }
0x317: {  	v20 =	vor.u32 v12, v20;
	v44 =	vand.u32 $0x7F, v38;
	v45 =	vadd.s32 v13, v23;
	v18 =	vld.idx.msk [tilespmem:v18+s10+$0x0], $0xffff  }
0x318: {  	v21 =	vor.u32 v44, v45  }
0x319: {  	v19 =	vld.idx.msk [tilespmem:v19+s10+$0x0], $0xffff;
	v21 =	vor.u32 v14, v21;
	_ =	sdelay $0x2  }
0x31a: {  	v20 =	vld.idx.msk [tilespmem:v20+s10+$0x0], $0xffff;
	[tilespmem:s16+$0x110] =	vst v18  }
0x31b: {  	v47 =	vld [tilespmem:$0x120]  }
0x31c: {  	[tilespmem:s16+$0xFFFFFF10] =	vst v19;
	v46 =	vld.idx.msk [tilespmem:v21+s10+$0x0], $0xffff  }
0x31d: {  	v19 =	vld [tilespmem:$0x120];
	_ =	sdelay $0x1  }
0x31e: {  	[tilespmem:s18+$0x110] =	vst v20  }
0x31f: {  	v20 =	vld [tilespmem:$0x120];
	v48 =	vshll.u32 v47, $0x3  }
0x320: {  	[tilespmem:s18+$0xFFFFFF10] =	vst v46;
	v18 =	vand.u32 $0xFFFFFC00, v48  }
0x321: {  	v50 =	vshll.u32 v19, $0x3;
	v21 =	vand.u32 $0x7F, v47;
	v49 =	vld [tilespmem:$0x120];
	v18 =	vadd.s32 v7, v18  }
0x322: {  	v23 =	vand.u32 $0xFFFFFC00, v50;
	v18 =	vor.u32 v21, v18  }
0x323: {  	v19 =	vand.u32 $0x7F, v19;
	v51 =	vadd.s32 v10, v23;
	v18 =	vor.u32 v8, v18  }
0x324: {  	v19 =	vor.u32 v19, v51;
	v52 =	vshll.u32 v20, $0x3  }
0x325: {  	v19 =	vor.u32 v9, v19;
	v21 =	vand.u32 $0xFFFFFC00, v52  }
0x326: {  	v20 =	vand.u32 $0x7F, v20;
	v21 =	vadd.s32 v11, v21;
	v53 =	vshll.u32 v49, $0x3  }
0x327: {  	v20 =	vor.u32 v20, v21;
	v23 =	vand.u32 $0xFFFFFC00, v53  }
0x328: {  	v20 =	vor.u32 v12, v20;
	v54 =	vand.u32 $0x7F, v49;
	v55 =	vadd.s32 v13, v23;
	v18 =	vld.idx.msk [tilespmem:v18+s10+$0x0], $0xffff  }
0x329: {  	v21 =	vor.u32 v54, v55  }
0x32a: {  	v19 =	vld.idx.msk [tilespmem:v19+s10+$0x0], $0xffff;
	v21 =	vor.u32 v14, v21;
	_ =	sdelay $0x2  }
0x32b: {  	v20 =	vld.idx.msk [tilespmem:v20+s10+$0x0], $0xffff;
	[tilespmem:s16+$0x120] =	vst v18  }
0x32c: {  	v57 =	vld [tilespmem:$0x130]  }
0x32d: {  	[tilespmem:s16+$0xFFFFFF20] =	vst v19;
	v56 =	vld.idx.msk [tilespmem:v21+s10+$0x0], $0xffff  }
0x32e: {  	v19 =	vld [tilespmem:$0x130];
	_ =	sdelay $0x1  }
0x32f: {  	[tilespmem:s18+$0x120] =	vst v20  }
0x330: {  	v20 =	vld [tilespmem:$0x130];
	v58 =	vshll.u32 v57, $0x3  }
0x331: {  	[tilespmem:s18+$0xFFFFFF20] =	vst v56;
	v18 =	vand.u32 $0xFFFFFC00, v58  }
0x332: {  	v60 =	vshll.u32 v19, $0x3;
	v21 =	vand.u32 $0x7F, v57;
	v59 =	vld [tilespmem:$0x130];
	v18 =	vadd.s32 v7, v18  }
0x333: {  	v23 =	vand.u32 $0xFFFFFC00, v60;
	v18 =	vor.u32 v21, v18  }
0x334: {  	v19 =	vand.u32 $0x7F, v19;
	v61 =	vadd.s32 v10, v23;
	v18 =	vor.u32 v8, v18  }
0x335: {  	v19 =	vor.u32 v19, v61;
	v62 =	vshll.u32 v20, $0x3  }
0x336: {  	v19 =	vor.u32 v9, v19;
	v21 =	vand.u32 $0xFFFFFC00, v62  }
0x337: {  	v20 =	vand.u32 $0x7F, v20;
	v21 =	vadd.s32 v11, v21;
	v63 =	vshll.u32 v59, $0x3  }
0x338: {  	v20 =	vor.u32 v20, v21;
	v23 =	vand.u32 $0xFFFFFC00, v63  }
0x339: {  	v20 =	vor.u32 v12, v20;
	v24 =	vand.u32 $0x7F, v59;
	v25 =	vadd.s32 v13, v23;
	v18 =	vld.idx.msk [tilespmem:v18+s10+$0x0], $0xffff  }
0x33a: {  	v21 =	vor.u32 v24, v25  }
0x33b: {  	v19 =	vld.idx.msk [tilespmem:v19+s10+$0x0], $0xffff;
	v21 =	vor.u32 v14, v21;
	_ =	sdelay $0x2  }
0x33c: {  	v20 =	vld.idx.msk [tilespmem:v20+s10+$0x0], $0xffff;
	[tilespmem:s16+$0x130] =	vst v18  }
0x33d: {  	v27 =	vld [tilespmem:$0x140]  }
0x33e: {  	[tilespmem:s16+$0xFFFFFF30] =	vst v19;
	v26 =	vld.idx.msk [tilespmem:v21+s10+$0x0], $0xffff  }
0x33f: {  	v19 =	vld [tilespmem:$0x140];
	_ =	sdelay $0x1  }
0x340: {  	[tilespmem:s18+$0x130] =	vst v20  }
0x341: {  	v20 =	vld [tilespmem:$0x140];
	v28 =	vshll.u32 v27, $0x3  }
0x342: {  	[tilespmem:s18+$0xFFFFFF30] =	vst v26;
	v18 =	vand.u32 $0xFFFFFC00, v28  }
0x343: {  	v30 =	vshll.u32 v19, $0x3;
	v21 =	vand.u32 $0x7F, v27;
	v29 =	vld [tilespmem:$0x140];
	v18 =	vadd.s32 v7, v18  }
0x344: {  	v23 =	vand.u32 $0xFFFFFC00, v30;
	v18 =	vor.u32 v21, v18  }
0x345: {  	v19 =	vand.u32 $0x7F, v19;
	v31 =	vadd.s32 v10, v23;
	v18 =	vor.u32 v8, v18  }
0x346: {  	v19 =	vor.u32 v19, v31;
	v32 =	vshll.u32 v20, $0x3  }
0x347: {  	v19 =	vor.u32 v9, v19;
	v21 =	vand.u32 $0xFFFFFC00, v32  }
0x348: {  	v20 =	vand.u32 $0x7F, v20;
	v21 =	vadd.s32 v11, v21;
	v33 =	vshll.u32 v29, $0x3  }
0x349: {  	v20 =	vor.u32 v20, v21;
	v23 =	vand.u32 $0xFFFFFC00, v33  }
0x34a: {  	v20 =	vor.u32 v12, v20;
	v34 =	vand.u32 $0x7F, v29;
	v35 =	vadd.s32 v13, v23;
	v18 =	vld.idx.msk [tilespmem:v18+s10+$0x0], $0xffff  }
0x34b: {  	v21 =	vor.u32 v34, v35  }
0x34c: {  	v19 =	vld.idx.msk [tilespmem:v19+s10+$0x0], $0xffff;
	v21 =	vor.u32 v14, v21;
	_ =	sdelay $0x2  }
0x34d: {  	v20 =	vld.idx.msk [tilespmem:v20+s10+$0x0], $0xffff;
	[tilespmem:s16+$0x140] =	vst v18  }
0x34e: {  	v37 =	vld [tilespmem:$0x150]  }
0x34f: {  	[tilespmem:s16+$0xFFFFFF40] =	vst v19;
	v36 =	vld.idx.msk [tilespmem:v21+s10+$0x0], $0xffff  }
0x350: {  	v19 =	vld [tilespmem:$0x150];
	_ =	sdelay $0x1  }
0x351: {  	[tilespmem:s18+$0x140] =	vst v20  }
0x352: {  	v20 =	vld [tilespmem:$0x150];
	v38 =	vshll.u32 v37, $0x3  }
0x353: {  	[tilespmem:s18+$0xFFFFFF40] =	vst v36;
	v18 =	vand.u32 $0xFFFFFC00, v38  }
0x354: {  	v40 =	vshll.u32 v19, $0x3;
	v21 =	vand.u32 $0x7F, v37;
	v39 =	vld [tilespmem:$0x150];
	v18 =	vadd.s32 v7, v18  }
0x355: {  	v23 =	vand.u32 $0xFFFFFC00, v40;
	v18 =	vor.u32 v21, v18  }
0x356: {  	v19 =	vand.u32 $0x7F, v19;
	v41 =	vadd.s32 v10, v23;
	v18 =	vor.u32 v8, v18  }
0x357: {  	v19 =	vor.u32 v19, v41;
	v42 =	vshll.u32 v20, $0x3  }
0x358: {  	v19 =	vor.u32 v9, v19;
	v21 =	vand.u32 $0xFFFFFC00, v42  }
0x359: {  	v20 =	vand.u32 $0x7F, v20;
	v21 =	vadd.s32 v11, v21;
	v43 =	vshll.u32 v39, $0x3  }
0x35a: {  	v20 =	vor.u32 v20, v21;
	v23 =	vand.u32 $0xFFFFFC00, v43  }
0x35b: {  	v20 =	vor.u32 v12, v20;
	v44 =	vand.u32 $0x7F, v39;
	v45 =	vadd.s32 v13, v23;
	v18 =	vld.idx.msk [tilespmem:v18+s10+$0x0], $0xffff  }
0x35c: {  	v21 =	vor.u32 v44, v45  }
0x35d: {  	v19 =	vld.idx.msk [tilespmem:v19+s10+$0x0], $0xffff;
	v21 =	vor.u32 v14, v21;
	_ =	sdelay $0x2  }
0x35e: {  	v20 =	vld.idx.msk [tilespmem:v20+s10+$0x0], $0xffff;
	[tilespmem:s16+$0x150] =	vst v18  }
0x35f: {  	v47 =	vld [tilespmem:$0x160]  }
0x360: {  	[tilespmem:s16+$0xFFFFFF50] =	vst v19;
	v46 =	vld.idx.msk [tilespmem:v21+s10+$0x0], $0xffff  }
0x361: {  	v19 =	vld [tilespmem:$0x160];
	_ =	sdelay $0x1  }
0x362: {  	[tilespmem:s18+$0x150] =	vst v20  }
0x363: {  	v20 =	vld [tilespmem:$0x160];
	v48 =	vshll.u32 v47, $0x3  }
0x364: {  	[tilespmem:s18+$0xFFFFFF50] =	vst v46;
	v18 =	vand.u32 $0xFFFFFC00, v48  }
0x365: {  	v50 =	vshll.u32 v19, $0x3;
	v21 =	vand.u32 $0x7F, v47;
	v49 =	vld [tilespmem:$0x160];
	v18 =	vadd.s32 v7, v18  }
0x366: {  	v23 =	vand.u32 $0xFFFFFC00, v50;
	v18 =	vor.u32 v21, v18  }
0x367: {  	v19 =	vand.u32 $0x7F, v19;
	v51 =	vadd.s32 v10, v23;
	v18 =	vor.u32 v8, v18  }
0x368: {  	v19 =	vor.u32 v19, v51;
	v52 =	vshll.u32 v20, $0x3  }
0x369: {  	v19 =	vor.u32 v9, v19;
	v21 =	vand.u32 $0xFFFFFC00, v52  }
0x36a: {  	v20 =	vand.u32 $0x7F, v20;
	v21 =	vadd.s32 v11, v21;
	v53 =	vshll.u32 v49, $0x3  }
0x36b: {  	v20 =	vor.u32 v20, v21;
	v23 =	vand.u32 $0xFFFFFC00, v53  }
0x36c: {  	v20 =	vor.u32 v12, v20;
	v54 =	vand.u32 $0x7F, v49;
	v55 =	vadd.s32 v13, v23;
	v18 =	vld.idx.msk [tilespmem:v18+s10+$0x0], $0xffff  }
0x36d: {  	v21 =	vor.u32 v54, v55  }
0x36e: {  	v19 =	vld.idx.msk [tilespmem:v19+s10+$0x0], $0xffff;
	v21 =	vor.u32 v14, v21;
	_ =	sdelay $0x2  }
0x36f: {  	v20 =	vld.idx.msk [tilespmem:v20+s10+$0x0], $0xffff;
	[tilespmem:s16+$0x160] =	vst v18  }
0x370: {  	v57 =	vld [tilespmem:$0x170]  }
0x371: {  	[tilespmem:s16+$0xFFFFFF60] =	vst v19;
	v56 =	vld.idx.msk [tilespmem:v21+s10+$0x0], $0xffff  }
0x372: {  	v19 =	vld [tilespmem:$0x170];
	_ =	sdelay $0x1  }
0x373: {  	[tilespmem:s18+$0x160] =	vst v20  }
0x374: {  	v20 =	vld [tilespmem:$0x170];
	v58 =	vshll.u32 v57, $0x3  }
0x375: {  	[tilespmem:s18+$0xFFFFFF60] =	vst v56;
	v18 =	vand.u32 $0xFFFFFC00, v58  }
0x376: {  	v60 =	vshll.u32 v19, $0x3;
	v21 =	vand.u32 $0x7F, v57;
	v59 =	vld [tilespmem:$0x170];
	v18 =	vadd.s32 v7, v18  }
0x377: {  	v23 =	vand.u32 $0xFFFFFC00, v60;
	v18 =	vor.u32 v21, v18  }
0x378: {  	v19 =	vand.u32 $0x7F, v19;
	v61 =	vadd.s32 v10, v23;
	v18 =	vor.u32 v8, v18  }
0x379: {  	v19 =	vor.u32 v19, v61;
	v62 =	vshll.u32 v20, $0x3  }
0x37a: {  	v19 =	vor.u32 v9, v19;
	v21 =	vand.u32 $0xFFFFFC00, v62  }
0x37b: {  	v20 =	vand.u32 $0x7F, v20;
	v21 =	vadd.s32 v11, v21;
	v63 =	vshll.u32 v59, $0x3  }
0x37c: {  	v20 =	vor.u32 v20, v21;
	v23 =	vand.u32 $0xFFFFFC00, v63  }
0x37d: {  	v20 =	vor.u32 v12, v20;
	v24 =	vand.u32 $0x7F, v59;
	v25 =	vadd.s32 v13, v23;
	v18 =	vld.idx.msk [tilespmem:v18+s10+$0x0], $0xffff  }
0x37e: {  	v21 =	vor.u32 v24, v25  }
0x37f: {  	v19 =	vld.idx.msk [tilespmem:v19+s10+$0x0], $0xffff;
	v21 =	vor.u32 v14, v21;
	_ =	sdelay $0x2  }
0x380: {  	v20 =	vld.idx.msk [tilespmem:v20+s10+$0x0], $0xffff;
	[tilespmem:s16+$0x170] =	vst v18  }
0x381: {  	v27 =	vld [tilespmem:$0x180]  }
0x382: {  	[tilespmem:s16+$0xFFFFFF70] =	vst v19;
	v26 =	vld.idx.msk [tilespmem:v21+s10+$0x0], $0xffff  }
0x383: {  	v19 =	vld [tilespmem:$0x180];
	_ =	sdelay $0x1  }
0x384: {  	[tilespmem:s18+$0x170] =	vst v20  }
0x385: {  	v20 =	vld [tilespmem:$0x180];
	v28 =	vshll.u32 v27, $0x3  }
0x386: {  	[tilespmem:s18+$0xFFFFFF70] =	vst v26;
	v18 =	vand.u32 $0xFFFFFC00, v28  }
0x387: {  	v30 =	vshll.u32 v19, $0x3;
	v21 =	vand.u32 $0x7F, v27;
	v29 =	vld [tilespmem:$0x180];
	v18 =	vadd.s32 v7, v18  }
0x388: {  	v23 =	vand.u32 $0xFFFFFC00, v30;
	v18 =	vor.u32 v21, v18  }
0x389: {  	v19 =	vand.u32 $0x7F, v19;
	v31 =	vadd.s32 v10, v23;
	v18 =	vor.u32 v8, v18  }
0x38a: {  	v19 =	vor.u32 v19, v31;
	v32 =	vshll.u32 v20, $0x3  }
0x38b: {  	v19 =	vor.u32 v9, v19;
	v21 =	vand.u32 $0xFFFFFC00, v32  }
0x38c: {  	v20 =	vand.u32 $0x7F, v20;
	v21 =	vadd.s32 v11, v21;
	v33 =	vshll.u32 v29, $0x3  }
0x38d: {  	v20 =	vor.u32 v20, v21;
	v23 =	vand.u32 $0xFFFFFC00, v33  }
0x38e: {  	v20 =	vor.u32 v12, v20;
	v34 =	vand.u32 $0x7F, v29;
	v35 =	vadd.s32 v13, v23;
	v18 =	vld.idx.msk [tilespmem:v18+s10+$0x0], $0xffff  }
0x38f: {  	v21 =	vor.u32 v34, v35  }
0x390: {  	v19 =	vld.idx.msk [tilespmem:v19+s10+$0x0], $0xffff;
	v21 =	vor.u32 v14, v21;
	_ =	sdelay $0x2  }
0x391: {  	v20 =	vld.idx.msk [tilespmem:v20+s10+$0x0], $0xffff;
	[tilespmem:s16+$0x180] =	vst v18  }
0x392: {  	v37 =	vld [tilespmem:$0x190]  }
0x393: {  	[tilespmem:s16+$0xFFFFFF80] =	vst v19;
	v36 =	vld.idx.msk [tilespmem:v21+s10+$0x0], $0xffff  }
0x394: {  	v19 =	vld [tilespmem:$0x190]  }
0x395: {  	v17 =	vand.u32 $0xFFFFFC00, v17  }
0x396: {  	v17 =	vadd.s32 v6, v17;
	[tilespmem:s18+$0x180] =	vst v20  }
0x397: {  	v16 =	vor.u32 v16, v17;
	v20 =	vld [tilespmem:$0x190];
	v38 =	vshll.u32 v37, $0x3  }
0x398: {  	v16 =	vor.u32 v5, v16;
	[tilespmem:s18+$0xFFFFFF80] =	vst v36;
	v17 =	vand.u32 $0xFFFFFC00, v38  }
0x399: {  	v39 =	vshll.u32 v19, $0x3;
	v21 =	vand.u32 $0x7F, v37;
	v18 =	vld [tilespmem:$0x190];
	v17 =	vadd.s32 v7, v17  }
0x39a: {  	v22 =	vand.u32 $0xFFFFFC00, v39;
	v17 =	vor.u32 v21, v17  }
0x39b: {  	v15 =	vld.idx.msk [tilespmem:v15+s10+$0x0], $0xffff;
	v19 =	vand.u32 $0x7F, v19;
	v40 =	vadd.s32 v10, v22;
	v17 =	vor.u32 v8, v17  }
0x39c: {  	v19 =	vor.u32 v19, v40;
	v41 =	vshll.u32 v20, $0x3  }
0x39d: {  	v16 =	vld.idx.msk [tilespmem:v16+s10+$0x0], $0xffff;
	v19 =	vor.u32 v9, v19;
	v21 =	vand.u32 $0xFFFFFC00, v41  }
0x39e: {  	v20 =	vand.u32 $0x7F, v20;
	v21 =	vadd.s32 v11, v21;
	v42 =	vshll.u32 v18, $0x3  }
0x39f: {  	v20 =	vor.u32 v20, v21;
	v22 =	vand.u32 $0xFFFFFC00, v42  }
0x3a0: {  	[tilespmem:s19+$0x190] =	vst v15;
	v20 =	vor.u32 v12, v20;
	v18 =	vand.u32 $0x7F, v18;
	v43 =	vadd.s32 v13, v22;
	v17 =	vld.idx.msk [tilespmem:v17+s10+$0x0], $0xffff  }
0x3a1: {  	v45 =	vld [tilespmem:$0x1A0];
	v18 =	vor.u32 v18, v43  }
0x3a2: {  	[tilespmem:s19+$0xFFFFFF90] =	vst v16;
	v44 =	vld.idx.msk [tilespmem:v19+s10+$0x0], $0xffff;
	v18 =	vor.u32 v14, v18  }
0x3a3: {  	v16 =	vld [tilespmem:$0x1A0];
	_ =	sdelay $0x1  }
0x3a4: {  	v20 =	vld.idx.msk [tilespmem:v20+s10+$0x0], $0xffff;
	[tilespmem:s16+$0x190] =	vst v17  }
0x3a5: {  	v48 =	vshll.u32 v45, $0x3;
	v47 =	vld [tilespmem:$0x1A0]  }
0x3a6: {  	v15 =	vand.u32 $0xFFFFFC00, v48;
	[tilespmem:s16+$0xFFFFFF90] =	vst v44;
	v46 =	vld.idx.msk [tilespmem:v18+s10+$0x0], $0xffff  }
0x3a7: {  	v50 =	vshll.u32 v16, $0x3;
	v15 =	vadd.s32 v4, v15;
	v19 =	vand.u32 $0x7F, v45;
	v49 =	vld [tilespmem:$0x1A0]  }
0x3a8: {  	v15 =	vor.u32 v19, v15;
	v22 =	vand.u32 $0xFFFFFC00, v50  }
0x3a9: {  	v16 =	vand.u32 $0x7F, v16;
	v15 =	vor.u32 v3, v15;
	v51 =	vadd.s32 v6, v22;
	[tilespmem:s18+$0x190] =	vst v20  }
0x3aa: {  	v16 =	vor.u32 v16, v51;
	v20 =	vld [tilespmem:$0x1A0];
	v52 =	vshll.u32 v47, $0x3  }
0x3ab: {  	v16 =	vor.u32 v5, v16;
	[tilespmem:s18+$0xFFFFFF90] =	vst v46;
	v17 =	vand.u32 $0xFFFFFC00, v52  }
0x3ac: {  	v54 =	vshll.u32 v49, $0x3;
	v18 =	vand.u32 $0x7F, v47;
	v53 =	vld [tilespmem:$0x1A0];
	v17 =	vadd.s32 v7, v17  }
0x3ad: {  	v22 =	vand.u32 $0xFFFFFC00, v54;
	v17 =	vor.u32 v18, v17  }
0x3ae: {  	v15 =	vld.idx.msk [tilespmem:v15+s10+$0x0], $0xffff;
	v55 =	vand.u32 $0x7F, v49;
	v56 =	vadd.s32 v10, v22;
	v17 =	vor.u32 v8, v17  }
0x3af: {  	v57 =	vshll.u32 v20, $0x3;
	v18 =	vor.u32 v55, v56  }
0x3b0: {  	v16 =	vld.idx.msk [tilespmem:v16+s10+$0x0], $0xffff;
	v21 =	vand.u32 $0xFFFFFC00, v57;
	v18 =	vor.u32 v9, v18  }
0x3b1: {  	v20 =	vand.u32 $0x7F, v20;
	v21 =	vadd.s32 v11, v21;
	v58 =	vshll.u32 v53, $0x3  }
0x3b2: {  	v20 =	vor.u32 v20, v21;
	v22 =	vand.u32 $0xFFFFFC00, v58  }
0x3b3: {  	[tilespmem:s19+$0x1A0] =	vst v15;
	v20 =	vor.u32 v12, v20;
	v19 =	vand.u32 $0x7F, v53;
	v59 =	vadd.s32 v13, v22;
	v17 =	vld.idx.msk [tilespmem:v17+s10+$0x0], $0xffff  }
0x3b4: {  	v61 =	vld [tilespmem:$0x1B0];
	v19 =	vor.u32 v19, v59  }
0x3b5: {  	[tilespmem:s19+$0xFFFFFFA0] =	vst v16;
	v60 =	vld.idx.msk [tilespmem:v18+s10+$0x0], $0xffff;
	v19 =	vor.u32 v14, v19  }
0x3b6: {  	v16 =	vld [tilespmem:$0x1B0];
	_ =	sdelay $0x1  }
0x3b7: {  	v20 =	vld.idx.msk [tilespmem:v20+s10+$0x0], $0xffff;
	[tilespmem:s16+$0x1A0] =	vst v17  }
0x3b8: {  	v24 =	vshll.u32 v61, $0x3;
	v63 =	vld [tilespmem:$0x1B0]  }
0x3b9: {  	v15 =	vand.u32 $0xFFFFFC00, v24;
	[tilespmem:s16+$0xFFFFFFA0] =	vst v60;
	v62 =	vld.idx.msk [tilespmem:v19+s10+$0x0], $0xffff  }
0x3ba: {  	v15 =	vadd.s32 v4, v15;
	v26 =	vshll.u32 v16, $0x3;
	v18 =	vand.u32 $0x7F, v61;
	v25 =	vld [tilespmem:$0x1B0]  }
0x3bb: {  	v22 =	vand.u32 $0xFFFFFC00, v26;
	v15 =	vor.u32 v18, v15  }
0x3bc: {  	v16 =	vand.u32 $0x7F, v16;
	v27 =	vadd.s32 v6, v22;
	v15 =	vor.u32 v3, v15;
	[tilespmem:s18+$0x1A0] =	vst v20  }
0x3bd: {  	v16 =	vor.u32 v16, v27;
	v20 =	vld [tilespmem:$0x1B0];
	v28 =	vshll.u32 v63, $0x3  }
0x3be: {  	v16 =	vor.u32 v5, v16;
	[tilespmem:s18+$0xFFFFFFA0] =	vst v62;
	v17 =	vand.u32 $0xFFFFFC00, v28  }
0x3bf: {  	v30 =	vshll.u32 v25, $0x3;
	v19 =	vand.u32 $0x7F, v63;
	v29 =	vld [tilespmem:$0x1B0];
	v17 =	vadd.s32 v7, v17  }
0x3c0: {  	v22 =	vand.u32 $0xFFFFFC00, v30;
	v17 =	vor.u32 v19, v17  }
0x3c1: {  	v15 =	vld.idx.msk [tilespmem:v15+s10+$0x0], $0xffff;
	v21 =	vand.u32 $0x7F, v25;
	v31 =	vadd.s32 v10, v22;
	v17 =	vor.u32 v8, v17  }
0x3c2: {  	v32 =	vshll.u32 v20, $0x3;
	v19 =	vor.u32 v21, v31  }
0x3c3: {  	v16 =	vld.idx.msk [tilespmem:v16+s10+$0x0], $0xffff;
	v21 =	vand.u32 $0xFFFFFC00, v32;
	v19 =	vor.u32 v9, v19  }
0x3c4: {  	v20 =	vand.u32 $0x7F, v20;
	v21 =	vadd.s32 v11, v21;
	v33 =	vshll.u32 v29, $0x3  }
0x3c5: {  	v20 =	vor.u32 v20, v21;
	v22 =	vand.u32 $0xFFFFFC00, v33  }
0x3c6: {  	[tilespmem:s19+$0x1B0] =	vst v15;
	v20 =	vor.u32 v12, v20;
	v18 =	vand.u32 $0x7F, v29;
	v34 =	vadd.s32 v13, v22;
	v17 =	vld.idx.msk [tilespmem:v17+s10+$0x0], $0xffff  }
0x3c7: {  	v36 =	vld [tilespmem:$0x1C0];
	v18 =	vor.u32 v18, v34  }
0x3c8: {  	[tilespmem:s19+$0xFFFFFFB0] =	vst v16;
	v35 =	vld.idx.msk [tilespmem:v19+s10+$0x0], $0xffff;
	v18 =	vor.u32 v14, v18  }
0x3c9: {  	v16 =	vld [tilespmem:$0x1C0];
	_ =	sdelay $0x1  }
0x3ca: {  	v20 =	vld.idx.msk [tilespmem:v20+s10+$0x0], $0xffff;
	[tilespmem:s16+$0x1B0] =	vst v17  }
0x3cb: {  	v39 =	vshll.u32 v36, $0x3;
	v38 =	vld [tilespmem:$0x1C0]  }
0x3cc: {  	v15 =	vand.u32 $0xFFFFFC00, v39;
	[tilespmem:s16+$0xFFFFFFB0] =	vst v35;
	v37 =	vld.idx.msk [tilespmem:v18+s10+$0x0], $0xffff  }
0x3cd: {  	v41 =	vshll.u32 v16, $0x3;
	v19 =	vand.u32 $0x7F, v36;
	v15 =	vadd.s32 v4, v15;
	v40 =	vld [tilespmem:$0x1C0]  }
0x3ce: {  	v22 =	vand.u32 $0xFFFFFC00, v41;
	v15 =	vor.u32 v19, v15  }
0x3cf: {  	v16 =	vand.u32 $0x7F, v16;
	v42 =	vadd.s32 v6, v22;
	v15 =	vor.u32 v3, v15;
	[tilespmem:s18+$0x1B0] =	vst v20  }
0x3d0: {  	v16 =	vor.u32 v16, v42;
	v20 =	vld [tilespmem:$0x1C0];
	v43 =	vshll.u32 v38, $0x3  }
0x3d1: {  	v16 =	vor.u32 v5, v16;
	[tilespmem:s18+$0xFFFFFFB0] =	vst v37;
	v17 =	vand.u32 $0xFFFFFC00, v43  }
0x3d2: {  	v45 =	vshll.u32 v40, $0x3;
	v18 =	vand.u32 $0x7F, v38;
	v44 =	vld [tilespmem:$0x1C0];
	v17 =	vadd.s32 v7, v17  }
0x3d3: {  	v22 =	vand.u32 $0xFFFFFC00, v45;
	v17 =	vor.u32 v18, v17  }
0x3d4: {  	v15 =	vld.idx.msk [tilespmem:v15+s10+$0x0], $0xffff;
	v46 =	vand.u32 $0x7F, v40;
	v47 =	vadd.s32 v10, v22;
	v17 =	vor.u32 v8, v17  }
0x3d5: {  	v48 =	vshll.u32 v20, $0x3;
	v18 =	vor.u32 v46, v47  }
0x3d6: {  	v16 =	vld.idx.msk [tilespmem:v16+s10+$0x0], $0xffff;
	v21 =	vand.u32 $0xFFFFFC00, v48;
	v18 =	vor.u32 v9, v18  }
0x3d7: {  	v20 =	vand.u32 $0x7F, v20;
	v21 =	vadd.s32 v11, v21;
	v49 =	vshll.u32 v44, $0x3  }
0x3d8: {  	v20 =	vor.u32 v20, v21;
	v22 =	vand.u32 $0xFFFFFC00, v49  }
0x3d9: {  	[tilespmem:s19+$0x1C0] =	vst v15;
	v20 =	vor.u32 v12, v20;
	v19 =	vand.u32 $0x7F, v44;
	v50 =	vadd.s32 v13, v22;
	v17 =	vld.idx.msk [tilespmem:v17+s10+$0x0], $0xffff  }
0x3da: {  	v52 =	vld [tilespmem:$0x1D0];
	v19 =	vor.u32 v19, v50  }
0x3db: {  	[tilespmem:s19+$0xFFFFFFC0] =	vst v16;
	v51 =	vld.idx.msk [tilespmem:v18+s10+$0x0], $0xffff;
	v19 =	vor.u32 v14, v19  }
0x3dc: {  	v16 =	vld [tilespmem:$0x1D0];
	_ =	sdelay $0x1  }
0x3dd: {  	v20 =	vld.idx.msk [tilespmem:v20+s10+$0x0], $0xffff;
	[tilespmem:s16+$0x1C0] =	vst v17  }
0x3de: {  	v55 =	vshll.u32 v52, $0x3;
	v54 =	vld [tilespmem:$0x1D0]  }
0x3df: {  	v15 =	vand.u32 $0xFFFFFC00, v55;
	[tilespmem:s16+$0xFFFFFFC0] =	vst v51;
	v53 =	vld.idx.msk [tilespmem:v19+s10+$0x0], $0xffff  }
0x3e0: {  	v57 =	vshll.u32 v16, $0x3;
	v18 =	vand.u32 $0x7F, v52;
	v15 =	vadd.s32 v4, v15;
	v56 =	vld [tilespmem:$0x1D0]  }
0x3e1: {  	v22 =	vand.u32 $0xFFFFFC00, v57;
	v15 =	vor.u32 v18, v15  }
0x3e2: {  	v16 =	vand.u32 $0x7F, v16;
	v58 =	vadd.s32 v6, v22;
	v15 =	vor.u32 v3, v15;
	[tilespmem:s18+$0x1C0] =	vst v20  }
0x3e3: {  	v16 =	vor.u32 v16, v58;
	v20 =	vld [tilespmem:$0x1D0];
	v59 =	vshll.u32 v54, $0x3  }
0x3e4: {  	v16 =	vor.u32 v5, v16;
	[tilespmem:s18+$0xFFFFFFC0] =	vst v53;
	v17 =	vand.u32 $0xFFFFFC00, v59  }
0x3e5: {  	v61 =	vshll.u32 v56, $0x3;
	v19 =	vand.u32 $0x7F, v54;
	v60 =	vld [tilespmem:$0x1D0];
	v17 =	vadd.s32 v7, v17  }
0x3e6: {  	v22 =	vand.u32 $0xFFFFFC00, v61;
	v17 =	vor.u32 v19, v17  }
0x3e7: {  	v15 =	vld.idx.msk [tilespmem:v15+s10+$0x0], $0xffff;
	v62 =	vand.u32 $0x7F, v56;
	v63 =	vadd.s32 v10, v22;
	v17 =	vor.u32 v8, v17  }
0x3e8: {  	v24 =	vshll.u32 v20, $0x3;
	v19 =	vor.u32 v62, v63  }
0x3e9: {  	v21 =	vand.u32 $0xFFFFFC00, v24;
	v19 =	vor.u32 v9, v19  }
0x3ea: {  	v16 =	vld.idx.msk [tilespmem:v16+s10+$0x0], $0xffff;
	v20 =	vand.u32 $0x7F, v20;
	v21 =	vadd.s32 v11, v21;
	v25 =	vshll.u32 v60, $0x3  }
0x3eb: {  	v20 =	vor.u32 v20, v21;
	v22 =	vand.u32 $0xFFFFFC00, v25  }
0x3ec: {  	[tilespmem:s19+$0x1D0] =	vst v15;
	v20 =	vor.u32 v12, v20;
	v18 =	vand.u32 $0x7F, v60;
	v26 =	vadd.s32 v13, v22;
	v17 =	vld.idx.msk [tilespmem:v17+s10+$0x0], $0xffff  }
0x3ed: {  	v28 =	vld [tilespmem:$0x1E0];
	v18 =	vor.u32 v18, v26  }
0x3ee: {  	v27 =	vld.idx.msk [tilespmem:v19+s10+$0x0], $0xffff;
	v18 =	vor.u32 v14, v18  }
0x3ef: {  	[tilespmem:s19+$0xFFFFFFD0] =	vst v16  }
0x3f0: {  	v16 =	vld [tilespmem:$0x1E0]  }
0x3f1: {  	v20 =	vld.idx.msk [tilespmem:v20+s10+$0x0], $0xffff;
	[tilespmem:s16+$0x1D0] =	vst v17  }
0x3f2: {  	v31 =	vshll.u32 v28, $0x3;
	v30 =	vld [tilespmem:$0x1E0]  }
0x3f3: {  	v15 =	vand.u32 $0xFFFFFC00, v31;
	[tilespmem:s16+$0xFFFFFFD0] =	vst v27;
	v29 =	vld.idx.msk [tilespmem:v18+s10+$0x0], $0xffff  }
0x3f4: {  	v19 =	vand.u32 $0x7F, v28;
	v15 =	vadd.s32 v4, v15;
	v32 =	vld [tilespmem:$0x1E0]  }
0x3f5: {  	v33 =	vshll.u32 v16, $0x3;
	v15 =	vor.u32 v19, v15  }
0x3f6: {  	v22 =	vand.u32 $0xFFFFFC00, v33;
	v15 =	vor.u32 v3, v15;
	[tilespmem:s18+$0x1D0] =	vst v20  }
0x3f7: {  	v16 =	vand.u32 $0x7F, v16;
	v34 =	vadd.s32 v6, v22;
	v20 =	vld [tilespmem:$0x1E0]  }
0x3f8: {  	v16 =	vor.u32 v16, v34;
	[tilespmem:s18+$0xFFFFFFD0] =	vst v29  }
0x3f9: {  	v16 =	vor.u32 v5, v16;
	v35 =	vshll.u32 v30, $0x3;
	v37 =	vshll.u32 v32, $0x3;
	v36 =	vld [tilespmem:$0x1E0]  }
0x3fa: {  	v18 =	vand.u32 $0x7F, v30;
	v17 =	vand.u32 $0xFFFFFC00, v35;
	v22 =	vand.u32 $0xFFFFFC00, v37  }
0x3fb: {  	v15 =	vld.idx.msk [tilespmem:v15+s10+$0x0], $0xffff;
	v21 =	vand.u32 $0x7F, v32;
	v17 =	vadd.s32 v7, v17;
	v38 =	vadd.s32 v10, v22  }
0x3fc: {  	v39 =	vshll.u32 v20, $0x3;
	v20 =	vand.u32 $0x7F, v20;
	v17 =	vor.u32 v18, v17  }
0x3fd: {  	v18 =	vor.u32 v21, v38;
	v21 =	vand.u32 $0xFFFFFC00, v39;
	v17 =	vor.u32 v8, v17  }
0x3fe: {  	v16 =	vld.idx.msk [tilespmem:v16+s10+$0x0], $0xffff;
	v18 =	vor.u32 v9, v18;
	v21 =	vadd.s32 v11, v21;
	v40 =	vshll.u32 v36, $0x3  }
0x3ff: {  	v20 =	vor.u32 v20, v21;
	v22 =	vand.u32 $0xFFFFFC00, v40  }
0x400: {  	[tilespmem:s19+$0x1E0] =	vst v15;
	v20 =	vor.u32 v12, v20;
	v19 =	vand.u32 $0x7F, v36;
	v41 =	vadd.s32 v13, v22  }
0x401: {  	v43 =	vld [tilespmem:$0x1F0];
	v19 =	vor.u32 v19, v41  }
0x402: {  	v17 =	vld.idx.msk [tilespmem:v17+s10+$0x0], $0xffff;
	v19 =	vor.u32 v14, v19  }
0x403: {  	[tilespmem:s19+$0xFFFFFFE0] =	vst v16;
	v42 =	vld.idx.msk [tilespmem:v18+s10+$0x0], $0xffff  }
0x404: {  	v16 =	vld [tilespmem:$0x1F0]  }
0x405: {  	v20 =	vld.idx.msk [tilespmem:v20+s10+$0x0], $0xffff;
	_ =	sdelay $0x1  }
0x406: {  	[tilespmem:s16+$0x1E0] =	vst v17;
	v44 =	vld.idx.msk [tilespmem:v19+s10+$0x0], $0xffff  }
0x407: {  	[tilespmem:s16+$0xFFFFFFE0] =	vst v42;
	v45 =	vld [tilespmem:$0x1F0]  }
0x408: {  	v46 =	vshll.u32 v43, $0x3;
	v48 =	vshll.u32 v16, $0x3;
	v47 =	vld [tilespmem:$0x1F0]  }
0x409: {  	v15 =	vand.u32 $0xFFFFFC00, v46;
	v16 =	vand.u32 $0x7F, v16;
	v50 =	vand.u32 $0xFFFFFC00, v48;
	[tilespmem:s18+$0x1E0] =	vst v20  }
0x40a: {  	v18 =	vand.u32 $0x7F, v43;
	v49 =	vadd.s32 v4, v15;
	v51 =	vadd.s32 v6, v50;
	v52 =	vld [tilespmem:$0x1F0]  }
0x40b: {  	v4 =	vor.u32 v18, v49;
	v53 =	vor.u32 v16, v51;
	[tilespmem:s18+$0xFFFFFFE0] =	vst v44  }
0x40c: {  	v3 =	vor.u32 v3, v4;
	v4 =	vor.u32 v5, v53;
	v55 =	vld [tilespmem:$0x1F0]  }
0x40d: {  	v54 =	vshll.u32 v45, $0x3;
	v57 =	vshll.u32 v47, $0x3;
	v58 =	vand.u32 $0x7F, v45  }
0x40e: {  	v59 =	vand.u32 $0x7F, v47;
	v56 =	vand.u32 $0xFFFFFC00, v54;
	v6 =	vand.u32 $0xFFFFFC00, v57  }
0x40f: {  	v5 =	vadd.s32 v7, v56;
	v6 =	vadd.s32 v10, v6;
	v60 =	vshll.u32 v52, $0x3  }
0x410: {  	v62 =	vand.u32 $0x7F, v52;
	v5 =	vor.u32 v58, v5;
	v6 =	vor.u32 v59, v6  }
0x411: {  	v7 =	vand.u32 $0xFFFFFC00, v60;
	v5 =	vor.u32 v8, v5;
	v61 =	vshll.u32 v55, $0x3  }
0x412: {  	v6 =	vor.u32 v9, v6;
	v7 =	vadd.s32 v11, v7;
	v8 =	vand.u32 $0xFFFFFC00, v61  }
0x413: {  	v7 =	vor.u32 v62, v7;
	v63 =	vand.u32 $0x7F, v55;
	v8 =	vadd.s32 v13, v8  }
0x414: {  	v7 =	vor.u32 v12, v7;
	v8 =	vor.u32 v63, v8  }
0x415: {  	v3 =	vld.idx.msk [tilespmem:v3+s10+$0x0], $0xffff;
	v8 =	vor.u32 v14, v8  }
0x416: {  	v4 =	vld.idx.msk [tilespmem:v4+s10+$0x0], $0xffff  }
0x417: {  	v5 =	vld.idx.msk [tilespmem:v5+s10+$0x0], $0xffff  }
0x418: {  	v6 =	vld.idx.msk [tilespmem:v6+s10+$0x0], $0xffff  }
0x419: {  	v7 =	vld.idx.msk [tilespmem:v7+s10+$0x0], $0xffff  }
0x41a: {  	[tilespmem:s19+$0x1F0] =	vst v3;
	v3 =	vld.idx.msk [tilespmem:v8+s10+$0x0], $0xffff  }
0x41b: {  	[tilespmem:s19+$0xFFFFFFF0] =	vst v4  }
0x41c: {  	[tilespmem:s16+$0x1F0] =	vst v5  }
0x41d: {  	[tilespmem:s16+$0xFFFFFFF0] =	vst v6  }
0x41e: {  	[tilespmem:s18+$0x1F0] =	vst v7  }
0x41f: {  	[tilespmem:s18+$0xFFFFFFF0] =	vst v3  }
0x420: {  	p1 =	seq.s32 s15, $0x8  }
.Ltmp1:
0x421: {  	_ = 	snop;
	(pc) =	sbr.rel @!p1 .LBB2_3-.Ltmp1, $2  }
0x422: {  	_ =	sdelay $0x2  }
0x423: {  	p0 =	por !p0, !p0;
	s14 =	sadd.s32 $0x1000, s14  }
0x424: {  	v3 =	vld [tilespmem:$0x200]  }
0x425: {  	v4 =	vld [tilespmem:$0x280]  }
0x426: {  	v5 =	vld [tilespmem:$0x300]  }
0x427: {  	v6 =	vld [tilespmem:$0x380]  }
0x428: {  	v7 =	vld [tilespmem:$0x400]  }
0x429: {  	v8 =	vld [tilespmem:$0x480];
	s14 =	simm.s32 $0x9180  }
0x42a: {  	v10 =	vld [tilespmem:s14+$0x600]  }
0x42b: {  	v11 =	vld [tilespmem:s14+$0xFFFFFA00]  }
0x42c: {  	v12 =	vld [tilespmem:s14+$0x680]  }
0x42d: {  	v9 =	vld [tilespmem:$0x500]  }
0x42e: {  	v13 =	vld [tilespmem:s14+$0xFFFFFC00]  }
0x42f: {  	v15 =	vld [tilespmem:s14+$0x700];
	vm0 =	vgt.f32 v10, v3  }
0x430: {  	v10 =	vld [tilespmem:s14+$0x0];
	v16 =	vsel vm0, v5, v4  }
0x431: {  	vm4 =	vgt.f32 v11, v3;
	v11 =	vld [tilespmem:s14+$0x200];
	vm1 =	vgt.f32 v12, v16  }
0x432: {  	v17 =	vsel vm1, v9, v8;
	v18 =	vsel vm1, v7, v6  }
0x433: {  	v14 =	vld [tilespmem:s14+$0xFFFFFE00];
	vm5 =	vgt.f32 v13, v3;
	v17 =	vsel vm0, v17, v18  }
0x434: {  	v21 =	vld [tilespmem:s14+$0xFFFFFC80];
	vm2 =	vgt.f32 v15, v17;
	v15 =	vsel vm0, $0x4, v1;
	v17 =	vsel vm1, $0x2, v1  }
0x435: {  	v13 =	vld [tilespmem:s14+$0xFFFFF800];
	vm0 =	vgt.f32 v10, v3;
	v15 =	vor.u32 v15, v17;
	v17 =	vsel vm2, $0x1, v1  }
0x436: {  	v16 =	vld [tilespmem:s14+$0x400];
	vm1 =	vgt.f32 v11, v3;
	v11 =	vor.u32 v17, v15;
	v17 =	vimm.s32 $0x0  }
0x437: {  	v10 =	vld [tilespmem:s14+$0xFFFFFA80];
	v17 =	vsel vm0, $0xFFFFFFFF, v17  }
0x438: {  	vm3 =	vgt.f32 v14, v3;
	v14 =	vld [tilespmem:s14+$0xFFFFF880];
	[tilespmem:$0x1FFF0] =	vst v17  }
0x439: {  	v19 =	vsel vm4, $0x4, v1;
	v20 =	vsel vm3, v5, v4;
	v18 =	vsel vm5, v5, v4;
	v17 =	vld [tilespmem:s14+$0xFFFFFE80]  }
0x43a: {  	v12 =	vsel vm4, v5, v4;
	vm13 =	vgt.f32 v13, v3;
	vm10 =	vgt.f32 v21, v18;
	v13 =	vld [tilespmem:s14+$0x80]  }
0x43b: {  	v22 =	vsel vm1, v5, v4;
	v23 =	vsel vm13, v5, v4;
	v24 =	vsel vm13, $0x4, v1;
	v25 =	vld [tilespmem:s14+$0x280]  }
0x43c: {  	v15 =	vsel vm0, v5, v4;
	vm2 =	vgt.f32 v16, v3;
	vm9 =	vgt.f32 v10, v12;
	v12 =	vld [tilespmem:s14+$0x480]  }
0x43d: {  	vm8 =	vgt.f32 v14, v23;
	v16 =	vshll.u32 v11, $0x7;
	v26 =	vsel vm2, v5, v4;
	v23 =	vld [tilespmem:s14+$0xFFFFF900]  }
0x43e: {  	v14 =	vsel vm8, v9, v8;
	v27 =	vsel vm8, v7, v6;
	v11 =	vshll.u32 v11, $0x1;
	v21 =	vld [tilespmem:s14+$0xFFFFFB00]  }
0x43f: {  	v16 =	vadd.s32 v2, v16;
	v18 =	vsel vm9, v9, v8;
	v28 =	vsel vm9, v7, v6  }
0x440: {  	v14 =	vsel vm13, v14, v27;
	v10 =	vsel vm5, $0x4, v1;
	v29 =	vld [tilespmem:s14+$0xFFFFFD00];
	v18 =	vsel vm4, v18, v28  }
0x441: {  	s15 =	simm.s32 $0xA180;
	v27 =	vld [tilespmem:s14+$0x100];
	vm11 =	vgt.f32 v17, v20;
	v17 =	vsel vm10, v9, v8;
	v20 =	vsel vm10, v7, v6  }
0x442: {  	v52 =	vld [tilespmem:s15+$0x600];
	vm12 =	vgt.f32 v13, v15;
	vm6 =	vgt.f32 v25, v22;
	vm7 =	vgt.f32 v12, v26  }
0x443: {  	v33 =	vld [tilespmem:s15+$0xFFFFFA00];
	vm13 =	vgt.f32 v23, v14;
	vm14 =	vgt.f32 v21, v18;
	v15 =	vsel vm11, v9, v8  }
0x444: {  	v13 =	vld.idx.msk [tilespmem:v16+s9+$0x0], $0xffff;
	v16 =	vsel vm11, v7, v6;
	v25 =	vsel vm12, v9, v8;
	v30 =	vsel vm12, v7, v6  }
0x445: {  	v22 =	vld [tilespmem:s14+$0x780];
	v12 =	vsel vm6, v9, v8;
	v31 =	vsel vm6, v7, v6;
	v32 =	vsel vm7, v9, v8  }
0x446: {  	v26 =	vld [tilespmem:s14+$0xFFFFFF00];
	v28 =	vsel vm7, v7, v6;
	v17 =	vsel vm5, v17, v20;
	v14 =	vsel vm11, $0x2, v1  }
0x447: {  	v20 =	vld [tilespmem:s14+$0x300];
	v18 =	vsel vm13, $0x1, v1;
	vm11 =	vgt.f32 v52, v3;
	v15 =	vsel vm3, v15, v16  }
0x448: {  	v16 =	vsel vm0, v25, v30;
	v12 =	vsel vm1, v12, v31;
	v28 =	vsel vm2, v32, v28  }
0x449: {  	vm15 =	vgt.f32 v29, v17;
	v17 =	vsel vm3, $0x4, v1;
	vm4 =	vgt.f32 v27, v16  }
0x44a: {  	v21 =	vsel vm15, $0x1, v1;
	v27 =	vsel vm1, $0x4, v1;
	vm0 =	vgt.f32 v22, v13  }
0x44b: {  	v25 =	vld [tilespmem:s14+$0x500];
	v29 =	vsel vm4, $0x1, v1;
	vm4 =	vgt.f32 v33, v3;
	v13 =	vsel vm0, $0x1, v1  }
0x44c: {  	vm0 =	vgt.f32 v26, v15;
	vm5 =	vgt.f32 v20, v12;
	v12 =	vsel vm10, $0x2, v1  }
0x44d: {  	v15 =	vsel vm12, $0x2, v1;
	v20 =	vsel vm14, $0x1, v1;
	v11 =	vor.u32 v13, v11  }
0x44e: {  	v13 =	vsel vm9, $0x2, v1;
	v22 =	vsel vm0, $0x1, v1;
	v10 =	vor.u32 v10, v12  }
0x44f: {  	v12 =	vor.u32 v17, v14;
	v16 =	vcvt.s32.f32 v11;
	v11 =	vsel vm8, $0x2, v1  }
0x450: {  	v30 =	vsel vm5, $0x1, v1;
	vm8 =	vgt.f32 v25, v28;
	v25 =	vld [tilespmem:$0x1FFF0];
	v11 =	vor.u32 v24, v11  }
0x451: {  	v13 =	vor.u32 v19, v13;
	v10 =	vor.u32 v21, v10;
	v11 =	vor.u32 v18, v11  }
0x452: {  	v53 =	vld [tilespmem:s15+$0x200];
	v19 =	vsel vm6, $0x2, v1;
	v17 =	vor.u32 v20, v13;
	v13 =	vshll.u32 v11, $0x7  }
0x453: {  	v24 =	vsel vm7, $0x2, v1;
	v14 =	vshll.u32 v17, $0x7;
	v13 =	vadd.s32 v2, v13  }
0x454: {  	v23 =	vld [tilespmem:s14+$0xFFFFFD80];
	v18 =	vor.u32 v22, v12;
	v12 =	vshll.u32 v10, $0x7;
	v14 =	vadd.s32 v2, v14  }
0x455: {  	v26 =	vld [tilespmem:s14+$0xFFFFFF80];
	v22 =	vshll.u32 v18, $0x7;
	v12 =	vadd.s32 v2, v12;
	vm7 =	vnez.u8 v25  }
0x456: {  	v21 =	vld [tilespmem:s14+$0xFFFFFB80];
	v28 =	vsel vm2, $0x4, v1;
	v22 =	vadd.s32 v2, v22;
	v25 =	vsel vm7, $0x4, v1  }
0x457: {  	vm2 =	vgt.f32 v53, v3;
	v20 =	vld [tilespmem:s14+$0xFFFFF980];
	v31 =	vsel vm8, $0x1, v1;
	v15 =	vor.u32 v25, v15  }
0x458: {  	v36 =	vsel vm2, v5, v4;
	v11 =	vshll.u32 v11, $0x1;
	v15 =	vor.u32 v29, v15;
	v25 =	vld.idx.msk [tilespmem:v13+s9+$0x0], $0xffff  }
0x459: {  	v13 =	vor.u32 v27, v19;
	v19 =	vor.u32 v28, v24;
	v27 =	vld.idx.msk [tilespmem:v14+s9+$0x0], $0xffff;
	v24 =	vshll.u32 v10, $0x1  }
0x45a: {  	v28 =	vor.u32 v30, v13;
	v29 =	vor.u32 v31, v19;
	v13 =	vshll.u32 v15, $0x7;
	v30 =	vld.idx.msk [tilespmem:v12+s9+$0x0], $0xffff  }
0x45b: {  	v31 =	vld.idx.msk [tilespmem:v22+s9+$0x0], $0xffff;
	v22 =	vshll.u32 v17, $0x1;
	v17 =	vshll.u32 v18, $0x1;
	v18 =	vshll.u32 v15, $0x1  }
0x45c: {  	v15 =	vld [tilespmem:s15+$0x680];
	v12 =	vshll.u32 v28, $0x7;
	v19 =	vshll.u32 v29, $0x7;
	v14 =	vadd.s32 v2, v13  }
0x45d: {  	v54 =	vld [tilespmem:s15+$0xFFFFF800];
	v10 =	vshll.u32 v29, $0x1;
	v29 =	vsel vm4, $0x4, v1;
	v13 =	vadd.s32 v2, v12  }
0x45e: {  	v12 =	vadd.s32 v2, v19;
	v19 =	vshll.u32 v28, $0x1;
	vm8 =	vgt.f32 v20, v25;
	v20 =	vld [tilespmem:s15+$0xFFFFFC00]  }
0x45f: {  	v28 =	vsel vm4, v5, v4;
	vm9 =	vgt.f32 v21, v27;
	v21 =	vld [tilespmem:s15+$0xFFFFFE00];
	v27 =	vsel vm11, v5, v4  }
0x460: {  	v25 =	vsel vm8, $0x1, v1;
	vm10 =	vgt.f32 v23, v30;
	vm12 =	vgt.f32 v26, v31;
	v26 =	vld [tilespmem:s15+$0x0]  }
0x461: {  	vm13 =	vgt.f32 v15, v27;
	v15 =	vld [tilespmem:s15+$0x400];
	v11 =	vor.u32 v25, v11;
	v25 =	vsel vm9, $0x1, v1  }
0x462: {  	v23 =	vld [tilespmem:s15+$0x700];
	v30 =	vsel vm10, $0x1, v1;
	v31 =	vsel vm12, $0x1, v1;
	vm12 =	vgt.f32 v54, v3  }
0x463: {  	v39 =	vld [tilespmem:s15+$0x280];
	v27 =	vsel vm13, v7, v6;
	v37 =	vsel vm12, v5, v4;
	v38 =	vsel vm12, $0x4, v1  }
0x464: {  	vm5 =	vgt.f32 v20, v3;
	v20 =	vsel vm13, v9, v8;
	vm0 =	vgt.f32 v21, v3  }
0x465: {  	v56 =	vld [tilespmem:s15+$0x80];
	v34 =	vsel vm5, v5, v4;
	v20 =	vsel vm11, v20, v27;
	vm1 =	vgt.f32 v26, v3  }
0x466: {  	v35 =	vsel vm0, v5, v4;
	vm3 =	vgt.f32 v15, v3;
	v53 =	vsel vm0, $0x4, v1  }
0x467: {  	v21 =	vld [tilespmem:s15+$0xFFFFF880];
	vm14 =	vgt.f32 v23, v20;
	v20 =	vsel vm11, $0x4, v1;
	v23 =	vsel vm13, $0x2, v1  }
0x468: {  	v55 =	vsel vm1, v5, v4;
	v40 =	vsel vm3, v5, v4;
	vm11 =	vgt.f32 v39, v36  }
0x469: {  	v27 =	vld [tilespmem:s15+$0xFFFFFA80];
	v54 =	vsel vm1, $0x4, v1;
	v20 =	vor.u32 v20, v23;
	v23 =	vsel vm14, $0x1, v1  }
0x46a: {  	v26 =	vld [tilespmem:s15+$0xFFFFFC80];
	vm10 =	vgt.f32 v56, v55;
	v63 =	vsel vm11, v9, v8;
	v45 =	vsel vm11, v7, v6  }
0x46b: {  	v55 =	vsel vm2, $0x4, v1;
	v20 =	vor.u32 v23, v20;
	v43 =	vsel vm10, v9, v8  }
0x46c: {  	v23 =	vld [tilespmem:s15+$0xFFFFFE80];
	v44 =	vsel vm10, v7, v6;
	v15 =	vshll.u32 v20, $0x7;
	vm6 =	vgt.f32 v21, v37  }
0x46d: {  	v62 =	vld [tilespmem:s15+$0xFFFFFD00];
	v21 =	vsel vm5, $0x4, v1;
	v49 =	vsel vm1, v43, v44;
	v43 =	vor.u32 v25, v22  }
0x46e: {  	v25 =	vor.u32 v31, v17;
	v15 =	vadd.s32 v2, v15;
	vm7 =	vgt.f32 v27, v28;
	v27 =	vld [tilespmem:s15+$0x480]  }
0x46f: {  	v28 =	vld [tilespmem:s15+$0xFFFFF900];
	v37 =	vsel vm6, v9, v8;
	v41 =	vsel vm6, v7, v6;
	vm8 =	vgt.f32 v26, v34  }
0x470: {  	v26 =	vld [tilespmem:s15+$0xFFFFFB00];
	v57 =	vsel vm7, v9, v8;
	v42 =	vsel vm7, v7, v6;
	v58 =	vsel vm8, v7, v6  }
0x471: {  	v61 =	vld [tilespmem:s15+$0x780];
	v37 =	vsel vm12, v37, v41;
	v34 =	vsel vm4, v57, v42;
	vm9 =	vgt.f32 v23, v35  }
0x472: {  	v51 =	vld [tilespmem:s15+$0x500];
	v57 =	vsel vm3, $0x4, v1;
	v23 =	vsel vm8, v9, v8;
	v59 =	vsel vm9, v9, v8  }
0x473: {  	v14 =	vld.idx.msk [tilespmem:v14+s9+$0x0], $0xffff;
	v60 =	vsel vm9, v7, v6;
	v23 =	vsel vm5, v23, v58;
	vm13 =	vgt.f32 v27, v40  }
0x474: {  	v41 =	vld [tilespmem:s14+$0x180];
	v32 =	vsel vm0, v59, v60;
	v40 =	vsel vm2, v63, v45;
	vm5 =	vgt.f32 v28, v37  }
0x475: {  	v15 =	vld.idx.msk [tilespmem:v15+s9+$0x0], $0xffff;
	vm4 =	vgt.f32 v26, v34;
	vm12 =	vgt.f32 v62, v23;
	v23 =	vsel vm8, $0x2, v1  }
0x476: {  	v27 =	vld [tilespmem:s15+$0xFFFFFF00];
	v26 =	vsel vm9, $0x2, v1;
	v28 =	vsel vm11, $0x2, v1;
	v46 =	vsel vm13, v9, v8  }
0x477: {  	v47 =	vld [tilespmem:s15+$0x100];
	v48 =	vsel vm13, v7, v6;
	v52 =	vsel vm13, $0x2, v1;
	v37 =	vsel vm5, $0x1, v1  }
0x478: {  	v45 =	vld [tilespmem:s14+$0x380];
	v56 =	vsel vm4, $0x1, v1;
	v58 =	vsel vm12, $0x1, v1;
	v42 =	vsel vm3, v46, v48  }
0x479: {  	v63 =	vld.idx.msk [tilespmem:v13+s9+$0x0], $0xffff;
	v21 =	vor.u32 v21, v23;
	v23 =	vor.u32 v53, v26;
	vm9 =	vgt.f32 v51, v42  }
0x47a: {  	vm13 =	vgt.f32 v41, v14;
	v42 =	vor.u32 v30, v24;
	v62 =	vsel vm9, $0x1, v1  }
0x47b: {  	vm15 =	vgt.f32 v61, v15;
	v15 =	vshll.u32 v20, $0x1;
	vm14 =	vgt.f32 v27, v32  }
0x47c: {  	v27 =	vsel vm10, $0x2, v1;
	v20 =	vsel vm15, $0x1, v1;
	vm15 =	vgt.f32 v47, v49  }
0x47d: {  	v50 =	vld [tilespmem:s15+$0x300];
	v59 =	vsel vm14, $0x1, v1;
	v26 =	vor.u32 v54, v27;
	v27 =	vor.u32 v55, v28  }
0x47e: {  	v28 =	vor.u32 v57, v52;
	v52 =	vor.u32 v58, v21;
	vm14 =	vgt.f32 v45, v63  }
0x47f: {  	v15 =	vor.u32 v20, v15;
	v20 =	vsel vm7, $0x2, v1;
	v60 =	vsel vm15, $0x1, v1  }
0x480: {  	v53 =	vld.idx.msk [tilespmem:v12+s9+$0x0], $0xffff;
	v54 =	vor.u32 v59, v23;
	v57 =	vor.u32 v62, v28;
	v62 =	vsel vm13, $0x1, v1  }
0x481: {  	v14 =	vld [tilespmem:s15+$0x580];
	v63 =	vsel vm14, $0x1, v1;
	v34 =	vcvt.s32.f32 v15;
	v15 =	vsel vm6, $0x2, v1  }
0x482: {  	v47 =	vld [tilespmem:s14+$0x580];
	vm6 =	vgt.f32 v50, v40;
	v20 =	vor.u32 v29, v20;
	v15 =	vor.u32 v38, v15  }
0x483: {  	v28 =	vld [tilespmem:s15+$0xFFFFFF80];
	v55 =	vor.u32 v60, v26;
	v21 =	vshll.u32 v54, $0x7;
	v15 =	vor.u32 v37, v15  }
0x484: {  	v29 =	vld [tilespmem:s15+$0xFFFFF980];
	v33 =	vor.u32 v56, v20;
	v49 =	vadd.s32 v2, v21;
	v12 =	vshll.u32 v15, $0x7  }
0x485: {  	v26 =	vld [tilespmem:s15+$0xFFFFFD80];
	v61 =	vsel vm6, $0x1, v1;
	v13 =	vshll.u32 v33, $0x7;
	v58 =	vadd.s32 v2, v12  }
0x486: {  	v20 =	vshll.u32 v52, $0x7;
	v56 =	vor.u32 v61, v27;
	v27 =	vld [tilespmem:s15+$0xFFFFFB80];
	v61 =	vadd.s32 v2, v13  }
0x487: {  	v36 =	vshll.u32 v52, $0x1;
	v60 =	vshll.u32 v57, $0x7;
	v48 =	vadd.s32 v2, v20;
	v13 =	vld [tilespmem:s15+$0x380]  }
0x488: {  	v22 =	vor.u32 v62, v18;
	v24 =	vor.u32 v63, v19;
	v23 =	vshll.u32 v55, $0x7;
	v12 =	vld [tilespmem:s15+$0x180]  }
0x489: {  	s14 =	simm.s32 $0x10F80;
	v38 =	vshll.u32 v54, $0x1;
	v35 =	vshll.u32 v55, $0x1;
	v23 =	vadd.s32 v2, v23;
	v30 =	vld.idx.msk [tilespmem:v49+s9+$0x0], $0xffff  }
0x48a: {  	v20 =	vadd.s32 v2, v60;
	[tilespmem:s14+$0x180] =	vst v34;
	v34 =	vshll.u32 v57, $0x1;
	v59 =	vshll.u32 v56, $0x7;
	v40 =	vld.idx.msk [tilespmem:v58+s9+$0x0], $0xffff  }
0x48b: {  	vm15 =	vgt.f32 v47, v53;
	v32 =	vshll.u32 v15, $0x1;
	v15 =	vshll.u32 v33, $0x1;
	s15 =	simm.s32 $0x10B80;
	v39 =	vld.idx.msk [tilespmem:v61+s9+$0x0], $0xffff  }
0x48c: {  	s16 =	simm.s32 $0x8;
	s17 =	simm.s32 $0xB180;
	v33 =	vshll.u32 v56, $0x1;
	v21 =	vadd.s32 v2, v59;
	v41 =	vsel vm15, $0x1, v1;
	[tilespmem:s15+$0x180] =	vst v16;
	v37 =	vld.idx.msk [tilespmem:v48+s9+$0x0], $0xffff  }
.LBB2_7:
0x48d: {  	v31 =	vld [tilespmem:s17+$0x600];
	s16 =	sadd.s32 $0x8, s16;
	v11 =	vcvt.s32.f32 v11;
	v43 =	vcvt.s32.f32 v43;
	v41 =	vor.u32 v41, v10;
	v17 =	vmovc v36;
	v16 =	vmovc v38  }
0x48e: {  	v38 =	vcvt.s32.f32 v42;
	v25 =	vcvt.s32.f32 v25;
	v18 =	vmovc v35;
	v19 =	vmovc v33;
	v10 =	vmov v34;
	v36 =	vld [tilespmem:s17+$0xFFFFFA00];
	p0 =	slt.u32 s16, $0x38  }
0x48f: {  	v34 =	vcvt.s32.f32 v24;
	vm0 =	vgt.f32 v29, v40;
	v29 =	vcvt.s32.f32 v22;
	v33 =	vld [tilespmem:s17+$0x680];
	[tilespmem:s15+$0xFFFFFE00] =	vst v11  }
0x490: {  	v11 =	vsel vm0, $0x1, v1;
	vm0 =	vgt.f32 v27, v39;
	v27 =	vcvt.s32.f32 v41;
	v35 =	vld [tilespmem:s17+$0xFFFFFC00];
	[tilespmem:s15+$0xFFFFFE80] =	vst v43  }
0x491: {  	v11 =	vor.u32 v11, v32;
	v22 =	vsel vm0, $0x1, v1;
	vm0 =	vgt.f32 v26, v37;
	v39 =	vld [tilespmem:s17+$0xFFFFFE00];
	[tilespmem:s15+$0xFFFFFF00] =	vst v38  }
0x492: {  	v24 =	vsel vm0, $0x1, v1;
	vm0 =	vgt.f32 v28, v30;
	v26 =	vld [tilespmem:s17+$0x700];
	vm1 =	vgt.f32 v31, v3;
	[tilespmem:s15+$0xFFFFFF80] =	vst v25  }
0x493: {  	v25 =	vsel vm0, $0x1, v1;
	vm4 =	vgt.f32 v36, v3;
	v28 =	vld [tilespmem:s17+$0x0];
	v31 =	vsel vm1, v5, v4;
	[tilespmem:s15+$0x0] =	vst v29  }
0x494: {  	v29 =	vsel vm4, v5, v4;
	v30 =	vsel vm4, $0x4, v1;
	v32 =	vld [tilespmem:s17+$0x200];
	vm2 =	vgt.f32 v33, v31;
	[tilespmem:s15+$0x80] =	vst v34  }
0x495: {  	vm5 =	vgt.f32 v35, v3;
	v31 =	vld [tilespmem:s17+$0x400];
	v33 =	vsel vm2, v9, v8;
	v34 =	vsel vm2, v7, v6;
	[tilespmem:s15+$0x100] =	vst v27;
	s15 =	smov.u32 s14  }
0x496: {  	v27 =	vld [tilespmem:s17+$0xFFFFF800];
	v35 =	vsel vm5, v5, v4;
	vm0 =	vgt.f32 v39, v3;
	v33 =	vsel vm1, v33, v34  }
0x497: {  	v34 =	vld [tilespmem:s17+$0xFFFFF880];
	vm3 =	vgt.f32 v26, v33;
	v26 =	vsel vm1, $0x4, v1;
	v33 =	vsel vm2, $0x2, v1  }
0x498: {  	v36 =	vld [tilespmem:s17+$0xFFFFFA80];
	vm1 =	vgt.f32 v28, v3;
	v26 =	vor.u32 v26, v33;
	v28 =	vsel vm3, $0x1, v1  }
0x499: {  	v37 =	vsel vm0, v5, v4;
	v33 =	vld [tilespmem:s17+$0xFFFFFC80];
	vm2 =	vgt.f32 v32, v3;
	v26 =	vor.u32 v28, v26  }
0x49a: {  	v32 =	vsel vm1, v5, v4;
	v28 =	vld [tilespmem:s17+$0xFFFFFE80];
	vm3 =	vgt.f32 v31, v3;
	v31 =	vshll.u32 v26, $0x7  }
0x49b: {  	v38 =	vsel vm2, v5, v4;
	vm13 =	vgt.f32 v27, v3;
	v27 =	vld [tilespmem:s17+$0x80];
	v31 =	vadd.s32 v2, v31  }
0x49c: {  	v42 =	vsel vm3, v5, v4;
	v39 =	vsel vm13, v5, v4;
	v40 =	vsel vm13, $0x4, v1;
	v41 =	vld [tilespmem:s17+$0x280]  }
0x49d: {  	vm6 =	vgt.f32 v34, v39;
	vm7 =	vgt.f32 v36, v29;
	v34 =	vsel vm5, $0x4, v1;
	v29 =	vld [tilespmem:s17+$0x480]  }
0x49e: {  	v36 =	vld [tilespmem:s17+$0xFFFFF900];
	v39 =	vsel vm6, v9, v8;
	v43 =	vsel vm6, v7, v6;
	vm8 =	vgt.f32 v33, v35  }
0x49f: {  	v35 =	vsel vm7, v9, v8;
	v44 =	vsel vm7, v7, v6;
	v33 =	vld [tilespmem:s17+$0xFFFFFB00];
	vm10 =	vgt.f32 v28, v37  }
0x4a0: {  	v28 =	vsel vm8, v9, v8;
	v37 =	vsel vm8, v7, v6;
	vm9 =	vgt.f32 v27, v32;
	v27 =	vld.idx.msk [tilespmem:v31+s9+$0x0], $0xffff  }
0x4a1: {  	v31 =	vsel vm10, v9, v8;
	v32 =	vsel vm10, v7, v6;
	vm11 =	vgt.f32 v41, v38;
	v38 =	vld [tilespmem:s17+$0x780]  }
0x4a2: {  	v45 =	vsel vm9, v9, v8;
	v46 =	vsel vm9, v7, v6;
	v41 =	vld [tilespmem:s17+$0xFFFFFD00];
	vm12 =	vgt.f32 v29, v42  }
0x4a3: {  	v42 =	vsel vm11, v9, v8;
	v47 =	vsel vm11, v7, v6;
	v29 =	vld [tilespmem:s17+$0xFFFFFF00];
	v48 =	vsel vm12, v9, v8  }
0x4a4: {  	v39 =	vsel vm13, v39, v43;
	v35 =	vsel vm4, v35, v44;
	v44 =	vsel vm12, v7, v6;
	v43 =	vld [tilespmem:s17+$0x100]  }
0x4a5: {  	v28 =	vsel vm5, v28, v37;
	v31 =	vsel vm0, v31, v32;
	v32 =	vsel vm1, v45, v46;
	v37 =	vld [tilespmem:s17+$0x300]  }
0x4a6: {  	v42 =	vsel vm2, v42, v47;
	v44 =	vsel vm3, v48, v44;
	v45 =	vld [tilespmem:s17+$0x500];
	vm5 =	vgt.f32 v38, v27  }
0x4a7: {  	v26 =	vshll.u32 v26, $0x1;
	vm4 =	vgt.f32 v36, v39;
	v27 =	vsel vm5, $0x1, v1;
	v36 =	vld.idx.msk [tilespmem:v23+s9+$0x0], $0xffff  }
0x4a8: {  	vm13 =	vgt.f32 v33, v35;
	vm5 =	vgt.f32 v41, v28;
	v23 =	vor.u32 v27, v26;
	v33 =	vld.idx.msk [tilespmem:v21+s9+$0x0], $0xffff  }
0x4a9: {  	vm14 =	vgt.f32 v29, v31;
	vm15 =	vgt.f32 v43, v32;
	v21 =	vcvt.s32.f32 v23;
	v31 =	vld.idx.msk [tilespmem:v20+s9+$0x0], $0xffff  }
0x4aa: {  	s14 =	sadd.s32 $0x400, s14;
	v20 =	vsel vm6, $0x2, v1;
	v23 =	vsel vm7, $0x2, v1;
	v29 =	vld [tilespmem:s17+$0xFFFFF980];
	vm6 =	vgt.f32 v37, v42  }
0x4ab: {  	v35 =	vsel vm10, $0x2, v1;
	v32 =	vsel vm8, $0x2, v1;
	v27 =	vld [tilespmem:s17+$0xFFFFFB80];
	vm7 =	vgt.f32 v45, v44;
	[tilespmem:s14+$0x180] =	vst v21  }
0x4ac: {  	v38 =	vsel vm12, $0x2, v1;
	v37 =	vsel vm11, $0x2, v1;
	v21 =	vsel vm9, $0x2, v1;
	v26 =	vld [tilespmem:s17+$0xFFFFFD80]  }
0x4ad: {  	v39 =	vsel vm0, $0x4, v1;
	v41 =	vsel vm1, $0x4, v1;
	v42 =	vsel vm2, $0x4, v1;
	v28 =	vld [tilespmem:s17+$0xFFFFFF80]  }
0x4ae: {  	v46 =	vsel vm3, $0x4, v1;
	v43 =	vsel vm4, $0x1, v1;
	v44 =	vsel vm13, $0x1, v1;
	v45 =	vld [tilespmem:s17+$0x180]  }
0x4af: {  	v47 =	vsel vm5, $0x1, v1;
	v48 =	vsel vm14, $0x1, v1;
	v49 =	vsel vm15, $0x1, v1;
	v50 =	vld [tilespmem:s17+$0x380]  }
0x4b0: {  	v20 =	vor.u32 v40, v20;
	v40 =	vsel vm6, $0x1, v1;
	v52 =	vsel vm7, $0x1, v1;
	v51 =	vld [tilespmem:s17+$0x580]  }
0x4b1: {  	v23 =	vor.u32 v30, v23;
	v30 =	vor.u32 v34, v32;
	v32 =	vor.u32 v39, v35  }
0x4b2: {  	v35 =	vor.u32 v46, v38;
	v34 =	vor.u32 v42, v37;
	v21 =	vor.u32 v41, v21  }
0x4b3: {  	v37 =	vor.u32 v43, v20;
	v30 =	vor.u32 v47, v30;
	v38 =	vor.u32 v44, v23  }
0x4b4: {  	v42 =	vor.u32 v48, v32;
	v34 =	vor.u32 v40, v34;
	v43 =	vor.u32 v49, v21  }
0x4b5: {  	v20 =	vshll.u32 v37, $0x7;
	v21 =	vshll.u32 v38, $0x7;
	v44 =	vor.u32 v52, v35  }
0x4b6: {  	v23 =	vshll.u32 v30, $0x7;
	v32 =	vshll.u32 v42, $0x7;
	v35 =	vshll.u32 v43, $0x7  }
0x4b7: {  	v39 =	vadd.s32 v2, v20;
	v20 =	vshll.u32 v34, $0x7;
	v40 =	vshll.u32 v44, $0x7  }
0x4b8: {  	v47 =	vadd.s32 v2, v23;
	v48 =	vadd.s32 v2, v32;
	v46 =	vadd.s32 v2, v21  }
0x4b9: {  	v21 =	vadd.s32 v2, v20;
	v23 =	vadd.s32 v2, v35;
	v20 =	vadd.s32 v2, v40  }
0x4ba: {  	vm0 =	vgt.f32 v12, v36;
	vm1 =	vgt.f32 v13, v33;
	vm2 =	vgt.f32 v14, v31;
	v12 =	vmovc v45  }
.Ltmp2:
0x4bb: {  	v31 =	vsel vm0, $0x1, v1;
	v41 =	vsel vm2, $0x1, v1;
	v45 =	vsel vm1, $0x1, v1;
	v13 =	vmovc v50;
	v14 =	vmovc v51;
	(pc) =	sbr.rel @p0 .LBB2_7-.Ltmp2, $4  }
0x4bc: {  	v36 =	vshll.u32 v30, $0x1;
	v32 =	vshll.u32 v37, $0x1;
	v49 =	vshll.u32 v38, $0x1;
	v40 =	vld.idx.msk [tilespmem:v39+s9+$0x0], $0xffff  }
0x4bd: {  	v38 =	vshll.u32 v42, $0x1;
	v33 =	vshll.u32 v34, $0x1;
	v35 =	vshll.u32 v43, $0x1;
	v39 =	vld.idx.msk [tilespmem:v46+s9+$0x0], $0xffff  }
0x4be: {  	v42 =	vor.u32 v24, v17;
	v34 =	vshll.u32 v44, $0x1;
	v43 =	vor.u32 v22, v15;
	v15 =	vmovc v49;
	v37 =	vld.idx.msk [tilespmem:v47+s9+$0x0], $0xffff  }
0x4bf: {  	v25 =	vor.u32 v25, v16;
	v22 =	vor.u32 v31, v18;
	s17 =	sadd.s32 $0x1000, s17;
	v24 =	vor.u32 v45, v19;
	v30 =	vld.idx.msk [tilespmem:v48+s9+$0x0], $0xffff  }
0x4c0: {  	_ =	sdelay $0x2  }
0x4c1: {  	v3 =	vcvt.s32.f32 v11  }
0x4c2: {  	v4 =	vcvt.s32.f32 v43;
	v5 =	vor.u32 v41, v10;
	v6 =	vld.idx.msk [tilespmem:v23+s9+$0x0], $0xffff  }
0x4c3: {  	v7 =	vcvt.s32.f32 v42;
	v8 =	vcvt.s32.f32 v25;
	vm0 =	vgt.f32 v29, v40;
	[tilespmem:s15+$0xFFFFFE00] =	vst v3;
	v3 =	vld.idx.msk [tilespmem:v21+s9+$0x0], $0xffff  }
0x4c4: {  	v9 =	vcvt.s32.f32 v22;
	v10 =	vcvt.s32.f32 v24;
	v11 =	vsel vm0, $0x1, v1;
	[tilespmem:s15+$0xFFFFFE80] =	vst v4;
	v4 =	vld.idx.msk [tilespmem:v20+s9+$0x0], $0xffff  }
0x4c5: {  	v5 =	vcvt.s32.f32 v5;
	vm0 =	vgt.f32 v27, v39;
	[tilespmem:s15+$0xFFFFFF00] =	vst v7;
	v11 =	vor.u32 v11, v32  }
0x4c6: {  	[tilespmem:s15+$0xFFFFFF80] =	vst v8;
	v7 =	vsel vm0, $0x1, v1;
	vm0 =	vgt.f32 v26, v37;
	vm1 =	vgt.f32 v28, v30  }
0x4c7: {  	[tilespmem:s15+$0x0] =	vst v9;
	v8 =	vsel vm0, $0x1, v1;
	v16 =	vsel vm1, $0x1, v1;
	vm0 =	vgt.f32 v12, v6  }
0x4c8: {  	[tilespmem:s15+$0x80] =	vst v10;
	v6 =	vcvt.s32.f32 v11;
	vm1 =	vgt.f32 v13, v3;
	v3 =	vor.u32 v7, v15  }
0x4c9: {  	[tilespmem:s15+$0x100] =	vst v5;
	vm2 =	vgt.f32 v14, v4;
	v4 =	vor.u32 v8, v36;
	v3 =	vcvt.s32.f32 v3  }
0x4ca: {  	v5 =	vsel vm0, $0x1, v1;
	v7 =	vor.u32 v16, v38;
	[tilespmem:s14+$0xFFFFFE00] =	vst v6;
	v4 =	vcvt.s32.f32 v4  }
0x4cb: {  	v5 =	vor.u32 v5, v35;
	v6 =	vsel vm1, $0x1, v1;
	v7 =	vcvt.s32.f32 v7;
	[tilespmem:s14+$0xFFFFFE80] =	vst v3  }
0x4cc: {  	v5 =	vcvt.s32.f32 v5;
	v6 =	vor.u32 v6, v33;
	v3 =	vsel vm2, $0x1, v1;
	[tilespmem:s14+$0xFFFFFF00] =	vst v4  }
0x4cd: {  	v4 =	vcvt.s32.f32 v6;
	[tilespmem:s14+$0xFFFFFF80] =	vst v7;
	v3 =	vor.u32 v3, v34  }
0x4ce: {  	[tilespmem:s14+$0x0] =	vst v5;
	v3 =	vcvt.s32.f32 v3  }
0x4cf: {  	[tilespmem:s14+$0x80] =	vst v4  }
0x4d0: {  	[tilespmem:s14+$0x100] =	vst v3  }
0x4d1: {  	v4 =	vld [tilespmem:$0x210]  }
0x4d2: {  	v5 =	vld [tilespmem:$0x290]  }
0x4d3: {  	v7 =	vld [tilespmem:$0x310]  }
0x4d4: {  	v3 =	vld [tilespmem:$0x390]  }
0x4d5: {  	v6 =	vld [tilespmem:$0x410]  }
0x4d6: {  	v8 =	vld [tilespmem:$0x490]  }
0x4d7: {  	s31 =	simm.s32 $0x9190;
	v9 =	vld [tilespmem:$0x510]  }
0x4d8: {  	v10 =	vld [tilespmem:s31+$0x0]  }
0x4d9: {  	v11 =	vld [tilespmem:s31+$0xFFFFF800]  }
0x4da: {  	v12 =	vld [tilespmem:s31+$0x600]  }
0x4db: {  	v14 =	vld [tilespmem:s31+$0xFFFFFC00]  }
0x4dc: {  	v19 =	vld [tilespmem:s31+$0x200]  }
0x4dd: {  	v13 =	vld [tilespmem:s31+$0xFFFFF880]  }
0x4de: {  	v15 =	vld [tilespmem:s31+$0x80]  }
0x4df: {  	v16 =	vld [tilespmem:s31+$0xFFFFF900];
	vm0 =	vgt.f32 v11, v4  }
0x4e0: {  	v24 =	vld [tilespmem:s31+$0x280];
	vm2 =	vgt.f32 v10, v4;
	vm3 =	vgt.f32 v12, v4;
	vm5 =	vgt.f32 v14, v4  }
0x4e1: {  	v11 =	vld [tilespmem:s31+$0x400];
	vm12 =	vgt.f32 v19, v4;
	v10 =	vsel vm0, v7, v5;
	v17 =	vsel vm2, v7, v5  }
0x4e2: {  	v12 =	vld [tilespmem:s31+$0xFFFFFE00];
	v18 =	vsel vm3, v7, v5;
	v19 =	vsel vm12, v7, v5;
	v28 =	vsel vm3, $0x4, v1  }
0x4e3: {  	v14 =	vld [tilespmem:s31+$0xFFFFFC80];
	v30 =	vsel vm12, $0x4, v1;
	vm1 =	vgt.f32 v13, v10;
	vm6 =	vgt.f32 v15, v17  }
0x4e4: {  	v15 =	vsel vm5, v7, v5;
	v10 =	vsel vm1, v9, v8;
	v13 =	vsel vm1, v6, v3  }
0x4e5: {  	vm13 =	vgt.f32 v24, v19;
	v17 =	vsel vm1, $0x2, v1;
	v10 =	vsel vm0, v10, v13  }
0x4e6: {  	v13 =	vld [tilespmem:s31+$0x480];
	vm4 =	vgt.f32 v16, v10;
	v10 =	vsel vm0, $0x4, v1;
	vm1 =	vgt.f32 v11, v4  }
0x4e7: {  	vm0 =	vgt.f32 v12, v4;
	v10 =	vor.u32 v10, v17;
	v11 =	vsel vm4, $0x1, v1  }
0x4e8: {  	v12 =	vsel vm6, v6, v3;
	v16 =	vld [tilespmem:s31+$0xFFFFFD00];
	vm7 =	vgt.f32 v14, v15;
	v11 =	vor.u32 v11, v10  }
0x4e9: {  	v14 =	vld [tilespmem:s31+$0x680];
	v17 =	vsel vm5, $0x4, v1;
	v10 =	vor.u32 $0x390, v0;
	v20 =	vshll.u32 v11, $0x7  }
0x4ea: {  	v21 =	vsel vm1, v7, v5;
	v22 =	vsel vm1, $0x4, v1;
	v15 =	vadd.s32 v10, v20  }
0x4eb: {  	v23 =	vsel vm7, v6, v3;
	vm15 =	vgt.f32 v13, v21;
	v13 =	vsel vm7, v9, v8  }
0x4ec: {  	v26 =	vld [tilespmem:s31+$0x700];
	v25 =	vsel vm0, $0x4, v1;
	v11 =	vshll.u32 v11, $0x1;
	v13 =	vsel vm5, v13, v23  }
0x4ed: {  	v20 =	vsel vm0, v7, v5;
	v21 =	vsel vm2, $0x4, v1;
	vm8 =	vgt.f32 v16, v13;
	v16 =	vld [tilespmem:s31+$0xFFFFFE80]  }
0x4ee: {  	v29 =	vld [tilespmem:s31+$0xFFFFF980];
	v23 =	vsel vm6, $0x2, v1;
	vm9 =	vgt.f32 v14, v18;
	v14 =	vsel vm6, v9, v8  }
0x4ef: {  	v13 =	vsel vm15, $0x2, v1;
	v18 =	vsel vm9, $0x2, v1;
	v27 =	vsel vm9, v6, v3;
	v15 =	vld.idx.msk [tilespmem:v15+s9+$0x0], $0xffff  }
0x4f0: {  	v31 =	vsel vm9, v9, v8;
	v12 =	vsel vm2, v14, v12;
	v21 =	vor.u32 v21, v23  }
0x4f1: {  	v14 =	vsel vm13, $0x2, v1;
	v23 =	vsel vm13, v9, v8;
	v19 =	vsel vm3, v31, v27  }
0x4f2: {  	s14 =	simm.s32 $0xA190;
	vm3 =	vgt.f32 v26, v19;
	v19 =	vsel vm7, $0x2, v1;
	vm2 =	vgt.f32 v16, v20;
	v20 =	vld [tilespmem:s31+$0x100]  }
0x4f3: {  	v62 =	vld [tilespmem:s14+$0x200];
	v24 =	vsel vm8, $0x1, v1;
	v17 =	vor.u32 v17, v19;
	v19 =	vsel vm15, v9, v8  }
0x4f4: {  	v16 =	vor.u32 v30, v14;
	v14 =	vsel vm3, $0x1, v1;
	vm3 =	vgt.f32 v29, v15  }
0x4f5: {  	v26 =	vld [tilespmem:s31+$0x500];
	v30 =	vsel vm15, v6, v3;
	v15 =	vor.u32 v28, v18;
	v18 =	vsel vm3, $0x1, v1  }
0x4f6: {  	v28 =	vor.u32 v14, v15;
	v15 =	vsel vm13, v6, v3;
	v11 =	vor.u32 v18, v11;
	v18 =	vld [tilespmem:s31+$0x300]  }
0x4f7: {  	vm3 =	vgt.f32 v20, v12;
	v12 =	vsel vm12, v23, v15;
	v15 =	vsel vm1, v19, v30;
	v30 =	vld [tilespmem:s14+$0x600]  }
0x4f8: {  	v13 =	vor.u32 v22, v13;
	vm7 =	vgt.f32 v62, v4;
	v14 =	vcvt.s32.f32 v11;
	v11 =	vld [tilespmem:s31+$0xFFFFFF00]  }
0x4f9: {  	v45 =	vsel vm7, v7, v5;
	v27 =	vsel vm2, v9, v8;
	v29 =	vshll.u32 v28, $0x7;
	v19 =	vld [tilespmem:s31+$0xFFFFFA00]  }
0x4fa: {  	v20 =	vsel vm2, v6, v3;
	v23 =	vld [tilespmem:s14+$0x0];
	vm1 =	vgt.f32 v26, v15;
	v15 =	vor.u32 v24, v17  }
0x4fb: {  	v17 =	vsel vm0, v27, v20;
	v24 =	vshll.u32 v28, $0x1;
	v20 =	vsel vm1, $0x1, v1  }
0x4fc: {  	v22 =	vld [tilespmem:s31+$0xFFFFFA80];
	vm1 =	vgt.f32 v18, v12;
	v12 =	vor.u32 v20, v13;
	v20 =	vsel vm2, $0x2, v1  }
0x4fd: {  	vm4 =	vgt.f32 v30, v4;
	vm0 =	vgt.f32 v11, v17;
	v11 =	vsel vm3, $0x1, v1  }
0x4fe: {  	v26 =	vld [tilespmem:s14+$0x80];
	v13 =	vsel vm1, $0x1, v1;
	v17 =	vshll.u32 v12, $0x7;
	vm1 =	vgt.f32 v19, v4  }
0x4ff: {  	v18 =	vld [tilespmem:s31+$0xFFFFFB00];
	v19 =	vadd.s32 v10, v29;
	v20 =	vor.u32 v25, v20;
	vm3 =	vgt.f32 v23, v4  }
0x500: {  	v46 =	vld [tilespmem:s14+$0x400];
	v17 =	vadd.s32 v10, v17;
	v13 =	vor.u32 v13, v16;
	v16 =	vsel vm1, v7, v5  }
0x501: {  	v48 =	vld [tilespmem:s14+$0xFFFFFE00];
	v30 =	vsel vm3, v7, v5;
	v27 =	vshll.u32 v13, $0x7;
	vm2 =	vgt.f32 v22, v16  }
0x502: {  	v53 =	vld [tilespmem:s31+$0x780];
	v28 =	vsel vm2, v9, v8;
	v29 =	vsel vm2, v6, v3;
	v27 =	vadd.s32 v10, v27  }
0x503: {  	v21 =	vor.u32 v11, v21;
	v22 =	vld [tilespmem:s31+$0x380];
	vm6 =	vgt.f32 v26, v30;
	v28 =	vsel vm1, v28, v29  }
0x504: {  	v26 =	vld [tilespmem:s14+$0xFFFFF800];
	v31 =	vsel vm2, $0x2, v1;
	vm2 =	vgt.f32 v18, v28;
	v18 =	vsel vm1, $0x4, v1  }
0x505: {  	v16 =	vshll.u32 v15, $0x7;
	v28 =	vld [tilespmem:s31+$0x580];
	v11 =	vor.u32 v18, v31;
	v18 =	vsel vm2, $0x1, v1  }
0x506: {  	v13 =	vshll.u32 v13, $0x1;
	v15 =	vshll.u32 v15, $0x1;
	v17 =	vld.idx.msk [tilespmem:v17+s9+$0x0], $0xffff;
	v18 =	vor.u32 v18, v11  }
0x507: {  	v16 =	vadd.s32 v10, v16;
	v30 =	vsel vm6, v6, v3;
	v47 =	vshll.u32 v18, $0x7;
	v25 =	vld.idx.msk [tilespmem:v27+s9+$0x0], $0xffff  }
0x508: {  	v59 =	vsel vm6, $0x2, v1;
	v29 =	vld [tilespmem:s14+$0xFFFFFC00];
	vm1 =	vgt.f32 v46, v4;
	v33 =	vadd.s32 v10, v47  }
0x509: {  	v23 =	vld [tilespmem:s14+$0xFFFFFC80];
	v31 =	vsel vm0, $0x1, v1;
	vm0 =	vgt.f32 v48, v4;
	v51 =	vsel vm1, v7, v5  }
0x50a: {  	v19 =	vld.idx.msk [tilespmem:v19+s9+$0x0], $0xffff;
	v34 =	vsel vm1, $0x4, v1;
	v11 =	vshll.u32 v21, $0x1;
	v21 =	vshll.u32 v21, $0x7  }
0x50b: {  	v20 =	vor.u32 v31, v20;
	v31 =	vsel vm4, v7, v5;
	vm15 =	vgt.f32 v28, v17;
	v17 =	vld [tilespmem:s31+$0xFFFFFB80]  }
0x50c: {  	vm12 =	vgt.f32 v26, v4;
	v18 =	vshll.u32 v18, $0x1;
	vm2 =	vgt.f32 v22, v25;
	v22 =	vld [tilespmem:s14+$0xFFFFF880]  }
0x50d: {  	v27 =	vshll.u32 v12, $0x1;
	v12 =	vshll.u32 v20, $0x1;
	vm14 =	vgt.f32 v29, v4;
	v50 =	vld.idx.msk [tilespmem:v33+s9+$0x0], $0xffff  }
0x50e: {  	v20 =	vshll.u32 v20, $0x7;
	v21 =	vadd.s32 v10, v21;
	v29 =	vsel vm14, v7, v5  }
0x50f: {  	v55 =	vsel vm12, v7, v5;
	v28 =	vsel vm14, $0x4, v1;
	vm5 =	vgt.f32 v23, v29  }
0x510: {  	v54 =	vld [tilespmem:s14+$0xFFFFF900];
	v23 =	vsel vm5, v9, v8;
	v26 =	vsel vm15, $0x1, v1;
	v57 =	vsel vm5, v6, v3  }
0x511: {  	v49 =	vld [tilespmem:s14+$0x480];
	vm15 =	vgt.f32 v53, v19;
	v25 =	vsel vm0, v7, v5;
	v26 =	vor.u32 v26, v27  }
0x512: {  	v52 =	vsel vm2, $0x1, v1;
	vm10 =	vgt.f32 v22, v55;
	vm13 =	vgt.f32 v17, v50  }
0x513: {  	v60 =	vld [tilespmem:s31+$0xFFFFFD80];
	v17 =	vsel vm14, v23, v57;
	v23 =	vsel vm10, v9, v8;
	v58 =	vsel vm10, v6, v3  }
0x514: {  	v16 =	vld.idx.msk [tilespmem:v16+s9+$0x0], $0xffff;
	v61 =	vsel vm10, $0x2, v1;
	v22 =	vsel vm13, $0x1, v1;
	v23 =	vsel vm12, v23, v58  }
0x515: {  	v18 =	vor.u32 v22, v18;
	vm14 =	vgt.f32 v54, v23;
	v22 =	vsel vm12, $0x4, v1  }
0x516: {  	v56 =	vld [tilespmem:s14+$0xFFFFFD00];
	vm2 =	vgt.f32 v49, v51;
	v19 =	vor.u32 v22, v61;
	v22 =	vsel vm14, $0x1, v1  }
0x517: {  	v46 =	vld [tilespmem:s14+$0x700];
	v33 =	vsel vm3, $0x4, v1;
	v49 =	vsel vm4, $0x4, v1;
	v22 =	vor.u32 v22, v19  }
0x518: {  	v26 =	vcvt.s32.f32 v26;
	v29 =	vor.u32 v52, v13;
	v23 =	vld [tilespmem:s14+$0x680];
	v19 =	vshll.u32 v22, $0x7  }
0x519: {  	v13 =	vsel vm0, $0x4, v1;
	vm13 =	vgt.f32 v60, v16;
	v16 =	vld.idx.msk [tilespmem:v21+s9+$0x0], $0xffff;
	v19 =	vadd.s32 v10, v19  }
0x51a: {  	v27 =	vsel vm2, $0x2, v1;
	v52 =	vadd.s32 v10, v20;
	v50 =	vsel vm7, $0x4, v1;
	v21 =	vld [tilespmem:s14+$0x280]  }
0x51b: {  	v53 =	vld [tilespmem:s14+$0xFFFFF980];
	vm12 =	vgt.f32 v56, v17;
	v17 =	vsel vm15, $0x1, v1;
	v63 =	vsel vm13, $0x1, v1  }
0x51c: {  	v17 =	vor.u32 v17, v24;
	v24 =	vld [tilespmem:s14+$0xFFFFFE80];
	v54 =	vsel vm12, $0x1, v1;
	v15 =	vor.u32 v63, v15  }
0x51d: {  	v63 =	vcvt.s32.f32 v29;
	v17 =	vcvt.s32.f32 v17;
	vm14 =	vgt.f32 v23, v31;
	v23 =	vld [tilespmem:s31+$0x180]  }
0x51e: {  	v22 =	vshll.u32 v22, $0x1;
	v48 =	vsel vm14, v6, v3;
	v51 =	vsel vm14, v9, v8;
	v19 =	vld.idx.msk [tilespmem:v19+s9+$0x0], $0xffff  }
0x51f: {  	vm15 =	vgt.f32 v21, v45;
	v31 =	vcvt.s32.f32 v18;
	v21 =	vsel vm4, v51, v48  }
0x520: {  	v18 =	vsel vm6, v9, v8;
	v20 =	vsel vm15, $0x2, v1;
	vm13 =	vgt.f32 v46, v21;
	v21 =	vld [tilespmem:s14+$0x100]  }
0x521: {  	v55 =	vsel vm15, v6, v3;
	v47 =	vsel vm14, $0x2, v1;
	v30 =	vsel vm3, v18, v30  }
0x522: {  	v18 =	vor.u32 v33, v59;
	vm3 =	vgt.f32 v24, v25;
	v56 =	vor.u32 v49, v47  }
0x523: {  	v58 =	vld [tilespmem:s14+$0x500];
	vm12 =	vgt.f32 v23, v16;
	v23 =	vsel vm13, $0x1, v1;
	vm14 =	vgt.f32 v53, v19  }
0x524: {  	v62 =	vld [tilespmem:s14+$0xFFFFFF00];
	v24 =	vsel vm15, v9, v8;
	v19 =	vor.u32 v23, v56;
	v23 =	vsel vm14, $0x1, v1  }
0x525: {  	s15 =	simm.s32 $0x10B90;
	v57 =	vld [tilespmem:s31+$0xFFFFFF80];
	v59 =	vcvt.s32.f32 v15;
	vm15 =	vgt.f32 v21, v30;
	v15 =	vor.u32 v23, v22  }
0x526: {  	[tilespmem:s15+$0xFFFFFE00] =	vst v14;
	v21 =	vsel vm2, v9, v8;
	v22 =	vld [tilespmem:s14+$0x300];
	v61 =	vcvt.s32.f32 v15;
	v15 =	vsel vm2, v6, v3  }
0x527: {  	v35 =	vld.idx.msk [tilespmem:v52+s9+$0x0], $0xffff;
	v25 =	vsel vm3, v9, v8;
	v14 =	vsel vm7, v24, v55;
	v15 =	vsel vm1, v21, v15  }
0x528: {  	v24 =	vor.u32 v34, v27;
	v21 =	vsel vm3, v6, v3;
	vm2 =	vgt.f32 v58, v15  }
0x529: {  	v16 =	vsel vm5, $0x2, v1;
	v21 =	vsel vm0, v25, v21;
	v25 =	vsel vm2, $0x1, v1  }
0x52a: {  	[tilespmem:s15+$0x100] =	vst v26;
	v16 =	vor.u32 v28, v16;
	v28 =	vld [tilespmem:s14+$0xFFFFFA00];
	vm0 =	vgt.f32 v62, v21;
	v21 =	vor.u32 v25, v24  }
0x52b: {  	[tilespmem:s15+$0x80] =	vst v63;
	v20 =	vor.u32 v50, v20;
	vm2 =	vgt.f32 v22, v14;
	v14 =	vshll.u32 v21, $0x7  }
0x52c: {  	[tilespmem:s15+$0xFFFFFE80] =	vst v31;
	v60 =	vshll.u32 v19, $0x7;
	v23 =	vsel vm12, $0x1, v1;
	vm1 =	vgt.f32 v57, v35  }
0x52d: {  	s17 =	simm.s32 $0x10F90;
	[tilespmem:s15+$0xFFFFFF00] =	vst v59;
	v15 =	vor.u32 v54, v16;
	v16 =	vld [tilespmem:s14+$0xFFFFFA80];
	v25 =	vsel vm15, $0x1, v1;
	v24 =	vsel vm3, $0x2, v1  }
0x52e: {  	s18 =	simm.s32 $0x8;
	s19 =	simm.s32 $0xB190;
	s16 =	simm.s32 $0x10F90;
	v27 =	vld [tilespmem:s14+$0xFFFFFB00];
	[tilespmem:s17+$0xFFFFFE00] =	vst v61;
	v22 =	vadd.s32 v10, v60;
	v29 =	vsel vm2, $0x1, v1;
	v26 =	vadd.s32 v10, v14;
	v14 =	vmovc v10  }
.LBB2_9:
0x52f: {  	v30 =	vld [tilespmem:s19+$0x0];
	s18 =	sadd.s32 $0x8, s18;
	vm2 =	vgt.f32 v28, v4;
	s17 =	sadd.s32 $0x400, s17;
	v28 =	vsel vm1, $0x1, v1;
	v11 =	vor.u32 v23, v11  }
0x530: {  	v20 =	vor.u32 v29, v20;
	v19 =	vshll.u32 v19, $0x1;
	v23 =	vld [tilespmem:s19+$0xFFFFFA80];
	p0 =	slt.u32 s18, $0x38;
	v11 =	vcvt.s32.f32 v11  }
0x531: {  	v31 =	vsel vm2, v7, v5;
	v32 =	vshll.u32 v20, $0x7;
	v12 =	vor.u32 v28, v12;
	v29 =	vld [tilespmem:s19+$0x80]  }
0x532: {  	vm1 =	vgt.f32 v16, v31;
	v16 =	vshll.u32 v15, $0x7;
	v12 =	vcvt.s32.f32 v12;
	v28 =	vld [tilespmem:s14+$0x380];
	[tilespmem:s15+$0x180] =	vst v17  }
0x533: {  	v31 =	vsel vm1, v9, v8;
	v33 =	vsel vm1, v6, v3;
	v34 =	vsel vm1, $0x2, v1;
	v17 =	vld [tilespmem:s19+$0x600];
	[tilespmem:s15+$0x0] =	vst v11  }
0x534: {  	v32 =	vadd.s32 v14, v32;
	v11 =	vsel vm2, v31, v33;
	v31 =	vadd.s32 v14, v16;
	v35 =	vld [tilespmem:s19+$0xFFFFFC00];
	[tilespmem:s15+$0xFFFFFF80] =	vst v12;
	s15 =	smov.u32 s16;
	s16 =	smov.u32 s17  }
0x535: {  	vm1 =	vgt.f32 v27, v11;
	v11 =	vsel vm2, $0x4, v1;
	v12 =	vor.u32 v25, v18;
	v18 =	vld [tilespmem:s14+$0x580];
	v16 =	vmovc v23  }
0x536: {  	v25 =	vsel vm0, $0x1, v1;
	v11 =	vor.u32 v11, v34;
	v23 =	vsel vm1, $0x1, v1;
	v26 =	vld.idx.msk [tilespmem:v26+s9+$0x0], $0xffff  }
0x537: {  	v20 =	vshll.u32 v20, $0x1;
	v23 =	vor.u32 v23, v11;
	v11 =	vshll.u32 v12, $0x1;
	v27 =	vld [tilespmem:s19+$0xFFFFFE00]  }
0x538: {  	v36 =	vshll.u32 v12, $0x7;
	v34 =	vshll.u32 v23, $0x7;
	v23 =	vshll.u32 v23, $0x1;
	v33 =	vld [tilespmem:s19+$0x400]  }
0x539: {  	v12 =	vor.u32 v13, v24;
	v24 =	vshll.u32 v21, $0x1;
	v34 =	vadd.s32 v14, v34;
	v13 =	vld.idx.msk [tilespmem:v32+s9+$0x0], $0xffff  }
0x53a: {  	vm3 =	vgt.f32 v30, v4;
	vm4 =	vgt.f32 v17, v4;
	v17 =	vor.u32 v25, v12;
	v32 =	vld [tilespmem:s19+$0xFFFFFC80]  }
0x53b: {  	v21 =	vsel vm3, v7, v5;
	v30 =	vsel vm4, v7, v5;
	v12 =	vshll.u32 v17, $0x1;
	v25 =	vld [tilespmem:s19+$0x480]  }
0x53c: {  	vm6 =	vgt.f32 v29, v21;
	vm7 =	vgt.f32 v35, v4;
	v17 =	vshll.u32 v17, $0x7;
	v37 =	vld [tilespmem:s19+$0xFFFFF800]  }
0x53d: {  	v29 =	vsel vm7, v7, v5;
	vm1 =	vgt.f32 v33, v4;
	v33 =	vadd.s32 v14, v36;
	v35 =	vld.idx.msk [tilespmem:v22+s9+$0x0], $0xffff  }
0x53e: {  	vm8 =	vgt.f32 v18, v26;
	vm0 =	vgt.f32 v27, v4;
	v27 =	vsel vm6, v6, v3;
	v34 =	vld.idx.msk [tilespmem:v34+s9+$0x0], $0xffff  }
0x53f: {  	v21 =	vsel vm7, $0x4, v1;
	vm2 =	vgt.f32 v28, v13;
	v18 =	vld [tilespmem:s14+$0xFFFFFB80]  }
0x540: {  	v28 =	vsel vm0, v7, v5;
	v13 =	vsel vm1, v7, v5;
	v22 =	vsel vm2, $0x1, v1;
	v26 =	vld [tilespmem:s19+$0xFFFFF880]  }
0x541: {  	vm5 =	vgt.f32 v32, v29;
	vm2 =	vgt.f32 v25, v13;
	v25 =	vor.u32 v22, v20  }
0x542: {  	v29 =	vsel vm3, $0x4, v1;
	v20 =	vsel vm5, v9, v8;
	v22 =	vsel vm1, $0x4, v1;
	v32 =	vld [tilespmem:s14+$0x780]  }
0x543: {  	v13 =	vsel vm0, $0x4, v1;
	vm9 =	vgt.f32 v37, v4;
	v37 =	vsel vm8, $0x1, v1;
	v36 =	vld [tilespmem:s19+$0xFFFFF900]  }
0x544: {  	v40 =	vsel vm5, v6, v3;
	v38 =	vsel vm9, v7, v5;
	v39 =	vld [tilespmem:s19+$0xFFFFFD00];
	vm8 =	vgt.f32 v18, v34  }
0x545: {  	v18 =	vsel vm7, v20, v40;
	vm10 =	vgt.f32 v26, v38;
	v20 =	vsel vm8, $0x1, v1;
	v26 =	vld.idx.msk [tilespmem:v31+s9+$0x0], $0xffff  }
0x546: {  	v38 =	vsel vm6, $0x2, v1;
	v31 =	vsel vm10, v9, v8;
	v34 =	vsel vm10, v6, v3;
	v40 =	vld [tilespmem:s14+$0xFFFFFD80]  }
0x547: {  	v20 =	vor.u32 v20, v23;
	v31 =	vsel vm9, v31, v34;
	v34 =	vsel vm10, $0x2, v1;
	v41 =	vld [tilespmem:s19+$0x200]  }
0x548: {  	v23 =	vsel vm9, $0x4, v1;
	vm9 =	vgt.f32 v32, v35;
	vm7 =	vgt.f32 v36, v31;
	v31 =	vld [tilespmem:s19+$0x680]  }
0x549: {  	v24 =	vor.u32 v37, v24;
	v23 =	vor.u32 v23, v34;
	v32 =	vsel vm7, $0x1, v1  }
0x54a: {  	vm8 =	vgt.f32 v39, v18;
	v18 =	vsel vm9, $0x1, v1;
	v23 =	vor.u32 v32, v23  }
0x54b: {  	v34 =	vsel vm2, $0x2, v1;
	v32 =	vshll.u32 v23, $0x7;
	vm9 =	vgt.f32 v40, v26;
	v26 =	vld.idx.msk [tilespmem:v33+s9+$0x0], $0xffff  }
0x54c: {  	v32 =	vadd.s32 v10, v32;
	v33 =	vld [tilespmem:s19+$0x280];
	vm7 =	vgt.f32 v41, v4;
	v35 =	vsel vm9, $0x1, v1  }
0x54d: {  	v20 =	vcvt.s32.f32 v20;
	v36 =	vsel vm7, v7, v5;
	vm9 =	vgt.f32 v31, v30;
	v30 =	vld [tilespmem:s14+$0x180]  }
0x54e: {  	v18 =	vor.u32 v18, v19;
	v31 =	vsel vm6, v9, v8;
	v37 =	vld [tilespmem:s19+$0x700];
	v39 =	vsel vm9, $0x2, v1  }
0x54f: {  	v15 =	vshll.u32 v15, $0x1;
	v41 =	vsel vm4, $0x4, v1;
	v40 =	vsel vm9, v6, v3;
	v19 =	vld [tilespmem:s19+$0xFFFFFE80]  }
0x550: {  	v24 =	vcvt.s32.f32 v24;
	v42 =	vsel vm7, $0x4, v1;
	v43 =	vsel vm9, v9, v8  }
0x551: {  	v32 =	vld.idx.msk [tilespmem:v32+s9+$0x0], $0xffff;
	vm6 =	vgt.f32 v33, v36;
	v33 =	vsel vm4, v43, v40;
	v36 =	vadd.s32 v14, v17  }
0x552: {  	v27 =	vsel vm3, v31, v27;
	v43 =	vsel vm8, $0x1, v1;
	v17 =	vcvt.s32.f32 v18;
	v14 =	vmovc v10;
	v40 =	vld [tilespmem:s19+$0xFFFFF980]  }
0x553: {  	v18 =	vor.u32 v29, v38;
	v29 =	vsel vm6, $0x2, v1;
	vm4 =	vgt.f32 v30, v26;
	[tilespmem:s15+$0xFFFFFE80] =	vst v20  }
0x554: {  	v20 =	vor.u32 v42, v29;
	vm8 =	vgt.f32 v37, v33;
	vm3 =	vgt.f32 v19, v28  }
0x555: {  	v26 =	vsel vm5, $0x2, v1;
	v29 =	vsel vm6, v9, v8;
	v19 =	vsel vm8, $0x1, v1;
	v28 =	vld [tilespmem:s19+$0x100]  }
0x556: {  	v31 =	vsel vm6, v6, v3;
	v33 =	vor.u32 v41, v39;
	v30 =	vsel vm3, v9, v8;
	v36 =	vld.idx.msk [tilespmem:v36+s9+$0x0], $0xffff  }
0x557: {  	v15 =	vor.u32 v35, v15;
	v19 =	vor.u32 v19, v33;
	vm5 =	vgt.f32 v40, v32;
	v32 =	vld [tilespmem:s14+$0xFFFFFF80];
	s14 =	smov.u32 s19  }
0x558: {  	v23 =	vshll.u32 v23, $0x1;
	v15 =	vcvt.s32.f32 v15;
	v33 =	vsel vm5, $0x1, v1;
	v35 =	vld [tilespmem:s19+$0x500];
	[tilespmem:s15+$0x100] =	vst v24  }
0x559: {  	v37 =	vshll.u32 v19, $0x7;
	v24 =	vor.u32 v33, v23;
	v33 =	vld [tilespmem:s19+$0x300];
	v23 =	vsel vm4, $0x1, v1  }
0x55a: {  	v39 =	vsel vm2, v6, v3;
	v24 =	vcvt.s32.f32 v24;
	v38 =	vld [tilespmem:s19+$0xFFFFFF00];
	[tilespmem:s15+$0xFFFFFF00] =	vst v15;
	v15 =	vcvt.s32.f32 v25  }
0x55b: {  	v21 =	vor.u32 v21, v26;
	vm4 =	vgt.f32 v28, v27;
	v25 =	vsel vm2, v9, v8  }
0x55c: {  	v25 =	vsel vm1, v25, v39;
	[tilespmem:s17+$0xFFFFFE00] =	vst v24;
	v24 =	vsel vm7, v29, v31;
	vm1 =	vgt.f32 v32, v36  }
.Ltmp3:
0x55d: {  	v22 =	vor.u32 v22, v34;
	v26 =	vsel vm3, v6, v3;
	v28 =	vld [tilespmem:s19+$0xFFFFFA00];
	vm2 =	vgt.f32 v35, v25;
	[tilespmem:s15+$0x80] =	vst v15;
	(pc) =	sbr.rel @p0 .LBB2_9-.Ltmp3, $4  }
0x55e: {  	v15 =	vor.u32 v43, v21;
	v21 =	vsel vm0, v30, v26;
	v25 =	vsel vm2, $0x1, v1  }
0x55f: {  	vm2 =	vgt.f32 v33, v24;
	vm0 =	vgt.f32 v38, v21;
	v21 =	vor.u32 v25, v22  }
0x560: {  	v25 =	vsel vm4, $0x1, v1;
	v29 =	vsel vm2, $0x1, v1;
	v22 =	vshll.u32 v21, $0x7  }
0x561: {  	s19 =	sadd.s32 $0x1000, s19;
	v24 =	vsel vm3, $0x2, v1;
	v27 =	vld [tilespmem:s14+$0xFFFFFB00];
	v26 =	vadd.s32 v14, v22;
	v22 =	vadd.s32 v14, v37  }
0x562: {  	vm2 =	vgt.f32 v28, v4  }
0x563: {  	v4 =	vsel vm2, v7, v5  }
0x564: {  	vm3 =	vgt.f32 v16, v4  }
0x565: {  	v4 =	vsel vm3, v9, v8;
	v3 =	vsel vm3, v6, v3  }
0x566: {  	v3 =	vsel vm2, v4, v3  }
0x567: {  	v4 =	vsel vm3, $0x2, v1;
	vm3 =	vgt.f32 v27, v3;
	v3 =	vsel vm2, $0x4, v1  }
0x568: {  	v3 =	vor.u32 v3, v4;
	v4 =	vsel vm3, $0x1, v1  }
0x569: {  	v3 =	vor.u32 v4, v3  }
0x56a: {  	v10 =	vld.idx.msk [tilespmem:v26+s9+$0x0], $0xffff;
	v5 =	vor.u32 v29, v20;
	v4 =	vshll.u32 v3, $0x7  }
0x56b: {  	v22 =	vld.idx.msk [tilespmem:v22+s9+$0x0], $0xffff;
	v6 =	vshll.u32 v5, $0x7;
	v4 =	vadd.s32 v14, v4  }
0x56c: {  	v13 =	vor.u32 v13, v24;
	v24 =	vld [tilespmem:s14+$0xFFFFFB80];
	v9 =	vshll.u32 v15, $0x7;
	v6 =	vadd.s32 v14, v6  }
0x56d: {  	v26 =	vld [tilespmem:s14+$0x780];
	v16 =	vor.u32 v25, v18;
	v18 =	vsel vm0, $0x1, v1;
	v9 =	vadd.s32 v14, v9  }
0x56e: {  	v7 =	vld [tilespmem:s14+$0x380];
	v20 =	vshll.u32 v16, $0x7;
	v13 =	vor.u32 v18, v13  }
0x56f: {  	v8 =	vld [tilespmem:s14+$0x580];
	v18 =	vadd.s32 v14, v20;
	v20 =	vshll.u32 v13, $0x7  }
0x570: {  	v14 =	vadd.s32 v14, v20;
	v4 =	vld.idx.msk [tilespmem:v4+s9+$0x0], $0xffff  }
0x571: {  	v11 =	vor.u32 v23, v11;
	v6 =	vld.idx.msk [tilespmem:v6+s9+$0x0], $0xffff  }
0x572: {  	v19 =	vshll.u32 v19, $0x1;
	v21 =	vshll.u32 v21, $0x1;
	v25 =	vsel vm1, $0x1, v1;
	v9 =	vld.idx.msk [tilespmem:v9+s9+$0x0], $0xffff  }
0x573: {  	v11 =	vcvt.s32.f32 v11;
	v12 =	vor.u32 v25, v12;
	v16 =	vshll.u32 v16, $0x1;
	v20 =	vld [tilespmem:s14+$0xFFFFFD80]  }
0x574: {  	v5 =	vshll.u32 v5, $0x1;
	v12 =	vcvt.s32.f32 v12;
	v13 =	vshll.u32 v13, $0x1;
	v18 =	vld.idx.msk [tilespmem:v18+s9+$0x0], $0xffff  }
0x575: {  	v3 =	vshll.u32 v3, $0x1;
	vm2 =	vgt.f32 v8, v10;
	v8 =	vld.idx.msk [tilespmem:v14+s9+$0x0], $0xffff;
	vm1 =	vgt.f32 v24, v4  }
0x576: {  	v10 =	vshll.u32 v15, $0x1;
	vm0 =	vgt.f32 v7, v6;
	v4 =	vld [tilespmem:s14+$0x180];
	v7 =	vsel vm1, $0x1, v1  }
0x577: {  	v6 =	vsel vm0, $0x1, v1;
	vm0 =	vgt.f32 v26, v22;
	v3 =	vor.u32 v7, v3;
	v7 =	vld [tilespmem:s14+$0xFFFFFF80]  }
0x578: {  	[tilespmem:s15+$0x180] =	vst v17;
	v5 =	vor.u32 v6, v5;
	v6 =	vsel vm2, $0x1, v1;
	vm1 =	vgt.f32 v20, v9  }
0x579: {  	[tilespmem:s15+$0x0] =	vst v11;
	v6 =	vor.u32 v6, v21;
	v9 =	vsel vm1, $0x1, v1;
	v3 =	vcvt.s32.f32 v3  }
0x57a: {  	[tilespmem:s15+$0xFFFFFF80] =	vst v12;
	v11 =	vsel vm0, $0x1, v1;
	v6 =	vcvt.s32.f32 v6;
	v9 =	vor.u32 v9, v10  }
0x57b: {  	v5 =	vcvt.s32.f32 v5;
	[tilespmem:s16+$0xFFFFFE80] =	vst v3;
	vm0 =	vgt.f32 v4, v18;
	v3 =	vcvt.s32.f32 v9  }
0x57c: {  	[tilespmem:s16+$0x100] =	vst v6;
	v10 =	vor.u32 v11, v19;
	v4 =	vsel vm0, $0x1, v1;
	vm0 =	vgt.f32 v7, v8  }
0x57d: {  	v6 =	vcvt.s32.f32 v10;
	[tilespmem:s16+$0xFFFFFF00] =	vst v3;
	v4 =	vor.u32 v4, v16;
	v3 =	vsel vm0, $0x1, v1  }
0x57e: {  	[tilespmem:s16+$0x80] =	vst v5;
	v4 =	vcvt.s32.f32 v4;
	v3 =	vor.u32 v3, v13  }
0x57f: {  	[tilespmem:s16+$0x180] =	vst v6;
	v3 =	vcvt.s32.f32 v3  }
0x580: {  	[tilespmem:s16+$0x0] =	vst v4  }
0x581: {  	[tilespmem:s16+$0xFFFFFF80] =	vst v3  }
0x582: {  	v4 =	vld [tilespmem:$0x220]  }
0x583: {  	v5 =	vld [tilespmem:$0x2A0]  }
0x584: {  	v7 =	vld [tilespmem:$0x320]  }
0x585: {  	v3 =	vld [tilespmem:$0x3A0]  }
0x586: {  	v6 =	vld [tilespmem:$0x420]  }
0x587: {  	v8 =	vld [tilespmem:$0x4A0]  }
0x588: {  	s31 =	simm.s32 $0x91A0;
	v9 =	vld [tilespmem:$0x520]  }
0x589: {  	v10 =	vld [tilespmem:s31+$0x0]  }
0x58a: {  	v11 =	vld [tilespmem:s31+$0xFFFFF800]  }
0x58b: {  	v12 =	vld [tilespmem:s31+$0x600]  }
0x58c: {  	v14 =	vld [tilespmem:s31+$0xFFFFFC00]  }
0x58d: {  	v19 =	vld [tilespmem:s31+$0x200]  }
0x58e: {  	v13 =	vld [tilespmem:s31+$0xFFFFF880]  }
0x58f: {  	v15 =	vld [tilespmem:s31+$0x80]  }
0x590: {  	v16 =	vld [tilespmem:s31+$0xFFFFF900];
	vm0 =	vgt.f32 v11, v4  }
0x591: {  	v24 =	vld [tilespmem:s31+$0x280];
	vm2 =	vgt.f32 v10, v4;
	vm3 =	vgt.f32 v12, v4;
	vm5 =	vgt.f32 v14, v4  }
0x592: {  	v11 =	vld [tilespmem:s31+$0x400];
	vm12 =	vgt.f32 v19, v4;
	v10 =	vsel vm0, v7, v5;
	v17 =	vsel vm2, v7, v5  }
0x593: {  	v12 =	vld [tilespmem:s31+$0xFFFFFE00];
	v18 =	vsel vm3, v7, v5;
	v19 =	vsel vm12, v7, v5;
	v28 =	vsel vm3, $0x4, v1  }
0x594: {  	v14 =	vld [tilespmem:s31+$0xFFFFFC80];
	v30 =	vsel vm12, $0x4, v1;
	vm1 =	vgt.f32 v13, v10;
	vm6 =	vgt.f32 v15, v17  }
0x595: {  	v15 =	vsel vm5, v7, v5;
	v10 =	vsel vm1, v9, v8;
	v13 =	vsel vm1, v6, v3  }
0x596: {  	vm13 =	vgt.f32 v24, v19;
	v17 =	vsel vm1, $0x2, v1;
	v10 =	vsel vm0, v10, v13  }
0x597: {  	v13 =	vld [tilespmem:s31+$0x480];
	vm4 =	vgt.f32 v16, v10;
	v10 =	vsel vm0, $0x4, v1;
	vm1 =	vgt.f32 v11, v4  }
0x598: {  	vm0 =	vgt.f32 v12, v4;
	v10 =	vor.u32 v10, v17;
	v11 =	vsel vm4, $0x1, v1  }
0x599: {  	v12 =	vsel vm6, v6, v3;
	v16 =	vld [tilespmem:s31+$0xFFFFFD00];
	vm7 =	vgt.f32 v14, v15;
	v11 =	vor.u32 v11, v10  }
0x59a: {  	v14 =	vld [tilespmem:s31+$0x680];
	v17 =	vsel vm5, $0x4, v1;
	v10 =	vor.u32 $0x3A0, v0;
	v20 =	vshll.u32 v11, $0x7  }
0x59b: {  	v21 =	vsel vm1, v7, v5;
	v22 =	vsel vm1, $0x4, v1;
	v15 =	vadd.s32 v10, v20  }
0x59c: {  	v23 =	vsel vm7, v6, v3;
	vm15 =	vgt.f32 v13, v21;
	v13 =	vsel vm7, v9, v8  }
0x59d: {  	v26 =	vld [tilespmem:s31+$0x700];
	v25 =	vsel vm0, $0x4, v1;
	v11 =	vshll.u32 v11, $0x1;
	v13 =	vsel vm5, v13, v23  }
0x59e: {  	v20 =	vsel vm0, v7, v5;
	v21 =	vsel vm2, $0x4, v1;
	vm8 =	vgt.f32 v16, v13;
	v16 =	vld [tilespmem:s31+$0xFFFFFE80]  }
0x59f: {  	v29 =	vld [tilespmem:s31+$0xFFFFF980];
	v23 =	vsel vm6, $0x2, v1;
	vm9 =	vgt.f32 v14, v18;
	v14 =	vsel vm6, v9, v8  }
0x5a0: {  	v13 =	vsel vm15, $0x2, v1;
	v18 =	vsel vm9, $0x2, v1;
	v27 =	vsel vm9, v6, v3;
	v15 =	vld.idx.msk [tilespmem:v15+s9+$0x0], $0xffff  }
0x5a1: {  	v31 =	vsel vm9, v9, v8;
	v12 =	vsel vm2, v14, v12;
	v21 =	vor.u32 v21, v23  }
0x5a2: {  	v14 =	vsel vm13, $0x2, v1;
	v23 =	vsel vm13, v9, v8;
	v19 =	vsel vm3, v31, v27  }
0x5a3: {  	s14 =	simm.s32 $0xA1A0;
	vm3 =	vgt.f32 v26, v19;
	v19 =	vsel vm7, $0x2, v1;
	vm2 =	vgt.f32 v16, v20;
	v20 =	vld [tilespmem:s31+$0x100]  }
0x5a4: {  	v40 =	vld [tilespmem:s14+$0x200];
	v24 =	vsel vm8, $0x1, v1;
	v17 =	vor.u32 v17, v19;
	v19 =	vsel vm15, v9, v8  }
0x5a5: {  	v16 =	vor.u32 v30, v14;
	v14 =	vsel vm3, $0x1, v1;
	vm3 =	vgt.f32 v29, v15  }
0x5a6: {  	v26 =	vld [tilespmem:s31+$0x500];
	v30 =	vsel vm15, v6, v3;
	v15 =	vor.u32 v28, v18;
	v18 =	vsel vm3, $0x1, v1  }
0x5a7: {  	v28 =	vor.u32 v14, v15;
	v15 =	vsel vm13, v6, v3;
	v11 =	vor.u32 v18, v11;
	v18 =	vld [tilespmem:s31+$0x300]  }
0x5a8: {  	vm3 =	vgt.f32 v20, v12;
	v12 =	vsel vm12, v23, v15;
	v15 =	vsel vm1, v19, v30;
	v30 =	vld [tilespmem:s14+$0x600]  }
0x5a9: {  	v13 =	vor.u32 v22, v13;
	vm7 =	vgt.f32 v40, v4;
	v14 =	vcvt.s32.f32 v11;
	v11 =	vld [tilespmem:s31+$0xFFFFFF00]  }
0x5aa: {  	v47 =	vsel vm7, v7, v5;
	v41 =	vsel vm7, $0x4, v1;
	v27 =	vsel vm2, v9, v8  }
0x5ab: {  	v29 =	vshll.u32 v28, $0x7;
	v19 =	vld [tilespmem:s31+$0xFFFFFA00];
	v20 =	vsel vm2, v6, v3;
	vm1 =	vgt.f32 v26, v15  }
0x5ac: {  	v23 =	vld [tilespmem:s14+$0x0];
	v15 =	vor.u32 v24, v17;
	v17 =	vsel vm0, v27, v20;
	v20 =	vsel vm1, $0x1, v1  }
0x5ad: {  	v22 =	vld [tilespmem:s31+$0xFFFFFA80];
	v24 =	vshll.u32 v28, $0x1;
	vm1 =	vgt.f32 v18, v12;
	v12 =	vor.u32 v20, v13  }
0x5ae: {  	v20 =	vsel vm2, $0x2, v1;
	vm4 =	vgt.f32 v30, v4;
	vm0 =	vgt.f32 v11, v17  }
0x5af: {  	v11 =	vsel vm3, $0x1, v1;
	v13 =	vsel vm1, $0x1, v1;
	v17 =	vshll.u32 v12, $0x7  }
0x5b0: {  	v18 =	vld [tilespmem:s31+$0xFFFFFB00];
	vm1 =	vgt.f32 v19, v4;
	v19 =	vadd.s32 v10, v29;
	v20 =	vor.u32 v25, v20  }
0x5b1: {  	vm3 =	vgt.f32 v23, v4;
	v13 =	vor.u32 v13, v16;
	v16 =	vsel vm1, v7, v5  }
0x5b2: {  	v32 =	vld [tilespmem:s14+$0x400];
	v17 =	vadd.s32 v10, v17;
	v27 =	vshll.u32 v13, $0x7;
	vm2 =	vgt.f32 v22, v16  }
0x5b3: {  	v26 =	vld [tilespmem:s14+$0x80];
	v28 =	vsel vm2, v9, v8;
	v29 =	vsel vm2, v6, v3;
	v27 =	vadd.s32 v10, v27  }
0x5b4: {  	v34 =	vld [tilespmem:s14+$0xFFFFFE00];
	v51 =	vsel vm4, $0x4, v1;
	v21 =	vor.u32 v11, v21;
	v28 =	vsel vm1, v28, v29  }
0x5b5: {  	v22 =	vld [tilespmem:s31+$0x380];
	v31 =	vsel vm2, $0x2, v1;
	vm2 =	vgt.f32 v18, v28;
	v18 =	vsel vm1, $0x4, v1  }
0x5b6: {  	v30 =	vsel vm3, v7, v5;
	v28 =	vld [tilespmem:s31+$0x580];
	v11 =	vor.u32 v18, v31;
	v18 =	vsel vm2, $0x1, v1  }
0x5b7: {  	v60 =	vsel vm3, $0x4, v1;
	v16 =	vshll.u32 v15, $0x7;
	v17 =	vld.idx.msk [tilespmem:v17+s9+$0x0], $0xffff;
	v18 =	vor.u32 v18, v11  }
0x5b8: {  	v13 =	vshll.u32 v13, $0x1;
	vm6 =	vgt.f32 v26, v30;
	v33 =	vshll.u32 v18, $0x7;
	v25 =	vld.idx.msk [tilespmem:v27+s9+$0x0], $0xffff  }
0x5b9: {  	v26 =	vld [tilespmem:s14+$0xFFFFF800];
	v15 =	vshll.u32 v15, $0x1;
	v16 =	vadd.s32 v10, v16;
	v33 =	vadd.s32 v10, v33  }
0x5ba: {  	v30 =	vsel vm6, v6, v3;
	v63 =	vsel vm6, $0x2, v1;
	v29 =	vld [tilespmem:s14+$0xFFFFFC00];
	vm1 =	vgt.f32 v32, v4  }
0x5bb: {  	v23 =	vld [tilespmem:s14+$0xFFFFFC80];
	v31 =	vsel vm0, $0x1, v1;
	vm0 =	vgt.f32 v34, v4;
	v58 =	vsel vm1, v7, v5  }
0x5bc: {  	v34 =	vsel vm1, $0x4, v1;
	v11 =	vshll.u32 v21, $0x1;
	vm15 =	vgt.f32 v28, v17;
	v17 =	vld [tilespmem:s31+$0xFFFFFB80]  }
0x5bd: {  	v21 =	vshll.u32 v21, $0x7;
	v20 =	vor.u32 v31, v20;
	vm2 =	vgt.f32 v22, v25;
	v22 =	vld [tilespmem:s14+$0xFFFFF880]  }
0x5be: {  	v31 =	vsel vm4, v7, v5;
	vm12 =	vgt.f32 v26, v4;
	v18 =	vshll.u32 v18, $0x1;
	v57 =	vld.idx.msk [tilespmem:v33+s9+$0x0], $0xffff  }
0x5bf: {  	v27 =	vshll.u32 v12, $0x1;
	v12 =	vshll.u32 v20, $0x1;
	vm14 =	vgt.f32 v29, v4  }
0x5c0: {  	v61 =	vld [tilespmem:s31+$0x780];
	v20 =	vshll.u32 v20, $0x7;
	v21 =	vadd.s32 v10, v21;
	v29 =	vsel vm14, v7, v5  }
0x5c1: {  	v36 =	vld [tilespmem:s14+$0xFFFFF900];
	v37 =	vsel vm12, v7, v5;
	v52 =	vadd.s32 v10, v20;
	vm5 =	vgt.f32 v23, v29  }
0x5c2: {  	v19 =	vld.idx.msk [tilespmem:v19+s9+$0x0], $0xffff;
	v28 =	vsel vm14, $0x4, v1;
	v23 =	vsel vm5, v9, v8;
	v26 =	vsel vm15, $0x1, v1  }
0x5c3: {  	v35 =	vld [tilespmem:s14+$0x480];
	v39 =	vsel vm5, v6, v3;
	vm10 =	vgt.f32 v22, v37;
	vm13 =	vgt.f32 v17, v57  }
0x5c4: {  	v44 =	vld [tilespmem:s31+$0xFFFFFD80];
	v17 =	vsel vm14, v23, v39;
	v23 =	vsel vm10, v9, v8;
	v62 =	vsel vm10, v6, v3  }
0x5c5: {  	v16 =	vld.idx.msk [tilespmem:v16+s9+$0x0], $0xffff;
	v45 =	vsel vm10, $0x2, v1;
	v22 =	vsel vm13, $0x1, v1;
	v23 =	vsel vm12, v23, v62  }
0x5c6: {  	v18 =	vor.u32 v22, v18;
	vm14 =	vgt.f32 v36, v23;
	v22 =	vsel vm12, $0x4, v1  }
0x5c7: {  	v38 =	vld [tilespmem:s14+$0xFFFFFD00];
	vm15 =	vgt.f32 v61, v19;
	v19 =	vor.u32 v22, v45;
	v22 =	vsel vm14, $0x1, v1  }
0x5c8: {  	v48 =	vld [tilespmem:s14+$0x700];
	v25 =	vsel vm0, v7, v5;
	v26 =	vor.u32 v26, v27;
	v22 =	vor.u32 v22, v19  }
0x5c9: {  	v59 =	vsel vm2, $0x1, v1;
	vm2 =	vgt.f32 v35, v58;
	v23 =	vld [tilespmem:s14+$0x680];
	v19 =	vshll.u32 v22, $0x7  }
0x5ca: {  	v26 =	vcvt.s32.f32 v26;
	vm13 =	vgt.f32 v44, v16;
	v16 =	vld.idx.msk [tilespmem:v21+s9+$0x0], $0xffff;
	v19 =	vadd.s32 v10, v19  }
0x5cb: {  	v29 =	vor.u32 v59, v13;
	v13 =	vsel vm0, $0x4, v1;
	v27 =	vsel vm2, $0x2, v1;
	v21 =	vld [tilespmem:s14+$0x280]  }
0x5cc: {  	v53 =	vld [tilespmem:s14+$0xFFFFF980];
	vm12 =	vgt.f32 v38, v17;
	v17 =	vsel vm15, $0x1, v1;
	v46 =	vsel vm13, $0x1, v1  }
0x5cd: {  	v17 =	vor.u32 v17, v24;
	v24 =	vld [tilespmem:s14+$0xFFFFFE80];
	v54 =	vsel vm12, $0x1, v1;
	v15 =	vor.u32 v46, v15  }
0x5ce: {  	v17 =	vcvt.s32.f32 v17;
	v59 =	vcvt.s32.f32 v15;
	vm14 =	vgt.f32 v23, v31;
	v23 =	vld [tilespmem:s31+$0x180]  }
0x5cf: {  	v22 =	vshll.u32 v22, $0x1;
	v50 =	vsel vm14, v6, v3;
	v42 =	vsel vm14, v9, v8;
	v19 =	vld.idx.msk [tilespmem:v19+s9+$0x0], $0xffff  }
0x5d0: {  	vm15 =	vgt.f32 v21, v47;
	v31 =	vcvt.s32.f32 v18;
	v21 =	vsel vm4, v42, v50  }
0x5d1: {  	v18 =	vsel vm6, v9, v8;
	v20 =	vsel vm15, $0x2, v1;
	vm13 =	vgt.f32 v48, v21;
	v21 =	vld [tilespmem:s14+$0x100]  }
0x5d2: {  	v55 =	vsel vm15, v6, v3;
	v49 =	vsel vm14, $0x2, v1;
	v30 =	vsel vm3, v18, v30  }
0x5d3: {  	v18 =	vor.u32 v60, v63;
	vm3 =	vgt.f32 v24, v25;
	v56 =	vor.u32 v51, v49  }
0x5d4: {  	v58 =	vld [tilespmem:s14+$0x500];
	vm12 =	vgt.f32 v23, v16;
	v23 =	vsel vm13, $0x1, v1;
	vm14 =	vgt.f32 v53, v19  }
0x5d5: {  	v35 =	vld.idx.msk [tilespmem:v52+s9+$0x0], $0xffff;
	v20 =	vor.u32 v41, v20;
	v19 =	vor.u32 v23, v56;
	v23 =	vsel vm14, $0x1, v1  }
0x5d6: {  	v62 =	vld [tilespmem:s14+$0xFFFFFF00];
	v24 =	vsel vm15, v9, v8;
	vm15 =	vgt.f32 v21, v30;
	v15 =	vor.u32 v23, v22  }
0x5d7: {  	s15 =	simm.s32 $0x10BA0;
	v21 =	vsel vm2, v9, v8;
	v22 =	vld [tilespmem:s14+$0x300];
	v61 =	vcvt.s32.f32 v15;
	v15 =	vsel vm2, v6, v3  }
0x5d8: {  	[tilespmem:s15+$0xFFFFFE00] =	vst v14;
	v57 =	vld [tilespmem:s31+$0xFFFFFF80];
	v25 =	vsel vm3, v9, v8;
	v14 =	vsel vm7, v24, v55;
	v15 =	vsel vm1, v21, v15  }
0x5d9: {  	v24 =	vor.u32 v34, v27;
	v21 =	vsel vm3, v6, v3;
	vm2 =	vgt.f32 v58, v15  }
0x5da: {  	v16 =	vsel vm5, $0x2, v1;
	v21 =	vsel vm0, v25, v21;
	v25 =	vsel vm2, $0x1, v1  }
0x5db: {  	[tilespmem:s15+$0x100] =	vst v26;
	v16 =	vor.u32 v28, v16;
	v28 =	vld [tilespmem:s14+$0xFFFFFA00];
	vm0 =	vgt.f32 v62, v21;
	v21 =	vor.u32 v25, v24  }
0x5dc: {  	[tilespmem:s15+$0xFFFFFF00] =	vst v59;
	v63 =	vcvt.s32.f32 v29;
	vm2 =	vgt.f32 v22, v14;
	v14 =	vshll.u32 v21, $0x7  }
0x5dd: {  	[tilespmem:s15+$0xFFFFFE80] =	vst v31;
	v60 =	vshll.u32 v19, $0x7;
	v23 =	vsel vm12, $0x1, v1;
	vm1 =	vgt.f32 v57, v35  }
0x5de: {  	s17 =	simm.s32 $0x10FA0;
	[tilespmem:s15+$0x80] =	vst v63;
	v15 =	vor.u32 v54, v16;
	v16 =	vld [tilespmem:s14+$0xFFFFFA80];
	v25 =	vsel vm15, $0x1, v1;
	v24 =	vsel vm3, $0x2, v1  }
0x5df: {  	s18 =	simm.s32 $0x8;
	s19 =	simm.s32 $0xB1A0;
	s16 =	simm.s32 $0x10FA0;
	v27 =	vld [tilespmem:s14+$0xFFFFFB00];
	[tilespmem:s17+$0xFFFFFE00] =	vst v61;
	v22 =	vadd.s32 v10, v60;
	v29 =	vsel vm2, $0x1, v1;
	v26 =	vadd.s32 v10, v14;
	v14 =	vmovc v10  }
.LBB2_11:
0x5e0: {  	v30 =	vld [tilespmem:s19+$0x0];
	s18 =	sadd.s32 $0x8, s18;
	vm2 =	vgt.f32 v28, v4;
	s17 =	sadd.s32 $0x400, s17;
	v28 =	vsel vm1, $0x1, v1;
	v11 =	vor.u32 v23, v11  }
0x5e1: {  	v20 =	vor.u32 v29, v20;
	v19 =	vshll.u32 v19, $0x1;
	v23 =	vld [tilespmem:s19+$0xFFFFFA80];
	p0 =	slt.u32 s18, $0x38;
	v11 =	vcvt.s32.f32 v11  }
0x5e2: {  	v31 =	vsel vm2, v7, v5;
	v32 =	vshll.u32 v20, $0x7;
	v12 =	vor.u32 v28, v12;
	v29 =	vld [tilespmem:s19+$0x80]  }
0x5e3: {  	vm1 =	vgt.f32 v16, v31;
	v16 =	vshll.u32 v15, $0x7;
	v12 =	vcvt.s32.f32 v12;
	v28 =	vld [tilespmem:s14+$0x380];
	[tilespmem:s15+$0x180] =	vst v17  }
0x5e4: {  	v31 =	vsel vm1, v9, v8;
	v33 =	vsel vm1, v6, v3;
	v34 =	vsel vm1, $0x2, v1;
	v17 =	vld [tilespmem:s19+$0x600];
	[tilespmem:s15+$0x0] =	vst v11  }
0x5e5: {  	v32 =	vadd.s32 v14, v32;
	v11 =	vsel vm2, v31, v33;
	v31 =	vadd.s32 v14, v16;
	v35 =	vld [tilespmem:s19+$0xFFFFFC00];
	[tilespmem:s15+$0xFFFFFF80] =	vst v12;
	s15 =	smov.u32 s16;
	s16 =	smov.u32 s17  }
0x5e6: {  	vm1 =	vgt.f32 v27, v11;
	v11 =	vsel vm2, $0x4, v1;
	v12 =	vor.u32 v25, v18;
	v18 =	vld [tilespmem:s14+$0x580];
	v16 =	vmovc v23  }
0x5e7: {  	v25 =	vsel vm0, $0x1, v1;
	v11 =	vor.u32 v11, v34;
	v23 =	vsel vm1, $0x1, v1;
	v26 =	vld.idx.msk [tilespmem:v26+s9+$0x0], $0xffff  }
0x5e8: {  	v20 =	vshll.u32 v20, $0x1;
	v23 =	vor.u32 v23, v11;
	v11 =	vshll.u32 v12, $0x1;
	v27 =	vld [tilespmem:s19+$0xFFFFFE00]  }
0x5e9: {  	v36 =	vshll.u32 v12, $0x7;
	v34 =	vshll.u32 v23, $0x7;
	v23 =	vshll.u32 v23, $0x1;
	v33 =	vld [tilespmem:s19+$0x400]  }
0x5ea: {  	v12 =	vor.u32 v13, v24;
	v24 =	vshll.u32 v21, $0x1;
	v34 =	vadd.s32 v14, v34;
	v13 =	vld.idx.msk [tilespmem:v32+s9+$0x0], $0xffff  }
0x5eb: {  	vm3 =	vgt.f32 v30, v4;
	vm4 =	vgt.f32 v17, v4;
	v17 =	vor.u32 v25, v12;
	v32 =	vld [tilespmem:s19+$0xFFFFFC80]  }
0x5ec: {  	v21 =	vsel vm3, v7, v5;
	v30 =	vsel vm4, v7, v5;
	v12 =	vshll.u32 v17, $0x1;
	v25 =	vld [tilespmem:s19+$0x480]  }
0x5ed: {  	vm6 =	vgt.f32 v29, v21;
	vm7 =	vgt.f32 v35, v4;
	v17 =	vshll.u32 v17, $0x7;
	v37 =	vld [tilespmem:s19+$0xFFFFF800]  }
0x5ee: {  	v29 =	vsel vm7, v7, v5;
	vm1 =	vgt.f32 v33, v4;
	v33 =	vadd.s32 v14, v36;
	v35 =	vld.idx.msk [tilespmem:v22+s9+$0x0], $0xffff  }
0x5ef: {  	vm8 =	vgt.f32 v18, v26;
	vm0 =	vgt.f32 v27, v4;
	v27 =	vsel vm6, v6, v3;
	v34 =	vld.idx.msk [tilespmem:v34+s9+$0x0], $0xffff  }
0x5f0: {  	v21 =	vsel vm7, $0x4, v1;
	vm2 =	vgt.f32 v28, v13;
	v18 =	vld [tilespmem:s14+$0xFFFFFB80]  }
0x5f1: {  	v28 =	vsel vm0, v7, v5;
	v13 =	vsel vm1, v7, v5;
	v22 =	vsel vm2, $0x1, v1;
	v26 =	vld [tilespmem:s19+$0xFFFFF880]  }
0x5f2: {  	vm5 =	vgt.f32 v32, v29;
	vm2 =	vgt.f32 v25, v13;
	v25 =	vor.u32 v22, v20  }
0x5f3: {  	v29 =	vsel vm3, $0x4, v1;
	v20 =	vsel vm5, v9, v8;
	v22 =	vsel vm1, $0x4, v1;
	v32 =	vld [tilespmem:s14+$0x780]  }
0x5f4: {  	v13 =	vsel vm0, $0x4, v1;
	vm9 =	vgt.f32 v37, v4;
	v37 =	vsel vm8, $0x1, v1;
	v36 =	vld [tilespmem:s19+$0xFFFFF900]  }
0x5f5: {  	v40 =	vsel vm5, v6, v3;
	v38 =	vsel vm9, v7, v5;
	v39 =	vld [tilespmem:s19+$0xFFFFFD00];
	vm8 =	vgt.f32 v18, v34  }
0x5f6: {  	v18 =	vsel vm7, v20, v40;
	vm10 =	vgt.f32 v26, v38;
	v20 =	vsel vm8, $0x1, v1;
	v26 =	vld.idx.msk [tilespmem:v31+s9+$0x0], $0xffff  }
0x5f7: {  	v38 =	vsel vm6, $0x2, v1;
	v31 =	vsel vm10, v9, v8;
	v34 =	vsel vm10, v6, v3;
	v40 =	vld [tilespmem:s14+$0xFFFFFD80]  }
0x5f8: {  	v20 =	vor.u32 v20, v23;
	v31 =	vsel vm9, v31, v34;
	v34 =	vsel vm10, $0x2, v1;
	v41 =	vld [tilespmem:s19+$0x200]  }
0x5f9: {  	v23 =	vsel vm9, $0x4, v1;
	vm9 =	vgt.f32 v32, v35;
	vm7 =	vgt.f32 v36, v31;
	v31 =	vld [tilespmem:s19+$0x680]  }
0x5fa: {  	v24 =	vor.u32 v37, v24;
	v23 =	vor.u32 v23, v34;
	v32 =	vsel vm7, $0x1, v1  }
0x5fb: {  	vm8 =	vgt.f32 v39, v18;
	v18 =	vsel vm9, $0x1, v1;
	v23 =	vor.u32 v32, v23  }
0x5fc: {  	v34 =	vsel vm2, $0x2, v1;
	v32 =	vshll.u32 v23, $0x7;
	vm9 =	vgt.f32 v40, v26;
	v26 =	vld.idx.msk [tilespmem:v33+s9+$0x0], $0xffff  }
0x5fd: {  	v32 =	vadd.s32 v10, v32;
	v33 =	vld [tilespmem:s19+$0x280];
	vm7 =	vgt.f32 v41, v4;
	v35 =	vsel vm9, $0x1, v1  }
0x5fe: {  	v20 =	vcvt.s32.f32 v20;
	v36 =	vsel vm7, v7, v5;
	vm9 =	vgt.f32 v31, v30;
	v30 =	vld [tilespmem:s14+$0x180]  }
0x5ff: {  	v18 =	vor.u32 v18, v19;
	v31 =	vsel vm6, v9, v8;
	v37 =	vld [tilespmem:s19+$0x700];
	v39 =	vsel vm9, $0x2, v1  }
0x600: {  	v15 =	vshll.u32 v15, $0x1;
	v41 =	vsel vm4, $0x4, v1;
	v40 =	vsel vm9, v6, v3;
	v19 =	vld [tilespmem:s19+$0xFFFFFE80]  }
0x601: {  	v24 =	vcvt.s32.f32 v24;
	v42 =	vsel vm7, $0x4, v1;
	v43 =	vsel vm9, v9, v8  }
0x602: {  	v32 =	vld.idx.msk [tilespmem:v32+s9+$0x0], $0xffff;
	vm6 =	vgt.f32 v33, v36;
	v33 =	vsel vm4, v43, v40;
	v36 =	vadd.s32 v14, v17  }
0x603: {  	v27 =	vsel vm3, v31, v27;
	v43 =	vsel vm8, $0x1, v1;
	v17 =	vcvt.s32.f32 v18;
	v14 =	vmovc v10;
	v40 =	vld [tilespmem:s19+$0xFFFFF980]  }
0x604: {  	v18 =	vor.u32 v29, v38;
	v29 =	vsel vm6, $0x2, v1;
	vm4 =	vgt.f32 v30, v26;
	[tilespmem:s15+$0xFFFFFE80] =	vst v20  }
0x605: {  	v20 =	vor.u32 v42, v29;
	vm8 =	vgt.f32 v37, v33;
	vm3 =	vgt.f32 v19, v28  }
0x606: {  	v26 =	vsel vm5, $0x2, v1;
	v29 =	vsel vm6, v9, v8;
	v19 =	vsel vm8, $0x1, v1;
	v28 =	vld [tilespmem:s19+$0x100]  }
0x607: {  	v31 =	vsel vm6, v6, v3;
	v33 =	vor.u32 v41, v39;
	v30 =	vsel vm3, v9, v8;
	v36 =	vld.idx.msk [tilespmem:v36+s9+$0x0], $0xffff  }
0x608: {  	v15 =	vor.u32 v35, v15;
	v19 =	vor.u32 v19, v33;
	vm5 =	vgt.f32 v40, v32;
	v32 =	vld [tilespmem:s14+$0xFFFFFF80];
	s14 =	smov.u32 s19  }
0x609: {  	v23 =	vshll.u32 v23, $0x1;
	v15 =	vcvt.s32.f32 v15;
	v33 =	vsel vm5, $0x1, v1;
	v35 =	vld [tilespmem:s19+$0x500];
	[tilespmem:s15+$0x100] =	vst v24  }
0x60a: {  	v37 =	vshll.u32 v19, $0x7;
	v24 =	vor.u32 v33, v23;
	v33 =	vld [tilespmem:s19+$0x300];
	v23 =	vsel vm4, $0x1, v1  }
0x60b: {  	v39 =	vsel vm2, v6, v3;
	v24 =	vcvt.s32.f32 v24;
	v38 =	vld [tilespmem:s19+$0xFFFFFF00];
	[tilespmem:s15+$0xFFFFFF00] =	vst v15;
	v15 =	vcvt.s32.f32 v25  }
0x60c: {  	v21 =	vor.u32 v21, v26;
	vm4 =	vgt.f32 v28, v27;
	v25 =	vsel vm2, v9, v8  }
0x60d: {  	v25 =	vsel vm1, v25, v39;
	[tilespmem:s17+$0xFFFFFE00] =	vst v24;
	v24 =	vsel vm7, v29, v31;
	vm1 =	vgt.f32 v32, v36  }
.Ltmp4:
0x60e: {  	v22 =	vor.u32 v22, v34;
	v26 =	vsel vm3, v6, v3;
	v28 =	vld [tilespmem:s19+$0xFFFFFA00];
	vm2 =	vgt.f32 v35, v25;
	[tilespmem:s15+$0x80] =	vst v15;
	(pc) =	sbr.rel @p0 .LBB2_11-.Ltmp4, $4  }
0x60f: {  	v15 =	vor.u32 v43, v21;
	v21 =	vsel vm0, v30, v26;
	v25 =	vsel vm2, $0x1, v1  }
0x610: {  	vm2 =	vgt.f32 v33, v24;
	vm0 =	vgt.f32 v38, v21;
	v21 =	vor.u32 v25, v22  }
0x611: {  	v25 =	vsel vm4, $0x1, v1;
	v29 =	vsel vm2, $0x1, v1;
	v22 =	vshll.u32 v21, $0x7  }
0x612: {  	s19 =	sadd.s32 $0x1000, s19;
	v24 =	vsel vm3, $0x2, v1;
	v27 =	vld [tilespmem:s14+$0xFFFFFB00];
	v26 =	vadd.s32 v14, v22;
	v22 =	vadd.s32 v14, v37  }
0x613: {  	vm2 =	vgt.f32 v28, v4  }
0x614: {  	v4 =	vsel vm2, v7, v5  }
0x615: {  	vm3 =	vgt.f32 v16, v4  }
0x616: {  	v4 =	vsel vm3, v9, v8;
	v3 =	vsel vm3, v6, v3  }
0x617: {  	v3 =	vsel vm2, v4, v3  }
0x618: {  	v4 =	vsel vm3, $0x2, v1;
	vm3 =	vgt.f32 v27, v3;
	v3 =	vsel vm2, $0x4, v1  }
0x619: {  	v3 =	vor.u32 v3, v4;
	v4 =	vsel vm3, $0x1, v1  }
0x61a: {  	v3 =	vor.u32 v4, v3  }
0x61b: {  	v10 =	vld.idx.msk [tilespmem:v26+s9+$0x0], $0xffff;
	v5 =	vor.u32 v29, v20;
	v4 =	vshll.u32 v3, $0x7  }
0x61c: {  	v22 =	vld.idx.msk [tilespmem:v22+s9+$0x0], $0xffff;
	v6 =	vshll.u32 v5, $0x7;
	v4 =	vadd.s32 v14, v4  }
0x61d: {  	v13 =	vor.u32 v13, v24;
	v24 =	vld [tilespmem:s14+$0xFFFFFB80];
	v9 =	vshll.u32 v15, $0x7;
	v6 =	vadd.s32 v14, v6  }
0x61e: {  	v26 =	vld [tilespmem:s14+$0x780];
	v16 =	vor.u32 v25, v18;
	v18 =	vsel vm0, $0x1, v1;
	v9 =	vadd.s32 v14, v9  }
0x61f: {  	v7 =	vld [tilespmem:s14+$0x380];
	v20 =	vshll.u32 v16, $0x7;
	v13 =	vor.u32 v18, v13  }
0x620: {  	v8 =	vld [tilespmem:s14+$0x580];
	v18 =	vadd.s32 v14, v20;
	v20 =	vshll.u32 v13, $0x7  }
0x621: {  	v14 =	vadd.s32 v14, v20;
	v4 =	vld.idx.msk [tilespmem:v4+s9+$0x0], $0xffff  }
0x622: {  	v11 =	vor.u32 v23, v11;
	v6 =	vld.idx.msk [tilespmem:v6+s9+$0x0], $0xffff  }
0x623: {  	v19 =	vshll.u32 v19, $0x1;
	v21 =	vshll.u32 v21, $0x1;
	v25 =	vsel vm1, $0x1, v1;
	v9 =	vld.idx.msk [tilespmem:v9+s9+$0x0], $0xffff  }
0x624: {  	v11 =	vcvt.s32.f32 v11;
	v12 =	vor.u32 v25, v12;
	v16 =	vshll.u32 v16, $0x1;
	v20 =	vld [tilespmem:s14+$0xFFFFFD80]  }
0x625: {  	v5 =	vshll.u32 v5, $0x1;
	v12 =	vcvt.s32.f32 v12;
	v13 =	vshll.u32 v13, $0x1;
	v18 =	vld.idx.msk [tilespmem:v18+s9+$0x0], $0xffff  }
0x626: {  	v3 =	vshll.u32 v3, $0x1;
	vm2 =	vgt.f32 v8, v10;
	v8 =	vld.idx.msk [tilespmem:v14+s9+$0x0], $0xffff;
	vm1 =	vgt.f32 v24, v4  }
0x627: {  	v10 =	vshll.u32 v15, $0x1;
	vm0 =	vgt.f32 v7, v6;
	v4 =	vld [tilespmem:s14+$0x180];
	v7 =	vsel vm1, $0x1, v1  }
0x628: {  	v6 =	vsel vm0, $0x1, v1;
	vm0 =	vgt.f32 v26, v22;
	v3 =	vor.u32 v7, v3;
	v7 =	vld [tilespmem:s14+$0xFFFFFF80]  }
0x629: {  	[tilespmem:s15+$0x180] =	vst v17;
	v5 =	vor.u32 v6, v5;
	v6 =	vsel vm2, $0x1, v1;
	vm1 =	vgt.f32 v20, v9  }
0x62a: {  	[tilespmem:s15+$0x0] =	vst v11;
	v6 =	vor.u32 v6, v21;
	v9 =	vsel vm1, $0x1, v1;
	v3 =	vcvt.s32.f32 v3  }
0x62b: {  	[tilespmem:s15+$0xFFFFFF80] =	vst v12;
	v11 =	vsel vm0, $0x1, v1;
	v6 =	vcvt.s32.f32 v6;
	v9 =	vor.u32 v9, v10  }
0x62c: {  	v5 =	vcvt.s32.f32 v5;
	[tilespmem:s16+$0xFFFFFE80] =	vst v3;
	vm0 =	vgt.f32 v4, v18;
	v3 =	vcvt.s32.f32 v9  }
0x62d: {  	[tilespmem:s16+$0x100] =	vst v6;
	v10 =	vor.u32 v11, v19;
	v4 =	vsel vm0, $0x1, v1;
	vm0 =	vgt.f32 v7, v8  }
0x62e: {  	v6 =	vcvt.s32.f32 v10;
	[tilespmem:s16+$0xFFFFFF00] =	vst v3;
	v4 =	vor.u32 v4, v16;
	v3 =	vsel vm0, $0x1, v1  }
0x62f: {  	[tilespmem:s16+$0x80] =	vst v5;
	v4 =	vcvt.s32.f32 v4;
	v3 =	vor.u32 v3, v13  }
0x630: {  	[tilespmem:s16+$0x180] =	vst v6;
	v3 =	vcvt.s32.f32 v3  }
0x631: {  	[tilespmem:s16+$0x0] =	vst v4  }
0x632: {  	[tilespmem:s16+$0xFFFFFF80] =	vst v3  }
0x633: {  	v4 =	vld [tilespmem:$0x230]  }
0x634: {  	v5 =	vld [tilespmem:$0x2B0]  }
0x635: {  	v7 =	vld [tilespmem:$0x330]  }
0x636: {  	v3 =	vld [tilespmem:$0x3B0]  }
0x637: {  	v6 =	vld [tilespmem:$0x430]  }
0x638: {  	v8 =	vld [tilespmem:$0x4B0]  }
0x639: {  	s31 =	simm.s32 $0x91B0;
	v9 =	vld [tilespmem:$0x530]  }
0x63a: {  	v10 =	vld [tilespmem:s31+$0x0]  }
0x63b: {  	v11 =	vld [tilespmem:s31+$0xFFFFF800]  }
0x63c: {  	v12 =	vld [tilespmem:s31+$0x600]  }
0x63d: {  	v14 =	vld [tilespmem:s31+$0xFFFFFC00]  }
0x63e: {  	v19 =	vld [tilespmem:s31+$0x200]  }
0x63f: {  	v13 =	vld [tilespmem:s31+$0xFFFFF880]  }
0x640: {  	v15 =	vld [tilespmem:s31+$0x80]  }
0x641: {  	v16 =	vld [tilespmem:s31+$0xFFFFF900];
	vm0 =	vgt.f32 v11, v4  }
0x642: {  	v24 =	vld [tilespmem:s31+$0x280];
	vm2 =	vgt.f32 v10, v4;
	vm3 =	vgt.f32 v12, v4;
	vm5 =	vgt.f32 v14, v4  }
0x643: {  	v11 =	vld [tilespmem:s31+$0x400];
	vm12 =	vgt.f32 v19, v4;
	v10 =	vsel vm0, v7, v5;
	v17 =	vsel vm2, v7, v5  }
0x644: {  	v12 =	vld [tilespmem:s31+$0xFFFFFE00];
	v18 =	vsel vm3, v7, v5;
	v19 =	vsel vm12, v7, v5;
	v28 =	vsel vm3, $0x4, v1  }
0x645: {  	v14 =	vld [tilespmem:s31+$0xFFFFFC80];
	v30 =	vsel vm12, $0x4, v1;
	vm1 =	vgt.f32 v13, v10;
	vm6 =	vgt.f32 v15, v17  }
0x646: {  	v15 =	vsel vm5, v7, v5;
	v10 =	vsel vm1, v9, v8;
	v13 =	vsel vm1, v6, v3  }
0x647: {  	vm13 =	vgt.f32 v24, v19;
	v17 =	vsel vm1, $0x2, v1;
	v10 =	vsel vm0, v10, v13  }
0x648: {  	v13 =	vld [tilespmem:s31+$0x480];
	vm4 =	vgt.f32 v16, v10;
	v10 =	vsel vm0, $0x4, v1;
	vm1 =	vgt.f32 v11, v4  }
0x649: {  	vm0 =	vgt.f32 v12, v4;
	v10 =	vor.u32 v10, v17;
	v11 =	vsel vm4, $0x1, v1  }
0x64a: {  	v12 =	vsel vm6, v6, v3;
	v16 =	vld [tilespmem:s31+$0xFFFFFD00];
	vm7 =	vgt.f32 v14, v15;
	v11 =	vor.u32 v11, v10  }
0x64b: {  	v14 =	vld [tilespmem:s31+$0x680];
	v17 =	vsel vm5, $0x4, v1;
	v10 =	vor.u32 $0x3B0, v0;
	v20 =	vshll.u32 v11, $0x7  }
0x64c: {  	v21 =	vsel vm1, v7, v5;
	v22 =	vsel vm1, $0x4, v1;
	v15 =	vadd.s32 v10, v20  }
0x64d: {  	v23 =	vsel vm7, v6, v3;
	vm15 =	vgt.f32 v13, v21;
	v13 =	vsel vm7, v9, v8  }
0x64e: {  	v26 =	vld [tilespmem:s31+$0x700];
	v25 =	vsel vm0, $0x4, v1;
	v11 =	vshll.u32 v11, $0x1;
	v13 =	vsel vm5, v13, v23  }
0x64f: {  	v20 =	vsel vm0, v7, v5;
	v21 =	vsel vm2, $0x4, v1;
	vm8 =	vgt.f32 v16, v13;
	v16 =	vld [tilespmem:s31+$0xFFFFFE80]  }
0x650: {  	v29 =	vld [tilespmem:s31+$0xFFFFF980];
	v23 =	vsel vm6, $0x2, v1;
	vm9 =	vgt.f32 v14, v18;
	v14 =	vsel vm6, v9, v8  }
0x651: {  	v13 =	vsel vm15, $0x2, v1;
	v18 =	vsel vm9, $0x2, v1;
	v27 =	vsel vm9, v6, v3;
	v15 =	vld.idx.msk [tilespmem:v15+s9+$0x0], $0xffff  }
0x652: {  	v31 =	vsel vm9, v9, v8;
	v12 =	vsel vm2, v14, v12;
	v21 =	vor.u32 v21, v23  }
0x653: {  	v14 =	vsel vm13, $0x2, v1;
	v23 =	vsel vm13, v9, v8;
	v19 =	vsel vm3, v31, v27  }
0x654: {  	s14 =	simm.s32 $0xA1B0;
	vm3 =	vgt.f32 v26, v19;
	v19 =	vsel vm7, $0x2, v1;
	vm2 =	vgt.f32 v16, v20;
	v20 =	vld [tilespmem:s31+$0x100]  }
0x655: {  	v40 =	vld [tilespmem:s14+$0x200];
	v24 =	vsel vm8, $0x1, v1;
	v17 =	vor.u32 v17, v19;
	v19 =	vsel vm15, v9, v8  }
0x656: {  	v16 =	vor.u32 v30, v14;
	v14 =	vsel vm3, $0x1, v1;
	vm3 =	vgt.f32 v29, v15  }
0x657: {  	v26 =	vld [tilespmem:s31+$0x500];
	v30 =	vsel vm15, v6, v3;
	v15 =	vor.u32 v28, v18;
	v18 =	vsel vm3, $0x1, v1  }
0x658: {  	v28 =	vor.u32 v14, v15;
	v15 =	vsel vm13, v6, v3;
	v11 =	vor.u32 v18, v11;
	v18 =	vld [tilespmem:s31+$0x300]  }
0x659: {  	vm3 =	vgt.f32 v20, v12;
	v12 =	vsel vm12, v23, v15;
	v15 =	vsel vm1, v19, v30;
	v30 =	vld [tilespmem:s14+$0x600]  }
0x65a: {  	v13 =	vor.u32 v22, v13;
	vm7 =	vgt.f32 v40, v4;
	v14 =	vcvt.s32.f32 v11;
	v11 =	vld [tilespmem:s31+$0xFFFFFF00]  }
0x65b: {  	v47 =	vsel vm7, v7, v5;
	v41 =	vsel vm7, $0x4, v1;
	v27 =	vsel vm2, v9, v8  }
0x65c: {  	v29 =	vshll.u32 v28, $0x7;
	v19 =	vld [tilespmem:s31+$0xFFFFFA00];
	v20 =	vsel vm2, v6, v3;
	vm1 =	vgt.f32 v26, v15  }
0x65d: {  	v23 =	vld [tilespmem:s14+$0x0];
	v15 =	vor.u32 v24, v17;
	v17 =	vsel vm0, v27, v20;
	v20 =	vsel vm1, $0x1, v1  }
0x65e: {  	v22 =	vld [tilespmem:s31+$0xFFFFFA80];
	v24 =	vshll.u32 v28, $0x1;
	vm1 =	vgt.f32 v18, v12;
	v12 =	vor.u32 v20, v13  }
0x65f: {  	v20 =	vsel vm2, $0x2, v1;
	vm4 =	vgt.f32 v30, v4;
	vm0 =	vgt.f32 v11, v17  }
0x660: {  	v11 =	vsel vm3, $0x1, v1;
	v13 =	vsel vm1, $0x1, v1;
	v17 =	vshll.u32 v12, $0x7  }
0x661: {  	v18 =	vld [tilespmem:s31+$0xFFFFFB00];
	vm1 =	vgt.f32 v19, v4;
	v19 =	vadd.s32 v10, v29;
	v20 =	vor.u32 v25, v20  }
0x662: {  	vm3 =	vgt.f32 v23, v4;
	v13 =	vor.u32 v13, v16;
	v16 =	vsel vm1, v7, v5  }
0x663: {  	v32 =	vld [tilespmem:s14+$0x400];
	v17 =	vadd.s32 v10, v17;
	v27 =	vshll.u32 v13, $0x7;
	vm2 =	vgt.f32 v22, v16  }
0x664: {  	v26 =	vld [tilespmem:s14+$0x80];
	v28 =	vsel vm2, v9, v8;
	v29 =	vsel vm2, v6, v3;
	v27 =	vadd.s32 v10, v27  }
0x665: {  	v34 =	vld [tilespmem:s14+$0xFFFFFE00];
	v51 =	vsel vm4, $0x4, v1;
	v21 =	vor.u32 v11, v21;
	v28 =	vsel vm1, v28, v29  }
0x666: {  	v22 =	vld [tilespmem:s31+$0x380];
	v31 =	vsel vm2, $0x2, v1;
	vm2 =	vgt.f32 v18, v28;
	v18 =	vsel vm1, $0x4, v1  }
0x667: {  	v30 =	vsel vm3, v7, v5;
	v28 =	vld [tilespmem:s31+$0x580];
	v11 =	vor.u32 v18, v31;
	v18 =	vsel vm2, $0x1, v1  }
0x668: {  	v60 =	vsel vm3, $0x4, v1;
	v16 =	vshll.u32 v15, $0x7;
	v17 =	vld.idx.msk [tilespmem:v17+s9+$0x0], $0xffff;
	v18 =	vor.u32 v18, v11  }
0x669: {  	v13 =	vshll.u32 v13, $0x1;
	vm6 =	vgt.f32 v26, v30;
	v33 =	vshll.u32 v18, $0x7;
	v25 =	vld.idx.msk [tilespmem:v27+s9+$0x0], $0xffff  }
0x66a: {  	v26 =	vld [tilespmem:s14+$0xFFFFF800];
	v15 =	vshll.u32 v15, $0x1;
	v16 =	vadd.s32 v10, v16;
	v33 =	vadd.s32 v10, v33  }
0x66b: {  	v30 =	vsel vm6, v6, v3;
	v63 =	vsel vm6, $0x2, v1;
	v29 =	vld [tilespmem:s14+$0xFFFFFC00];
	vm1 =	vgt.f32 v32, v4  }
0x66c: {  	v23 =	vld [tilespmem:s14+$0xFFFFFC80];
	v31 =	vsel vm0, $0x1, v1;
	vm0 =	vgt.f32 v34, v4;
	v58 =	vsel vm1, v7, v5  }
0x66d: {  	v34 =	vsel vm1, $0x4, v1;
	v11 =	vshll.u32 v21, $0x1;
	vm15 =	vgt.f32 v28, v17;
	v17 =	vld [tilespmem:s31+$0xFFFFFB80]  }
0x66e: {  	v21 =	vshll.u32 v21, $0x7;
	v20 =	vor.u32 v31, v20;
	vm2 =	vgt.f32 v22, v25;
	v22 =	vld [tilespmem:s14+$0xFFFFF880]  }
0x66f: {  	v31 =	vsel vm4, v7, v5;
	vm12 =	vgt.f32 v26, v4;
	v18 =	vshll.u32 v18, $0x1;
	v57 =	vld.idx.msk [tilespmem:v33+s9+$0x0], $0xffff  }
0x670: {  	v27 =	vshll.u32 v12, $0x1;
	v12 =	vshll.u32 v20, $0x1;
	vm14 =	vgt.f32 v29, v4  }
0x671: {  	v61 =	vld [tilespmem:s31+$0x780];
	v20 =	vshll.u32 v20, $0x7;
	v21 =	vadd.s32 v10, v21;
	v29 =	vsel vm14, v7, v5  }
0x672: {  	v36 =	vld [tilespmem:s14+$0xFFFFF900];
	v37 =	vsel vm12, v7, v5;
	v52 =	vadd.s32 v10, v20;
	vm5 =	vgt.f32 v23, v29  }
0x673: {  	v19 =	vld.idx.msk [tilespmem:v19+s9+$0x0], $0xffff;
	v28 =	vsel vm14, $0x4, v1;
	v23 =	vsel vm5, v9, v8;
	v26 =	vsel vm15, $0x1, v1  }
0x674: {  	v35 =	vld [tilespmem:s14+$0x480];
	v39 =	vsel vm5, v6, v3;
	vm10 =	vgt.f32 v22, v37;
	vm13 =	vgt.f32 v17, v57  }
0x675: {  	v44 =	vld [tilespmem:s31+$0xFFFFFD80];
	v17 =	vsel vm14, v23, v39;
	v23 =	vsel vm10, v9, v8;
	v62 =	vsel vm10, v6, v3  }
0x676: {  	v16 =	vld.idx.msk [tilespmem:v16+s9+$0x0], $0xffff;
	v45 =	vsel vm10, $0x2, v1;
	v22 =	vsel vm13, $0x1, v1;
	v23 =	vsel vm12, v23, v62  }
0x677: {  	v18 =	vor.u32 v22, v18;
	vm14 =	vgt.f32 v36, v23;
	v22 =	vsel vm12, $0x4, v1  }
0x678: {  	v38 =	vld [tilespmem:s14+$0xFFFFFD00];
	vm15 =	vgt.f32 v61, v19;
	v19 =	vor.u32 v22, v45;
	v22 =	vsel vm14, $0x1, v1  }
0x679: {  	v48 =	vld [tilespmem:s14+$0x700];
	v25 =	vsel vm0, v7, v5;
	v26 =	vor.u32 v26, v27;
	v22 =	vor.u32 v22, v19  }
0x67a: {  	v59 =	vsel vm2, $0x1, v1;
	vm2 =	vgt.f32 v35, v58;
	v23 =	vld [tilespmem:s14+$0x680];
	v19 =	vshll.u32 v22, $0x7  }
0x67b: {  	v26 =	vcvt.s32.f32 v26;
	vm13 =	vgt.f32 v44, v16;
	v16 =	vld.idx.msk [tilespmem:v21+s9+$0x0], $0xffff;
	v19 =	vadd.s32 v10, v19  }
0x67c: {  	v29 =	vor.u32 v59, v13;
	v13 =	vsel vm0, $0x4, v1;
	v27 =	vsel vm2, $0x2, v1;
	v21 =	vld [tilespmem:s14+$0x280]  }
0x67d: {  	v53 =	vld [tilespmem:s14+$0xFFFFF980];
	vm12 =	vgt.f32 v38, v17;
	v17 =	vsel vm15, $0x1, v1;
	v46 =	vsel vm13, $0x1, v1  }
0x67e: {  	v17 =	vor.u32 v17, v24;
	v24 =	vld [tilespmem:s14+$0xFFFFFE80];
	v54 =	vsel vm12, $0x1, v1;
	v15 =	vor.u32 v46, v15  }
0x67f: {  	v17 =	vcvt.s32.f32 v17;
	v59 =	vcvt.s32.f32 v15;
	vm14 =	vgt.f32 v23, v31;
	v23 =	vld [tilespmem:s31+$0x180]  }
0x680: {  	v22 =	vshll.u32 v22, $0x1;
	v50 =	vsel vm14, v6, v3;
	v42 =	vsel vm14, v9, v8;
	v19 =	vld.idx.msk [tilespmem:v19+s9+$0x0], $0xffff  }
0x681: {  	vm15 =	vgt.f32 v21, v47;
	v31 =	vcvt.s32.f32 v18;
	v21 =	vsel vm4, v42, v50  }
0x682: {  	v18 =	vsel vm6, v9, v8;
	v20 =	vsel vm15, $0x2, v1;
	vm13 =	vgt.f32 v48, v21;
	v21 =	vld [tilespmem:s14+$0x100]  }
0x683: {  	v55 =	vsel vm15, v6, v3;
	v49 =	vsel vm14, $0x2, v1;
	v30 =	vsel vm3, v18, v30  }
0x684: {  	v18 =	vor.u32 v60, v63;
	vm3 =	vgt.f32 v24, v25;
	v56 =	vor.u32 v51, v49  }
0x685: {  	v58 =	vld [tilespmem:s14+$0x500];
	vm12 =	vgt.f32 v23, v16;
	v23 =	vsel vm13, $0x1, v1;
	vm14 =	vgt.f32 v53, v19  }
0x686: {  	v35 =	vld.idx.msk [tilespmem:v52+s9+$0x0], $0xffff;
	v20 =	vor.u32 v41, v20;
	v19 =	vor.u32 v23, v56;
	v23 =	vsel vm14, $0x1, v1  }
0x687: {  	v62 =	vld [tilespmem:s14+$0xFFFFFF00];
	v24 =	vsel vm15, v9, v8;
	vm15 =	vgt.f32 v21, v30;
	v15 =	vor.u32 v23, v22  }
0x688: {  	s15 =	simm.s32 $0x10BB0;
	v21 =	vsel vm2, v9, v8;
	v22 =	vld [tilespmem:s14+$0x300];
	v61 =	vcvt.s32.f32 v15;
	v15 =	vsel vm2, v6, v3  }
0x689: {  	[tilespmem:s15+$0xFFFFFE00] =	vst v14;
	v57 =	vld [tilespmem:s31+$0xFFFFFF80];
	v25 =	vsel vm3, v9, v8;
	v14 =	vsel vm7, v24, v55;
	v15 =	vsel vm1, v21, v15  }
0x68a: {  	v24 =	vor.u32 v34, v27;
	v21 =	vsel vm3, v6, v3;
	vm2 =	vgt.f32 v58, v15  }
0x68b: {  	v16 =	vsel vm5, $0x2, v1;
	v21 =	vsel vm0, v25, v21;
	v25 =	vsel vm2, $0x1, v1  }
0x68c: {  	[tilespmem:s15+$0x100] =	vst v26;
	v16 =	vor.u32 v28, v16;
	v28 =	vld [tilespmem:s14+$0xFFFFFA00];
	vm0 =	vgt.f32 v62, v21;
	v21 =	vor.u32 v25, v24  }
0x68d: {  	[tilespmem:s15+$0xFFFFFF00] =	vst v59;
	v63 =	vcvt.s32.f32 v29;
	vm2 =	vgt.f32 v22, v14;
	v14 =	vshll.u32 v21, $0x7  }
0x68e: {  	[tilespmem:s15+$0xFFFFFE80] =	vst v31;
	v60 =	vshll.u32 v19, $0x7;
	v23 =	vsel vm12, $0x1, v1;
	vm1 =	vgt.f32 v57, v35  }
0x68f: {  	s17 =	simm.s32 $0x10FB0;
	[tilespmem:s15+$0x80] =	vst v63;
	v15 =	vor.u32 v54, v16;
	v16 =	vld [tilespmem:s14+$0xFFFFFA80];
	v25 =	vsel vm15, $0x1, v1;
	v24 =	vsel vm3, $0x2, v1  }
0x690: {  	s18 =	simm.s32 $0x8;
	s19 =	simm.s32 $0xB1B0;
	s16 =	simm.s32 $0x10FB0;
	v27 =	vld [tilespmem:s14+$0xFFFFFB00];
	[tilespmem:s17+$0xFFFFFE00] =	vst v61;
	v22 =	vadd.s32 v10, v60;
	v29 =	vsel vm2, $0x1, v1;
	v26 =	vadd.s32 v10, v14;
	v14 =	vmovc v10  }
.LBB2_13:
0x691: {  	v30 =	vld [tilespmem:s19+$0x0];
	s18 =	sadd.s32 $0x8, s18;
	vm2 =	vgt.f32 v28, v4;
	s17 =	sadd.s32 $0x400, s17;
	v28 =	vsel vm1, $0x1, v1;
	v11 =	vor.u32 v23, v11  }
0x692: {  	v20 =	vor.u32 v29, v20;
	v19 =	vshll.u32 v19, $0x1;
	v23 =	vld [tilespmem:s19+$0xFFFFFA80];
	p0 =	slt.u32 s18, $0x38;
	v11 =	vcvt.s32.f32 v11  }
0x693: {  	v31 =	vsel vm2, v7, v5;
	v32 =	vshll.u32 v20, $0x7;
	v12 =	vor.u32 v28, v12;
	v29 =	vld [tilespmem:s19+$0x80]  }
0x694: {  	vm1 =	vgt.f32 v16, v31;
	v16 =	vshll.u32 v15, $0x7;
	v12 =	vcvt.s32.f32 v12;
	v28 =	vld [tilespmem:s14+$0x380];
	[tilespmem:s15+$0x180] =	vst v17  }
0x695: {  	v31 =	vsel vm1, v9, v8;
	v33 =	vsel vm1, v6, v3;
	v34 =	vsel vm1, $0x2, v1;
	v17 =	vld [tilespmem:s19+$0x600];
	[tilespmem:s15+$0x0] =	vst v11  }
0x696: {  	v32 =	vadd.s32 v14, v32;
	v11 =	vsel vm2, v31, v33;
	v31 =	vadd.s32 v14, v16;
	v35 =	vld [tilespmem:s19+$0xFFFFFC00];
	[tilespmem:s15+$0xFFFFFF80] =	vst v12;
	s15 =	smov.u32 s16;
	s16 =	smov.u32 s17  }
0x697: {  	vm1 =	vgt.f32 v27, v11;
	v11 =	vsel vm2, $0x4, v1;
	v12 =	vor.u32 v25, v18;
	v18 =	vld [tilespmem:s14+$0x580];
	v16 =	vmovc v23  }
0x698: {  	v25 =	vsel vm0, $0x1, v1;
	v11 =	vor.u32 v11, v34;
	v23 =	vsel vm1, $0x1, v1;
	v26 =	vld.idx.msk [tilespmem:v26+s9+$0x0], $0xffff  }
0x699: {  	v20 =	vshll.u32 v20, $0x1;
	v23 =	vor.u32 v23, v11;
	v11 =	vshll.u32 v12, $0x1;
	v27 =	vld [tilespmem:s19+$0xFFFFFE00]  }
0x69a: {  	v36 =	vshll.u32 v12, $0x7;
	v34 =	vshll.u32 v23, $0x7;
	v23 =	vshll.u32 v23, $0x1;
	v33 =	vld [tilespmem:s19+$0x400]  }
0x69b: {  	v12 =	vor.u32 v13, v24;
	v24 =	vshll.u32 v21, $0x1;
	v34 =	vadd.s32 v14, v34;
	v13 =	vld.idx.msk [tilespmem:v32+s9+$0x0], $0xffff  }
0x69c: {  	vm3 =	vgt.f32 v30, v4;
	vm4 =	vgt.f32 v17, v4;
	v17 =	vor.u32 v25, v12;
	v32 =	vld [tilespmem:s19+$0xFFFFFC80]  }
0x69d: {  	v21 =	vsel vm3, v7, v5;
	v30 =	vsel vm4, v7, v5;
	v12 =	vshll.u32 v17, $0x1;
	v25 =	vld [tilespmem:s19+$0x480]  }
0x69e: {  	vm6 =	vgt.f32 v29, v21;
	vm7 =	vgt.f32 v35, v4;
	v17 =	vshll.u32 v17, $0x7;
	v37 =	vld [tilespmem:s19+$0xFFFFF800]  }
0x69f: {  	v29 =	vsel vm7, v7, v5;
	vm1 =	vgt.f32 v33, v4;
	v33 =	vadd.s32 v14, v36;
	v35 =	vld.idx.msk [tilespmem:v22+s9+$0x0], $0xffff  }
0x6a0: {  	vm8 =	vgt.f32 v18, v26;
	vm0 =	vgt.f32 v27, v4;
	v27 =	vsel vm6, v6, v3;
	v34 =	vld.idx.msk [tilespmem:v34+s9+$0x0], $0xffff  }
0x6a1: {  	v21 =	vsel vm7, $0x4, v1;
	vm2 =	vgt.f32 v28, v13;
	v18 =	vld [tilespmem:s14+$0xFFFFFB80]  }
0x6a2: {  	v28 =	vsel vm0, v7, v5;
	v13 =	vsel vm1, v7, v5;
	v22 =	vsel vm2, $0x1, v1;
	v26 =	vld [tilespmem:s19+$0xFFFFF880]  }
0x6a3: {  	vm5 =	vgt.f32 v32, v29;
	vm2 =	vgt.f32 v25, v13;
	v25 =	vor.u32 v22, v20  }
0x6a4: {  	v29 =	vsel vm3, $0x4, v1;
	v20 =	vsel vm5, v9, v8;
	v22 =	vsel vm1, $0x4, v1;
	v32 =	vld [tilespmem:s14+$0x780]  }
0x6a5: {  	v13 =	vsel vm0, $0x4, v1;
	vm9 =	vgt.f32 v37, v4;
	v37 =	vsel vm8, $0x1, v1;
	v36 =	vld [tilespmem:s19+$0xFFFFF900]  }
0x6a6: {  	v40 =	vsel vm5, v6, v3;
	v38 =	vsel vm9, v7, v5;
	v39 =	vld [tilespmem:s19+$0xFFFFFD00];
	vm8 =	vgt.f32 v18, v34  }
0x6a7: {  	v18 =	vsel vm7, v20, v40;
	vm10 =	vgt.f32 v26, v38;
	v20 =	vsel vm8, $0x1, v1;
	v26 =	vld.idx.msk [tilespmem:v31+s9+$0x0], $0xffff  }
0x6a8: {  	v38 =	vsel vm6, $0x2, v1;
	v31 =	vsel vm10, v9, v8;
	v34 =	vsel vm10, v6, v3;
	v40 =	vld [tilespmem:s14+$0xFFFFFD80]  }
0x6a9: {  	v20 =	vor.u32 v20, v23;
	v31 =	vsel vm9, v31, v34;
	v34 =	vsel vm10, $0x2, v1;
	v41 =	vld [tilespmem:s19+$0x200]  }
0x6aa: {  	v23 =	vsel vm9, $0x4, v1;
	vm9 =	vgt.f32 v32, v35;
	vm7 =	vgt.f32 v36, v31;
	v31 =	vld [tilespmem:s19+$0x680]  }
0x6ab: {  	v24 =	vor.u32 v37, v24;
	v23 =	vor.u32 v23, v34;
	v32 =	vsel vm7, $0x1, v1  }
0x6ac: {  	vm8 =	vgt.f32 v39, v18;
	v18 =	vsel vm9, $0x1, v1;
	v23 =	vor.u32 v32, v23  }
0x6ad: {  	v34 =	vsel vm2, $0x2, v1;
	v32 =	vshll.u32 v23, $0x7;
	vm9 =	vgt.f32 v40, v26;
	v26 =	vld.idx.msk [tilespmem:v33+s9+$0x0], $0xffff  }
0x6ae: {  	v32 =	vadd.s32 v10, v32;
	v33 =	vld [tilespmem:s19+$0x280];
	vm7 =	vgt.f32 v41, v4;
	v35 =	vsel vm9, $0x1, v1  }
0x6af: {  	v20 =	vcvt.s32.f32 v20;
	v36 =	vsel vm7, v7, v5;
	vm9 =	vgt.f32 v31, v30;
	v30 =	vld [tilespmem:s14+$0x180]  }
0x6b0: {  	v18 =	vor.u32 v18, v19;
	v31 =	vsel vm6, v9, v8;
	v37 =	vld [tilespmem:s19+$0x700];
	v39 =	vsel vm9, $0x2, v1  }
0x6b1: {  	v15 =	vshll.u32 v15, $0x1;
	v41 =	vsel vm4, $0x4, v1;
	v40 =	vsel vm9, v6, v3;
	v19 =	vld [tilespmem:s19+$0xFFFFFE80]  }
0x6b2: {  	v24 =	vcvt.s32.f32 v24;
	v42 =	vsel vm7, $0x4, v1;
	v43 =	vsel vm9, v9, v8  }
0x6b3: {  	v32 =	vld.idx.msk [tilespmem:v32+s9+$0x0], $0xffff;
	vm6 =	vgt.f32 v33, v36;
	v33 =	vsel vm4, v43, v40;
	v36 =	vadd.s32 v14, v17  }
0x6b4: {  	v27 =	vsel vm3, v31, v27;
	v43 =	vsel vm8, $0x1, v1;
	v17 =	vcvt.s32.f32 v18;
	v14 =	vmovc v10;
	v40 =	vld [tilespmem:s19+$0xFFFFF980]  }
0x6b5: {  	v18 =	vor.u32 v29, v38;
	v29 =	vsel vm6, $0x2, v1;
	vm4 =	vgt.f32 v30, v26;
	[tilespmem:s15+$0xFFFFFE80] =	vst v20  }
0x6b6: {  	v20 =	vor.u32 v42, v29;
	vm8 =	vgt.f32 v37, v33;
	vm3 =	vgt.f32 v19, v28  }
0x6b7: {  	v26 =	vsel vm5, $0x2, v1;
	v29 =	vsel vm6, v9, v8;
	v19 =	vsel vm8, $0x1, v1;
	v28 =	vld [tilespmem:s19+$0x100]  }
0x6b8: {  	v31 =	vsel vm6, v6, v3;
	v33 =	vor.u32 v41, v39;
	v30 =	vsel vm3, v9, v8;
	v36 =	vld.idx.msk [tilespmem:v36+s9+$0x0], $0xffff  }
0x6b9: {  	v15 =	vor.u32 v35, v15;
	v19 =	vor.u32 v19, v33;
	vm5 =	vgt.f32 v40, v32;
	v32 =	vld [tilespmem:s14+$0xFFFFFF80];
	s14 =	smov.u32 s19  }
0x6ba: {  	v23 =	vshll.u32 v23, $0x1;
	v15 =	vcvt.s32.f32 v15;
	v33 =	vsel vm5, $0x1, v1;
	v35 =	vld [tilespmem:s19+$0x500];
	[tilespmem:s15+$0x100] =	vst v24  }
0x6bb: {  	v37 =	vshll.u32 v19, $0x7;
	v24 =	vor.u32 v33, v23;
	v33 =	vld [tilespmem:s19+$0x300];
	v23 =	vsel vm4, $0x1, v1  }
0x6bc: {  	v39 =	vsel vm2, v6, v3;
	v24 =	vcvt.s32.f32 v24;
	v38 =	vld [tilespmem:s19+$0xFFFFFF00];
	[tilespmem:s15+$0xFFFFFF00] =	vst v15;
	v15 =	vcvt.s32.f32 v25  }
0x6bd: {  	v21 =	vor.u32 v21, v26;
	vm4 =	vgt.f32 v28, v27;
	v25 =	vsel vm2, v9, v8  }
0x6be: {  	v25 =	vsel vm1, v25, v39;
	[tilespmem:s17+$0xFFFFFE00] =	vst v24;
	v24 =	vsel vm7, v29, v31;
	vm1 =	vgt.f32 v32, v36  }
.Ltmp5:
0x6bf: {  	v22 =	vor.u32 v22, v34;
	v26 =	vsel vm3, v6, v3;
	v28 =	vld [tilespmem:s19+$0xFFFFFA00];
	vm2 =	vgt.f32 v35, v25;
	[tilespmem:s15+$0x80] =	vst v15;
	(pc) =	sbr.rel @p0 .LBB2_13-.Ltmp5, $4  }
0x6c0: {  	v15 =	vor.u32 v43, v21;
	v21 =	vsel vm0, v30, v26;
	v25 =	vsel vm2, $0x1, v1  }
0x6c1: {  	vm2 =	vgt.f32 v33, v24;
	vm0 =	vgt.f32 v38, v21;
	v21 =	vor.u32 v25, v22  }
0x6c2: {  	v25 =	vsel vm4, $0x1, v1;
	v29 =	vsel vm2, $0x1, v1;
	v22 =	vshll.u32 v21, $0x7  }
0x6c3: {  	s19 =	sadd.s32 $0x1000, s19;
	v24 =	vsel vm3, $0x2, v1;
	v27 =	vld [tilespmem:s14+$0xFFFFFB00];
	v26 =	vadd.s32 v14, v22;
	v22 =	vadd.s32 v14, v37  }
0x6c4: {  	vm2 =	vgt.f32 v28, v4  }
0x6c5: {  	v4 =	vsel vm2, v7, v5  }
0x6c6: {  	vm3 =	vgt.f32 v16, v4  }
0x6c7: {  	v4 =	vsel vm3, v9, v8;
	v3 =	vsel vm3, v6, v3  }
0x6c8: {  	v3 =	vsel vm2, v4, v3  }
0x6c9: {  	v4 =	vsel vm3, $0x2, v1;
	vm3 =	vgt.f32 v27, v3;
	v3 =	vsel vm2, $0x4, v1  }
0x6ca: {  	v3 =	vor.u32 v3, v4;
	v4 =	vsel vm3, $0x1, v1  }
0x6cb: {  	v3 =	vor.u32 v4, v3  }
0x6cc: {  	v10 =	vld.idx.msk [tilespmem:v26+s9+$0x0], $0xffff;
	v5 =	vor.u32 v29, v20;
	v4 =	vshll.u32 v3, $0x7  }
0x6cd: {  	v22 =	vld.idx.msk [tilespmem:v22+s9+$0x0], $0xffff;
	v6 =	vshll.u32 v5, $0x7;
	v4 =	vadd.s32 v14, v4  }
0x6ce: {  	v13 =	vor.u32 v13, v24;
	v24 =	vld [tilespmem:s14+$0xFFFFFB80];
	v9 =	vshll.u32 v15, $0x7;
	v6 =	vadd.s32 v14, v6  }
0x6cf: {  	v26 =	vld [tilespmem:s14+$0x780];
	v16 =	vor.u32 v25, v18;
	v18 =	vsel vm0, $0x1, v1;
	v9 =	vadd.s32 v14, v9  }
0x6d0: {  	v7 =	vld [tilespmem:s14+$0x380];
	v20 =	vshll.u32 v16, $0x7;
	v13 =	vor.u32 v18, v13  }
0x6d1: {  	v8 =	vld [tilespmem:s14+$0x580];
	v18 =	vadd.s32 v14, v20;
	v20 =	vshll.u32 v13, $0x7  }
0x6d2: {  	v14 =	vadd.s32 v14, v20;
	v4 =	vld.idx.msk [tilespmem:v4+s9+$0x0], $0xffff  }
0x6d3: {  	v11 =	vor.u32 v23, v11;
	v6 =	vld.idx.msk [tilespmem:v6+s9+$0x0], $0xffff  }
0x6d4: {  	v19 =	vshll.u32 v19, $0x1;
	v21 =	vshll.u32 v21, $0x1;
	v25 =	vsel vm1, $0x1, v1;
	v9 =	vld.idx.msk [tilespmem:v9+s9+$0x0], $0xffff  }
0x6d5: {  	v11 =	vcvt.s32.f32 v11;
	v12 =	vor.u32 v25, v12;
	v16 =	vshll.u32 v16, $0x1;
	v20 =	vld [tilespmem:s14+$0xFFFFFD80]  }
0x6d6: {  	v5 =	vshll.u32 v5, $0x1;
	v12 =	vcvt.s32.f32 v12;
	v13 =	vshll.u32 v13, $0x1;
	v18 =	vld.idx.msk [tilespmem:v18+s9+$0x0], $0xffff  }
0x6d7: {  	v3 =	vshll.u32 v3, $0x1;
	vm2 =	vgt.f32 v8, v10;
	v8 =	vld.idx.msk [tilespmem:v14+s9+$0x0], $0xffff;
	vm1 =	vgt.f32 v24, v4  }
0x6d8: {  	v10 =	vshll.u32 v15, $0x1;
	vm0 =	vgt.f32 v7, v6;
	v4 =	vld [tilespmem:s14+$0x180];
	v7 =	vsel vm1, $0x1, v1  }
0x6d9: {  	v6 =	vsel vm0, $0x1, v1;
	vm0 =	vgt.f32 v26, v22;
	v3 =	vor.u32 v7, v3;
	v7 =	vld [tilespmem:s14+$0xFFFFFF80]  }
0x6da: {  	[tilespmem:s15+$0x180] =	vst v17;
	v5 =	vor.u32 v6, v5;
	v6 =	vsel vm2, $0x1, v1;
	vm1 =	vgt.f32 v20, v9  }
0x6db: {  	[tilespmem:s15+$0x0] =	vst v11;
	v6 =	vor.u32 v6, v21;
	v9 =	vsel vm1, $0x1, v1;
	v3 =	vcvt.s32.f32 v3  }
0x6dc: {  	[tilespmem:s15+$0xFFFFFF80] =	vst v12;
	v11 =	vsel vm0, $0x1, v1;
	v6 =	vcvt.s32.f32 v6;
	v9 =	vor.u32 v9, v10  }
0x6dd: {  	v5 =	vcvt.s32.f32 v5;
	[tilespmem:s16+$0xFFFFFE80] =	vst v3;
	vm0 =	vgt.f32 v4, v18;
	v3 =	vcvt.s32.f32 v9  }
0x6de: {  	[tilespmem:s16+$0x100] =	vst v6;
	v10 =	vor.u32 v11, v19;
	v4 =	vsel vm0, $0x1, v1;
	vm0 =	vgt.f32 v7, v8  }
0x6df: {  	v6 =	vcvt.s32.f32 v10;
	[tilespmem:s16+$0xFFFFFF00] =	vst v3;
	v4 =	vor.u32 v4, v16;
	v3 =	vsel vm0, $0x1, v1  }
0x6e0: {  	[tilespmem:s16+$0x80] =	vst v5;
	v4 =	vcvt.s32.f32 v4;
	v3 =	vor.u32 v3, v13  }
0x6e1: {  	[tilespmem:s16+$0x180] =	vst v6;
	v3 =	vcvt.s32.f32 v3  }
0x6e2: {  	[tilespmem:s16+$0x0] =	vst v4  }
0x6e3: {  	[tilespmem:s16+$0xFFFFFF80] =	vst v3  }
0x6e4: {  	v4 =	vld [tilespmem:$0x240]  }
0x6e5: {  	v5 =	vld [tilespmem:$0x2C0]  }
0x6e6: {  	v7 =	vld [tilespmem:$0x340]  }
0x6e7: {  	v3 =	vld [tilespmem:$0x3C0]  }
0x6e8: {  	v6 =	vld [tilespmem:$0x440]  }
0x6e9: {  	v8 =	vld [tilespmem:$0x4C0]  }
0x6ea: {  	s31 =	simm.s32 $0x91C0;
	v9 =	vld [tilespmem:$0x540]  }
0x6eb: {  	v10 =	vld [tilespmem:s31+$0x0]  }
0x6ec: {  	v11 =	vld [tilespmem:s31+$0xFFFFF800]  }
0x6ed: {  	v12 =	vld [tilespmem:s31+$0x600]  }
0x6ee: {  	v14 =	vld [tilespmem:s31+$0xFFFFFC00]  }
0x6ef: {  	v19 =	vld [tilespmem:s31+$0x200]  }
0x6f0: {  	v13 =	vld [tilespmem:s31+$0xFFFFF880]  }
0x6f1: {  	v15 =	vld [tilespmem:s31+$0x80]  }
0x6f2: {  	v16 =	vld [tilespmem:s31+$0xFFFFF900];
	vm0 =	vgt.f32 v11, v4  }
0x6f3: {  	v24 =	vld [tilespmem:s31+$0x280];
	vm2 =	vgt.f32 v10, v4;
	vm3 =	vgt.f32 v12, v4;
	vm5 =	vgt.f32 v14, v4  }
0x6f4: {  	v11 =	vld [tilespmem:s31+$0x400];
	vm12 =	vgt.f32 v19, v4;
	v10 =	vsel vm0, v7, v5;
	v17 =	vsel vm2, v7, v5  }
0x6f5: {  	v12 =	vld [tilespmem:s31+$0xFFFFFE00];
	v18 =	vsel vm3, v7, v5;
	v19 =	vsel vm12, v7, v5;
	v28 =	vsel vm3, $0x4, v1  }
0x6f6: {  	v14 =	vld [tilespmem:s31+$0xFFFFFC80];
	v30 =	vsel vm12, $0x4, v1;
	vm1 =	vgt.f32 v13, v10;
	vm6 =	vgt.f32 v15, v17  }
0x6f7: {  	v15 =	vsel vm5, v7, v5;
	v10 =	vsel vm1, v9, v8;
	v13 =	vsel vm1, v6, v3  }
0x6f8: {  	vm13 =	vgt.f32 v24, v19;
	v17 =	vsel vm1, $0x2, v1;
	v10 =	vsel vm0, v10, v13  }
0x6f9: {  	v13 =	vld [tilespmem:s31+$0x480];
	vm4 =	vgt.f32 v16, v10;
	v10 =	vsel vm0, $0x4, v1;
	vm1 =	vgt.f32 v11, v4  }
0x6fa: {  	vm0 =	vgt.f32 v12, v4;
	v10 =	vor.u32 v10, v17;
	v11 =	vsel vm4, $0x1, v1  }
0x6fb: {  	v12 =	vsel vm6, v6, v3;
	v16 =	vld [tilespmem:s31+$0xFFFFFD00];
	vm7 =	vgt.f32 v14, v15;
	v11 =	vor.u32 v11, v10  }
0x6fc: {  	v14 =	vld [tilespmem:s31+$0x680];
	v17 =	vsel vm5, $0x4, v1;
	v10 =	vor.u32 $0x3C0, v0;
	v20 =	vshll.u32 v11, $0x7  }
0x6fd: {  	v21 =	vsel vm1, v7, v5;
	v22 =	vsel vm1, $0x4, v1;
	v15 =	vadd.s32 v10, v20  }
0x6fe: {  	v23 =	vsel vm7, v6, v3;
	vm15 =	vgt.f32 v13, v21;
	v13 =	vsel vm7, v9, v8  }
0x6ff: {  	v26 =	vld [tilespmem:s31+$0x700];
	v25 =	vsel vm0, $0x4, v1;
	v11 =	vshll.u32 v11, $0x1;
	v13 =	vsel vm5, v13, v23  }
0x700: {  	v20 =	vsel vm0, v7, v5;
	v21 =	vsel vm2, $0x4, v1;
	vm8 =	vgt.f32 v16, v13;
	v16 =	vld [tilespmem:s31+$0xFFFFFE80]  }
0x701: {  	v29 =	vld [tilespmem:s31+$0xFFFFF980];
	v23 =	vsel vm6, $0x2, v1;
	vm9 =	vgt.f32 v14, v18;
	v14 =	vsel vm6, v9, v8  }
0x702: {  	v13 =	vsel vm15, $0x2, v1;
	v18 =	vsel vm9, $0x2, v1;
	v27 =	vsel vm9, v6, v3;
	v15 =	vld.idx.msk [tilespmem:v15+s9+$0x0], $0xffff  }
0x703: {  	v31 =	vsel vm9, v9, v8;
	v12 =	vsel vm2, v14, v12;
	v21 =	vor.u32 v21, v23  }
0x704: {  	v14 =	vsel vm13, $0x2, v1;
	v23 =	vsel vm13, v9, v8;
	v19 =	vsel vm3, v31, v27  }
0x705: {  	s14 =	simm.s32 $0xA1C0;
	vm3 =	vgt.f32 v26, v19;
	v19 =	vsel vm7, $0x2, v1;
	vm2 =	vgt.f32 v16, v20;
	v20 =	vld [tilespmem:s31+$0x100]  }
0x706: {  	v40 =	vld [tilespmem:s14+$0x200];
	v24 =	vsel vm8, $0x1, v1;
	v17 =	vor.u32 v17, v19;
	v19 =	vsel vm15, v9, v8  }
0x707: {  	v16 =	vor.u32 v30, v14;
	v14 =	vsel vm3, $0x1, v1;
	vm3 =	vgt.f32 v29, v15  }
0x708: {  	v26 =	vld [tilespmem:s31+$0x500];
	v30 =	vsel vm15, v6, v3;
	v15 =	vor.u32 v28, v18;
	v18 =	vsel vm3, $0x1, v1  }
0x709: {  	v28 =	vor.u32 v14, v15;
	v15 =	vsel vm13, v6, v3;
	v11 =	vor.u32 v18, v11;
	v18 =	vld [tilespmem:s31+$0x300]  }
0x70a: {  	vm3 =	vgt.f32 v20, v12;
	v12 =	vsel vm12, v23, v15;
	v15 =	vsel vm1, v19, v30;
	v30 =	vld [tilespmem:s14+$0x600]  }
0x70b: {  	v13 =	vor.u32 v22, v13;
	vm7 =	vgt.f32 v40, v4;
	v14 =	vcvt.s32.f32 v11;
	v11 =	vld [tilespmem:s31+$0xFFFFFF00]  }
0x70c: {  	v47 =	vsel vm7, v7, v5;
	v41 =	vsel vm7, $0x4, v1;
	v27 =	vsel vm2, v9, v8  }
0x70d: {  	v29 =	vshll.u32 v28, $0x7;
	v19 =	vld [tilespmem:s31+$0xFFFFFA00];
	v20 =	vsel vm2, v6, v3;
	vm1 =	vgt.f32 v26, v15  }
0x70e: {  	v23 =	vld [tilespmem:s14+$0x0];
	v15 =	vor.u32 v24, v17;
	v17 =	vsel vm0, v27, v20;
	v20 =	vsel vm1, $0x1, v1  }
0x70f: {  	v22 =	vld [tilespmem:s31+$0xFFFFFA80];
	v24 =	vshll.u32 v28, $0x1;
	vm1 =	vgt.f32 v18, v12;
	v12 =	vor.u32 v20, v13  }
0x710: {  	v20 =	vsel vm2, $0x2, v1;
	vm4 =	vgt.f32 v30, v4;
	vm0 =	vgt.f32 v11, v17  }
0x711: {  	v11 =	vsel vm3, $0x1, v1;
	v13 =	vsel vm1, $0x1, v1;
	v17 =	vshll.u32 v12, $0x7  }
0x712: {  	v18 =	vld [tilespmem:s31+$0xFFFFFB00];
	vm1 =	vgt.f32 v19, v4;
	v19 =	vadd.s32 v10, v29;
	v20 =	vor.u32 v25, v20  }
0x713: {  	vm3 =	vgt.f32 v23, v4;
	v13 =	vor.u32 v13, v16;
	v16 =	vsel vm1, v7, v5  }
0x714: {  	v32 =	vld [tilespmem:s14+$0x400];
	v17 =	vadd.s32 v10, v17;
	v27 =	vshll.u32 v13, $0x7;
	vm2 =	vgt.f32 v22, v16  }
0x715: {  	v26 =	vld [tilespmem:s14+$0x80];
	v28 =	vsel vm2, v9, v8;
	v29 =	vsel vm2, v6, v3;
	v27 =	vadd.s32 v10, v27  }
0x716: {  	v34 =	vld [tilespmem:s14+$0xFFFFFE00];
	v51 =	vsel vm4, $0x4, v1;
	v21 =	vor.u32 v11, v21;
	v28 =	vsel vm1, v28, v29  }
0x717: {  	v22 =	vld [tilespmem:s31+$0x380];
	v31 =	vsel vm2, $0x2, v1;
	vm2 =	vgt.f32 v18, v28;
	v18 =	vsel vm1, $0x4, v1  }
0x718: {  	v30 =	vsel vm3, v7, v5;
	v28 =	vld [tilespmem:s31+$0x580];
	v11 =	vor.u32 v18, v31;
	v18 =	vsel vm2, $0x1, v1  }
0x719: {  	v60 =	vsel vm3, $0x4, v1;
	v16 =	vshll.u32 v15, $0x7;
	v17 =	vld.idx.msk [tilespmem:v17+s9+$0x0], $0xffff;
	v18 =	vor.u32 v18, v11  }
0x71a: {  	v13 =	vshll.u32 v13, $0x1;
	vm6 =	vgt.f32 v26, v30;
	v33 =	vshll.u32 v18, $0x7;
	v25 =	vld.idx.msk [tilespmem:v27+s9+$0x0], $0xffff  }
0x71b: {  	v26 =	vld [tilespmem:s14+$0xFFFFF800];
	v15 =	vshll.u32 v15, $0x1;
	v16 =	vadd.s32 v10, v16;
	v33 =	vadd.s32 v10, v33  }
0x71c: {  	v30 =	vsel vm6, v6, v3;
	v63 =	vsel vm6, $0x2, v1;
	v29 =	vld [tilespmem:s14+$0xFFFFFC00];
	vm1 =	vgt.f32 v32, v4  }
0x71d: {  	v23 =	vld [tilespmem:s14+$0xFFFFFC80];
	v31 =	vsel vm0, $0x1, v1;
	vm0 =	vgt.f32 v34, v4;
	v58 =	vsel vm1, v7, v5  }
0x71e: {  	v34 =	vsel vm1, $0x4, v1;
	v11 =	vshll.u32 v21, $0x1;
	vm15 =	vgt.f32 v28, v17;
	v17 =	vld [tilespmem:s31+$0xFFFFFB80]  }
0x71f: {  	v21 =	vshll.u32 v21, $0x7;
	v20 =	vor.u32 v31, v20;
	vm2 =	vgt.f32 v22, v25;
	v22 =	vld [tilespmem:s14+$0xFFFFF880]  }
0x720: {  	v31 =	vsel vm4, v7, v5;
	vm12 =	vgt.f32 v26, v4;
	v18 =	vshll.u32 v18, $0x1;
	v57 =	vld.idx.msk [tilespmem:v33+s9+$0x0], $0xffff  }
0x721: {  	v27 =	vshll.u32 v12, $0x1;
	v12 =	vshll.u32 v20, $0x1;
	vm14 =	vgt.f32 v29, v4  }
0x722: {  	v61 =	vld [tilespmem:s31+$0x780];
	v20 =	vshll.u32 v20, $0x7;
	v21 =	vadd.s32 v10, v21;
	v29 =	vsel vm14, v7, v5  }
0x723: {  	v36 =	vld [tilespmem:s14+$0xFFFFF900];
	v37 =	vsel vm12, v7, v5;
	v52 =	vadd.s32 v10, v20;
	vm5 =	vgt.f32 v23, v29  }
0x724: {  	v19 =	vld.idx.msk [tilespmem:v19+s9+$0x0], $0xffff;
	v28 =	vsel vm14, $0x4, v1;
	v23 =	vsel vm5, v9, v8;
	v26 =	vsel vm15, $0x1, v1  }
0x725: {  	v35 =	vld [tilespmem:s14+$0x480];
	v39 =	vsel vm5, v6, v3;
	vm10 =	vgt.f32 v22, v37;
	vm13 =	vgt.f32 v17, v57  }
0x726: {  	v44 =	vld [tilespmem:s31+$0xFFFFFD80];
	v17 =	vsel vm14, v23, v39;
	v23 =	vsel vm10, v9, v8;
	v62 =	vsel vm10, v6, v3  }
0x727: {  	v16 =	vld.idx.msk [tilespmem:v16+s9+$0x0], $0xffff;
	v45 =	vsel vm10, $0x2, v1;
	v22 =	vsel vm13, $0x1, v1;
	v23 =	vsel vm12, v23, v62  }
0x728: {  	v18 =	vor.u32 v22, v18;
	vm14 =	vgt.f32 v36, v23;
	v22 =	vsel vm12, $0x4, v1  }
0x729: {  	v38 =	vld [tilespmem:s14+$0xFFFFFD00];
	vm15 =	vgt.f32 v61, v19;
	v19 =	vor.u32 v22, v45;
	v22 =	vsel vm14, $0x1, v1  }
0x72a: {  	v48 =	vld [tilespmem:s14+$0x700];
	v25 =	vsel vm0, v7, v5;
	v26 =	vor.u32 v26, v27;
	v22 =	vor.u32 v22, v19  }
0x72b: {  	v59 =	vsel vm2, $0x1, v1;
	vm2 =	vgt.f32 v35, v58;
	v23 =	vld [tilespmem:s14+$0x680];
	v19 =	vshll.u32 v22, $0x7  }
0x72c: {  	v26 =	vcvt.s32.f32 v26;
	vm13 =	vgt.f32 v44, v16;
	v16 =	vld.idx.msk [tilespmem:v21+s9+$0x0], $0xffff;
	v19 =	vadd.s32 v10, v19  }
0x72d: {  	v29 =	vor.u32 v59, v13;
	v13 =	vsel vm0, $0x4, v1;
	v27 =	vsel vm2, $0x2, v1;
	v21 =	vld [tilespmem:s14+$0x280]  }
0x72e: {  	v53 =	vld [tilespmem:s14+$0xFFFFF980];
	vm12 =	vgt.f32 v38, v17;
	v17 =	vsel vm15, $0x1, v1;
	v46 =	vsel vm13, $0x1, v1  }
0x72f: {  	v17 =	vor.u32 v17, v24;
	v24 =	vld [tilespmem:s14+$0xFFFFFE80];
	v54 =	vsel vm12, $0x1, v1;
	v15 =	vor.u32 v46, v15  }
0x730: {  	v17 =	vcvt.s32.f32 v17;
	v59 =	vcvt.s32.f32 v15;
	vm14 =	vgt.f32 v23, v31;
	v23 =	vld [tilespmem:s31+$0x180]  }
0x731: {  	v22 =	vshll.u32 v22, $0x1;
	v50 =	vsel vm14, v6, v3;
	v42 =	vsel vm14, v9, v8;
	v19 =	vld.idx.msk [tilespmem:v19+s9+$0x0], $0xffff  }
0x732: {  	vm15 =	vgt.f32 v21, v47;
	v31 =	vcvt.s32.f32 v18;
	v21 =	vsel vm4, v42, v50  }
0x733: {  	v18 =	vsel vm6, v9, v8;
	v20 =	vsel vm15, $0x2, v1;
	vm13 =	vgt.f32 v48, v21;
	v21 =	vld [tilespmem:s14+$0x100]  }
0x734: {  	v55 =	vsel vm15, v6, v3;
	v49 =	vsel vm14, $0x2, v1;
	v30 =	vsel vm3, v18, v30  }
0x735: {  	v18 =	vor.u32 v60, v63;
	vm3 =	vgt.f32 v24, v25;
	v56 =	vor.u32 v51, v49  }
0x736: {  	v58 =	vld [tilespmem:s14+$0x500];
	vm12 =	vgt.f32 v23, v16;
	v23 =	vsel vm13, $0x1, v1;
	vm14 =	vgt.f32 v53, v19  }
0x737: {  	v35 =	vld.idx.msk [tilespmem:v52+s9+$0x0], $0xffff;
	v20 =	vor.u32 v41, v20;
	v19 =	vor.u32 v23, v56;
	v23 =	vsel vm14, $0x1, v1  }
0x738: {  	v62 =	vld [tilespmem:s14+$0xFFFFFF00];
	v24 =	vsel vm15, v9, v8;
	vm15 =	vgt.f32 v21, v30;
	v15 =	vor.u32 v23, v22  }
0x739: {  	s15 =	simm.s32 $0x10BC0;
	v21 =	vsel vm2, v9, v8;
	v22 =	vld [tilespmem:s14+$0x300];
	v61 =	vcvt.s32.f32 v15;
	v15 =	vsel vm2, v6, v3  }
0x73a: {  	[tilespmem:s15+$0xFFFFFE00] =	vst v14;
	v57 =	vld [tilespmem:s31+$0xFFFFFF80];
	v25 =	vsel vm3, v9, v8;
	v14 =	vsel vm7, v24, v55;
	v15 =	vsel vm1, v21, v15  }
0x73b: {  	v24 =	vor.u32 v34, v27;
	v21 =	vsel vm3, v6, v3;
	vm2 =	vgt.f32 v58, v15  }
0x73c: {  	v16 =	vsel vm5, $0x2, v1;
	v21 =	vsel vm0, v25, v21;
	v25 =	vsel vm2, $0x1, v1  }
0x73d: {  	[tilespmem:s15+$0x100] =	vst v26;
	v16 =	vor.u32 v28, v16;
	v28 =	vld [tilespmem:s14+$0xFFFFFA00];
	vm0 =	vgt.f32 v62, v21;
	v21 =	vor.u32 v25, v24  }
0x73e: {  	[tilespmem:s15+$0xFFFFFF00] =	vst v59;
	v63 =	vcvt.s32.f32 v29;
	vm2 =	vgt.f32 v22, v14;
	v14 =	vshll.u32 v21, $0x7  }
0x73f: {  	[tilespmem:s15+$0xFFFFFE80] =	vst v31;
	v60 =	vshll.u32 v19, $0x7;
	v23 =	vsel vm12, $0x1, v1;
	vm1 =	vgt.f32 v57, v35  }
0x740: {  	s17 =	simm.s32 $0x10FC0;
	[tilespmem:s15+$0x80] =	vst v63;
	v15 =	vor.u32 v54, v16;
	v16 =	vld [tilespmem:s14+$0xFFFFFA80];
	v25 =	vsel vm15, $0x1, v1;
	v24 =	vsel vm3, $0x2, v1  }
0x741: {  	s18 =	simm.s32 $0x8;
	s19 =	simm.s32 $0xB1C0;
	s16 =	simm.s32 $0x10FC0;
	v27 =	vld [tilespmem:s14+$0xFFFFFB00];
	[tilespmem:s17+$0xFFFFFE00] =	vst v61;
	v22 =	vadd.s32 v10, v60;
	v29 =	vsel vm2, $0x1, v1;
	v26 =	vadd.s32 v10, v14;
	v14 =	vmovc v10  }
.LBB2_15:
0x742: {  	v30 =	vld [tilespmem:s19+$0x0];
	s18 =	sadd.s32 $0x8, s18;
	vm2 =	vgt.f32 v28, v4;
	s17 =	sadd.s32 $0x400, s17;
	v28 =	vsel vm1, $0x1, v1;
	v11 =	vor.u32 v23, v11  }
0x743: {  	v20 =	vor.u32 v29, v20;
	v19 =	vshll.u32 v19, $0x1;
	v23 =	vld [tilespmem:s19+$0xFFFFFA80];
	p0 =	slt.u32 s18, $0x38;
	v11 =	vcvt.s32.f32 v11  }
0x744: {  	v31 =	vsel vm2, v7, v5;
	v32 =	vshll.u32 v20, $0x7;
	v12 =	vor.u32 v28, v12;
	v29 =	vld [tilespmem:s19+$0x80]  }
0x745: {  	vm1 =	vgt.f32 v16, v31;
	v16 =	vshll.u32 v15, $0x7;
	v12 =	vcvt.s32.f32 v12;
	v28 =	vld [tilespmem:s14+$0x380];
	[tilespmem:s15+$0x180] =	vst v17  }
0x746: {  	v31 =	vsel vm1, v9, v8;
	v33 =	vsel vm1, v6, v3;
	v34 =	vsel vm1, $0x2, v1;
	v17 =	vld [tilespmem:s19+$0x600];
	[tilespmem:s15+$0x0] =	vst v11  }
0x747: {  	v32 =	vadd.s32 v14, v32;
	v11 =	vsel vm2, v31, v33;
	v31 =	vadd.s32 v14, v16;
	v35 =	vld [tilespmem:s19+$0xFFFFFC00];
	[tilespmem:s15+$0xFFFFFF80] =	vst v12;
	s15 =	smov.u32 s16;
	s16 =	smov.u32 s17  }
0x748: {  	vm1 =	vgt.f32 v27, v11;
	v11 =	vsel vm2, $0x4, v1;
	v12 =	vor.u32 v25, v18;
	v18 =	vld [tilespmem:s14+$0x580];
	v16 =	vmovc v23  }
0x749: {  	v25 =	vsel vm0, $0x1, v1;
	v11 =	vor.u32 v11, v34;
	v23 =	vsel vm1, $0x1, v1;
	v26 =	vld.idx.msk [tilespmem:v26+s9+$0x0], $0xffff  }
0x74a: {  	v20 =	vshll.u32 v20, $0x1;
	v23 =	vor.u32 v23, v11;
	v11 =	vshll.u32 v12, $0x1;
	v27 =	vld [tilespmem:s19+$0xFFFFFE00]  }
0x74b: {  	v36 =	vshll.u32 v12, $0x7;
	v34 =	vshll.u32 v23, $0x7;
	v23 =	vshll.u32 v23, $0x1;
	v33 =	vld [tilespmem:s19+$0x400]  }
0x74c: {  	v12 =	vor.u32 v13, v24;
	v24 =	vshll.u32 v21, $0x1;
	v34 =	vadd.s32 v14, v34;
	v13 =	vld.idx.msk [tilespmem:v32+s9+$0x0], $0xffff  }
0x74d: {  	vm3 =	vgt.f32 v30, v4;
	vm4 =	vgt.f32 v17, v4;
	v17 =	vor.u32 v25, v12;
	v32 =	vld [tilespmem:s19+$0xFFFFFC80]  }
0x74e: {  	v21 =	vsel vm3, v7, v5;
	v30 =	vsel vm4, v7, v5;
	v12 =	vshll.u32 v17, $0x1;
	v25 =	vld [tilespmem:s19+$0x480]  }
0x74f: {  	vm6 =	vgt.f32 v29, v21;
	vm7 =	vgt.f32 v35, v4;
	v17 =	vshll.u32 v17, $0x7;
	v37 =	vld [tilespmem:s19+$0xFFFFF800]  }
0x750: {  	v29 =	vsel vm7, v7, v5;
	vm1 =	vgt.f32 v33, v4;
	v33 =	vadd.s32 v14, v36;
	v35 =	vld.idx.msk [tilespmem:v22+s9+$0x0], $0xffff  }
0x751: {  	vm8 =	vgt.f32 v18, v26;
	vm0 =	vgt.f32 v27, v4;
	v27 =	vsel vm6, v6, v3;
	v34 =	vld.idx.msk [tilespmem:v34+s9+$0x0], $0xffff  }
0x752: {  	v21 =	vsel vm7, $0x4, v1;
	vm2 =	vgt.f32 v28, v13;
	v18 =	vld [tilespmem:s14+$0xFFFFFB80]  }
0x753: {  	v28 =	vsel vm0, v7, v5;
	v13 =	vsel vm1, v7, v5;
	v22 =	vsel vm2, $0x1, v1;
	v26 =	vld [tilespmem:s19+$0xFFFFF880]  }
0x754: {  	vm5 =	vgt.f32 v32, v29;
	vm2 =	vgt.f32 v25, v13;
	v25 =	vor.u32 v22, v20  }
0x755: {  	v29 =	vsel vm3, $0x4, v1;
	v20 =	vsel vm5, v9, v8;
	v22 =	vsel vm1, $0x4, v1;
	v32 =	vld [tilespmem:s14+$0x780]  }
0x756: {  	v13 =	vsel vm0, $0x4, v1;
	vm9 =	vgt.f32 v37, v4;
	v37 =	vsel vm8, $0x1, v1;
	v36 =	vld [tilespmem:s19+$0xFFFFF900]  }
0x757: {  	v40 =	vsel vm5, v6, v3;
	v38 =	vsel vm9, v7, v5;
	v39 =	vld [tilespmem:s19+$0xFFFFFD00];
	vm8 =	vgt.f32 v18, v34  }
0x758: {  	v18 =	vsel vm7, v20, v40;
	vm10 =	vgt.f32 v26, v38;
	v20 =	vsel vm8, $0x1, v1;
	v26 =	vld.idx.msk [tilespmem:v31+s9+$0x0], $0xffff  }
0x759: {  	v38 =	vsel vm6, $0x2, v1;
	v31 =	vsel vm10, v9, v8;
	v34 =	vsel vm10, v6, v3;
	v40 =	vld [tilespmem:s14+$0xFFFFFD80]  }
0x75a: {  	v20 =	vor.u32 v20, v23;
	v31 =	vsel vm9, v31, v34;
	v34 =	vsel vm10, $0x2, v1;
	v41 =	vld [tilespmem:s19+$0x200]  }
0x75b: {  	v23 =	vsel vm9, $0x4, v1;
	vm9 =	vgt.f32 v32, v35;
	vm7 =	vgt.f32 v36, v31;
	v31 =	vld [tilespmem:s19+$0x680]  }
0x75c: {  	v24 =	vor.u32 v37, v24;
	v23 =	vor.u32 v23, v34;
	v32 =	vsel vm7, $0x1, v1  }
0x75d: {  	vm8 =	vgt.f32 v39, v18;
	v18 =	vsel vm9, $0x1, v1;
	v23 =	vor.u32 v32, v23  }
0x75e: {  	v34 =	vsel vm2, $0x2, v1;
	v32 =	vshll.u32 v23, $0x7;
	vm9 =	vgt.f32 v40, v26;
	v26 =	vld.idx.msk [tilespmem:v33+s9+$0x0], $0xffff  }
0x75f: {  	v32 =	vadd.s32 v10, v32;
	v33 =	vld [tilespmem:s19+$0x280];
	vm7 =	vgt.f32 v41, v4;
	v35 =	vsel vm9, $0x1, v1  }
0x760: {  	v20 =	vcvt.s32.f32 v20;
	v36 =	vsel vm7, v7, v5;
	vm9 =	vgt.f32 v31, v30;
	v30 =	vld [tilespmem:s14+$0x180]  }
0x761: {  	v18 =	vor.u32 v18, v19;
	v31 =	vsel vm6, v9, v8;
	v37 =	vld [tilespmem:s19+$0x700];
	v39 =	vsel vm9, $0x2, v1  }
0x762: {  	v15 =	vshll.u32 v15, $0x1;
	v41 =	vsel vm4, $0x4, v1;
	v40 =	vsel vm9, v6, v3;
	v19 =	vld [tilespmem:s19+$0xFFFFFE80]  }
0x763: {  	v24 =	vcvt.s32.f32 v24;
	v42 =	vsel vm7, $0x4, v1;
	v43 =	vsel vm9, v9, v8  }
0x764: {  	v32 =	vld.idx.msk [tilespmem:v32+s9+$0x0], $0xffff;
	vm6 =	vgt.f32 v33, v36;
	v33 =	vsel vm4, v43, v40;
	v36 =	vadd.s32 v14, v17  }
0x765: {  	v27 =	vsel vm3, v31, v27;
	v43 =	vsel vm8, $0x1, v1;
	v17 =	vcvt.s32.f32 v18;
	v14 =	vmovc v10;
	v40 =	vld [tilespmem:s19+$0xFFFFF980]  }
0x766: {  	v18 =	vor.u32 v29, v38;
	v29 =	vsel vm6, $0x2, v1;
	vm4 =	vgt.f32 v30, v26;
	[tilespmem:s15+$0xFFFFFE80] =	vst v20  }
0x767: {  	v20 =	vor.u32 v42, v29;
	vm8 =	vgt.f32 v37, v33;
	vm3 =	vgt.f32 v19, v28  }
0x768: {  	v26 =	vsel vm5, $0x2, v1;
	v29 =	vsel vm6, v9, v8;
	v19 =	vsel vm8, $0x1, v1;
	v28 =	vld [tilespmem:s19+$0x100]  }
0x769: {  	v31 =	vsel vm6, v6, v3;
	v33 =	vor.u32 v41, v39;
	v30 =	vsel vm3, v9, v8;
	v36 =	vld.idx.msk [tilespmem:v36+s9+$0x0], $0xffff  }
0x76a: {  	v15 =	vor.u32 v35, v15;
	v19 =	vor.u32 v19, v33;
	vm5 =	vgt.f32 v40, v32;
	v32 =	vld [tilespmem:s14+$0xFFFFFF80];
	s14 =	smov.u32 s19  }
0x76b: {  	v23 =	vshll.u32 v23, $0x1;
	v15 =	vcvt.s32.f32 v15;
	v33 =	vsel vm5, $0x1, v1;
	v35 =	vld [tilespmem:s19+$0x500];
	[tilespmem:s15+$0x100] =	vst v24  }
0x76c: {  	v37 =	vshll.u32 v19, $0x7;
	v24 =	vor.u32 v33, v23;
	v33 =	vld [tilespmem:s19+$0x300];
	v23 =	vsel vm4, $0x1, v1  }
0x76d: {  	v39 =	vsel vm2, v6, v3;
	v24 =	vcvt.s32.f32 v24;
	v38 =	vld [tilespmem:s19+$0xFFFFFF00];
	[tilespmem:s15+$0xFFFFFF00] =	vst v15;
	v15 =	vcvt.s32.f32 v25  }
0x76e: {  	v21 =	vor.u32 v21, v26;
	vm4 =	vgt.f32 v28, v27;
	v25 =	vsel vm2, v9, v8  }
0x76f: {  	v25 =	vsel vm1, v25, v39;
	[tilespmem:s17+$0xFFFFFE00] =	vst v24;
	v24 =	vsel vm7, v29, v31;
	vm1 =	vgt.f32 v32, v36  }
.Ltmp6:
0x770: {  	v22 =	vor.u32 v22, v34;
	v26 =	vsel vm3, v6, v3;
	v28 =	vld [tilespmem:s19+$0xFFFFFA00];
	vm2 =	vgt.f32 v35, v25;
	[tilespmem:s15+$0x80] =	vst v15;
	(pc) =	sbr.rel @p0 .LBB2_15-.Ltmp6, $4  }
0x771: {  	v15 =	vor.u32 v43, v21;
	v21 =	vsel vm0, v30, v26;
	v25 =	vsel vm2, $0x1, v1  }
0x772: {  	vm2 =	vgt.f32 v33, v24;
	vm0 =	vgt.f32 v38, v21;
	v21 =	vor.u32 v25, v22  }
0x773: {  	v25 =	vsel vm4, $0x1, v1;
	v29 =	vsel vm2, $0x1, v1;
	v22 =	vshll.u32 v21, $0x7  }
0x774: {  	s19 =	sadd.s32 $0x1000, s19;
	v24 =	vsel vm3, $0x2, v1;
	v27 =	vld [tilespmem:s14+$0xFFFFFB00];
	v26 =	vadd.s32 v14, v22;
	v22 =	vadd.s32 v14, v37  }
0x775: {  	vm2 =	vgt.f32 v28, v4  }
0x776: {  	v4 =	vsel vm2, v7, v5  }
0x777: {  	vm3 =	vgt.f32 v16, v4  }
0x778: {  	v4 =	vsel vm3, v9, v8;
	v3 =	vsel vm3, v6, v3  }
0x779: {  	v3 =	vsel vm2, v4, v3  }
0x77a: {  	v4 =	vsel vm3, $0x2, v1;
	vm3 =	vgt.f32 v27, v3;
	v3 =	vsel vm2, $0x4, v1  }
0x77b: {  	v3 =	vor.u32 v3, v4;
	v4 =	vsel vm3, $0x1, v1  }
0x77c: {  	v3 =	vor.u32 v4, v3  }
0x77d: {  	v10 =	vld.idx.msk [tilespmem:v26+s9+$0x0], $0xffff;
	v5 =	vor.u32 v29, v20;
	v4 =	vshll.u32 v3, $0x7  }
0x77e: {  	v22 =	vld.idx.msk [tilespmem:v22+s9+$0x0], $0xffff;
	v6 =	vshll.u32 v5, $0x7;
	v4 =	vadd.s32 v14, v4  }
0x77f: {  	v13 =	vor.u32 v13, v24;
	v24 =	vld [tilespmem:s14+$0xFFFFFB80];
	v9 =	vshll.u32 v15, $0x7;
	v6 =	vadd.s32 v14, v6  }
0x780: {  	v26 =	vld [tilespmem:s14+$0x780];
	v16 =	vor.u32 v25, v18;
	v18 =	vsel vm0, $0x1, v1;
	v9 =	vadd.s32 v14, v9  }
0x781: {  	v7 =	vld [tilespmem:s14+$0x380];
	v20 =	vshll.u32 v16, $0x7;
	v13 =	vor.u32 v18, v13  }
0x782: {  	v8 =	vld [tilespmem:s14+$0x580];
	v18 =	vadd.s32 v14, v20;
	v20 =	vshll.u32 v13, $0x7  }
0x783: {  	v14 =	vadd.s32 v14, v20;
	v4 =	vld.idx.msk [tilespmem:v4+s9+$0x0], $0xffff  }
0x784: {  	v11 =	vor.u32 v23, v11;
	v6 =	vld.idx.msk [tilespmem:v6+s9+$0x0], $0xffff  }
0x785: {  	v19 =	vshll.u32 v19, $0x1;
	v21 =	vshll.u32 v21, $0x1;
	v25 =	vsel vm1, $0x1, v1;
	v9 =	vld.idx.msk [tilespmem:v9+s9+$0x0], $0xffff  }
0x786: {  	v11 =	vcvt.s32.f32 v11;
	v12 =	vor.u32 v25, v12;
	v16 =	vshll.u32 v16, $0x1;
	v20 =	vld [tilespmem:s14+$0xFFFFFD80]  }
0x787: {  	v5 =	vshll.u32 v5, $0x1;
	v12 =	vcvt.s32.f32 v12;
	v13 =	vshll.u32 v13, $0x1;
	v18 =	vld.idx.msk [tilespmem:v18+s9+$0x0], $0xffff  }
0x788: {  	v3 =	vshll.u32 v3, $0x1;
	vm2 =	vgt.f32 v8, v10;
	v8 =	vld.idx.msk [tilespmem:v14+s9+$0x0], $0xffff;
	vm1 =	vgt.f32 v24, v4  }
0x789: {  	v10 =	vshll.u32 v15, $0x1;
	vm0 =	vgt.f32 v7, v6;
	v4 =	vld [tilespmem:s14+$0x180];
	v7 =	vsel vm1, $0x1, v1  }
0x78a: {  	v6 =	vsel vm0, $0x1, v1;
	vm0 =	vgt.f32 v26, v22;
	v3 =	vor.u32 v7, v3;
	v7 =	vld [tilespmem:s14+$0xFFFFFF80]  }
0x78b: {  	[tilespmem:s15+$0x180] =	vst v17;
	v5 =	vor.u32 v6, v5;
	v6 =	vsel vm2, $0x1, v1;
	vm1 =	vgt.f32 v20, v9  }
0x78c: {  	[tilespmem:s15+$0x0] =	vst v11;
	v6 =	vor.u32 v6, v21;
	v9 =	vsel vm1, $0x1, v1;
	v3 =	vcvt.s32.f32 v3  }
0x78d: {  	[tilespmem:s15+$0xFFFFFF80] =	vst v12;
	v11 =	vsel vm0, $0x1, v1;
	v6 =	vcvt.s32.f32 v6;
	v9 =	vor.u32 v9, v10  }
0x78e: {  	v5 =	vcvt.s32.f32 v5;
	[tilespmem:s16+$0xFFFFFE80] =	vst v3;
	vm0 =	vgt.f32 v4, v18;
	v3 =	vcvt.s32.f32 v9  }
0x78f: {  	[tilespmem:s16+$0x100] =	vst v6;
	v10 =	vor.u32 v11, v19;
	v4 =	vsel vm0, $0x1, v1;
	vm0 =	vgt.f32 v7, v8  }
0x790: {  	v6 =	vcvt.s32.f32 v10;
	[tilespmem:s16+$0xFFFFFF00] =	vst v3;
	v4 =	vor.u32 v4, v16;
	v3 =	vsel vm0, $0x1, v1  }
0x791: {  	[tilespmem:s16+$0x80] =	vst v5;
	v4 =	vcvt.s32.f32 v4;
	v3 =	vor.u32 v3, v13  }
0x792: {  	[tilespmem:s16+$0x180] =	vst v6;
	v3 =	vcvt.s32.f32 v3  }
0x793: {  	[tilespmem:s16+$0x0] =	vst v4  }
0x794: {  	[tilespmem:s16+$0xFFFFFF80] =	vst v3  }
0x795: {  	v4 =	vld [tilespmem:$0x250]  }
0x796: {  	v5 =	vld [tilespmem:$0x2D0]  }
0x797: {  	v7 =	vld [tilespmem:$0x350]  }
0x798: {  	v3 =	vld [tilespmem:$0x3D0]  }
0x799: {  	v6 =	vld [tilespmem:$0x450]  }
0x79a: {  	v8 =	vld [tilespmem:$0x4D0]  }
0x79b: {  	s31 =	simm.s32 $0x91D0;
	v9 =	vld [tilespmem:$0x550]  }
0x79c: {  	v10 =	vld [tilespmem:s31+$0x0]  }
0x79d: {  	v11 =	vld [tilespmem:s31+$0xFFFFF800]  }
0x79e: {  	v12 =	vld [tilespmem:s31+$0x600]  }
0x79f: {  	v14 =	vld [tilespmem:s31+$0xFFFFFC00]  }
0x7a0: {  	v19 =	vld [tilespmem:s31+$0x200]  }
0x7a1: {  	v13 =	vld [tilespmem:s31+$0xFFFFF880]  }
0x7a2: {  	v15 =	vld [tilespmem:s31+$0x80]  }
0x7a3: {  	v16 =	vld [tilespmem:s31+$0xFFFFF900];
	vm0 =	vgt.f32 v11, v4  }
0x7a4: {  	v24 =	vld [tilespmem:s31+$0x280];
	vm2 =	vgt.f32 v10, v4;
	vm3 =	vgt.f32 v12, v4;
	vm5 =	vgt.f32 v14, v4  }
0x7a5: {  	v11 =	vld [tilespmem:s31+$0x400];
	vm12 =	vgt.f32 v19, v4;
	v10 =	vsel vm0, v7, v5;
	v17 =	vsel vm2, v7, v5  }
0x7a6: {  	v12 =	vld [tilespmem:s31+$0xFFFFFE00];
	v18 =	vsel vm3, v7, v5;
	v19 =	vsel vm12, v7, v5;
	v28 =	vsel vm3, $0x4, v1  }
0x7a7: {  	v14 =	vld [tilespmem:s31+$0xFFFFFC80];
	v30 =	vsel vm12, $0x4, v1;
	vm1 =	vgt.f32 v13, v10;
	vm6 =	vgt.f32 v15, v17  }
0x7a8: {  	v15 =	vsel vm5, v7, v5;
	v10 =	vsel vm1, v9, v8;
	v13 =	vsel vm1, v6, v3  }
0x7a9: {  	vm13 =	vgt.f32 v24, v19;
	v17 =	vsel vm1, $0x2, v1;
	v10 =	vsel vm0, v10, v13  }
0x7aa: {  	v13 =	vld [tilespmem:s31+$0x480];
	vm4 =	vgt.f32 v16, v10;
	v10 =	vsel vm0, $0x4, v1;
	vm1 =	vgt.f32 v11, v4  }
0x7ab: {  	vm0 =	vgt.f32 v12, v4;
	v10 =	vor.u32 v10, v17;
	v11 =	vsel vm4, $0x1, v1  }
0x7ac: {  	v12 =	vsel vm6, v6, v3;
	v16 =	vld [tilespmem:s31+$0xFFFFFD00];
	vm7 =	vgt.f32 v14, v15;
	v11 =	vor.u32 v11, v10  }
0x7ad: {  	v14 =	vld [tilespmem:s31+$0x680];
	v17 =	vsel vm5, $0x4, v1;
	v10 =	vor.u32 $0x3D0, v0;
	v20 =	vshll.u32 v11, $0x7  }
0x7ae: {  	v21 =	vsel vm1, v7, v5;
	v22 =	vsel vm1, $0x4, v1;
	v15 =	vadd.s32 v10, v20  }
0x7af: {  	v23 =	vsel vm7, v6, v3;
	vm15 =	vgt.f32 v13, v21;
	v13 =	vsel vm7, v9, v8  }
0x7b0: {  	v26 =	vld [tilespmem:s31+$0x700];
	v25 =	vsel vm0, $0x4, v1;
	v11 =	vshll.u32 v11, $0x1;
	v13 =	vsel vm5, v13, v23  }
0x7b1: {  	v20 =	vsel vm0, v7, v5;
	v21 =	vsel vm2, $0x4, v1;
	vm8 =	vgt.f32 v16, v13;
	v16 =	vld [tilespmem:s31+$0xFFFFFE80]  }
0x7b2: {  	v29 =	vld [tilespmem:s31+$0xFFFFF980];
	v23 =	vsel vm6, $0x2, v1;
	vm9 =	vgt.f32 v14, v18;
	v14 =	vsel vm6, v9, v8  }
0x7b3: {  	v13 =	vsel vm15, $0x2, v1;
	v18 =	vsel vm9, $0x2, v1;
	v27 =	vsel vm9, v6, v3;
	v15 =	vld.idx.msk [tilespmem:v15+s9+$0x0], $0xffff  }
0x7b4: {  	v31 =	vsel vm9, v9, v8;
	v12 =	vsel vm2, v14, v12;
	v21 =	vor.u32 v21, v23  }
0x7b5: {  	v14 =	vsel vm13, $0x2, v1;
	v23 =	vsel vm13, v9, v8;
	v19 =	vsel vm3, v31, v27  }
0x7b6: {  	s14 =	simm.s32 $0xA1D0;
	vm3 =	vgt.f32 v26, v19;
	v19 =	vsel vm7, $0x2, v1;
	vm2 =	vgt.f32 v16, v20;
	v20 =	vld [tilespmem:s31+$0x100]  }
0x7b7: {  	v40 =	vld [tilespmem:s14+$0x200];
	v24 =	vsel vm8, $0x1, v1;
	v17 =	vor.u32 v17, v19;
	v19 =	vsel vm15, v9, v8  }
0x7b8: {  	v16 =	vor.u32 v30, v14;
	v14 =	vsel vm3, $0x1, v1;
	vm3 =	vgt.f32 v29, v15  }
0x7b9: {  	v26 =	vld [tilespmem:s31+$0x500];
	v30 =	vsel vm15, v6, v3;
	v15 =	vor.u32 v28, v18;
	v18 =	vsel vm3, $0x1, v1  }
0x7ba: {  	v28 =	vor.u32 v14, v15;
	v15 =	vsel vm13, v6, v3;
	v11 =	vor.u32 v18, v11;
	v18 =	vld [tilespmem:s31+$0x300]  }
0x7bb: {  	vm3 =	vgt.f32 v20, v12;
	v12 =	vsel vm12, v23, v15;
	v15 =	vsel vm1, v19, v30;
	v30 =	vld [tilespmem:s14+$0x600]  }
0x7bc: {  	v13 =	vor.u32 v22, v13;
	vm7 =	vgt.f32 v40, v4;
	v14 =	vcvt.s32.f32 v11;
	v11 =	vld [tilespmem:s31+$0xFFFFFF00]  }
0x7bd: {  	v47 =	vsel vm7, v7, v5;
	v41 =	vsel vm7, $0x4, v1;
	v27 =	vsel vm2, v9, v8  }
0x7be: {  	v29 =	vshll.u32 v28, $0x7;
	v19 =	vld [tilespmem:s31+$0xFFFFFA00];
	v20 =	vsel vm2, v6, v3;
	vm1 =	vgt.f32 v26, v15  }
0x7bf: {  	v23 =	vld [tilespmem:s14+$0x0];
	v15 =	vor.u32 v24, v17;
	v17 =	vsel vm0, v27, v20;
	v20 =	vsel vm1, $0x1, v1  }
0x7c0: {  	v22 =	vld [tilespmem:s31+$0xFFFFFA80];
	v24 =	vshll.u32 v28, $0x1;
	vm1 =	vgt.f32 v18, v12;
	v12 =	vor.u32 v20, v13  }
0x7c1: {  	v20 =	vsel vm2, $0x2, v1;
	vm4 =	vgt.f32 v30, v4;
	vm0 =	vgt.f32 v11, v17  }
0x7c2: {  	v11 =	vsel vm3, $0x1, v1;
	v13 =	vsel vm1, $0x1, v1;
	v17 =	vshll.u32 v12, $0x7  }
0x7c3: {  	v18 =	vld [tilespmem:s31+$0xFFFFFB00];
	vm1 =	vgt.f32 v19, v4;
	v19 =	vadd.s32 v10, v29;
	v20 =	vor.u32 v25, v20  }
0x7c4: {  	vm3 =	vgt.f32 v23, v4;
	v13 =	vor.u32 v13, v16;
	v16 =	vsel vm1, v7, v5  }
0x7c5: {  	v32 =	vld [tilespmem:s14+$0x400];
	v17 =	vadd.s32 v10, v17;
	v27 =	vshll.u32 v13, $0x7;
	vm2 =	vgt.f32 v22, v16  }
0x7c6: {  	v26 =	vld [tilespmem:s14+$0x80];
	v28 =	vsel vm2, v9, v8;
	v29 =	vsel vm2, v6, v3;
	v27 =	vadd.s32 v10, v27  }
0x7c7: {  	v34 =	vld [tilespmem:s14+$0xFFFFFE00];
	v51 =	vsel vm4, $0x4, v1;
	v21 =	vor.u32 v11, v21;
	v28 =	vsel vm1, v28, v29  }
0x7c8: {  	v22 =	vld [tilespmem:s31+$0x380];
	v31 =	vsel vm2, $0x2, v1;
	vm2 =	vgt.f32 v18, v28;
	v18 =	vsel vm1, $0x4, v1  }
0x7c9: {  	v30 =	vsel vm3, v7, v5;
	v28 =	vld [tilespmem:s31+$0x580];
	v11 =	vor.u32 v18, v31;
	v18 =	vsel vm2, $0x1, v1  }
0x7ca: {  	v60 =	vsel vm3, $0x4, v1;
	v16 =	vshll.u32 v15, $0x7;
	v17 =	vld.idx.msk [tilespmem:v17+s9+$0x0], $0xffff;
	v18 =	vor.u32 v18, v11  }
0x7cb: {  	v13 =	vshll.u32 v13, $0x1;
	vm6 =	vgt.f32 v26, v30;
	v33 =	vshll.u32 v18, $0x7;
	v25 =	vld.idx.msk [tilespmem:v27+s9+$0x0], $0xffff  }
0x7cc: {  	v26 =	vld [tilespmem:s14+$0xFFFFF800];
	v15 =	vshll.u32 v15, $0x1;
	v16 =	vadd.s32 v10, v16;
	v33 =	vadd.s32 v10, v33  }
0x7cd: {  	v30 =	vsel vm6, v6, v3;
	v63 =	vsel vm6, $0x2, v1;
	v29 =	vld [tilespmem:s14+$0xFFFFFC00];
	vm1 =	vgt.f32 v32, v4  }
0x7ce: {  	v23 =	vld [tilespmem:s14+$0xFFFFFC80];
	v31 =	vsel vm0, $0x1, v1;
	vm0 =	vgt.f32 v34, v4;
	v58 =	vsel vm1, v7, v5  }
0x7cf: {  	v34 =	vsel vm1, $0x4, v1;
	v11 =	vshll.u32 v21, $0x1;
	vm15 =	vgt.f32 v28, v17;
	v17 =	vld [tilespmem:s31+$0xFFFFFB80]  }
0x7d0: {  	v21 =	vshll.u32 v21, $0x7;
	v20 =	vor.u32 v31, v20;
	vm2 =	vgt.f32 v22, v25;
	v22 =	vld [tilespmem:s14+$0xFFFFF880]  }
0x7d1: {  	v31 =	vsel vm4, v7, v5;
	vm12 =	vgt.f32 v26, v4;
	v18 =	vshll.u32 v18, $0x1;
	v57 =	vld.idx.msk [tilespmem:v33+s9+$0x0], $0xffff  }
0x7d2: {  	v27 =	vshll.u32 v12, $0x1;
	v12 =	vshll.u32 v20, $0x1;
	vm14 =	vgt.f32 v29, v4  }
0x7d3: {  	v61 =	vld [tilespmem:s31+$0x780];
	v20 =	vshll.u32 v20, $0x7;
	v21 =	vadd.s32 v10, v21;
	v29 =	vsel vm14, v7, v5  }
0x7d4: {  	v36 =	vld [tilespmem:s14+$0xFFFFF900];
	v37 =	vsel vm12, v7, v5;
	v52 =	vadd.s32 v10, v20;
	vm5 =	vgt.f32 v23, v29  }
0x7d5: {  	v19 =	vld.idx.msk [tilespmem:v19+s9+$0x0], $0xffff;
	v28 =	vsel vm14, $0x4, v1;
	v23 =	vsel vm5, v9, v8;
	v26 =	vsel vm15, $0x1, v1  }
0x7d6: {  	v35 =	vld [tilespmem:s14+$0x480];
	v39 =	vsel vm5, v6, v3;
	vm10 =	vgt.f32 v22, v37;
	vm13 =	vgt.f32 v17, v57  }
0x7d7: {  	v44 =	vld [tilespmem:s31+$0xFFFFFD80];
	v17 =	vsel vm14, v23, v39;
	v23 =	vsel vm10, v9, v8;
	v62 =	vsel vm10, v6, v3  }
0x7d8: {  	v16 =	vld.idx.msk [tilespmem:v16+s9+$0x0], $0xffff;
	v45 =	vsel vm10, $0x2, v1;
	v22 =	vsel vm13, $0x1, v1;
	v23 =	vsel vm12, v23, v62  }
0x7d9: {  	v18 =	vor.u32 v22, v18;
	vm14 =	vgt.f32 v36, v23;
	v22 =	vsel vm12, $0x4, v1  }
0x7da: {  	v38 =	vld [tilespmem:s14+$0xFFFFFD00];
	vm15 =	vgt.f32 v61, v19;
	v19 =	vor.u32 v22, v45;
	v22 =	vsel vm14, $0x1, v1  }
0x7db: {  	v48 =	vld [tilespmem:s14+$0x700];
	v25 =	vsel vm0, v7, v5;
	v26 =	vor.u32 v26, v27;
	v22 =	vor.u32 v22, v19  }
0x7dc: {  	v59 =	vsel vm2, $0x1, v1;
	vm2 =	vgt.f32 v35, v58;
	v23 =	vld [tilespmem:s14+$0x680];
	v19 =	vshll.u32 v22, $0x7  }
0x7dd: {  	v26 =	vcvt.s32.f32 v26;
	vm13 =	vgt.f32 v44, v16;
	v16 =	vld.idx.msk [tilespmem:v21+s9+$0x0], $0xffff;
	v19 =	vadd.s32 v10, v19  }
0x7de: {  	v29 =	vor.u32 v59, v13;
	v13 =	vsel vm0, $0x4, v1;
	v27 =	vsel vm2, $0x2, v1;
	v21 =	vld [tilespmem:s14+$0x280]  }
0x7df: {  	v53 =	vld [tilespmem:s14+$0xFFFFF980];
	vm12 =	vgt.f32 v38, v17;
	v17 =	vsel vm15, $0x1, v1;
	v46 =	vsel vm13, $0x1, v1  }
0x7e0: {  	v17 =	vor.u32 v17, v24;
	v24 =	vld [tilespmem:s14+$0xFFFFFE80];
	v54 =	vsel vm12, $0x1, v1;
	v15 =	vor.u32 v46, v15  }
0x7e1: {  	v17 =	vcvt.s32.f32 v17;
	v59 =	vcvt.s32.f32 v15;
	vm14 =	vgt.f32 v23, v31;
	v23 =	vld [tilespmem:s31+$0x180]  }
0x7e2: {  	v22 =	vshll.u32 v22, $0x1;
	v50 =	vsel vm14, v6, v3;
	v42 =	vsel vm14, v9, v8;
	v19 =	vld.idx.msk [tilespmem:v19+s9+$0x0], $0xffff  }
0x7e3: {  	vm15 =	vgt.f32 v21, v47;
	v31 =	vcvt.s32.f32 v18;
	v21 =	vsel vm4, v42, v50  }
0x7e4: {  	v18 =	vsel vm6, v9, v8;
	v20 =	vsel vm15, $0x2, v1;
	vm13 =	vgt.f32 v48, v21;
	v21 =	vld [tilespmem:s14+$0x100]  }
0x7e5: {  	v55 =	vsel vm15, v6, v3;
	v49 =	vsel vm14, $0x2, v1;
	v30 =	vsel vm3, v18, v30  }
0x7e6: {  	v18 =	vor.u32 v60, v63;
	vm3 =	vgt.f32 v24, v25;
	v56 =	vor.u32 v51, v49  }
0x7e7: {  	v58 =	vld [tilespmem:s14+$0x500];
	vm12 =	vgt.f32 v23, v16;
	v23 =	vsel vm13, $0x1, v1;
	vm14 =	vgt.f32 v53, v19  }
0x7e8: {  	v35 =	vld.idx.msk [tilespmem:v52+s9+$0x0], $0xffff;
	v20 =	vor.u32 v41, v20;
	v19 =	vor.u32 v23, v56;
	v23 =	vsel vm14, $0x1, v1  }
0x7e9: {  	v62 =	vld [tilespmem:s14+$0xFFFFFF00];
	v24 =	vsel vm15, v9, v8;
	vm15 =	vgt.f32 v21, v30;
	v15 =	vor.u32 v23, v22  }
0x7ea: {  	s15 =	simm.s32 $0x10BD0;
	v21 =	vsel vm2, v9, v8;
	v22 =	vld [tilespmem:s14+$0x300];
	v61 =	vcvt.s32.f32 v15;
	v15 =	vsel vm2, v6, v3  }
0x7eb: {  	[tilespmem:s15+$0xFFFFFE00] =	vst v14;
	v57 =	vld [tilespmem:s31+$0xFFFFFF80];
	v25 =	vsel vm3, v9, v8;
	v14 =	vsel vm7, v24, v55;
	v15 =	vsel vm1, v21, v15  }
0x7ec: {  	v24 =	vor.u32 v34, v27;
	v21 =	vsel vm3, v6, v3;
	vm2 =	vgt.f32 v58, v15  }
0x7ed: {  	v16 =	vsel vm5, $0x2, v1;
	v21 =	vsel vm0, v25, v21;
	v25 =	vsel vm2, $0x1, v1  }
0x7ee: {  	[tilespmem:s15+$0x100] =	vst v26;
	v16 =	vor.u32 v28, v16;
	v28 =	vld [tilespmem:s14+$0xFFFFFA00];
	vm0 =	vgt.f32 v62, v21;
	v21 =	vor.u32 v25, v24  }
0x7ef: {  	[tilespmem:s15+$0xFFFFFF00] =	vst v59;
	v63 =	vcvt.s32.f32 v29;
	vm2 =	vgt.f32 v22, v14;
	v14 =	vshll.u32 v21, $0x7  }
0x7f0: {  	[tilespmem:s15+$0xFFFFFE80] =	vst v31;
	v60 =	vshll.u32 v19, $0x7;
	v23 =	vsel vm12, $0x1, v1;
	vm1 =	vgt.f32 v57, v35  }
0x7f1: {  	s17 =	simm.s32 $0x10FD0;
	[tilespmem:s15+$0x80] =	vst v63;
	v15 =	vor.u32 v54, v16;
	v16 =	vld [tilespmem:s14+$0xFFFFFA80];
	v25 =	vsel vm15, $0x1, v1;
	v24 =	vsel vm3, $0x2, v1  }
0x7f2: {  	s18 =	simm.s32 $0x8;
	s19 =	simm.s32 $0xB1D0;
	s16 =	simm.s32 $0x10FD0;
	v27 =	vld [tilespmem:s14+$0xFFFFFB00];
	[tilespmem:s17+$0xFFFFFE00] =	vst v61;
	v22 =	vadd.s32 v10, v60;
	v29 =	vsel vm2, $0x1, v1;
	v26 =	vadd.s32 v10, v14;
	v14 =	vmovc v10  }
.LBB2_17:
0x7f3: {  	v30 =	vld [tilespmem:s19+$0x0];
	s18 =	sadd.s32 $0x8, s18;
	vm2 =	vgt.f32 v28, v4;
	s17 =	sadd.s32 $0x400, s17;
	v28 =	vsel vm1, $0x1, v1;
	v11 =	vor.u32 v23, v11  }
0x7f4: {  	v20 =	vor.u32 v29, v20;
	v19 =	vshll.u32 v19, $0x1;
	v23 =	vld [tilespmem:s19+$0xFFFFFA80];
	p0 =	slt.u32 s18, $0x38;
	v11 =	vcvt.s32.f32 v11  }
0x7f5: {  	v31 =	vsel vm2, v7, v5;
	v32 =	vshll.u32 v20, $0x7;
	v12 =	vor.u32 v28, v12;
	v29 =	vld [tilespmem:s19+$0x80]  }
0x7f6: {  	vm1 =	vgt.f32 v16, v31;
	v16 =	vshll.u32 v15, $0x7;
	v12 =	vcvt.s32.f32 v12;
	v28 =	vld [tilespmem:s14+$0x380];
	[tilespmem:s15+$0x180] =	vst v17  }
0x7f7: {  	v31 =	vsel vm1, v9, v8;
	v33 =	vsel vm1, v6, v3;
	v34 =	vsel vm1, $0x2, v1;
	v17 =	vld [tilespmem:s19+$0x600];
	[tilespmem:s15+$0x0] =	vst v11  }
0x7f8: {  	v32 =	vadd.s32 v14, v32;
	v11 =	vsel vm2, v31, v33;
	v31 =	vadd.s32 v14, v16;
	v35 =	vld [tilespmem:s19+$0xFFFFFC00];
	[tilespmem:s15+$0xFFFFFF80] =	vst v12;
	s15 =	smov.u32 s16;
	s16 =	smov.u32 s17  }
0x7f9: {  	vm1 =	vgt.f32 v27, v11;
	v11 =	vsel vm2, $0x4, v1;
	v12 =	vor.u32 v25, v18;
	v18 =	vld [tilespmem:s14+$0x580];
	v16 =	vmovc v23  }
0x7fa: {  	v25 =	vsel vm0, $0x1, v1;
	v11 =	vor.u32 v11, v34;
	v23 =	vsel vm1, $0x1, v1;
	v26 =	vld.idx.msk [tilespmem:v26+s9+$0x0], $0xffff  }
0x7fb: {  	v20 =	vshll.u32 v20, $0x1;
	v23 =	vor.u32 v23, v11;
	v11 =	vshll.u32 v12, $0x1;
	v27 =	vld [tilespmem:s19+$0xFFFFFE00]  }
0x7fc: {  	v36 =	vshll.u32 v12, $0x7;
	v34 =	vshll.u32 v23, $0x7;
	v23 =	vshll.u32 v23, $0x1;
	v33 =	vld [tilespmem:s19+$0x400]  }
0x7fd: {  	v12 =	vor.u32 v13, v24;
	v24 =	vshll.u32 v21, $0x1;
	v34 =	vadd.s32 v14, v34;
	v13 =	vld.idx.msk [tilespmem:v32+s9+$0x0], $0xffff  }
0x7fe: {  	vm3 =	vgt.f32 v30, v4;
	vm4 =	vgt.f32 v17, v4;
	v17 =	vor.u32 v25, v12;
	v32 =	vld [tilespmem:s19+$0xFFFFFC80]  }
0x7ff: {  	v21 =	vsel vm3, v7, v5;
	v30 =	vsel vm4, v7, v5;
	v12 =	vshll.u32 v17, $0x1;
	v25 =	vld [tilespmem:s19+$0x480]  }
0x800: {  	vm6 =	vgt.f32 v29, v21;
	vm7 =	vgt.f32 v35, v4;
	v17 =	vshll.u32 v17, $0x7;
	v37 =	vld [tilespmem:s19+$0xFFFFF800]  }
0x801: {  	v29 =	vsel vm7, v7, v5;
	vm1 =	vgt.f32 v33, v4;
	v33 =	vadd.s32 v14, v36;
	v35 =	vld.idx.msk [tilespmem:v22+s9+$0x0], $0xffff  }
0x802: {  	vm8 =	vgt.f32 v18, v26;
	vm0 =	vgt.f32 v27, v4;
	v27 =	vsel vm6, v6, v3;
	v34 =	vld.idx.msk [tilespmem:v34+s9+$0x0], $0xffff  }
0x803: {  	v21 =	vsel vm7, $0x4, v1;
	vm2 =	vgt.f32 v28, v13;
	v18 =	vld [tilespmem:s14+$0xFFFFFB80]  }
0x804: {  	v28 =	vsel vm0, v7, v5;
	v13 =	vsel vm1, v7, v5;
	v22 =	vsel vm2, $0x1, v1;
	v26 =	vld [tilespmem:s19+$0xFFFFF880]  }
0x805: {  	vm5 =	vgt.f32 v32, v29;
	vm2 =	vgt.f32 v25, v13;
	v25 =	vor.u32 v22, v20  }
0x806: {  	v29 =	vsel vm3, $0x4, v1;
	v20 =	vsel vm5, v9, v8;
	v22 =	vsel vm1, $0x4, v1;
	v32 =	vld [tilespmem:s14+$0x780]  }
0x807: {  	v13 =	vsel vm0, $0x4, v1;
	vm9 =	vgt.f32 v37, v4;
	v37 =	vsel vm8, $0x1, v1;
	v36 =	vld [tilespmem:s19+$0xFFFFF900]  }
0x808: {  	v40 =	vsel vm5, v6, v3;
	v38 =	vsel vm9, v7, v5;
	v39 =	vld [tilespmem:s19+$0xFFFFFD00];
	vm8 =	vgt.f32 v18, v34  }
0x809: {  	v18 =	vsel vm7, v20, v40;
	vm10 =	vgt.f32 v26, v38;
	v20 =	vsel vm8, $0x1, v1;
	v26 =	vld.idx.msk [tilespmem:v31+s9+$0x0], $0xffff  }
0x80a: {  	v38 =	vsel vm6, $0x2, v1;
	v31 =	vsel vm10, v9, v8;
	v34 =	vsel vm10, v6, v3;
	v40 =	vld [tilespmem:s14+$0xFFFFFD80]  }
0x80b: {  	v20 =	vor.u32 v20, v23;
	v31 =	vsel vm9, v31, v34;
	v34 =	vsel vm10, $0x2, v1;
	v41 =	vld [tilespmem:s19+$0x200]  }
0x80c: {  	v23 =	vsel vm9, $0x4, v1;
	vm9 =	vgt.f32 v32, v35;
	vm7 =	vgt.f32 v36, v31;
	v31 =	vld [tilespmem:s19+$0x680]  }
0x80d: {  	v24 =	vor.u32 v37, v24;
	v23 =	vor.u32 v23, v34;
	v32 =	vsel vm7, $0x1, v1  }
0x80e: {  	vm8 =	vgt.f32 v39, v18;
	v18 =	vsel vm9, $0x1, v1;
	v23 =	vor.u32 v32, v23  }
0x80f: {  	v34 =	vsel vm2, $0x2, v1;
	v32 =	vshll.u32 v23, $0x7;
	vm9 =	vgt.f32 v40, v26;
	v26 =	vld.idx.msk [tilespmem:v33+s9+$0x0], $0xffff  }
0x810: {  	v32 =	vadd.s32 v10, v32;
	v33 =	vld [tilespmem:s19+$0x280];
	vm7 =	vgt.f32 v41, v4;
	v35 =	vsel vm9, $0x1, v1  }
0x811: {  	v20 =	vcvt.s32.f32 v20;
	v36 =	vsel vm7, v7, v5;
	vm9 =	vgt.f32 v31, v30;
	v30 =	vld [tilespmem:s14+$0x180]  }
0x812: {  	v18 =	vor.u32 v18, v19;
	v31 =	vsel vm6, v9, v8;
	v37 =	vld [tilespmem:s19+$0x700];
	v39 =	vsel vm9, $0x2, v1  }
0x813: {  	v15 =	vshll.u32 v15, $0x1;
	v41 =	vsel vm4, $0x4, v1;
	v40 =	vsel vm9, v6, v3;
	v19 =	vld [tilespmem:s19+$0xFFFFFE80]  }
0x814: {  	v24 =	vcvt.s32.f32 v24;
	v42 =	vsel vm7, $0x4, v1;
	v43 =	vsel vm9, v9, v8  }
0x815: {  	v32 =	vld.idx.msk [tilespmem:v32+s9+$0x0], $0xffff;
	vm6 =	vgt.f32 v33, v36;
	v33 =	vsel vm4, v43, v40;
	v36 =	vadd.s32 v14, v17  }
0x816: {  	v27 =	vsel vm3, v31, v27;
	v43 =	vsel vm8, $0x1, v1;
	v17 =	vcvt.s32.f32 v18;
	v14 =	vmovc v10;
	v40 =	vld [tilespmem:s19+$0xFFFFF980]  }
0x817: {  	v18 =	vor.u32 v29, v38;
	v29 =	vsel vm6, $0x2, v1;
	vm4 =	vgt.f32 v30, v26;
	[tilespmem:s15+$0xFFFFFE80] =	vst v20  }
0x818: {  	v20 =	vor.u32 v42, v29;
	vm8 =	vgt.f32 v37, v33;
	vm3 =	vgt.f32 v19, v28  }
0x819: {  	v26 =	vsel vm5, $0x2, v1;
	v29 =	vsel vm6, v9, v8;
	v19 =	vsel vm8, $0x1, v1;
	v28 =	vld [tilespmem:s19+$0x100]  }
0x81a: {  	v31 =	vsel vm6, v6, v3;
	v33 =	vor.u32 v41, v39;
	v30 =	vsel vm3, v9, v8;
	v36 =	vld.idx.msk [tilespmem:v36+s9+$0x0], $0xffff  }
0x81b: {  	v15 =	vor.u32 v35, v15;
	v19 =	vor.u32 v19, v33;
	vm5 =	vgt.f32 v40, v32;
	v32 =	vld [tilespmem:s14+$0xFFFFFF80];
	s14 =	smov.u32 s19  }
0x81c: {  	v23 =	vshll.u32 v23, $0x1;
	v15 =	vcvt.s32.f32 v15;
	v33 =	vsel vm5, $0x1, v1;
	v35 =	vld [tilespmem:s19+$0x500];
	[tilespmem:s15+$0x100] =	vst v24  }
0x81d: {  	v37 =	vshll.u32 v19, $0x7;
	v24 =	vor.u32 v33, v23;
	v33 =	vld [tilespmem:s19+$0x300];
	v23 =	vsel vm4, $0x1, v1  }
0x81e: {  	v39 =	vsel vm2, v6, v3;
	v24 =	vcvt.s32.f32 v24;
	v38 =	vld [tilespmem:s19+$0xFFFFFF00];
	[tilespmem:s15+$0xFFFFFF00] =	vst v15;
	v15 =	vcvt.s32.f32 v25  }
0x81f: {  	v21 =	vor.u32 v21, v26;
	vm4 =	vgt.f32 v28, v27;
	v25 =	vsel vm2, v9, v8  }
0x820: {  	v25 =	vsel vm1, v25, v39;
	[tilespmem:s17+$0xFFFFFE00] =	vst v24;
	v24 =	vsel vm7, v29, v31;
	vm1 =	vgt.f32 v32, v36  }
.Ltmp7:
0x821: {  	v22 =	vor.u32 v22, v34;
	v26 =	vsel vm3, v6, v3;
	v28 =	vld [tilespmem:s19+$0xFFFFFA00];
	vm2 =	vgt.f32 v35, v25;
	[tilespmem:s15+$0x80] =	vst v15;
	(pc) =	sbr.rel @p0 .LBB2_17-.Ltmp7, $4  }
0x822: {  	v15 =	vor.u32 v43, v21;
	v21 =	vsel vm0, v30, v26;
	v25 =	vsel vm2, $0x1, v1  }
0x823: {  	vm2 =	vgt.f32 v33, v24;
	vm0 =	vgt.f32 v38, v21;
	v21 =	vor.u32 v25, v22  }
0x824: {  	v25 =	vsel vm4, $0x1, v1;
	v29 =	vsel vm2, $0x1, v1;
	v22 =	vshll.u32 v21, $0x7  }
0x825: {  	s19 =	sadd.s32 $0x1000, s19;
	v24 =	vsel vm3, $0x2, v1;
	v27 =	vld [tilespmem:s14+$0xFFFFFB00];
	v26 =	vadd.s32 v14, v22;
	v22 =	vadd.s32 v14, v37  }
0x826: {  	vm2 =	vgt.f32 v28, v4  }
0x827: {  	v4 =	vsel vm2, v7, v5  }
0x828: {  	vm3 =	vgt.f32 v16, v4  }
0x829: {  	v4 =	vsel vm3, v9, v8;
	v3 =	vsel vm3, v6, v3  }
0x82a: {  	v3 =	vsel vm2, v4, v3  }
0x82b: {  	v4 =	vsel vm3, $0x2, v1;
	vm3 =	vgt.f32 v27, v3;
	v3 =	vsel vm2, $0x4, v1  }
0x82c: {  	v3 =	vor.u32 v3, v4;
	v4 =	vsel vm3, $0x1, v1  }
0x82d: {  	v3 =	vor.u32 v4, v3  }
0x82e: {  	v10 =	vld.idx.msk [tilespmem:v26+s9+$0x0], $0xffff;
	v5 =	vor.u32 v29, v20;
	v4 =	vshll.u32 v3, $0x7  }
0x82f: {  	v22 =	vld.idx.msk [tilespmem:v22+s9+$0x0], $0xffff;
	v6 =	vshll.u32 v5, $0x7;
	v4 =	vadd.s32 v14, v4  }
0x830: {  	v13 =	vor.u32 v13, v24;
	v24 =	vld [tilespmem:s14+$0xFFFFFB80];
	v9 =	vshll.u32 v15, $0x7;
	v6 =	vadd.s32 v14, v6  }
0x831: {  	v26 =	vld [tilespmem:s14+$0x780];
	v16 =	vor.u32 v25, v18;
	v18 =	vsel vm0, $0x1, v1;
	v9 =	vadd.s32 v14, v9  }
0x832: {  	v7 =	vld [tilespmem:s14+$0x380];
	v20 =	vshll.u32 v16, $0x7;
	v13 =	vor.u32 v18, v13  }
0x833: {  	v8 =	vld [tilespmem:s14+$0x580];
	v18 =	vadd.s32 v14, v20;
	v20 =	vshll.u32 v13, $0x7  }
0x834: {  	v14 =	vadd.s32 v14, v20;
	v4 =	vld.idx.msk [tilespmem:v4+s9+$0x0], $0xffff  }
0x835: {  	v11 =	vor.u32 v23, v11;
	v6 =	vld.idx.msk [tilespmem:v6+s9+$0x0], $0xffff  }
0x836: {  	v19 =	vshll.u32 v19, $0x1;
	v21 =	vshll.u32 v21, $0x1;
	v25 =	vsel vm1, $0x1, v1;
	v9 =	vld.idx.msk [tilespmem:v9+s9+$0x0], $0xffff  }
0x837: {  	v11 =	vcvt.s32.f32 v11;
	v12 =	vor.u32 v25, v12;
	v16 =	vshll.u32 v16, $0x1;
	v20 =	vld [tilespmem:s14+$0xFFFFFD80]  }
0x838: {  	v5 =	vshll.u32 v5, $0x1;
	v12 =	vcvt.s32.f32 v12;
	v13 =	vshll.u32 v13, $0x1;
	v18 =	vld.idx.msk [tilespmem:v18+s9+$0x0], $0xffff  }
0x839: {  	v3 =	vshll.u32 v3, $0x1;
	vm2 =	vgt.f32 v8, v10;
	v8 =	vld.idx.msk [tilespmem:v14+s9+$0x0], $0xffff;
	vm1 =	vgt.f32 v24, v4  }
0x83a: {  	v10 =	vshll.u32 v15, $0x1;
	vm0 =	vgt.f32 v7, v6;
	v4 =	vld [tilespmem:s14+$0x180];
	v7 =	vsel vm1, $0x1, v1  }
0x83b: {  	v6 =	vsel vm0, $0x1, v1;
	vm0 =	vgt.f32 v26, v22;
	v3 =	vor.u32 v7, v3;
	v7 =	vld [tilespmem:s14+$0xFFFFFF80]  }
0x83c: {  	[tilespmem:s15+$0x180] =	vst v17;
	v5 =	vor.u32 v6, v5;
	v6 =	vsel vm2, $0x1, v1;
	vm1 =	vgt.f32 v20, v9  }
0x83d: {  	[tilespmem:s15+$0x0] =	vst v11;
	v6 =	vor.u32 v6, v21;
	v9 =	vsel vm1, $0x1, v1;
	v3 =	vcvt.s32.f32 v3  }
0x83e: {  	[tilespmem:s15+$0xFFFFFF80] =	vst v12;
	v11 =	vsel vm0, $0x1, v1;
	v6 =	vcvt.s32.f32 v6;
	v9 =	vor.u32 v9, v10  }
0x83f: {  	v5 =	vcvt.s32.f32 v5;
	[tilespmem:s16+$0xFFFFFE80] =	vst v3;
	vm0 =	vgt.f32 v4, v18;
	v3 =	vcvt.s32.f32 v9  }
0x840: {  	[tilespmem:s16+$0x100] =	vst v6;
	v10 =	vor.u32 v11, v19;
	v4 =	vsel vm0, $0x1, v1;
	vm0 =	vgt.f32 v7, v8  }
0x841: {  	v6 =	vcvt.s32.f32 v10;
	[tilespmem:s16+$0xFFFFFF00] =	vst v3;
	v4 =	vor.u32 v4, v16;
	v3 =	vsel vm0, $0x1, v1  }
0x842: {  	[tilespmem:s16+$0x80] =	vst v5;
	v4 =	vcvt.s32.f32 v4;
	v3 =	vor.u32 v3, v13  }
0x843: {  	[tilespmem:s16+$0x180] =	vst v6;
	v3 =	vcvt.s32.f32 v3  }
0x844: {  	[tilespmem:s16+$0x0] =	vst v4  }
0x845: {  	[tilespmem:s16+$0xFFFFFF80] =	vst v3  }
0x846: {  	v4 =	vld [tilespmem:$0x260]  }
0x847: {  	v5 =	vld [tilespmem:$0x2E0]  }
0x848: {  	v7 =	vld [tilespmem:$0x360]  }
0x849: {  	v3 =	vld [tilespmem:$0x3E0]  }
0x84a: {  	v6 =	vld [tilespmem:$0x460]  }
0x84b: {  	v8 =	vld [tilespmem:$0x4E0]  }
0x84c: {  	s31 =	simm.s32 $0x91E0;
	v9 =	vld [tilespmem:$0x560]  }
0x84d: {  	v10 =	vld [tilespmem:s31+$0x0]  }
0x84e: {  	v11 =	vld [tilespmem:s31+$0xFFFFF800]  }
0x84f: {  	v12 =	vld [tilespmem:s31+$0x600]  }
0x850: {  	v14 =	vld [tilespmem:s31+$0xFFFFFC00]  }
0x851: {  	v19 =	vld [tilespmem:s31+$0x200]  }
0x852: {  	v13 =	vld [tilespmem:s31+$0xFFFFF880]  }
0x853: {  	v15 =	vld [tilespmem:s31+$0x80]  }
0x854: {  	v16 =	vld [tilespmem:s31+$0xFFFFF900];
	vm0 =	vgt.f32 v11, v4  }
0x855: {  	v24 =	vld [tilespmem:s31+$0x280];
	vm2 =	vgt.f32 v10, v4;
	vm3 =	vgt.f32 v12, v4;
	vm5 =	vgt.f32 v14, v4  }
0x856: {  	v11 =	vld [tilespmem:s31+$0x400];
	vm12 =	vgt.f32 v19, v4;
	v10 =	vsel vm0, v7, v5;
	v17 =	vsel vm2, v7, v5  }
0x857: {  	v12 =	vld [tilespmem:s31+$0xFFFFFE00];
	v18 =	vsel vm3, v7, v5;
	v19 =	vsel vm12, v7, v5;
	v28 =	vsel vm3, $0x4, v1  }
0x858: {  	v14 =	vld [tilespmem:s31+$0xFFFFFC80];
	v30 =	vsel vm12, $0x4, v1;
	vm1 =	vgt.f32 v13, v10;
	vm6 =	vgt.f32 v15, v17  }
0x859: {  	v15 =	vsel vm5, v7, v5;
	v10 =	vsel vm1, v9, v8;
	v13 =	vsel vm1, v6, v3  }
0x85a: {  	vm13 =	vgt.f32 v24, v19;
	v17 =	vsel vm1, $0x2, v1;
	v10 =	vsel vm0, v10, v13  }
0x85b: {  	v13 =	vld [tilespmem:s31+$0x480];
	vm4 =	vgt.f32 v16, v10;
	v10 =	vsel vm0, $0x4, v1;
	vm1 =	vgt.f32 v11, v4  }
0x85c: {  	vm0 =	vgt.f32 v12, v4;
	v10 =	vor.u32 v10, v17;
	v11 =	vsel vm4, $0x1, v1  }
0x85d: {  	v12 =	vsel vm6, v6, v3;
	v16 =	vld [tilespmem:s31+$0xFFFFFD00];
	vm7 =	vgt.f32 v14, v15;
	v11 =	vor.u32 v11, v10  }
0x85e: {  	v14 =	vld [tilespmem:s31+$0x680];
	v17 =	vsel vm5, $0x4, v1;
	v10 =	vor.u32 $0x3E0, v0;
	v20 =	vshll.u32 v11, $0x7  }
0x85f: {  	v21 =	vsel vm1, v7, v5;
	v22 =	vsel vm1, $0x4, v1;
	v15 =	vadd.s32 v10, v20  }
0x860: {  	v23 =	vsel vm7, v6, v3;
	vm15 =	vgt.f32 v13, v21;
	v13 =	vsel vm7, v9, v8  }
0x861: {  	v26 =	vld [tilespmem:s31+$0x700];
	v25 =	vsel vm0, $0x4, v1;
	v11 =	vshll.u32 v11, $0x1;
	v13 =	vsel vm5, v13, v23  }
0x862: {  	v20 =	vsel vm0, v7, v5;
	v21 =	vsel vm2, $0x4, v1;
	vm8 =	vgt.f32 v16, v13;
	v16 =	vld [tilespmem:s31+$0xFFFFFE80]  }
0x863: {  	v29 =	vld [tilespmem:s31+$0xFFFFF980];
	v23 =	vsel vm6, $0x2, v1;
	vm9 =	vgt.f32 v14, v18;
	v14 =	vsel vm6, v9, v8  }
0x864: {  	v13 =	vsel vm15, $0x2, v1;
	v18 =	vsel vm9, $0x2, v1;
	v27 =	vsel vm9, v6, v3;
	v15 =	vld.idx.msk [tilespmem:v15+s9+$0x0], $0xffff  }
0x865: {  	v31 =	vsel vm9, v9, v8;
	v12 =	vsel vm2, v14, v12;
	v21 =	vor.u32 v21, v23  }
0x866: {  	v14 =	vsel vm13, $0x2, v1;
	v23 =	vsel vm13, v9, v8;
	v19 =	vsel vm3, v31, v27  }
0x867: {  	s14 =	simm.s32 $0xA1E0;
	vm3 =	vgt.f32 v26, v19;
	v19 =	vsel vm7, $0x2, v1;
	vm2 =	vgt.f32 v16, v20;
	v20 =	vld [tilespmem:s31+$0x100]  }
0x868: {  	v40 =	vld [tilespmem:s14+$0x200];
	v24 =	vsel vm8, $0x1, v1;
	v17 =	vor.u32 v17, v19;
	v19 =	vsel vm15, v9, v8  }
0x869: {  	v16 =	vor.u32 v30, v14;
	v14 =	vsel vm3, $0x1, v1;
	vm3 =	vgt.f32 v29, v15  }
0x86a: {  	v26 =	vld [tilespmem:s31+$0x500];
	v30 =	vsel vm15, v6, v3;
	v15 =	vor.u32 v28, v18;
	v18 =	vsel vm3, $0x1, v1  }
0x86b: {  	v28 =	vor.u32 v14, v15;
	v15 =	vsel vm13, v6, v3;
	v11 =	vor.u32 v18, v11;
	v18 =	vld [tilespmem:s31+$0x300]  }
0x86c: {  	vm3 =	vgt.f32 v20, v12;
	v12 =	vsel vm12, v23, v15;
	v15 =	vsel vm1, v19, v30;
	v30 =	vld [tilespmem:s14+$0x600]  }
0x86d: {  	v13 =	vor.u32 v22, v13;
	vm7 =	vgt.f32 v40, v4;
	v14 =	vcvt.s32.f32 v11;
	v11 =	vld [tilespmem:s31+$0xFFFFFF00]  }
0x86e: {  	v47 =	vsel vm7, v7, v5;
	v41 =	vsel vm7, $0x4, v1;
	v27 =	vsel vm2, v9, v8  }
0x86f: {  	v29 =	vshll.u32 v28, $0x7;
	v19 =	vld [tilespmem:s31+$0xFFFFFA00];
	v20 =	vsel vm2, v6, v3;
	vm1 =	vgt.f32 v26, v15  }
0x870: {  	v23 =	vld [tilespmem:s14+$0x0];
	v15 =	vor.u32 v24, v17;
	v17 =	vsel vm0, v27, v20;
	v20 =	vsel vm1, $0x1, v1  }
0x871: {  	v22 =	vld [tilespmem:s31+$0xFFFFFA80];
	v24 =	vshll.u32 v28, $0x1;
	vm1 =	vgt.f32 v18, v12;
	v12 =	vor.u32 v20, v13  }
0x872: {  	v20 =	vsel vm2, $0x2, v1;
	vm4 =	vgt.f32 v30, v4;
	vm0 =	vgt.f32 v11, v17  }
0x873: {  	v11 =	vsel vm3, $0x1, v1;
	v13 =	vsel vm1, $0x1, v1;
	v17 =	vshll.u32 v12, $0x7  }
0x874: {  	v18 =	vld [tilespmem:s31+$0xFFFFFB00];
	vm1 =	vgt.f32 v19, v4;
	v19 =	vadd.s32 v10, v29;
	v20 =	vor.u32 v25, v20  }
0x875: {  	vm3 =	vgt.f32 v23, v4;
	v13 =	vor.u32 v13, v16;
	v16 =	vsel vm1, v7, v5  }
0x876: {  	v32 =	vld [tilespmem:s14+$0x400];
	v17 =	vadd.s32 v10, v17;
	v27 =	vshll.u32 v13, $0x7;
	vm2 =	vgt.f32 v22, v16  }
0x877: {  	v26 =	vld [tilespmem:s14+$0x80];
	v28 =	vsel vm2, v9, v8;
	v29 =	vsel vm2, v6, v3;
	v27 =	vadd.s32 v10, v27  }
0x878: {  	v34 =	vld [tilespmem:s14+$0xFFFFFE00];
	v51 =	vsel vm4, $0x4, v1;
	v21 =	vor.u32 v11, v21;
	v28 =	vsel vm1, v28, v29  }
0x879: {  	v22 =	vld [tilespmem:s31+$0x380];
	v31 =	vsel vm2, $0x2, v1;
	vm2 =	vgt.f32 v18, v28;
	v18 =	vsel vm1, $0x4, v1  }
0x87a: {  	v30 =	vsel vm3, v7, v5;
	v28 =	vld [tilespmem:s31+$0x580];
	v11 =	vor.u32 v18, v31;
	v18 =	vsel vm2, $0x1, v1  }
0x87b: {  	v60 =	vsel vm3, $0x4, v1;
	v16 =	vshll.u32 v15, $0x7;
	v17 =	vld.idx.msk [tilespmem:v17+s9+$0x0], $0xffff;
	v18 =	vor.u32 v18, v11  }
0x87c: {  	v13 =	vshll.u32 v13, $0x1;
	vm6 =	vgt.f32 v26, v30;
	v33 =	vshll.u32 v18, $0x7;
	v25 =	vld.idx.msk [tilespmem:v27+s9+$0x0], $0xffff  }
0x87d: {  	v26 =	vld [tilespmem:s14+$0xFFFFF800];
	v15 =	vshll.u32 v15, $0x1;
	v16 =	vadd.s32 v10, v16;
	v33 =	vadd.s32 v10, v33  }
0x87e: {  	v30 =	vsel vm6, v6, v3;
	v63 =	vsel vm6, $0x2, v1;
	v29 =	vld [tilespmem:s14+$0xFFFFFC00];
	vm1 =	vgt.f32 v32, v4  }
0x87f: {  	v23 =	vld [tilespmem:s14+$0xFFFFFC80];
	v31 =	vsel vm0, $0x1, v1;
	vm0 =	vgt.f32 v34, v4;
	v58 =	vsel vm1, v7, v5  }
0x880: {  	v34 =	vsel vm1, $0x4, v1;
	v11 =	vshll.u32 v21, $0x1;
	vm15 =	vgt.f32 v28, v17;
	v17 =	vld [tilespmem:s31+$0xFFFFFB80]  }
0x881: {  	v21 =	vshll.u32 v21, $0x7;
	v20 =	vor.u32 v31, v20;
	vm2 =	vgt.f32 v22, v25;
	v22 =	vld [tilespmem:s14+$0xFFFFF880]  }
0x882: {  	v31 =	vsel vm4, v7, v5;
	vm12 =	vgt.f32 v26, v4;
	v18 =	vshll.u32 v18, $0x1;
	v57 =	vld.idx.msk [tilespmem:v33+s9+$0x0], $0xffff  }
0x883: {  	v27 =	vshll.u32 v12, $0x1;
	v12 =	vshll.u32 v20, $0x1;
	vm14 =	vgt.f32 v29, v4  }
0x884: {  	v61 =	vld [tilespmem:s31+$0x780];
	v20 =	vshll.u32 v20, $0x7;
	v21 =	vadd.s32 v10, v21;
	v29 =	vsel vm14, v7, v5  }
0x885: {  	v36 =	vld [tilespmem:s14+$0xFFFFF900];
	v37 =	vsel vm12, v7, v5;
	v52 =	vadd.s32 v10, v20;
	vm5 =	vgt.f32 v23, v29  }
0x886: {  	v19 =	vld.idx.msk [tilespmem:v19+s9+$0x0], $0xffff;
	v28 =	vsel vm14, $0x4, v1;
	v23 =	vsel vm5, v9, v8;
	v26 =	vsel vm15, $0x1, v1  }
0x887: {  	v35 =	vld [tilespmem:s14+$0x480];
	v39 =	vsel vm5, v6, v3;
	vm10 =	vgt.f32 v22, v37;
	vm13 =	vgt.f32 v17, v57  }
0x888: {  	v44 =	vld [tilespmem:s31+$0xFFFFFD80];
	v17 =	vsel vm14, v23, v39;
	v23 =	vsel vm10, v9, v8;
	v62 =	vsel vm10, v6, v3  }
0x889: {  	v16 =	vld.idx.msk [tilespmem:v16+s9+$0x0], $0xffff;
	v45 =	vsel vm10, $0x2, v1;
	v22 =	vsel vm13, $0x1, v1;
	v23 =	vsel vm12, v23, v62  }
0x88a: {  	v18 =	vor.u32 v22, v18;
	vm14 =	vgt.f32 v36, v23;
	v22 =	vsel vm12, $0x4, v1  }
0x88b: {  	v38 =	vld [tilespmem:s14+$0xFFFFFD00];
	vm15 =	vgt.f32 v61, v19;
	v19 =	vor.u32 v22, v45;
	v22 =	vsel vm14, $0x1, v1  }
0x88c: {  	v48 =	vld [tilespmem:s14+$0x700];
	v25 =	vsel vm0, v7, v5;
	v26 =	vor.u32 v26, v27;
	v22 =	vor.u32 v22, v19  }
0x88d: {  	v59 =	vsel vm2, $0x1, v1;
	vm2 =	vgt.f32 v35, v58;
	v23 =	vld [tilespmem:s14+$0x680];
	v19 =	vshll.u32 v22, $0x7  }
0x88e: {  	v26 =	vcvt.s32.f32 v26;
	vm13 =	vgt.f32 v44, v16;
	v16 =	vld.idx.msk [tilespmem:v21+s9+$0x0], $0xffff;
	v19 =	vadd.s32 v10, v19  }
0x88f: {  	v29 =	vor.u32 v59, v13;
	v13 =	vsel vm0, $0x4, v1;
	v27 =	vsel vm2, $0x2, v1;
	v21 =	vld [tilespmem:s14+$0x280]  }
0x890: {  	v53 =	vld [tilespmem:s14+$0xFFFFF980];
	vm12 =	vgt.f32 v38, v17;
	v17 =	vsel vm15, $0x1, v1;
	v46 =	vsel vm13, $0x1, v1  }
0x891: {  	v17 =	vor.u32 v17, v24;
	v24 =	vld [tilespmem:s14+$0xFFFFFE80];
	v54 =	vsel vm12, $0x1, v1;
	v15 =	vor.u32 v46, v15  }
0x892: {  	v17 =	vcvt.s32.f32 v17;
	v59 =	vcvt.s32.f32 v15;
	vm14 =	vgt.f32 v23, v31;
	v23 =	vld [tilespmem:s31+$0x180]  }
0x893: {  	v22 =	vshll.u32 v22, $0x1;
	v50 =	vsel vm14, v6, v3;
	v42 =	vsel vm14, v9, v8;
	v19 =	vld.idx.msk [tilespmem:v19+s9+$0x0], $0xffff  }
0x894: {  	vm15 =	vgt.f32 v21, v47;
	v31 =	vcvt.s32.f32 v18;
	v21 =	vsel vm4, v42, v50  }
0x895: {  	v18 =	vsel vm6, v9, v8;
	v20 =	vsel vm15, $0x2, v1;
	vm13 =	vgt.f32 v48, v21;
	v21 =	vld [tilespmem:s14+$0x100]  }
0x896: {  	v55 =	vsel vm15, v6, v3;
	v49 =	vsel vm14, $0x2, v1;
	v30 =	vsel vm3, v18, v30  }
0x897: {  	v18 =	vor.u32 v60, v63;
	vm3 =	vgt.f32 v24, v25;
	v56 =	vor.u32 v51, v49  }
0x898: {  	v58 =	vld [tilespmem:s14+$0x500];
	vm12 =	vgt.f32 v23, v16;
	v23 =	vsel vm13, $0x1, v1;
	vm14 =	vgt.f32 v53, v19  }
0x899: {  	v35 =	vld.idx.msk [tilespmem:v52+s9+$0x0], $0xffff;
	v20 =	vor.u32 v41, v20;
	v19 =	vor.u32 v23, v56;
	v23 =	vsel vm14, $0x1, v1  }
0x89a: {  	v62 =	vld [tilespmem:s14+$0xFFFFFF00];
	v24 =	vsel vm15, v9, v8;
	vm15 =	vgt.f32 v21, v30;
	v15 =	vor.u32 v23, v22  }
0x89b: {  	s15 =	simm.s32 $0x10BE0;
	v21 =	vsel vm2, v9, v8;
	v22 =	vld [tilespmem:s14+$0x300];
	v61 =	vcvt.s32.f32 v15;
	v15 =	vsel vm2, v6, v3  }
0x89c: {  	[tilespmem:s15+$0xFFFFFE00] =	vst v14;
	v57 =	vld [tilespmem:s31+$0xFFFFFF80];
	v25 =	vsel vm3, v9, v8;
	v14 =	vsel vm7, v24, v55;
	v15 =	vsel vm1, v21, v15  }
0x89d: {  	v24 =	vor.u32 v34, v27;
	v21 =	vsel vm3, v6, v3;
	vm2 =	vgt.f32 v58, v15  }
0x89e: {  	v16 =	vsel vm5, $0x2, v1;
	v21 =	vsel vm0, v25, v21;
	v25 =	vsel vm2, $0x1, v1  }
0x89f: {  	[tilespmem:s15+$0x100] =	vst v26;
	v16 =	vor.u32 v28, v16;
	v28 =	vld [tilespmem:s14+$0xFFFFFA00];
	vm0 =	vgt.f32 v62, v21;
	v21 =	vor.u32 v25, v24  }
0x8a0: {  	[tilespmem:s15+$0xFFFFFF00] =	vst v59;
	v63 =	vcvt.s32.f32 v29;
	vm2 =	vgt.f32 v22, v14;
	v14 =	vshll.u32 v21, $0x7  }
0x8a1: {  	[tilespmem:s15+$0xFFFFFE80] =	vst v31;
	v60 =	vshll.u32 v19, $0x7;
	v23 =	vsel vm12, $0x1, v1;
	vm1 =	vgt.f32 v57, v35  }
0x8a2: {  	s17 =	simm.s32 $0x10FE0;
	[tilespmem:s15+$0x80] =	vst v63;
	v15 =	vor.u32 v54, v16;
	v16 =	vld [tilespmem:s14+$0xFFFFFA80];
	v25 =	vsel vm15, $0x1, v1;
	v24 =	vsel vm3, $0x2, v1  }
0x8a3: {  	s18 =	simm.s32 $0x8;
	s19 =	simm.s32 $0xB1E0;
	s16 =	simm.s32 $0x10FE0;
	v27 =	vld [tilespmem:s14+$0xFFFFFB00];
	[tilespmem:s17+$0xFFFFFE00] =	vst v61;
	v22 =	vadd.s32 v10, v60;
	v29 =	vsel vm2, $0x1, v1;
	v26 =	vadd.s32 v10, v14;
	v14 =	vmovc v10  }
.LBB2_19:
0x8a4: {  	v30 =	vld [tilespmem:s19+$0x0];
	s18 =	sadd.s32 $0x8, s18;
	vm2 =	vgt.f32 v28, v4;
	s17 =	sadd.s32 $0x400, s17;
	v28 =	vsel vm1, $0x1, v1;
	v11 =	vor.u32 v23, v11  }
0x8a5: {  	v20 =	vor.u32 v29, v20;
	v19 =	vshll.u32 v19, $0x1;
	v23 =	vld [tilespmem:s19+$0xFFFFFA80];
	p0 =	slt.u32 s18, $0x38;
	v11 =	vcvt.s32.f32 v11  }
0x8a6: {  	v31 =	vsel vm2, v7, v5;
	v32 =	vshll.u32 v20, $0x7;
	v12 =	vor.u32 v28, v12;
	v29 =	vld [tilespmem:s19+$0x80]  }
0x8a7: {  	vm1 =	vgt.f32 v16, v31;
	v16 =	vshll.u32 v15, $0x7;
	v12 =	vcvt.s32.f32 v12;
	v28 =	vld [tilespmem:s14+$0x380];
	[tilespmem:s15+$0x180] =	vst v17  }
0x8a8: {  	v31 =	vsel vm1, v9, v8;
	v33 =	vsel vm1, v6, v3;
	v34 =	vsel vm1, $0x2, v1;
	v17 =	vld [tilespmem:s19+$0x600];
	[tilespmem:s15+$0x0] =	vst v11  }
0x8a9: {  	v32 =	vadd.s32 v14, v32;
	v11 =	vsel vm2, v31, v33;
	v31 =	vadd.s32 v14, v16;
	v35 =	vld [tilespmem:s19+$0xFFFFFC00];
	[tilespmem:s15+$0xFFFFFF80] =	vst v12;
	s15 =	smov.u32 s16;
	s16 =	smov.u32 s17  }
0x8aa: {  	vm1 =	vgt.f32 v27, v11;
	v11 =	vsel vm2, $0x4, v1;
	v12 =	vor.u32 v25, v18;
	v18 =	vld [tilespmem:s14+$0x580];
	v16 =	vmovc v23  }
0x8ab: {  	v25 =	vsel vm0, $0x1, v1;
	v11 =	vor.u32 v11, v34;
	v23 =	vsel vm1, $0x1, v1;
	v26 =	vld.idx.msk [tilespmem:v26+s9+$0x0], $0xffff  }
0x8ac: {  	v20 =	vshll.u32 v20, $0x1;
	v23 =	vor.u32 v23, v11;
	v11 =	vshll.u32 v12, $0x1;
	v27 =	vld [tilespmem:s19+$0xFFFFFE00]  }
0x8ad: {  	v36 =	vshll.u32 v12, $0x7;
	v34 =	vshll.u32 v23, $0x7;
	v23 =	vshll.u32 v23, $0x1;
	v33 =	vld [tilespmem:s19+$0x400]  }
0x8ae: {  	v12 =	vor.u32 v13, v24;
	v24 =	vshll.u32 v21, $0x1;
	v34 =	vadd.s32 v14, v34;
	v13 =	vld.idx.msk [tilespmem:v32+s9+$0x0], $0xffff  }
0x8af: {  	vm3 =	vgt.f32 v30, v4;
	vm4 =	vgt.f32 v17, v4;
	v17 =	vor.u32 v25, v12;
	v32 =	vld [tilespmem:s19+$0xFFFFFC80]  }
0x8b0: {  	v21 =	vsel vm3, v7, v5;
	v30 =	vsel vm4, v7, v5;
	v12 =	vshll.u32 v17, $0x1;
	v25 =	vld [tilespmem:s19+$0x480]  }
0x8b1: {  	vm6 =	vgt.f32 v29, v21;
	vm7 =	vgt.f32 v35, v4;
	v17 =	vshll.u32 v17, $0x7;
	v37 =	vld [tilespmem:s19+$0xFFFFF800]  }
0x8b2: {  	v29 =	vsel vm7, v7, v5;
	vm1 =	vgt.f32 v33, v4;
	v33 =	vadd.s32 v14, v36;
	v35 =	vld.idx.msk [tilespmem:v22+s9+$0x0], $0xffff  }
0x8b3: {  	vm8 =	vgt.f32 v18, v26;
	vm0 =	vgt.f32 v27, v4;
	v27 =	vsel vm6, v6, v3;
	v34 =	vld.idx.msk [tilespmem:v34+s9+$0x0], $0xffff  }
0x8b4: {  	v21 =	vsel vm7, $0x4, v1;
	vm2 =	vgt.f32 v28, v13;
	v18 =	vld [tilespmem:s14+$0xFFFFFB80]  }
0x8b5: {  	v28 =	vsel vm0, v7, v5;
	v13 =	vsel vm1, v7, v5;
	v22 =	vsel vm2, $0x1, v1;
	v26 =	vld [tilespmem:s19+$0xFFFFF880]  }
0x8b6: {  	vm5 =	vgt.f32 v32, v29;
	vm2 =	vgt.f32 v25, v13;
	v25 =	vor.u32 v22, v20  }
0x8b7: {  	v29 =	vsel vm3, $0x4, v1;
	v20 =	vsel vm5, v9, v8;
	v22 =	vsel vm1, $0x4, v1;
	v32 =	vld [tilespmem:s14+$0x780]  }
0x8b8: {  	v13 =	vsel vm0, $0x4, v1;
	vm9 =	vgt.f32 v37, v4;
	v37 =	vsel vm8, $0x1, v1;
	v36 =	vld [tilespmem:s19+$0xFFFFF900]  }
0x8b9: {  	v40 =	vsel vm5, v6, v3;
	v38 =	vsel vm9, v7, v5;
	v39 =	vld [tilespmem:s19+$0xFFFFFD00];
	vm8 =	vgt.f32 v18, v34  }
0x8ba: {  	v18 =	vsel vm7, v20, v40;
	vm10 =	vgt.f32 v26, v38;
	v20 =	vsel vm8, $0x1, v1;
	v26 =	vld.idx.msk [tilespmem:v31+s9+$0x0], $0xffff  }
0x8bb: {  	v38 =	vsel vm6, $0x2, v1;
	v31 =	vsel vm10, v9, v8;
	v34 =	vsel vm10, v6, v3;
	v40 =	vld [tilespmem:s14+$0xFFFFFD80]  }
0x8bc: {  	v20 =	vor.u32 v20, v23;
	v31 =	vsel vm9, v31, v34;
	v34 =	vsel vm10, $0x2, v1;
	v41 =	vld [tilespmem:s19+$0x200]  }
0x8bd: {  	v23 =	vsel vm9, $0x4, v1;
	vm9 =	vgt.f32 v32, v35;
	vm7 =	vgt.f32 v36, v31;
	v31 =	vld [tilespmem:s19+$0x680]  }
0x8be: {  	v24 =	vor.u32 v37, v24;
	v23 =	vor.u32 v23, v34;
	v32 =	vsel vm7, $0x1, v1  }
0x8bf: {  	vm8 =	vgt.f32 v39, v18;
	v18 =	vsel vm9, $0x1, v1;
	v23 =	vor.u32 v32, v23  }
0x8c0: {  	v34 =	vsel vm2, $0x2, v1;
	v32 =	vshll.u32 v23, $0x7;
	vm9 =	vgt.f32 v40, v26;
	v26 =	vld.idx.msk [tilespmem:v33+s9+$0x0], $0xffff  }
0x8c1: {  	v32 =	vadd.s32 v10, v32;
	v33 =	vld [tilespmem:s19+$0x280];
	vm7 =	vgt.f32 v41, v4;
	v35 =	vsel vm9, $0x1, v1  }
0x8c2: {  	v20 =	vcvt.s32.f32 v20;
	v36 =	vsel vm7, v7, v5;
	vm9 =	vgt.f32 v31, v30;
	v30 =	vld [tilespmem:s14+$0x180]  }
0x8c3: {  	v18 =	vor.u32 v18, v19;
	v31 =	vsel vm6, v9, v8;
	v37 =	vld [tilespmem:s19+$0x700];
	v39 =	vsel vm9, $0x2, v1  }
0x8c4: {  	v15 =	vshll.u32 v15, $0x1;
	v41 =	vsel vm4, $0x4, v1;
	v40 =	vsel vm9, v6, v3;
	v19 =	vld [tilespmem:s19+$0xFFFFFE80]  }
0x8c5: {  	v24 =	vcvt.s32.f32 v24;
	v42 =	vsel vm7, $0x4, v1;
	v43 =	vsel vm9, v9, v8  }
0x8c6: {  	v32 =	vld.idx.msk [tilespmem:v32+s9+$0x0], $0xffff;
	vm6 =	vgt.f32 v33, v36;
	v33 =	vsel vm4, v43, v40;
	v36 =	vadd.s32 v14, v17  }
0x8c7: {  	v27 =	vsel vm3, v31, v27;
	v43 =	vsel vm8, $0x1, v1;
	v17 =	vcvt.s32.f32 v18;
	v14 =	vmovc v10;
	v40 =	vld [tilespmem:s19+$0xFFFFF980]  }
0x8c8: {  	v18 =	vor.u32 v29, v38;
	v29 =	vsel vm6, $0x2, v1;
	vm4 =	vgt.f32 v30, v26;
	[tilespmem:s15+$0xFFFFFE80] =	vst v20  }
0x8c9: {  	v20 =	vor.u32 v42, v29;
	vm8 =	vgt.f32 v37, v33;
	vm3 =	vgt.f32 v19, v28  }
0x8ca: {  	v26 =	vsel vm5, $0x2, v1;
	v29 =	vsel vm6, v9, v8;
	v19 =	vsel vm8, $0x1, v1;
	v28 =	vld [tilespmem:s19+$0x100]  }
0x8cb: {  	v31 =	vsel vm6, v6, v3;
	v33 =	vor.u32 v41, v39;
	v30 =	vsel vm3, v9, v8;
	v36 =	vld.idx.msk [tilespmem:v36+s9+$0x0], $0xffff  }
0x8cc: {  	v15 =	vor.u32 v35, v15;
	v19 =	vor.u32 v19, v33;
	vm5 =	vgt.f32 v40, v32;
	v32 =	vld [tilespmem:s14+$0xFFFFFF80];
	s14 =	smov.u32 s19  }
0x8cd: {  	v23 =	vshll.u32 v23, $0x1;
	v15 =	vcvt.s32.f32 v15;
	v33 =	vsel vm5, $0x1, v1;
	v35 =	vld [tilespmem:s19+$0x500];
	[tilespmem:s15+$0x100] =	vst v24  }
0x8ce: {  	v37 =	vshll.u32 v19, $0x7;
	v24 =	vor.u32 v33, v23;
	v33 =	vld [tilespmem:s19+$0x300];
	v23 =	vsel vm4, $0x1, v1  }
0x8cf: {  	v39 =	vsel vm2, v6, v3;
	v24 =	vcvt.s32.f32 v24;
	v38 =	vld [tilespmem:s19+$0xFFFFFF00];
	[tilespmem:s15+$0xFFFFFF00] =	vst v15;
	v15 =	vcvt.s32.f32 v25  }
0x8d0: {  	v21 =	vor.u32 v21, v26;
	vm4 =	vgt.f32 v28, v27;
	v25 =	vsel vm2, v9, v8  }
0x8d1: {  	v25 =	vsel vm1, v25, v39;
	[tilespmem:s17+$0xFFFFFE00] =	vst v24;
	v24 =	vsel vm7, v29, v31;
	vm1 =	vgt.f32 v32, v36  }
.Ltmp8:
0x8d2: {  	v22 =	vor.u32 v22, v34;
	v26 =	vsel vm3, v6, v3;
	v28 =	vld [tilespmem:s19+$0xFFFFFA00];
	vm2 =	vgt.f32 v35, v25;
	[tilespmem:s15+$0x80] =	vst v15;
	(pc) =	sbr.rel @p0 .LBB2_19-.Ltmp8, $4  }
0x8d3: {  	v15 =	vor.u32 v43, v21;
	v21 =	vsel vm0, v30, v26;
	v25 =	vsel vm2, $0x1, v1  }
0x8d4: {  	vm2 =	vgt.f32 v33, v24;
	vm0 =	vgt.f32 v38, v21;
	v21 =	vor.u32 v25, v22  }
0x8d5: {  	v25 =	vsel vm4, $0x1, v1;
	v29 =	vsel vm2, $0x1, v1;
	v22 =	vshll.u32 v21, $0x7  }
0x8d6: {  	s19 =	sadd.s32 $0x1000, s19;
	v24 =	vsel vm3, $0x2, v1;
	v27 =	vld [tilespmem:s14+$0xFFFFFB00];
	v26 =	vadd.s32 v14, v22;
	v22 =	vadd.s32 v14, v37  }
0x8d7: {  	vm2 =	vgt.f32 v28, v4  }
0x8d8: {  	v4 =	vsel vm2, v7, v5  }
0x8d9: {  	vm3 =	vgt.f32 v16, v4  }
0x8da: {  	v4 =	vsel vm3, v9, v8;
	v3 =	vsel vm3, v6, v3  }
0x8db: {  	v3 =	vsel vm2, v4, v3  }
0x8dc: {  	v4 =	vsel vm3, $0x2, v1;
	vm3 =	vgt.f32 v27, v3;
	v3 =	vsel vm2, $0x4, v1  }
0x8dd: {  	v3 =	vor.u32 v3, v4;
	v4 =	vsel vm3, $0x1, v1  }
0x8de: {  	v3 =	vor.u32 v4, v3  }
0x8df: {  	v10 =	vld.idx.msk [tilespmem:v26+s9+$0x0], $0xffff;
	v5 =	vor.u32 v29, v20;
	v4 =	vshll.u32 v3, $0x7  }
0x8e0: {  	v22 =	vld.idx.msk [tilespmem:v22+s9+$0x0], $0xffff;
	v6 =	vshll.u32 v5, $0x7;
	v4 =	vadd.s32 v14, v4  }
0x8e1: {  	v13 =	vor.u32 v13, v24;
	v24 =	vld [tilespmem:s14+$0xFFFFFB80];
	v9 =	vshll.u32 v15, $0x7;
	v6 =	vadd.s32 v14, v6  }
0x8e2: {  	v26 =	vld [tilespmem:s14+$0x780];
	v16 =	vor.u32 v25, v18;
	v18 =	vsel vm0, $0x1, v1;
	v9 =	vadd.s32 v14, v9  }
0x8e3: {  	v7 =	vld [tilespmem:s14+$0x380];
	v20 =	vshll.u32 v16, $0x7;
	v13 =	vor.u32 v18, v13  }
0x8e4: {  	v8 =	vld [tilespmem:s14+$0x580];
	v18 =	vadd.s32 v14, v20;
	v20 =	vshll.u32 v13, $0x7  }
0x8e5: {  	v14 =	vadd.s32 v14, v20;
	v4 =	vld.idx.msk [tilespmem:v4+s9+$0x0], $0xffff  }
0x8e6: {  	v11 =	vor.u32 v23, v11;
	v6 =	vld.idx.msk [tilespmem:v6+s9+$0x0], $0xffff  }
0x8e7: {  	v19 =	vshll.u32 v19, $0x1;
	v21 =	vshll.u32 v21, $0x1;
	v25 =	vsel vm1, $0x1, v1;
	v9 =	vld.idx.msk [tilespmem:v9+s9+$0x0], $0xffff  }
0x8e8: {  	v11 =	vcvt.s32.f32 v11;
	v12 =	vor.u32 v25, v12;
	v16 =	vshll.u32 v16, $0x1;
	v20 =	vld [tilespmem:s14+$0xFFFFFD80]  }
0x8e9: {  	v5 =	vshll.u32 v5, $0x1;
	v12 =	vcvt.s32.f32 v12;
	v13 =	vshll.u32 v13, $0x1;
	v18 =	vld.idx.msk [tilespmem:v18+s9+$0x0], $0xffff  }
0x8ea: {  	v3 =	vshll.u32 v3, $0x1;
	vm2 =	vgt.f32 v8, v10;
	v8 =	vld.idx.msk [tilespmem:v14+s9+$0x0], $0xffff;
	vm1 =	vgt.f32 v24, v4  }
0x8eb: {  	v10 =	vshll.u32 v15, $0x1;
	vm0 =	vgt.f32 v7, v6;
	v4 =	vld [tilespmem:s14+$0x180];
	v7 =	vsel vm1, $0x1, v1  }
0x8ec: {  	v6 =	vsel vm0, $0x1, v1;
	vm0 =	vgt.f32 v26, v22;
	v3 =	vor.u32 v7, v3;
	v7 =	vld [tilespmem:s14+$0xFFFFFF80]  }
0x8ed: {  	[tilespmem:s15+$0x180] =	vst v17;
	v5 =	vor.u32 v6, v5;
	v6 =	vsel vm2, $0x1, v1;
	vm1 =	vgt.f32 v20, v9  }
0x8ee: {  	[tilespmem:s15+$0x0] =	vst v11;
	v6 =	vor.u32 v6, v21;
	v9 =	vsel vm1, $0x1, v1;
	v3 =	vcvt.s32.f32 v3  }
0x8ef: {  	[tilespmem:s15+$0xFFFFFF80] =	vst v12;
	v11 =	vsel vm0, $0x1, v1;
	v6 =	vcvt.s32.f32 v6;
	v9 =	vor.u32 v9, v10  }
0x8f0: {  	v5 =	vcvt.s32.f32 v5;
	[tilespmem:s16+$0xFFFFFE80] =	vst v3;
	vm0 =	vgt.f32 v4, v18;
	v3 =	vcvt.s32.f32 v9  }
0x8f1: {  	[tilespmem:s16+$0x100] =	vst v6;
	v10 =	vor.u32 v11, v19;
	v4 =	vsel vm0, $0x1, v1;
	vm0 =	vgt.f32 v7, v8  }
0x8f2: {  	v6 =	vcvt.s32.f32 v10;
	[tilespmem:s16+$0xFFFFFF00] =	vst v3;
	v4 =	vor.u32 v4, v16;
	v3 =	vsel vm0, $0x1, v1  }
0x8f3: {  	[tilespmem:s16+$0x80] =	vst v5;
	v4 =	vcvt.s32.f32 v4;
	v3 =	vor.u32 v3, v13  }
0x8f4: {  	[tilespmem:s16+$0x180] =	vst v6;
	v3 =	vcvt.s32.f32 v3  }
0x8f5: {  	[tilespmem:s16+$0x0] =	vst v4  }
0x8f6: {  	[tilespmem:s16+$0xFFFFFF80] =	vst v3  }
0x8f7: {  	v4 =	vld [tilespmem:$0x270]  }
0x8f8: {  	v5 =	vld [tilespmem:$0x2F0]  }
0x8f9: {  	v7 =	vld [tilespmem:$0x370]  }
0x8fa: {  	v3 =	vld [tilespmem:$0x3F0]  }
0x8fb: {  	v6 =	vld [tilespmem:$0x470]  }
0x8fc: {  	v8 =	vld [tilespmem:$0x4F0]  }
0x8fd: {  	s31 =	simm.s32 $0x91F0;
	v9 =	vld [tilespmem:$0x570]  }
0x8fe: {  	v10 =	vld [tilespmem:s31+$0x0]  }
0x8ff: {  	v11 =	vld [tilespmem:s31+$0xFFFFF800]  }
0x900: {  	v12 =	vld [tilespmem:s31+$0x600]  }
0x901: {  	v14 =	vld [tilespmem:s31+$0xFFFFFC00]  }
0x902: {  	v19 =	vld [tilespmem:s31+$0x200]  }
0x903: {  	v13 =	vld [tilespmem:s31+$0xFFFFF880]  }
0x904: {  	v15 =	vld [tilespmem:s31+$0x80]  }
0x905: {  	v16 =	vld [tilespmem:s31+$0xFFFFF900];
	vm0 =	vgt.f32 v11, v4  }
0x906: {  	v24 =	vld [tilespmem:s31+$0x280];
	vm2 =	vgt.f32 v10, v4;
	vm3 =	vgt.f32 v12, v4;
	vm5 =	vgt.f32 v14, v4  }
0x907: {  	v11 =	vld [tilespmem:s31+$0x400];
	vm12 =	vgt.f32 v19, v4;
	v10 =	vsel vm0, v7, v5;
	v17 =	vsel vm2, v7, v5  }
0x908: {  	v12 =	vld [tilespmem:s31+$0xFFFFFE00];
	v18 =	vsel vm3, v7, v5;
	v19 =	vsel vm12, v7, v5;
	v28 =	vsel vm3, $0x4, v1  }
0x909: {  	v14 =	vld [tilespmem:s31+$0xFFFFFC80];
	v30 =	vsel vm12, $0x4, v1;
	vm1 =	vgt.f32 v13, v10;
	vm6 =	vgt.f32 v15, v17  }
0x90a: {  	v15 =	vsel vm5, v7, v5;
	v10 =	vsel vm1, v9, v8;
	v13 =	vsel vm1, v6, v3  }
0x90b: {  	vm13 =	vgt.f32 v24, v19;
	v17 =	vsel vm1, $0x2, v1;
	v10 =	vsel vm0, v10, v13  }
0x90c: {  	v13 =	vld [tilespmem:s31+$0x480];
	vm4 =	vgt.f32 v16, v10;
	v10 =	vsel vm0, $0x4, v1;
	vm1 =	vgt.f32 v11, v4  }
0x90d: {  	vm0 =	vgt.f32 v12, v4;
	v10 =	vor.u32 v10, v17;
	v11 =	vsel vm4, $0x1, v1  }
0x90e: {  	v12 =	vsel vm6, v6, v3;
	v16 =	vld [tilespmem:s31+$0xFFFFFD00];
	vm7 =	vgt.f32 v14, v15;
	v11 =	vor.u32 v11, v10  }
0x90f: {  	v14 =	vld [tilespmem:s31+$0x680];
	v17 =	vsel vm5, $0x4, v1;
	v10 =	vor.u32 $0x3F0, v0;
	v20 =	vshll.u32 v11, $0x7  }
0x910: {  	v21 =	vsel vm1, v7, v5;
	v22 =	vsel vm1, $0x4, v1;
	v15 =	vadd.s32 v10, v20  }
0x911: {  	v23 =	vsel vm7, v6, v3;
	vm15 =	vgt.f32 v13, v21;
	v13 =	vsel vm7, v9, v8  }
0x912: {  	v26 =	vld [tilespmem:s31+$0x700];
	v25 =	vsel vm0, $0x4, v1;
	v11 =	vshll.u32 v11, $0x1;
	v13 =	vsel vm5, v13, v23  }
0x913: {  	v20 =	vsel vm0, v7, v5;
	v21 =	vsel vm2, $0x4, v1;
	vm8 =	vgt.f32 v16, v13;
	v16 =	vld [tilespmem:s31+$0xFFFFFE80]  }
0x914: {  	v29 =	vld [tilespmem:s31+$0xFFFFF980];
	v23 =	vsel vm6, $0x2, v1;
	vm9 =	vgt.f32 v14, v18;
	v14 =	vsel vm6, v9, v8  }
0x915: {  	v13 =	vsel vm15, $0x2, v1;
	v18 =	vsel vm9, $0x2, v1;
	v27 =	vsel vm9, v6, v3;
	v15 =	vld.idx.msk [tilespmem:v15+s9+$0x0], $0xffff  }
0x916: {  	v31 =	vsel vm9, v9, v8;
	v12 =	vsel vm2, v14, v12;
	v21 =	vor.u32 v21, v23  }
0x917: {  	v14 =	vsel vm13, $0x2, v1;
	v23 =	vsel vm13, v9, v8;
	v19 =	vsel vm3, v31, v27  }
0x918: {  	s14 =	simm.s32 $0xA1F0;
	vm3 =	vgt.f32 v26, v19;
	v19 =	vsel vm7, $0x2, v1;
	vm2 =	vgt.f32 v16, v20;
	v20 =	vld [tilespmem:s31+$0x100]  }
0x919: {  	v40 =	vld [tilespmem:s14+$0x200];
	v24 =	vsel vm8, $0x1, v1;
	v17 =	vor.u32 v17, v19;
	v19 =	vsel vm15, v9, v8  }
0x91a: {  	v16 =	vor.u32 v30, v14;
	v14 =	vsel vm3, $0x1, v1;
	vm3 =	vgt.f32 v29, v15  }
0x91b: {  	v26 =	vld [tilespmem:s31+$0x500];
	v30 =	vsel vm15, v6, v3;
	v15 =	vor.u32 v28, v18;
	v18 =	vsel vm3, $0x1, v1  }
0x91c: {  	v28 =	vor.u32 v14, v15;
	v15 =	vsel vm13, v6, v3;
	v11 =	vor.u32 v18, v11;
	v18 =	vld [tilespmem:s31+$0x300]  }
0x91d: {  	vm3 =	vgt.f32 v20, v12;
	v12 =	vsel vm12, v23, v15;
	v15 =	vsel vm1, v19, v30;
	v30 =	vld [tilespmem:s14+$0x600]  }
0x91e: {  	v13 =	vor.u32 v22, v13;
	vm7 =	vgt.f32 v40, v4;
	v14 =	vcvt.s32.f32 v11;
	v11 =	vld [tilespmem:s31+$0xFFFFFF00]  }
0x91f: {  	v47 =	vsel vm7, v7, v5;
	v41 =	vsel vm7, $0x4, v1;
	v27 =	vsel vm2, v9, v8  }
0x920: {  	v29 =	vshll.u32 v28, $0x7;
	v19 =	vld [tilespmem:s31+$0xFFFFFA00];
	v20 =	vsel vm2, v6, v3;
	vm1 =	vgt.f32 v26, v15  }
0x921: {  	v23 =	vld [tilespmem:s14+$0x0];
	v15 =	vor.u32 v24, v17;
	v17 =	vsel vm0, v27, v20;
	v20 =	vsel vm1, $0x1, v1  }
0x922: {  	v22 =	vld [tilespmem:s31+$0xFFFFFA80];
	v24 =	vshll.u32 v28, $0x1;
	vm1 =	vgt.f32 v18, v12;
	v12 =	vor.u32 v20, v13  }
0x923: {  	v20 =	vsel vm2, $0x2, v1;
	vm4 =	vgt.f32 v30, v4;
	vm0 =	vgt.f32 v11, v17  }
0x924: {  	v11 =	vsel vm3, $0x1, v1;
	v13 =	vsel vm1, $0x1, v1;
	v17 =	vshll.u32 v12, $0x7  }
0x925: {  	v18 =	vld [tilespmem:s31+$0xFFFFFB00];
	vm1 =	vgt.f32 v19, v4;
	v19 =	vadd.s32 v10, v29;
	v20 =	vor.u32 v25, v20  }
0x926: {  	vm3 =	vgt.f32 v23, v4;
	v13 =	vor.u32 v13, v16;
	v16 =	vsel vm1, v7, v5  }
0x927: {  	v32 =	vld [tilespmem:s14+$0x400];
	v17 =	vadd.s32 v10, v17;
	v27 =	vshll.u32 v13, $0x7;
	vm2 =	vgt.f32 v22, v16  }
0x928: {  	v26 =	vld [tilespmem:s14+$0x80];
	v28 =	vsel vm2, v9, v8;
	v29 =	vsel vm2, v6, v3;
	v27 =	vadd.s32 v10, v27  }
0x929: {  	v34 =	vld [tilespmem:s14+$0xFFFFFE00];
	v51 =	vsel vm4, $0x4, v1;
	v21 =	vor.u32 v11, v21;
	v28 =	vsel vm1, v28, v29  }
0x92a: {  	v22 =	vld [tilespmem:s31+$0x380];
	v31 =	vsel vm2, $0x2, v1;
	vm2 =	vgt.f32 v18, v28;
	v18 =	vsel vm1, $0x4, v1  }
0x92b: {  	v30 =	vsel vm3, v7, v5;
	v28 =	vld [tilespmem:s31+$0x580];
	v11 =	vor.u32 v18, v31;
	v18 =	vsel vm2, $0x1, v1  }
0x92c: {  	v60 =	vsel vm3, $0x4, v1;
	v16 =	vshll.u32 v15, $0x7;
	v17 =	vld.idx.msk [tilespmem:v17+s9+$0x0], $0xffff;
	v18 =	vor.u32 v18, v11  }
0x92d: {  	v13 =	vshll.u32 v13, $0x1;
	vm6 =	vgt.f32 v26, v30;
	v33 =	vshll.u32 v18, $0x7;
	v25 =	vld.idx.msk [tilespmem:v27+s9+$0x0], $0xffff  }
0x92e: {  	v26 =	vld [tilespmem:s14+$0xFFFFF800];
	v15 =	vshll.u32 v15, $0x1;
	v16 =	vadd.s32 v10, v16;
	v33 =	vadd.s32 v10, v33  }
0x92f: {  	v30 =	vsel vm6, v6, v3;
	v63 =	vsel vm6, $0x2, v1;
	v29 =	vld [tilespmem:s14+$0xFFFFFC00];
	vm1 =	vgt.f32 v32, v4  }
0x930: {  	v23 =	vld [tilespmem:s14+$0xFFFFFC80];
	v31 =	vsel vm0, $0x1, v1;
	vm0 =	vgt.f32 v34, v4;
	v58 =	vsel vm1, v7, v5  }
0x931: {  	v34 =	vsel vm1, $0x4, v1;
	v11 =	vshll.u32 v21, $0x1;
	vm15 =	vgt.f32 v28, v17;
	v17 =	vld [tilespmem:s31+$0xFFFFFB80]  }
0x932: {  	v21 =	vshll.u32 v21, $0x7;
	v20 =	vor.u32 v31, v20;
	vm2 =	vgt.f32 v22, v25;
	v22 =	vld [tilespmem:s14+$0xFFFFF880]  }
0x933: {  	v31 =	vsel vm4, v7, v5;
	vm12 =	vgt.f32 v26, v4;
	v18 =	vshll.u32 v18, $0x1;
	v57 =	vld.idx.msk [tilespmem:v33+s9+$0x0], $0xffff  }
0x934: {  	v27 =	vshll.u32 v12, $0x1;
	v12 =	vshll.u32 v20, $0x1;
	vm14 =	vgt.f32 v29, v4  }
0x935: {  	v61 =	vld [tilespmem:s31+$0x780];
	v20 =	vshll.u32 v20, $0x7;
	v21 =	vadd.s32 v10, v21;
	v29 =	vsel vm14, v7, v5  }
0x936: {  	v36 =	vld [tilespmem:s14+$0xFFFFF900];
	v37 =	vsel vm12, v7, v5;
	v52 =	vadd.s32 v10, v20;
	vm5 =	vgt.f32 v23, v29  }
0x937: {  	v19 =	vld.idx.msk [tilespmem:v19+s9+$0x0], $0xffff;
	v28 =	vsel vm14, $0x4, v1;
	v23 =	vsel vm5, v9, v8;
	v26 =	vsel vm15, $0x1, v1  }
0x938: {  	v35 =	vld [tilespmem:s14+$0x480];
	v39 =	vsel vm5, v6, v3;
	vm10 =	vgt.f32 v22, v37;
	vm13 =	vgt.f32 v17, v57  }
0x939: {  	v44 =	vld [tilespmem:s31+$0xFFFFFD80];
	v17 =	vsel vm14, v23, v39;
	v23 =	vsel vm10, v9, v8;
	v62 =	vsel vm10, v6, v3  }
0x93a: {  	v16 =	vld.idx.msk [tilespmem:v16+s9+$0x0], $0xffff;
	v45 =	vsel vm10, $0x2, v1;
	v22 =	vsel vm13, $0x1, v1;
	v23 =	vsel vm12, v23, v62  }
0x93b: {  	v18 =	vor.u32 v22, v18;
	vm14 =	vgt.f32 v36, v23;
	v22 =	vsel vm12, $0x4, v1  }
0x93c: {  	v38 =	vld [tilespmem:s14+$0xFFFFFD00];
	vm15 =	vgt.f32 v61, v19;
	v19 =	vor.u32 v22, v45;
	v22 =	vsel vm14, $0x1, v1  }
0x93d: {  	v48 =	vld [tilespmem:s14+$0x700];
	v25 =	vsel vm0, v7, v5;
	v26 =	vor.u32 v26, v27;
	v22 =	vor.u32 v22, v19  }
0x93e: {  	v59 =	vsel vm2, $0x1, v1;
	vm2 =	vgt.f32 v35, v58;
	v23 =	vld [tilespmem:s14+$0x680];
	v19 =	vshll.u32 v22, $0x7  }
0x93f: {  	v26 =	vcvt.s32.f32 v26;
	vm13 =	vgt.f32 v44, v16;
	v16 =	vld.idx.msk [tilespmem:v21+s9+$0x0], $0xffff;
	v19 =	vadd.s32 v10, v19  }
0x940: {  	v29 =	vor.u32 v59, v13;
	v13 =	vsel vm0, $0x4, v1;
	v27 =	vsel vm2, $0x2, v1;
	v21 =	vld [tilespmem:s14+$0x280]  }
0x941: {  	v53 =	vld [tilespmem:s14+$0xFFFFF980];
	vm12 =	vgt.f32 v38, v17;
	v17 =	vsel vm15, $0x1, v1;
	v46 =	vsel vm13, $0x1, v1  }
0x942: {  	v17 =	vor.u32 v17, v24;
	v24 =	vld [tilespmem:s14+$0xFFFFFE80];
	v54 =	vsel vm12, $0x1, v1;
	v15 =	vor.u32 v46, v15  }
0x943: {  	v17 =	vcvt.s32.f32 v17;
	v59 =	vcvt.s32.f32 v15;
	vm14 =	vgt.f32 v23, v31;
	v23 =	vld [tilespmem:s31+$0x180]  }
0x944: {  	v22 =	vshll.u32 v22, $0x1;
	v50 =	vsel vm14, v6, v3;
	v42 =	vsel vm14, v9, v8;
	v19 =	vld.idx.msk [tilespmem:v19+s9+$0x0], $0xffff  }
0x945: {  	vm15 =	vgt.f32 v21, v47;
	v31 =	vcvt.s32.f32 v18;
	v21 =	vsel vm4, v42, v50  }
0x946: {  	v18 =	vsel vm6, v9, v8;
	v20 =	vsel vm15, $0x2, v1;
	vm13 =	vgt.f32 v48, v21;
	v21 =	vld [tilespmem:s14+$0x100]  }
0x947: {  	v55 =	vsel vm15, v6, v3;
	v49 =	vsel vm14, $0x2, v1;
	v30 =	vsel vm3, v18, v30  }
0x948: {  	v18 =	vor.u32 v60, v63;
	vm3 =	vgt.f32 v24, v25;
	v56 =	vor.u32 v51, v49  }
0x949: {  	v58 =	vld [tilespmem:s14+$0x500];
	vm12 =	vgt.f32 v23, v16;
	v23 =	vsel vm13, $0x1, v1;
	vm14 =	vgt.f32 v53, v19  }
0x94a: {  	v35 =	vld.idx.msk [tilespmem:v52+s9+$0x0], $0xffff;
	v20 =	vor.u32 v41, v20;
	v19 =	vor.u32 v23, v56;
	v23 =	vsel vm14, $0x1, v1  }
0x94b: {  	v62 =	vld [tilespmem:s14+$0xFFFFFF00];
	v24 =	vsel vm15, v9, v8;
	vm15 =	vgt.f32 v21, v30;
	v15 =	vor.u32 v23, v22  }
0x94c: {  	s15 =	simm.s32 $0x10BF0;
	v21 =	vsel vm2, v9, v8;
	v22 =	vld [tilespmem:s14+$0x300];
	v61 =	vcvt.s32.f32 v15;
	v15 =	vsel vm2, v6, v3  }
0x94d: {  	[tilespmem:s15+$0xFFFFFE00] =	vst v14;
	v57 =	vld [tilespmem:s31+$0xFFFFFF80];
	v25 =	vsel vm3, v9, v8;
	v14 =	vsel vm7, v24, v55;
	v15 =	vsel vm1, v21, v15  }
0x94e: {  	v24 =	vor.u32 v34, v27;
	v21 =	vsel vm3, v6, v3;
	vm2 =	vgt.f32 v58, v15  }
0x94f: {  	v16 =	vsel vm5, $0x2, v1;
	v21 =	vsel vm0, v25, v21;
	v25 =	vsel vm2, $0x1, v1  }
0x950: {  	[tilespmem:s15+$0x100] =	vst v26;
	v16 =	vor.u32 v28, v16;
	v28 =	vld [tilespmem:s14+$0xFFFFFA00];
	vm0 =	vgt.f32 v62, v21;
	v21 =	vor.u32 v25, v24  }
0x951: {  	[tilespmem:s15+$0xFFFFFF00] =	vst v59;
	v63 =	vcvt.s32.f32 v29;
	vm2 =	vgt.f32 v22, v14;
	v14 =	vshll.u32 v21, $0x7  }
0x952: {  	[tilespmem:s15+$0xFFFFFE80] =	vst v31;
	v60 =	vshll.u32 v19, $0x7;
	v23 =	vsel vm12, $0x1, v1;
	vm1 =	vgt.f32 v57, v35  }
0x953: {  	s17 =	simm.s32 $0x10FF0;
	[tilespmem:s15+$0x80] =	vst v63;
	v15 =	vor.u32 v54, v16;
	v16 =	vld [tilespmem:s14+$0xFFFFFA80];
	v25 =	vsel vm15, $0x1, v1;
	v24 =	vsel vm3, $0x2, v1  }
0x954: {  	s18 =	simm.s32 $0x8;
	s19 =	simm.s32 $0xB1F0;
	s16 =	simm.s32 $0x10FF0;
	v27 =	vld [tilespmem:s14+$0xFFFFFB00];
	[tilespmem:s17+$0xFFFFFE00] =	vst v61;
	v22 =	vadd.s32 v10, v60;
	v29 =	vsel vm2, $0x1, v1;
	v26 =	vadd.s32 v10, v14;
	v14 =	vmovc v10  }
.LBB2_21:
0x955: {  	v30 =	vld [tilespmem:s19+$0x0];
	s18 =	sadd.s32 $0x8, s18;
	vm2 =	vgt.f32 v28, v4;
	s17 =	sadd.s32 $0x400, s17;
	v28 =	vsel vm1, $0x1, v1;
	v11 =	vor.u32 v23, v11  }
0x956: {  	v20 =	vor.u32 v29, v20;
	v19 =	vshll.u32 v19, $0x1;
	v23 =	vld [tilespmem:s19+$0xFFFFFA80];
	p0 =	slt.u32 s18, $0x38;
	v11 =	vcvt.s32.f32 v11  }
0x957: {  	v31 =	vsel vm2, v7, v5;
	v32 =	vshll.u32 v20, $0x7;
	v12 =	vor.u32 v28, v12;
	v29 =	vld [tilespmem:s19+$0x80]  }
0x958: {  	vm1 =	vgt.f32 v16, v31;
	v16 =	vshll.u32 v15, $0x7;
	v12 =	vcvt.s32.f32 v12;
	v28 =	vld [tilespmem:s14+$0x380];
	[tilespmem:s15+$0x180] =	vst v17  }
0x959: {  	v31 =	vsel vm1, v9, v8;
	v33 =	vsel vm1, v6, v3;
	v34 =	vsel vm1, $0x2, v1;
	v17 =	vld [tilespmem:s19+$0x600];
	[tilespmem:s15+$0x0] =	vst v11  }
0x95a: {  	v32 =	vadd.s32 v14, v32;
	v11 =	vsel vm2, v31, v33;
	v31 =	vadd.s32 v14, v16;
	v35 =	vld [tilespmem:s19+$0xFFFFFC00];
	[tilespmem:s15+$0xFFFFFF80] =	vst v12;
	s15 =	smov.u32 s16;
	s16 =	smov.u32 s17  }
0x95b: {  	vm1 =	vgt.f32 v27, v11;
	v11 =	vsel vm2, $0x4, v1;
	v12 =	vor.u32 v25, v18;
	v18 =	vld [tilespmem:s14+$0x580];
	v16 =	vmovc v23  }
0x95c: {  	v25 =	vsel vm0, $0x1, v1;
	v11 =	vor.u32 v11, v34;
	v23 =	vsel vm1, $0x1, v1;
	v26 =	vld.idx.msk [tilespmem:v26+s9+$0x0], $0xffff  }
0x95d: {  	v20 =	vshll.u32 v20, $0x1;
	v23 =	vor.u32 v23, v11;
	v11 =	vshll.u32 v12, $0x1;
	v27 =	vld [tilespmem:s19+$0xFFFFFE00]  }
0x95e: {  	v36 =	vshll.u32 v12, $0x7;
	v34 =	vshll.u32 v23, $0x7;
	v23 =	vshll.u32 v23, $0x1;
	v33 =	vld [tilespmem:s19+$0x400]  }
0x95f: {  	v12 =	vor.u32 v13, v24;
	v24 =	vshll.u32 v21, $0x1;
	v34 =	vadd.s32 v14, v34;
	v13 =	vld.idx.msk [tilespmem:v32+s9+$0x0], $0xffff  }
0x960: {  	vm3 =	vgt.f32 v30, v4;
	vm4 =	vgt.f32 v17, v4;
	v17 =	vor.u32 v25, v12;
	v32 =	vld [tilespmem:s19+$0xFFFFFC80]  }
0x961: {  	v21 =	vsel vm3, v7, v5;
	v30 =	vsel vm4, v7, v5;
	v12 =	vshll.u32 v17, $0x1;
	v25 =	vld [tilespmem:s19+$0x480]  }
0x962: {  	vm6 =	vgt.f32 v29, v21;
	vm7 =	vgt.f32 v35, v4;
	v17 =	vshll.u32 v17, $0x7;
	v37 =	vld [tilespmem:s19+$0xFFFFF800]  }
0x963: {  	v29 =	vsel vm7, v7, v5;
	vm1 =	vgt.f32 v33, v4;
	v33 =	vadd.s32 v14, v36;
	v35 =	vld.idx.msk [tilespmem:v22+s9+$0x0], $0xffff  }
0x964: {  	vm8 =	vgt.f32 v18, v26;
	vm0 =	vgt.f32 v27, v4;
	v27 =	vsel vm6, v6, v3;
	v34 =	vld.idx.msk [tilespmem:v34+s9+$0x0], $0xffff  }
0x965: {  	v21 =	vsel vm7, $0x4, v1;
	vm2 =	vgt.f32 v28, v13;
	v18 =	vld [tilespmem:s14+$0xFFFFFB80]  }
0x966: {  	v28 =	vsel vm0, v7, v5;
	v13 =	vsel vm1, v7, v5;
	v22 =	vsel vm2, $0x1, v1;
	v26 =	vld [tilespmem:s19+$0xFFFFF880]  }
0x967: {  	vm5 =	vgt.f32 v32, v29;
	vm2 =	vgt.f32 v25, v13;
	v25 =	vor.u32 v22, v20  }
0x968: {  	v29 =	vsel vm3, $0x4, v1;
	v20 =	vsel vm5, v9, v8;
	v22 =	vsel vm1, $0x4, v1;
	v32 =	vld [tilespmem:s14+$0x780]  }
0x969: {  	v13 =	vsel vm0, $0x4, v1;
	vm9 =	vgt.f32 v37, v4;
	v37 =	vsel vm8, $0x1, v1;
	v36 =	vld [tilespmem:s19+$0xFFFFF900]  }
0x96a: {  	v40 =	vsel vm5, v6, v3;
	v38 =	vsel vm9, v7, v5;
	v39 =	vld [tilespmem:s19+$0xFFFFFD00];
	vm8 =	vgt.f32 v18, v34  }
0x96b: {  	v18 =	vsel vm7, v20, v40;
	vm10 =	vgt.f32 v26, v38;
	v20 =	vsel vm8, $0x1, v1;
	v26 =	vld.idx.msk [tilespmem:v31+s9+$0x0], $0xffff  }
0x96c: {  	v38 =	vsel vm6, $0x2, v1;
	v31 =	vsel vm10, v9, v8;
	v34 =	vsel vm10, v6, v3;
	v40 =	vld [tilespmem:s14+$0xFFFFFD80]  }
0x96d: {  	v20 =	vor.u32 v20, v23;
	v31 =	vsel vm9, v31, v34;
	v34 =	vsel vm10, $0x2, v1;
	v41 =	vld [tilespmem:s19+$0x200]  }
0x96e: {  	v23 =	vsel vm9, $0x4, v1;
	vm9 =	vgt.f32 v32, v35;
	vm7 =	vgt.f32 v36, v31;
	v31 =	vld [tilespmem:s19+$0x680]  }
0x96f: {  	v24 =	vor.u32 v37, v24;
	v23 =	vor.u32 v23, v34;
	v32 =	vsel vm7, $0x1, v1  }
0x970: {  	vm8 =	vgt.f32 v39, v18;
	v18 =	vsel vm9, $0x1, v1;
	v23 =	vor.u32 v32, v23  }
0x971: {  	v34 =	vsel vm2, $0x2, v1;
	v32 =	vshll.u32 v23, $0x7;
	vm9 =	vgt.f32 v40, v26;
	v26 =	vld.idx.msk [tilespmem:v33+s9+$0x0], $0xffff  }
0x972: {  	v32 =	vadd.s32 v10, v32;
	v33 =	vld [tilespmem:s19+$0x280];
	vm7 =	vgt.f32 v41, v4;
	v35 =	vsel vm9, $0x1, v1  }
0x973: {  	v20 =	vcvt.s32.f32 v20;
	v36 =	vsel vm7, v7, v5;
	vm9 =	vgt.f32 v31, v30;
	v30 =	vld [tilespmem:s14+$0x180]  }
0x974: {  	v18 =	vor.u32 v18, v19;
	v31 =	vsel vm6, v9, v8;
	v37 =	vld [tilespmem:s19+$0x700];
	v39 =	vsel vm9, $0x2, v1  }
0x975: {  	v15 =	vshll.u32 v15, $0x1;
	v41 =	vsel vm4, $0x4, v1;
	v40 =	vsel vm9, v6, v3;
	v19 =	vld [tilespmem:s19+$0xFFFFFE80]  }
0x976: {  	v24 =	vcvt.s32.f32 v24;
	v42 =	vsel vm7, $0x4, v1;
	v43 =	vsel vm9, v9, v8  }
0x977: {  	v32 =	vld.idx.msk [tilespmem:v32+s9+$0x0], $0xffff;
	vm6 =	vgt.f32 v33, v36;
	v33 =	vsel vm4, v43, v40;
	v36 =	vadd.s32 v14, v17  }
0x978: {  	v27 =	vsel vm3, v31, v27;
	v43 =	vsel vm8, $0x1, v1;
	v17 =	vcvt.s32.f32 v18;
	v14 =	vmovc v10;
	v40 =	vld [tilespmem:s19+$0xFFFFF980]  }
0x979: {  	v18 =	vor.u32 v29, v38;
	v29 =	vsel vm6, $0x2, v1;
	vm4 =	vgt.f32 v30, v26;
	[tilespmem:s15+$0xFFFFFE80] =	vst v20  }
0x97a: {  	v20 =	vor.u32 v42, v29;
	vm8 =	vgt.f32 v37, v33;
	vm3 =	vgt.f32 v19, v28  }
0x97b: {  	v26 =	vsel vm5, $0x2, v1;
	v29 =	vsel vm6, v9, v8;
	v19 =	vsel vm8, $0x1, v1;
	v28 =	vld [tilespmem:s19+$0x100]  }
0x97c: {  	v31 =	vsel vm6, v6, v3;
	v33 =	vor.u32 v41, v39;
	v30 =	vsel vm3, v9, v8;
	v36 =	vld.idx.msk [tilespmem:v36+s9+$0x0], $0xffff  }
0x97d: {  	v15 =	vor.u32 v35, v15;
	v19 =	vor.u32 v19, v33;
	vm5 =	vgt.f32 v40, v32;
	v32 =	vld [tilespmem:s14+$0xFFFFFF80];
	s14 =	smov.u32 s19  }
0x97e: {  	v23 =	vshll.u32 v23, $0x1;
	v15 =	vcvt.s32.f32 v15;
	v33 =	vsel vm5, $0x1, v1;
	v35 =	vld [tilespmem:s19+$0x500];
	[tilespmem:s15+$0x100] =	vst v24  }
0x97f: {  	v37 =	vshll.u32 v19, $0x7;
	v24 =	vor.u32 v33, v23;
	v33 =	vld [tilespmem:s19+$0x300];
	v23 =	vsel vm4, $0x1, v1  }
0x980: {  	v39 =	vsel vm2, v6, v3;
	v24 =	vcvt.s32.f32 v24;
	v38 =	vld [tilespmem:s19+$0xFFFFFF00];
	[tilespmem:s15+$0xFFFFFF00] =	vst v15;
	v15 =	vcvt.s32.f32 v25  }
0x981: {  	v21 =	vor.u32 v21, v26;
	vm4 =	vgt.f32 v28, v27;
	v25 =	vsel vm2, v9, v8  }
0x982: {  	v25 =	vsel vm1, v25, v39;
	[tilespmem:s17+$0xFFFFFE00] =	vst v24;
	v24 =	vsel vm7, v29, v31;
	vm1 =	vgt.f32 v32, v36  }
.Ltmp9:
0x983: {  	v22 =	vor.u32 v22, v34;
	v26 =	vsel vm3, v6, v3;
	v28 =	vld [tilespmem:s19+$0xFFFFFA00];
	vm2 =	vgt.f32 v35, v25;
	[tilespmem:s15+$0x80] =	vst v15;
	(pc) =	sbr.rel @p0 .LBB2_21-.Ltmp9, $4  }
0x984: {  	v15 =	vor.u32 v43, v21;
	v21 =	vsel vm0, v30, v26;
	v25 =	vsel vm2, $0x1, v1  }
0x985: {  	vm2 =	vgt.f32 v33, v24;
	vm0 =	vgt.f32 v38, v21;
	v21 =	vor.u32 v25, v22  }
0x986: {  	v25 =	vsel vm4, $0x1, v1;
	v29 =	vsel vm2, $0x1, v1;
	v22 =	vshll.u32 v21, $0x7  }
0x987: {  	s19 =	sadd.s32 $0x1000, s19;
	v24 =	vsel vm3, $0x2, v1;
	v27 =	vld [tilespmem:s14+$0xFFFFFB00];
	v26 =	vadd.s32 v14, v22;
	v22 =	vadd.s32 v14, v37  }
0x988: {  	vm2 =	vgt.f32 v28, v4  }
0x989: {  	v4 =	vsel vm2, v7, v5  }
0x98a: {  	vm3 =	vgt.f32 v16, v4  }
0x98b: {  	v4 =	vsel vm3, v9, v8;
	v3 =	vsel vm3, v6, v3  }
0x98c: {  	v37 =	vor.u32 v29, v20;
	v40 =	vld [tilespmem:s14+$0x380];
	v38 =	vsel vm2, $0x4, v1;
	v3 =	vsel vm2, v4, v3  }
0x98d: {  	v41 =	vld [tilespmem:s14+$0x580];
	v36 =	vsel vm3, $0x2, v1;
	vm8 =	vgt.f32 v27, v3;
	v3 =	vshll.u32 v37, $0x7  }
0x98e: {  	v10 =	vld.idx.msk [tilespmem:v26+s9+$0x0], $0xffff;
	v5 =	vor.u32 v38, v36;
	v39 =	vsel vm8, $0x1, v1;
	v3 =	vadd.s32 v14, v3  }
0x98f: {  	v42 =	vshll.u32 v15, $0x7;
	v43 =	vor.u32 v25, v18;
	v22 =	vld.idx.msk [tilespmem:v22+s9+$0x0], $0xffff;
	v5 =	vor.u32 v39, v5  }
0x990: {  	v44 =	vsel vm0, $0x1, v1;
	v48 =	vld [tilespmem:s14+$0xFFFFFB80];
	v9 =	vadd.s32 v14, v42;
	v6 =	vshll.u32 v5, $0x7  }
0x991: {  	v13 =	vor.u32 v13, v24;
	v50 =	vld [tilespmem:s14+$0x780];
	v45 =	vshll.u32 v43, $0x7;
	v6 =	vadd.s32 v14, v6  }
0x992: {  	v52 =	vld [tilespmem:s14+$0xFFFFFD80];
	v13 =	vor.u32 v44, v13;
	v46 =	vadd.s32 v14, v45  }
0x993: {  	v47 =	vshll.u32 v13, $0x7;
	v3 =	vld.idx.msk [tilespmem:v3+s9+$0x0], $0xffff  }
0x994: {  	v49 =	vsel vm1, $0x1, v1;
	v57 =	vld [tilespmem:s14+$0xFFFFFF80];
	v51 =	vadd.s32 v14, v47  }
0x995: {  	v11 =	vor.u32 v23, v11;
	v19 =	vshll.u32 v19, $0x1;
	v21 =	vshll.u32 v21, $0x1;
	v9 =	vld.idx.msk [tilespmem:v9+s9+$0x0], $0xffff  }
0x996: {  	v58 =	vshll.u32 v15, $0x1;
	v12 =	vor.u32 v49, v12;
	v11 =	vcvt.s32.f32 v11;
	v6 =	vld.idx.msk [tilespmem:v6+s9+$0x0], $0xffff  }
0x997: {  	v12 =	vcvt.s32.f32 v12;
	v16 =	vshll.u32 v43, $0x1;
	v13 =	vshll.u32 v13, $0x1;
	v18 =	vld.idx.msk [tilespmem:v46+s9+$0x0], $0xffff  }
0x998: {  	vm11 =	vgt.f32 v41, v10;
	vm12 =	vgt.f32 v50, v22;
	vm9 =	vgt.f32 v40, v3;
	v3 =	vld [tilespmem:s14+$0x180]  }
0x999: {  	v4 =	vshll.u32 v37, $0x1;
	v56 =	vsel vm11, $0x1, v1;
	v59 =	vsel vm12, $0x1, v1;
	v55 =	vld.idx.msk [tilespmem:v51+s9+$0x0], $0xffff  }
0x99a: {  	v60 =	vor.u32 v59, v19;
	v5 =	vshll.u32 v5, $0x1;
	vm13 =	vgt.f32 v52, v9  }
0x99b: {  	[tilespmem:s15+$0x180] =	vst v17;
	v62 =	vcvt.s32.f32 v60;
	v9 =	vsel vm13, $0x1, v1;
	vm10 =	vgt.f32 v48, v6  }
0x99c: {  	[tilespmem:s15+$0x0] =	vst v11;
	v9 =	vor.u32 v9, v58;
	v53 =	vsel vm9, $0x1, v1;
	v54 =	vsel vm10, $0x1, v1  }
0x99d: {  	[tilespmem:s15+$0xFFFFFF80] =	vst v12;
	v5 =	vor.u32 v54, v5;
	vm14 =	vgt.f32 v3, v18;
	v3 =	vcvt.s32.f32 v9  }
0x99e: {  	[tilespmem:s16+$0x180] =	vst v62;
	vm15 =	vgt.f32 v57, v55;
	v4 =	vor.u32 v53, v4;
	v5 =	vcvt.s32.f32 v5  }
0x99f: {  	v6 =	vor.u32 v56, v21;
	v4 =	vcvt.s32.f32 v4;
	v61 =	vsel vm14, $0x1, v1;
	[tilespmem:s16+$0xFFFFFF00] =	vst v3  }
0x9a0: {  	v6 =	vcvt.s32.f32 v6;
	v3 =	vsel vm15, $0x1, v1;
	[tilespmem:s16+$0xFFFFFE80] =	vst v5;
	v5 =	vor.u32 v61, v16  }
0x9a1: {  	[tilespmem:s16+$0x80] =	vst v4;
	v3 =	vor.u32 v3, v13;
	v63 =	vcvt.s32.f32 v5  }
0x9a2: {  	s13 =	sadd.s32 $0x1, s13;
	[tilespmem:s16+$0x100] =	vst v6;
	v3 =	vcvt.s32.f32 v3  }
0x9a3: {  	p0 =	sne.s32 s13, s7;
	[tilespmem:s16+$0x0] =	vst v63  }
.Ltmp10:
0x9a4: {  	[tilespmem:s16+$0xFFFFFF80] =	vst v3;
	(pc) =	sbr.rel @p0 .LBB2_1-.Ltmp10, $4  }
0x9a5: {  	[hbm4b:s6+s2] =	stream.linear.scatter [tilespmem:s12], [sflag:$0x2], $0x2000, $0x38;
	[tilespmem:$0x12980] =	vst v63  }
0x9a6: {  	_ =	swait.ge [sflag:s8], $0x2000  }
0x9a7: {  	[sflag:s8] =	ssyncset.done $0x0  }
0x9a8: {  	[sflag:s8] =	ssyncadd.s32 $0xFFFFE000  }
0x9a9: {  	_ =	sfence.sel $0x180000  }
0x9aa: {  	[bflag:$0x0] =	sbarrier.arrive $0xFFFF  }
0x9ab: {  	p0 =	sne.s32 s1, $0x0;
	_ =	strace $0x90000047  }
0x9ac: {  	s0 =	sadd.s32 @!p0 $0x100000, s0;
	[bflag:$0x2] =	sbarrier.arrive $0xFFFF  }
0x9ad: {  	[sflag:s0] =	ssyncadd.tile.s32 @!p0 $0x1;
	_ =	shalt  }
.Lfunc_end2:
_tile_overlayer_lowered:
.L_overlay_start_2:
0x9ae: {  	(tag) =	ssettag $0x2  }
0x9af: {  	s0 =	rddreg [dreg:$0x0];
	s2 =	stileid.u32  }
0x9b0: {  	s1 =	rddreg [dreg:$0x1];
	p0 =	sne.s32 s2, $0x0  }
0x9b1: {  	s3 =	rddreg [dreg:$0x2];
	[bflag:$0x3] =	sbarrier.arrive $0xFFFF;
	s2 =	simm.s32 @!p0 $0x1C02  }
0x9b2: {  	[timem:s3], [sflag:s2] =	dma.local @!p0 [hbm:s0], s1  }
0x9b3: {  	s0 =	simm.s32 @!p0 $0x2  }
0x9b4: {  	_ =	swait.ge @!p0 [sflag:s0], s1  }
0x9b5: {  	s1 =	ssub.s32 @!p0 $0x0, s1;
	[sflag:s0] =	ssyncset.done @!p0 $0x0  }
0x9b6: {  	[sflag:s0] =	ssyncadd.s32 @!p0 s1  }
0x9b7: {  	[bflag:$0x3] =	sbarrier.arrive $0xFFFF  }
0x9b8: {  	_ =	shalt  }

</sc_bundles>
